<compile_context>
chip_gen: v7x
topology: tpu7x:2x2x1
jax: 0.10.2.dev20260603
libtpu: 0.0.44.dev20260713+nightly
codegen_flags: <defaults>
</compile_context>

<pallas_src>
import functools

import jax
import jax.numpy as jnp
from jax import lax
from jax.experimental import pallas as pl
from jax.experimental.pallas import tpu as pltpu
from jax.experimental.pallas import tpu_sc as plsc

N_NODES = 10000
EMB = 300
HID = 1200
HIDP = 1280
E = 160000
K = E // 4

ROW_BLK = 1000


def _tables_kernel(h_ref, w1a_ref, w1b_ref, b1_ref, c_ref, d_ref):
    hb = h_ref[...]
    c_ref[...] = (
        jnp.dot(hb, w1a_ref[...], preferred_element_type=jnp.float32) + b1_ref[...]
    )
    d_ref[...] = jnp.dot(hb, w1b_ref[...], preferred_element_type=jnp.float32)


def _build_tables(h, W1, b1):
    pad = ((0, 0), (0, HIDP - HID))
    w1a = jnp.pad(W1[:EMB], pad)
    w1b = jnp.pad(W1[EMB:], pad)
    b1r = jnp.pad(b1.reshape(1, HID), pad)
    grid = N_NODES // ROW_BLK
    return pl.pallas_call(
        _tables_kernel,
        grid=(grid,),
        in_specs=[
            pl.BlockSpec((ROW_BLK, EMB), lambda i: (i, 0)),
            pl.BlockSpec((EMB, HIDP), lambda i: (0, 0)),
            pl.BlockSpec((EMB, HIDP), lambda i: (0, 0)),
            pl.BlockSpec((1, HIDP), lambda i: (0, 0)),
        ],
        out_specs=[
            pl.BlockSpec((ROW_BLK, HIDP), lambda i: (i, 0)),
            pl.BlockSpec((ROW_BLK, HIDP), lambda i: (i, 0)),
        ],
        out_shape=[
            jax.ShapeDtypeStruct((N_NODES, HIDP), jnp.float32),
            jax.ShapeDtypeStruct((N_NODES, HIDP), jnp.float32),
        ],
    )(h, w1a, w1b, b1r)


def _topk_mask_kernel(pred_ref, b2_ref, out_ref):
    pred = pred_ref[...] + b2_ref[0, 0]
    att = jax.nn.sigmoid(jax.nn.sigmoid(pred))
    keys = jax.lax.bitcast_convert_type(att, jnp.int32)

    def body(_, carry):
        lo, hi = carry
        mid = lo + (hi - lo) // 2
        cnt = jnp.sum((keys > mid).astype(jnp.int32))
        big = cnt >= K
        return (jnp.where(big, mid + 1, lo), jnp.where(big, hi, mid))

    lo, hi = jax.lax.fori_loop(
        0, 31, body, (jnp.int32(0), jnp.int32(2**31 - 1))
    )
    t = lo
    n_gt = jnp.sum((keys > t).astype(jnp.int32))
    r = (K - n_gt).astype(jnp.float32)

    eq = keys == t
    eqf = eq.astype(jnp.float32)
    c_iota = jax.lax.broadcasted_iota(jnp.int32, (128, 128), 0)
    c_iota2 = jax.lax.broadcasted_iota(jnp.int32, (128, 128), 1)
    ut = (c_iota <= c_iota2).astype(jnp.float32)
    cs_incl = jnp.dot(eqf, ut, preferred_element_type=jnp.float32)
    rowtot = cs_incl[:, 127:128]
    r_iota = jax.lax.broadcasted_iota(jnp.int32, (1250, 1250), 0)
    r_iota2 = jax.lax.broadcasted_iota(jnp.int32, (1250, 1250), 1)
    lt = (r_iota > r_iota2).astype(jnp.float32)
    rowpre = jnp.dot(lt, rowtot, preferred_element_type=jnp.float32)
    prefix_excl = rowpre + cs_incl - eqf

    keep = (keys > t) | (eq & (prefix_excl < r))
    out_ref[...] = att * keep.astype(jnp.float32)


def _topk_mask(pred, b2):
    pred2d = pred.reshape(1250, 128)
    out2d = pl.pallas_call(
        _topk_mask_kernel,
        out_shape=jax.ShapeDtypeStruct((1250, 128), jnp.float32),
    )(pred2d, b2.reshape(1, 1))
    return out2d.reshape(E)


NW = 32
BE = 8
NBLK = 625
NBUF = 5
E_PER = NBLK * BE
EPAD = NW * E_PER
CHUNKS = HIDP // 16


def _vbf16(x):
    c = x * 65537.0
    return c - (c - x)


def _lane_permute(x, idx):
    return lax.gather(
        x,
        idx[:, None],
        dimension_numbers=lax.GatherDimensionNumbers(
            offset_dims=(), collapsed_slice_dims=(0,), start_index_map=(0,)
        ),
        slice_sizes=(1,),
        mode=lax.GatherScatterMode.PROMISE_IN_BOUNDS,
    )


def _edge_score_body(
    cmat_hbm, dmat_hbm, row_hbm, col_hbm, w2_hbm, pred_hbm,
    idx_r_v, idx_c_v, w2_v, pred_v, bufs_a, bufs_b, sems_a, sems_b,
):
    wid = lax.axis_index("s") * 2 + lax.axis_index("c")
    pltpu.sync_copy(row_hbm.at[wid], idx_r_v)
    pltpu.sync_copy(col_hbm.at[wid], idx_c_v)
    pltpu.sync_copy(w2_hbm, w2_v)

    def round_w2(j, carry):
        w2_v[pl.ds(j * 16, 16)] = _vbf16(w2_v[pl.ds(j * 16, 16)])
        return carry

    lax.fori_loop(0, CHUNKS, round_w2, 0)

    def start(blk, b):
        pltpu.async_copy(cmat_hbm.at[idx_r_v.at[blk]], bufs_a[b], sems_a[b])
        pltpu.async_copy(dmat_hbm.at[idx_c_v.at[blk]], bufs_b[b], sems_b[b])

    def drain(b):
        pltpu.make_async_copy(cmat_hbm.at[idx_r_v.at[0]], bufs_a[b], sems_a[b]).wait()
        pltpu.make_async_copy(dmat_hbm.at[idx_c_v.at[0]], bufs_b[b], sems_b[b]).wait()

    def compute(blk, b):
        buf_a, buf_b = bufs_a[b], bufs_b[b]

        def chunk_body(j, accs):
            w = w2_v[pl.ds(j * 16, 16)]
            out = []
            for e in range(BE):
                t = jnp.maximum(buf_a[e, pl.ds(j * 16, 16)] + buf_b[e, pl.ds(j * 16, 16)], 0.0)
                out.append(accs[e] + w * _vbf16(t))
            return tuple(out)

        accs = lax.fori_loop(
            0, CHUNKS, chunk_body, tuple(jnp.zeros((16,), jnp.float32) for _ in range(BE))
        )
        lane = lax.iota(jnp.int32, 16)
        sums = jnp.zeros((16,), jnp.float32)
        for e in range(BE):
            x = accs[e]
            for k in (8, 4, 2, 1):
                x = x + _lane_permute(x, (lane + k) & 15)
            sums = jnp.where(lane == e, x, sums)
        pred_v[blk] = sums

    def process(blk, b):
        drain(b)
        compute(blk, b)

        @pl.when(blk + NBUF < NBLK)
        def _():
            start(blk + NBUF, b)

    for b in range(NBUF):
        start(b, b)

    def outer(i, _):
        for b in range(NBUF):
            process(i * NBUF + b, b)
        return 0

    lax.fori_loop(0, NBLK // NBUF, outer, 0)
    pltpu.sync_copy(pred_v, pred_hbm.at[wid])


def _edge_scores(cmat, dmat, row3, col3, w2):
    body = functools.partial(
        pl.kernel,
        mesh=plsc.VectorSubcoreMesh(core_axis_name="c", subcore_axis_name="s"),
        compiler_params=pltpu.CompilerParams(use_tc_tiling_on_sc=False),
        out_type=jax.ShapeDtypeStruct((NW, NBLK, 16), jnp.float32),
        scratch_types=(
            [
                pltpu.VMEM((NBLK, BE), jnp.int32),
                pltpu.VMEM((NBLK, BE), jnp.int32),
                pltpu.VMEM((HIDP,), jnp.float32),
                pltpu.VMEM((NBLK, 16), jnp.float32),
                [pltpu.VMEM((BE, HIDP), jnp.float32) for _ in range(NBUF)],
                [pltpu.VMEM((BE, HIDP), jnp.float32) for _ in range(NBUF)],
                [pltpu.SemaphoreType.DMA for _ in range(NBUF)],
                [pltpu.SemaphoreType.DMA for _ in range(NBUF)],
            ]
        ),
    )(_edge_score_body)
    return body(cmat, dmat, row3, col3, w2)


def kernel(h, edge_index, W1, b1, W2, b2):
    cmat, dmat = _build_tables(h, W1, b1)
    epad = (0, EPAD - E)
    row3 = jnp.pad(edge_index[0].astype(jnp.int32), epad).reshape(NW, NBLK, BE)
    col3 = jnp.pad(edge_index[1].astype(jnp.int32), epad).reshape(NW, NBLK, BE)
    w2p = jnp.pad(W2.reshape(HID), (0, HIDP - HID))
    w2p = w2p.astype(jnp.bfloat16).astype(jnp.float32)
    pred3 = _edge_scores(cmat, dmat, row3, col3, w2p)
    pred = pred3[:, :, :BE].reshape(EPAD)[:E]
    return _topk_mask(pred, b2)

# --- scband reference (transcript-rebuilt; emitter-appended) ---
"""Pipeline reference for scband-igm-86577950753226 (READ-ONLY COPY).

The authoritative reference and input builder live on the scoring server;
editing this copy changes nothing except your own understanding.
"""

import jax, jax.numpy as jnp
import numpy as np

N_NODES = 10000
N_EDGES = 160000
EMB = 300
RATIO = 0.25


def setup_inputs(seed: int = 0) -> dict:
    key = jax.random.key(seed)
    k1, k2, k3, k4 = jax.random.split(key, 4)
    h = jax.random.normal(k1, (N_NODES, EMB), dtype=jnp.float32)
    edge_index = jax.random.randint(k2, (2, N_EDGES), 0, N_NODES, dtype=jnp.int64)
    # edge_att MLP params: Linear(emb*2 -> emb*4), ReLU, Linear(emb*4 -> 1), Sigmoid
    W1 = jax.random.normal(k3, (EMB * 2, EMB * 4), dtype=jnp.float32) * 0.02
    b1 = jnp.zeros((EMB * 4,), dtype=jnp.float32)
    W2 = jax.random.normal(k4, (EMB * 4, 1), dtype=jnp.float32) * 0.02
    b2 = jnp.zeros((1,), dtype=jnp.float32)
    return {"h": h, "edge_index": edge_index, "W1": W1, "b1": b1, "W2": W2, "b2": b2}


def reference(h, edge_index, W1, b1, W2, b2):
    # IGM core kernel: edge attention scoring + concrete sample (eval mode) + ratio top-k masking
    row = edge_index[0]
    col = edge_index[1]
    # edge_rep = torch.cat([h[row], h[col]], dim=-1)
    edge_rep = jnp.concatenate([jnp.take(h, row, axis=0), jnp.take(h, col, axis=0)], axis=-1)
    # self.edge_att: Linear -> ReLU -> Linear -> Sigmoid
    hidden = jax.nn.relu(edge_rep @ W1 + b1)
    pred_edge_weight = jax.nn.sigmoid(hidden @ W2 + b2).reshape(-1)
    # concrete_sample with training=False: att_bern = att_log_logit.sigmoid()
    att_bern = jax.nn.sigmoid(pred_edge_weight)
    # top-k selection of causal edges: reserve n_reserve = int(ratio * N) highest-weight edges
    n_reserve = int(RATIO * att_bern.shape[0])
    top_vals, top_idx = jax.lax.top_k(att_bern, n_reserve)
    mask = jnp.zeros_like(att_bern).at[top_idx].set(1.0)
    causal_masked_weight = att_bern * mask
    return causal_masked_weight

if __name__ == "__main__":
    import jax
    _d = setup_inputs()
    print(jax.jit(kernel)(*tuple(_d.values())))

</pallas_src>

<mosaic_0001>
#map = affine_map<(d0, d1) -> (0, 0)>
#map1 = affine_map<(d0, d1) -> (0, 0, 0)>
#map2 = affine_map<(d0, d1) -> (0)>
module attributes {stable_mosaic.version = 14 : i64} {
  func.func @_edge_score_body(%arg0: i32, %arg1: i32, %arg2: memref<10000x1280xf32, #tpu.memory_space<hbm>>, %arg3: memref<10000x1280xf32, #tpu.memory_space<hbm>>, %arg4: memref<32x625x8xi32, #tpu.memory_space<hbm>>, %arg5: memref<32x625x8xi32, #tpu.memory_space<hbm>>, %arg6: memref<1280xf32, #tpu.memory_space<hbm>>, %arg7: memref<32x625x16xf32, #tpu.memory_space<hbm>>, %arg8: memref<625x8xi32, #tpu.memory_space<vmem>>, %arg9: memref<625x8xi32, #tpu.memory_space<vmem>>, %arg10: memref<1280xf32, #tpu.memory_space<vmem>>, %arg11: memref<625x16xf32, #tpu.memory_space<vmem>>, %arg12: memref<8x1280xf32, #tpu.memory_space<vmem>>, %arg13: memref<8x1280xf32, #tpu.memory_space<vmem>>, %arg14: memref<8x1280xf32, #tpu.memory_space<vmem>>, %arg15: memref<8x1280xf32, #tpu.memory_space<vmem>>, %arg16: memref<8x1280xf32, #tpu.memory_space<vmem>>, %arg17: memref<8x1280xf32, #tpu.memory_space<vmem>>, %arg18: memref<8x1280xf32, #tpu.memory_space<vmem>>, %arg19: memref<8x1280xf32, #tpu.memory_space<vmem>>, %arg20: memref<8x1280xf32, #tpu.memory_space<vmem>>, %arg21: memref<8x1280xf32, #tpu.memory_space<vmem>>, %arg22: memref<!tpu.dma_semaphore, #tpu.memory_space<semaphore_mem>>, %arg23: memref<!tpu.dma_semaphore, #tpu.memory_space<semaphore_mem>>, %arg24: memref<!tpu.dma_semaphore, #tpu.memory_space<semaphore_mem>>, %arg25: memref<!tpu.dma_semaphore, #tpu.memory_space<semaphore_mem>>, %arg26: memref<!tpu.dma_semaphore, #tpu.memory_space<semaphore_mem>>, %arg27: memref<!tpu.dma_semaphore, #tpu.memory_space<semaphore_mem>>, %arg28: memref<!tpu.dma_semaphore, #tpu.memory_space<semaphore_mem>>, %arg29: memref<!tpu.dma_semaphore, #tpu.memory_space<semaphore_mem>>, %arg30: memref<!tpu.dma_semaphore, #tpu.memory_space<semaphore_mem>>, %arg31: memref<!tpu.dma_semaphore, #tpu.memory_space<semaphore_mem>>) attributes {dimension_semantics = [#tpu.dimension_semantics<core_parallel>, #tpu.dimension_semantics<subcore_parallel>], iteration_bounds = array<i64: 2, 16>, scalar_prefetch = 0 : i64, scratch_operands = 24 : i64, tpu.core_type = #tpu.core_type<sc_vector_subcore>, window_params = [{transform_indices = #map}, {transform_indices = #map}, {transform_indices = #map1}, {transform_indices = #map1}, {transform_indices = #map2}, {transform_indices = #map1}]} {
    %mul3A = arith.constant 2 : i32
    %mul3A_0 = arith.muli %arg1, %mul3A : i32
    %add3A = arith.addi %mul3A_0, %arg0 : i32
    "tpu.region"() ({
      %run_scoped3A = tpu.sem_alloc : memref<!tpu.dma_semaphore, #tpu.memory_space<semaphore_mem>>
      %dma_start3A_82 = arith.constant 0 : i32
      %dma_start3A_83 = arith.constant 0 : i32
      %dma_start3A_84 = tpu.memref_slice %arg4[%add3A, %dma_start3A_82, %dma_start3A_83] : memref<32x625x8xi32, #tpu.memory_space<hbm>> -> memref<1x625x8xi32, #tpu.memory_space<hbm>>
      %dma_start3A_85 = tpu.memref_squeeze %dma_start3A_84 : memref<1x625x8xi32, #tpu.memory_space<hbm>> -> memref<625x8xi32, #tpu.memory_space<hbm>>
      %dma_start3A_86 = arith.constant 0 : i32
      %dma_start3A_87 = arith.constant 0 : i32
      %dma_start3A_88 = tpu.memref_slice %arg4[%add3A, %dma_start3A_86, %dma_start3A_87] : memref<32x625x8xi32, #tpu.memory_space<hbm>> -> memref<1x625x8xi32, #tpu.memory_space<hbm>>
      %dma_start3A_89 = tpu.memref_squeeze %dma_start3A_88 : memref<1x625x8xi32, #tpu.memory_space<hbm>> -> memref<625x8xi32, #tpu.memory_space<hbm>>
      tpu.enqueue_dma source(%dma_start3A_89 : memref<625x8xi32, #tpu.memory_space<hbm>>) target(%arg8 : memref<625x8xi32, #tpu.memory_space<vmem>>) target_semaphore(%run_scoped3A : memref<!tpu.dma_semaphore, #tpu.memory_space<semaphore_mem>>)
      %dma_wait3A = arith.constant 0 : i32
      %dma_wait3A_90 = arith.constant 0 : i32
      %dma_wait3A_91 = tpu.memref_slice %arg4[%add3A, %dma_wait3A, %dma_wait3A_90] : memref<32x625x8xi32, #tpu.memory_space<hbm>> -> memref<1x625x8xi32, #tpu.memory_space<hbm>>
      %dma_wait3A_92 = tpu.memref_squeeze %dma_wait3A_91 : memref<1x625x8xi32, #tpu.memory_space<hbm>> -> memref<625x8xi32, #tpu.memory_space<hbm>>
      %dma_wait3A_93 = arith.constant 0 : i32
      %dma_wait3A_94 = arith.constant 0 : i32
      %dma_wait3A_95 = tpu.memref_slice %arg4[%add3A, %dma_wait3A_93, %dma_wait3A_94] : memref<32x625x8xi32, #tpu.memory_space<hbm>> -> memref<1x625x8xi32, #tpu.memory_space<hbm>>
      %dma_wait3A_96 = tpu.memref_squeeze %dma_wait3A_95 : memref<1x625x8xi32, #tpu.memory_space<hbm>> -> memref<625x8xi32, #tpu.memory_space<hbm>>
      tpu.wait_dma2 semaphore(%run_scoped3A : memref<!tpu.dma_semaphore, #tpu.memory_space<semaphore_mem>>) src(%dma_wait3A_96 : memref<625x8xi32, #tpu.memory_space<hbm>>) dst(%arg8 : memref<625x8xi32, #tpu.memory_space<vmem>>)
      tpu.yield
    }) : () -> ()
    "tpu.region"() ({
      %run_scoped3A = tpu.sem_alloc : memref<!tpu.dma_semaphore, #tpu.memory_space<semaphore_mem>>
      %dma_start3A_82 = arith.constant 0 : i32
      %dma_start3A_83 = arith.constant 0 : i32
      %dma_start3A_84 = tpu.memref_slice %arg5[%add3A, %dma_start3A_82, %dma_start3A_83] : memref<32x625x8xi32, #tpu.memory_space<hbm>> -> memref<1x625x8xi32, #tpu.memory_space<hbm>>
      %dma_start3A_85 = tpu.memref_squeeze %dma_start3A_84 : memref<1x625x8xi32, #tpu.memory_space<hbm>> -> memref<625x8xi32, #tpu.memory_space<hbm>>
      %dma_start3A_86 = arith.constant 0 : i32
      %dma_start3A_87 = arith.constant 0 : i32
      %dma_start3A_88 = tpu.memref_slice %arg5[%add3A, %dma_start3A_86, %dma_start3A_87] : memref<32x625x8xi32, #tpu.memory_space<hbm>> -> memref<1x625x8xi32, #tpu.memory_space<hbm>>
      %dma_start3A_89 = tpu.memref_squeeze %dma_start3A_88 : memref<1x625x8xi32, #tpu.memory_space<hbm>> -> memref<625x8xi32, #tpu.memory_space<hbm>>
      tpu.enqueue_dma source(%dma_start3A_89 : memref<625x8xi32, #tpu.memory_space<hbm>>) target(%arg9 : memref<625x8xi32, #tpu.memory_space<vmem>>) target_semaphore(%run_scoped3A : memref<!tpu.dma_semaphore, #tpu.memory_space<semaphore_mem>>)
      %dma_wait3A = arith.constant 0 : i32
      %dma_wait3A_90 = arith.constant 0 : i32
      %dma_wait3A_91 = tpu.memref_slice %arg5[%add3A, %dma_wait3A, %dma_wait3A_90] : memref<32x625x8xi32, #tpu.memory_space<hbm>> -> memref<1x625x8xi32, #tpu.memory_space<hbm>>
      %dma_wait3A_92 = tpu.memref_squeeze %dma_wait3A_91 : memref<1x625x8xi32, #tpu.memory_space<hbm>> -> memref<625x8xi32, #tpu.memory_space<hbm>>
      %dma_wait3A_93 = arith.constant 0 : i32
      %dma_wait3A_94 = arith.constant 0 : i32
      %dma_wait3A_95 = tpu.memref_slice %arg5[%add3A, %dma_wait3A_93, %dma_wait3A_94] : memref<32x625x8xi32, #tpu.memory_space<hbm>> -> memref<1x625x8xi32, #tpu.memory_space<hbm>>
      %dma_wait3A_96 = tpu.memref_squeeze %dma_wait3A_95 : memref<1x625x8xi32, #tpu.memory_space<hbm>> -> memref<625x8xi32, #tpu.memory_space<hbm>>
      tpu.wait_dma2 semaphore(%run_scoped3A : memref<!tpu.dma_semaphore, #tpu.memory_space<semaphore_mem>>) src(%dma_wait3A_96 : memref<625x8xi32, #tpu.memory_space<hbm>>) dst(%arg9 : memref<625x8xi32, #tpu.memory_space<vmem>>)
      tpu.yield
    }) : () -> ()
    "tpu.region"() ({
      %run_scoped3A = tpu.sem_alloc : memref<!tpu.dma_semaphore, #tpu.memory_space<semaphore_mem>>
      tpu.enqueue_dma source(%arg6 : memref<1280xf32, #tpu.memory_space<hbm>>) target(%arg10 : memref<1280xf32, #tpu.memory_space<vmem>>) target_semaphore(%run_scoped3A : memref<!tpu.dma_semaphore, #tpu.memory_space<semaphore_mem>>)
      tpu.wait_dma2 semaphore(%run_scoped3A : memref<!tpu.dma_semaphore, #tpu.memory_space<semaphore_mem>>) src(%arg6 : memref<1280xf32, #tpu.memory_space<hbm>>) dst(%arg10 : memref<1280xf32, #tpu.memory_space<vmem>>)
      tpu.yield
    }) : () -> ()
    %scan3A = arith.constant 0 : i32
    %scan3A_1 = arith.constant 0 : i32
    %scan3A_2 = arith.constant 80 : i32
    %scan3A_3 = arith.addi %scan3A_1, %scan3A_2 : i32
    %scan3A_4 = arith.constant 1 : i32
    scf.for %scan3A_82 = %scan3A_1 to %scan3A_3 step %scan3A_4  : i32 {
      %mul3A_83 = arith.constant 16 : i32
      %mul3A_84 = arith.muli %scan3A_82, %mul3A_83 : i32
      %get3A = arith.index_cast %mul3A_84 : i32 to index
      %get3A_85 = tpu.vector_load %arg10[%get3A] {strides = array<i32>} : memref<1280xf32, #tpu.memory_space<vmem>>, vector<16xf32>,
      %get3A_86 = vector.shape_cast %get3A_85 : vector<16xf32> to vector<16xf32>
      %mul3A_87 = arith.constant 6.553700e+04 : f32
      %mul3A_88 = vector.broadcast %mul3A_87 : f32 to vector<16xf32>
      %mul3A_89 = arith.mulf %get3A_86, %mul3A_88 : vector<16xf32>
      %sub3A = arith.subf %mul3A_89, %get3A_86 : vector<16xf32>
      %sub3A_90 = arith.subf %mul3A_89, %sub3A : vector<16xf32>
      %mul3A_91 = arith.constant 16 : i32
      %mul3A_92 = arith.muli %scan3A_82, %mul3A_91 : i32
      %swap3A = arith.index_cast %mul3A_92 : i32 to index
      %swap3A_93 = tpu.vector_load %arg10[%swap3A] {strides = array<i32>} : memref<1280xf32, #tpu.memory_space<vmem>>, vector<16xf32>,
      %swap3A_94 = vector.shape_cast %swap3A_93 : vector<16xf32> to vector<16xf32>
      %swap3A_95 = vector.shape_cast %sub3A_90 : vector<16xf32> to vector<16xf32>
      tpu.vector_store %arg10[%swap3A], %swap3A_95 {strides = array<i32>} : memref<1280xf32, #tpu.memory_space<vmem>>, vector<16xf32>,
    }
    %scan3A_5 = arith.constant 80 : i32
    %dma_start3A = arith.constant 0 : i32
    %dma_start3A_6 = arith.constant 0 : i32
    %dma_start3A_7 = tpu.memref_slice %arg8[%dma_start3A, %dma_start3A_6] : memref<625x8xi32, #tpu.memory_space<vmem>> -> memref<1x8xi32, #tpu.memory_space<vmem>>
    %dma_start3A_8 = tpu.memref_squeeze %dma_start3A_7 : memref<1x8xi32, #tpu.memory_space<vmem>> -> memref<8xi32, #tpu.memory_space<vmem>>
    %dma_start3A_9 = arith.constant 0 : i32
    %dma_start3A_10 = arith.constant 0 : i32
    %dma_start3A_11 = tpu.memref_slice %arg2[%dma_start3A_9, %dma_start3A_10] : memref<10000x1280xf32, #tpu.memory_space<hbm>> -> memref<10000x1280xf32, #tpu.memory_space<hbm>>
    tpu.enqueue_indirect_dma source(%dma_start3A_11 : memref<10000x1280xf32, #tpu.memory_space<hbm>>) target(%arg12 : memref<8x1280xf32, #tpu.memory_space<vmem>>) offsets(%dma_start3A_8 : memref<8xi32, #tpu.memory_space<vmem>>) semaphore(%arg22 : memref<!tpu.dma_semaphore, #tpu.memory_space<semaphore_mem>>)
    %dma_start3A_12 = arith.constant 0 : i32
    %dma_start3A_13 = arith.constant 0 : i32
    %dma_start3A_14 = tpu.memref_slice %arg9[%dma_start3A_12, %dma_start3A_13] : memref<625x8xi32, #tpu.memory_space<vmem>> -> memref<1x8xi32, #tpu.memory_space<vmem>>
    %dma_start3A_15 = tpu.memref_squeeze %dma_start3A_14 : memref<1x8xi32, #tpu.memory_space<vmem>> -> memref<8xi32, #tpu.memory_space<vmem>>
    %dma_start3A_16 = arith.constant 0 : i32
    %dma_start3A_17 = arith.constant 0 : i32
    %dma_start3A_18 = tpu.memref_slice %arg3[%dma_start3A_16, %dma_start3A_17] : memref<10000x1280xf32, #tpu.memory_space<hbm>> -> memref<10000x1280xf32, #tpu.memory_space<hbm>>
    tpu.enqueue_indirect_dma source(%dma_start3A_18 : memref<10000x1280xf32, #tpu.memory_space<hbm>>) target(%arg17 : memref<8x1280xf32, #tpu.memory_space<vmem>>) offsets(%dma_start3A_15 : memref<8xi32, #tpu.memory_space<vmem>>) semaphore(%arg27 : memref<!tpu.dma_semaphore, #tpu.memory_space<semaphore_mem>>)
    %dma_start3A_19 = arith.constant 1 : i32
    %dma_start3A_20 = arith.constant 0 : i32
    %dma_start3A_21 = tpu.memref_slice %arg8[%dma_start3A_19, %dma_start3A_20] : memref<625x8xi32, #tpu.memory_space<vmem>> -> memref<1x8xi32, #tpu.memory_space<vmem>>
    %dma_start3A_22 = tpu.memref_squeeze %dma_start3A_21 : memref<1x8xi32, #tpu.memory_space<vmem>> -> memref<8xi32, #tpu.memory_space<vmem>>
    %dma_start3A_23 = arith.constant 0 : i32
    %dma_start3A_24 = arith.constant 0 : i32
    %dma_start3A_25 = tpu.memref_slice %arg2[%dma_start3A_23, %dma_start3A_24] : memref<10000x1280xf32, #tpu.memory_space<hbm>> -> memref<10000x1280xf32, #tpu.memory_space<hbm>>
    tpu.enqueue_indirect_dma source(%dma_start3A_25 : memref<10000x1280xf32, #tpu.memory_space<hbm>>) target(%arg13 : memref<8x1280xf32, #tpu.memory_space<vmem>>) offsets(%dma_start3A_22 : memref<8xi32, #tpu.memory_space<vmem>>) semaphore(%arg23 : memref<!tpu.dma_semaphore, #tpu.memory_space<semaphore_mem>>)
    %dma_start3A_26 = arith.constant 1 : i32
    %dma_start3A_27 = arith.constant 0 : i32
    %dma_start3A_28 = tpu.memref_slice %arg9[%dma_start3A_26, %dma_start3A_27] : memref<625x8xi32, #tpu.memory_space<vmem>> -> memref<1x8xi32, #tpu.memory_space<vmem>>
    %dma_start3A_29 = tpu.memref_squeeze %dma_start3A_28 : memref<1x8xi32, #tpu.memory_space<vmem>> -> memref<8xi32, #tpu.memory_space<vmem>>
    %dma_start3A_30 = arith.constant 0 : i32
    %dma_start3A_31 = arith.constant 0 : i32
    %dma_start3A_32 = tpu.memref_slice %arg3[%dma_start3A_30, %dma_start3A_31] : memref<10000x1280xf32, #tpu.memory_space<hbm>> -> memref<10000x1280xf32, #tpu.memory_space<hbm>>
    tpu.enqueue_indirect_dma source(%dma_start3A_32 : memref<10000x1280xf32, #tpu.memory_space<hbm>>) target(%arg18 : memref<8x1280xf32, #tpu.memory_space<vmem>>) offsets(%dma_start3A_29 : memref<8xi32, #tpu.memory_space<vmem>>) semaphore(%arg28 : memref<!tpu.dma_semaphore, #tpu.memory_space<semaphore_mem>>)
    %dma_start3A_33 = arith.constant 2 : i32
    %dma_start3A_34 = arith.constant 0 : i32
    %dma_start3A_35 = tpu.memref_slice %arg8[%dma_start3A_33, %dma_start3A_34] : memref<625x8xi32, #tpu.memory_space<vmem>> -> memref<1x8xi32, #tpu.memory_space<vmem>>
    %dma_start3A_36 = tpu.memref_squeeze %dma_start3A_35 : memref<1x8xi32, #tpu.memory_space<vmem>> -> memref<8xi32, #tpu.memory_space<vmem>>
    %dma_start3A_37 = arith.constant 0 : i32
    %dma_start3A_38 = arith.constant 0 : i32
    %dma_start3A_39 = tpu.memref_slice %arg2[%dma_start3A_37, %dma_start3A_38] : memref<10000x1280xf32, #tpu.memory_space<hbm>> -> memref<10000x1280xf32, #tpu.memory_space<hbm>>
    tpu.enqueue_indirect_dma source(%dma_start3A_39 : memref<10000x1280xf32, #tpu.memory_space<hbm>>) target(%arg14 : memref<8x1280xf32, #tpu.memory_space<vmem>>) offsets(%dma_start3A_36 : memref<8xi32, #tpu.memory_space<vmem>>) semaphore(%arg24 : memref<!tpu.dma_semaphore, #tpu.memory_space<semaphore_mem>>)
    %dma_start3A_40 = arith.constant 2 : i32
    %dma_start3A_41 = arith.constant 0 : i32
    %dma_start3A_42 = tpu.memref_slice %arg9[%dma_start3A_40, %dma_start3A_41] : memref<625x8xi32, #tpu.memory_space<vmem>> -> memref<1x8xi32, #tpu.memory_space<vmem>>
    %dma_start3A_43 = tpu.memref_squeeze %dma_start3A_42 : memref<1x8xi32, #tpu.memory_space<vmem>> -> memref<8xi32, #tpu.memory_space<vmem>>
    %dma_start3A_44 = arith.constant 0 : i32
    %dma_start3A_45 = arith.constant 0 : i32
    %dma_start3A_46 = tpu.memref_slice %arg3[%dma_start3A_44, %dma_start3A_45] : memref<10000x1280xf32, #tpu.memory_space<hbm>> -> memref<10000x1280xf32, #tpu.memory_space<hbm>>
    tpu.enqueue_indirect_dma source(%dma_start3A_46 : memref<10000x1280xf32, #tpu.memory_space<hbm>>) target(%arg19 : memref<8x1280xf32, #tpu.memory_space<vmem>>) offsets(%dma_start3A_43 : memref<8xi32, #tpu.memory_space<vmem>>) semaphore(%arg29 : memref<!tpu.dma_semaphore, #tpu.memory_space<semaphore_mem>>)
    %dma_start3A_47 = arith.constant 3 : i32
    %dma_start3A_48 = arith.constant 0 : i32
    %dma_start3A_49 = tpu.memref_slice %arg8[%dma_start3A_47, %dma_start3A_48] : memref<625x8xi32, #tpu.memory_space<vmem>> -> memref<1x8xi32, #tpu.memory_space<vmem>>
    %dma_start3A_50 = tpu.memref_squeeze %dma_start3A_49 : memref<1x8xi32, #tpu.memory_space<vmem>> -> memref<8xi32, #tpu.memory_space<vmem>>
    %dma_start3A_51 = arith.constant 0 : i32
    %dma_start3A_52 = arith.constant 0 : i32
    %dma_start3A_53 = tpu.memref_slice %arg2[%dma_start3A_51, %dma_start3A_52] : memref<10000x1280xf32, #tpu.memory_space<hbm>> -> memref<10000x1280xf32, #tpu.memory_space<hbm>>
    tpu.enqueue_indirect_dma source(%dma_start3A_53 : memref<10000x1280xf32, #tpu.memory_space<hbm>>) target(%arg15 : memref<8x1280xf32, #tpu.memory_space<vmem>>) offsets(%dma_start3A_50 : memref<8xi32, #tpu.memory_space<vmem>>) semaphore(%arg25 : memref<!tpu.dma_semaphore, #tpu.memory_space<semaphore_mem>>)
    %dma_start3A_54 = arith.constant 3 : i32
    %dma_start3A_55 = arith.constant 0 : i32
    %dma_start3A_56 = tpu.memref_slice %arg9[%dma_start3A_54, %dma_start3A_55] : memref<625x8xi32, #tpu.memory_space<vmem>> -> memref<1x8xi32, #tpu.memory_space<vmem>>
    %dma_start3A_57 = tpu.memref_squeeze %dma_start3A_56 : memref<1x8xi32, #tpu.memory_space<vmem>> -> memref<8xi32, #tpu.memory_space<vmem>>
    %dma_start3A_58 = arith.constant 0 : i32
    %dma_start3A_59 = arith.constant 0 : i32
    %dma_start3A_60 = tpu.memref_slice %arg3[%dma_start3A_58, %dma_start3A_59] : memref<10000x1280xf32, #tpu.memory_space<hbm>> -> memref<10000x1280xf32, #tpu.memory_space<hbm>>
    tpu.enqueue_indirect_dma source(%dma_start3A_60 : memref<10000x1280xf32, #tpu.memory_space<hbm>>) target(%arg20 : memref<8x1280xf32, #tpu.memory_space<vmem>>) offsets(%dma_start3A_57 : memref<8xi32, #tpu.memory_space<vmem>>) semaphore(%arg30 : memref<!tpu.dma_semaphore, #tpu.memory_space<semaphore_mem>>)
    %dma_start3A_61 = arith.constant 4 : i32
    %dma_start3A_62 = arith.constant 0 : i32
    %dma_start3A_63 = tpu.memref_slice %arg8[%dma_start3A_61, %dma_start3A_62] : memref<625x8xi32, #tpu.memory_space<vmem>> -> memref<1x8xi32, #tpu.memory_space<vmem>>
    %dma_start3A_64 = tpu.memref_squeeze %dma_start3A_63 : memref<1x8xi32, #tpu.memory_space<vmem>> -> memref<8xi32, #tpu.memory_space<vmem>>
    %dma_start3A_65 = arith.constant 0 : i32
    %dma_start3A_66 = arith.constant 0 : i32
    %dma_start3A_67 = tpu.memref_slice %arg2[%dma_start3A_65, %dma_start3A_66] : memref<10000x1280xf32, #tpu.memory_space<hbm>> -> memref<10000x1280xf32, #tpu.memory_space<hbm>>
    tpu.enqueue_indirect_dma source(%dma_start3A_67 : memref<10000x1280xf32, #tpu.memory_space<hbm>>) target(%arg16 : memref<8x1280xf32, #tpu.memory_space<vmem>>) offsets(%dma_start3A_64 : memref<8xi32, #tpu.memory_space<vmem>>) semaphore(%arg26 : memref<!tpu.dma_semaphore, #tpu.memory_space<semaphore_mem>>)
    %dma_start3A_68 = arith.constant 4 : i32
    %dma_start3A_69 = arith.constant 0 : i32
    %dma_start3A_70 = tpu.memref_slice %arg9[%dma_start3A_68, %dma_start3A_69] : memref<625x8xi32, #tpu.memory_space<vmem>> -> memref<1x8xi32, #tpu.memory_space<vmem>>
    %dma_start3A_71 = tpu.memref_squeeze %dma_start3A_70 : memref<1x8xi32, #tpu.memory_space<vmem>> -> memref<8xi32, #tpu.memory_space<vmem>>
    %dma_start3A_72 = arith.constant 0 : i32
    %dma_start3A_73 = arith.constant 0 : i32
    %dma_start3A_74 = tpu.memref_slice %arg3[%dma_start3A_72, %dma_start3A_73] : memref<10000x1280xf32, #tpu.memory_space<hbm>> -> memref<10000x1280xf32, #tpu.memory_space<hbm>>
    tpu.enqueue_indirect_dma source(%dma_start3A_74 : memref<10000x1280xf32, #tpu.memory_space<hbm>>) target(%arg21 : memref<8x1280xf32, #tpu.memory_space<vmem>>) offsets(%dma_start3A_71 : memref<8xi32, #tpu.memory_space<vmem>>) semaphore(%arg31 : memref<!tpu.dma_semaphore, #tpu.memory_space<semaphore_mem>>)
    %scan3A_75 = arith.constant 0 : i32
    %scan3A_76 = arith.constant 0 : i32
    %scan3A_77 = arith.constant 125 : i32
    %scan3A_78 = arith.addi %scan3A_76, %scan3A_77 : i32
    %scan3A_79 = arith.constant 1 : i32
    %scan3A_80 = scf.for %scan3A_82 = %scan3A_76 to %scan3A_78 step %scan3A_79 iter_args(%scan3A_83 = %scan3A_75) -> (i32)  : i32 {
      %mul3A_84 = arith.constant 5 : i32
      %mul3A_85 = arith.muli %scan3A_82, %mul3A_84 : i32
      %add3A_86 = arith.constant 0 : i32
      %add3A_87 = arith.addi %mul3A_85, %add3A_86 : i32
      %dma_wait3A = arith.constant 0 : i32
      %dma_wait3A_88 = arith.constant 0 : i32
      %dma_wait3A_89 = tpu.memref_slice %arg8[%dma_wait3A, %dma_wait3A_88] : memref<625x8xi32, #tpu.memory_space<vmem>> -> memref<1x8xi32, #tpu.memory_space<vmem>>
      %dma_wait3A_90 = tpu.memref_squeeze %dma_wait3A_89 : memref<1x8xi32, #tpu.memory_space<vmem>> -> memref<8xi32, #tpu.memory_space<vmem>>
      %dma_wait3A_91 = arith.constant 0 : i32
      %dma_wait3A_92 = arith.constant 0 : i32
      %dma_wait3A_93 = tpu.memref_slice %arg2[%dma_wait3A_91, %dma_wait3A_92] : memref<10000x1280xf32, #tpu.memory_space<hbm>> -> memref<10000x1280xf32, #tpu.memory_space<hbm>>
      tpu.wait_indirect_dma semaphore(%arg22 : memref<!tpu.dma_semaphore, #tpu.memory_space<semaphore_mem>>) src(%dma_wait3A_93 : memref<10000x1280xf32, #tpu.memory_space<hbm>>) dst(%arg12 : memref<8x1280xf32, #tpu.memory_space<vmem>>)
      %dma_wait3A_94 = arith.constant 0 : i32
      %dma_wait3A_95 = arith.constant 0 : i32
      %dma_wait3A_96 = tpu.memref_slice %arg9[%dma_wait3A_94, %dma_wait3A_95] : memref<625x8xi32, #tpu.memory_space<vmem>> -> memref<1x8xi32, #tpu.memory_space<vmem>>
      %dma_wait3A_97 = tpu.memref_squeeze %dma_wait3A_96 : memref<1x8xi32, #tpu.memory_space<vmem>> -> memref<8xi32, #tpu.memory_space<vmem>>
      %dma_wait3A_98 = arith.constant 0 : i32
      %dma_wait3A_99 = arith.constant 0 : i32
      %dma_wait3A_100 = tpu.memref_slice %arg3[%dma_wait3A_98, %dma_wait3A_99] : memref<10000x1280xf32, #tpu.memory_space<hbm>> -> memref<10000x1280xf32, #tpu.memory_space<hbm>>
      tpu.wait_indirect_dma semaphore(%arg27 : memref<!tpu.dma_semaphore, #tpu.memory_space<semaphore_mem>>) src(%dma_wait3A_100 : memref<10000x1280xf32, #tpu.memory_space<hbm>>) dst(%arg17 : memref<8x1280xf32, #tpu.memory_space<vmem>>)
      %broadcast_in_dim3A = arith.constant 0.000000e+00 : f32
      %broadcast_in_dim3A_101 = vector.broadcast %broadcast_in_dim3A : f32 to vector<16xf32>
      %broadcast_in_dim3A_102 = arith.constant 0.000000e+00 : f32
      %broadcast_in_dim3A_103 = vector.broadcast %broadcast_in_dim3A_102 : f32 to vector<16xf32>
      %broadcast_in_dim3A_104 = arith.constant 0.000000e+00 : f32
      %broadcast_in_dim3A_105 = vector.broadcast %broadcast_in_dim3A_104 : f32 to vector<16xf32>
      %broadcast_in_dim3A_106 = arith.constant 0.000000e+00 : f32
      %broadcast_in_dim3A_107 = vector.broadcast %broadcast_in_dim3A_106 : f32 to vector<16xf32>
      %broadcast_in_dim3A_108 = arith.constant 0.000000e+00 : f32
      %broadcast_in_dim3A_109 = vector.broadcast %broadcast_in_dim3A_108 : f32 to vector<16xf32>
      %broadcast_in_dim3A_110 = arith.constant 0.000000e+00 : f32
      %broadcast_in_dim3A_111 = vector.broadcast %broadcast_in_dim3A_110 : f32 to vector<16xf32>
      %broadcast_in_dim3A_112 = arith.constant 0.000000e+00 : f32
      %broadcast_in_dim3A_113 = vector.broadcast %broadcast_in_dim3A_112 : f32 to vector<16xf32>
      %broadcast_in_dim3A_114 = arith.constant 0.000000e+00 : f32
      %broadcast_in_dim3A_115 = vector.broadcast %broadcast_in_dim3A_114 : f32 to vector<16xf32>
      %scan3A_116 = arith.constant 0 : i32
      %scan3A_117 = arith.constant 80 : i32
      %scan3A_118 = arith.addi %scan3A_116, %scan3A_117 : i32
      %scan3A_119 = arith.constant 1 : i32
      %scan3A_120:8 = scf.for %scan3A_2109 = %scan3A_116 to %scan3A_118 step %scan3A_119 iter_args(%scan3A_2110 = %broadcast_in_dim3A_101, %scan3A_2111 = %broadcast_in_dim3A_103, %scan3A_2112 = %broadcast_in_dim3A_105, %scan3A_2113 = %broadcast_in_dim3A_107, %scan3A_2114 = %broadcast_in_dim3A_109, %scan3A_2115 = %broadcast_in_dim3A_111, %scan3A_2116 = %broadcast_in_dim3A_113, %scan3A_2117 = %broadcast_in_dim3A_115) -> (vector<16xf32>, vector<16xf32>, vector<16xf32>, vector<16xf32>, vector<16xf32>, vector<16xf32>, vector<16xf32>, vector<16xf32>)  : i32 {
        %mul3A_2118 = arith.constant 16 : i32
        %mul3A_2119 = arith.muli %scan3A_2109, %mul3A_2118 : i32
        %get3A = arith.index_cast %mul3A_2119 : i32 to index
        %get3A_2120 = tpu.vector_load %arg10[%get3A] {strides = array<i32>} : memref<1280xf32, #tpu.memory_space<vmem>>, vector<16xf32>,
        %get3A_2121 = vector.shape_cast %get3A_2120 : vector<16xf32> to vector<16xf32>
        %mul3A_2122 = arith.constant 16 : i32
        %mul3A_2123 = arith.muli %scan3A_2109, %mul3A_2122 : i32
        %get3A_2124 = arith.constant 0 : i32
        %get3A_2125 = arith.index_cast %get3A_2124 : i32 to index
        %get3A_2126 = arith.index_cast %mul3A_2123 : i32 to index
        %get3A_2127 = tpu.vector_load %arg12[%get3A_2125, %get3A_2126] {strides = array<i32>} : memref<8x1280xf32, #tpu.memory_space<vmem>>, vector<1x16xf32>,
        %get3A_2128 = vector.shape_cast %get3A_2127 : vector<1x16xf32> to vector<16xf32>
        %mul3A_2129 = arith.constant 16 : i32
        %mul3A_2130 = arith.muli %scan3A_2109, %mul3A_2129 : i32
        %get3A_2131 = arith.constant 0 : i32
        %get3A_2132 = arith.index_cast %get3A_2131 : i32 to index
        %get3A_2133 = arith.index_cast %mul3A_2130 : i32 to index
        %get3A_2134 = tpu.vector_load %arg17[%get3A_2132, %get3A_2133] {strides = array<i32>} : memref<8x1280xf32, #tpu.memory_space<vmem>>, vector<1x16xf32>,
        %get3A_2135 = vector.shape_cast %get3A_2134 : vector<1x16xf32> to vector<16xf32>
        %add3A_2136 = arith.addf %get3A_2128, %get3A_2135 : vector<16xf32>
        %max3A = arith.constant 0.000000e+00 : f32
        %max3A_2137 = vector.broadcast %max3A : f32 to vector<16xf32>
        %max3A_2138 = arith.maximumf %add3A_2136, %max3A_2137 : vector<16xf32>
        %mul3A_2139 = arith.constant 6.553700e+04 : f32
        %mul3A_2140 = vector.broadcast %mul3A_2139 : f32 to vector<16xf32>
        %mul3A_2141 = arith.mulf %max3A_2138, %mul3A_2140 : vector<16xf32>
        %sub3A = arith.subf %mul3A_2141, %max3A_2138 : vector<16xf32>
        %sub3A_2142 = arith.subf %mul3A_2141, %sub3A : vector<16xf32>
        %mul3A_2143 = arith.mulf %get3A_2121, %sub3A_2142 : vector<16xf32>
        %add3A_2144 = arith.addf %scan3A_2110, %mul3A_2143 : vector<16xf32>
        %mul3A_2145 = arith.constant 16 : i32
        %mul3A_2146 = arith.muli %scan3A_2109, %mul3A_2145 : i32
        %get3A_2147 = arith.constant 1 : i32
        %get3A_2148 = arith.index_cast %get3A_2147 : i32 to index
        %get3A_2149 = arith.index_cast %mul3A_2146 : i32 to index
        %get3A_2150 = tpu.vector_load %arg12[%get3A_2148, %get3A_2149] {strides = array<i32>} : memref<8x1280xf32, #tpu.memory_space<vmem>>, vector<1x16xf32>,
        %get3A_2151 = vector.shape_cast %get3A_2150 : vector<1x16xf32> to vector<16xf32>
        %mul3A_2152 = arith.constant 16 : i32
        %mul3A_2153 = arith.muli %scan3A_2109, %mul3A_2152 : i32
        %get3A_2154 = arith.constant 1 : i32
        %get3A_2155 = arith.index_cast %get3A_2154 : i32 to index
        %get3A_2156 = arith.index_cast %mul3A_2153 : i32 to index
        %get3A_2157 = tpu.vector_load %arg17[%get3A_2155, %get3A_2156] {strides = array<i32>} : memref<8x1280xf32, #tpu.memory_space<vmem>>, vector<1x16xf32>,
        %get3A_2158 = vector.shape_cast %get3A_2157 : vector<1x16xf32> to vector<16xf32>
        %add3A_2159 = arith.addf %get3A_2151, %get3A_2158 : vector<16xf32>
        %max3A_2160 = arith.constant 0.000000e+00 : f32
        %max3A_2161 = vector.broadcast %max3A_2160 : f32 to vector<16xf32>
        %max3A_2162 = arith.maximumf %add3A_2159, %max3A_2161 : vector<16xf32>
        %mul3A_2163 = arith.constant 6.553700e+04 : f32
        %mul3A_2164 = vector.broadcast %mul3A_2163 : f32 to vector<16xf32>
        %mul3A_2165 = arith.mulf %max3A_2162, %mul3A_2164 : vector<16xf32>
        %sub3A_2166 = arith.subf %mul3A_2165, %max3A_2162 : vector<16xf32>
        %sub3A_2167 = arith.subf %mul3A_2165, %sub3A_2166 : vector<16xf32>
        %mul3A_2168 = arith.mulf %get3A_2121, %sub3A_2167 : vector<16xf32>
        %add3A_2169 = arith.addf %scan3A_2111, %mul3A_2168 : vector<16xf32>
        %mul3A_2170 = arith.constant 16 : i32
        %mul3A_2171 = arith.muli %scan3A_2109, %mul3A_2170 : i32
        %get3A_2172 = arith.constant 2 : i32
        %get3A_2173 = arith.index_cast %get3A_2172 : i32 to index
        %get3A_2174 = arith.index_cast %mul3A_2171 : i32 to index
        %get3A_2175 = tpu.vector_load %arg12[%get3A_2173, %get3A_2174] {strides = array<i32>} : memref<8x1280xf32, #tpu.memory_space<vmem>>, vector<1x16xf32>,
        %get3A_2176 = vector.shape_cast %get3A_2175 : vector<1x16xf32> to vector<16xf32>
        %mul3A_2177 = arith.constant 16 : i32
        %mul3A_2178 = arith.muli %scan3A_2109, %mul3A_2177 : i32
        %get3A_2179 = arith.constant 2 : i32
        %get3A_2180 = arith.index_cast %get3A_2179 : i32 to index
        %get3A_2181 = arith.index_cast %mul3A_2178 : i32 to index
        %get3A_2182 = tpu.vector_load %arg17[%get3A_2180, %get3A_2181] {strides = array<i32>} : memref<8x1280xf32, #tpu.memory_space<vmem>>, vector<1x16xf32>,
        %get3A_2183 = vector.shape_cast %get3A_2182 : vector<1x16xf32> to vector<16xf32>
        %add3A_2184 = arith.addf %get3A_2176, %get3A_2183 : vector<16xf32>
        %max3A_2185 = arith.constant 0.000000e+00 : f32
        %max3A_2186 = vector.broadcast %max3A_2185 : f32 to vector<16xf32>
        %max3A_2187 = arith.maximumf %add3A_2184, %max3A_2186 : vector<16xf32>
        %mul3A_2188 = arith.constant 6.553700e+04 : f32
        %mul3A_2189 = vector.broadcast %mul3A_2188 : f32 to vector<16xf32>
        %mul3A_2190 = arith.mulf %max3A_2187, %mul3A_2189 : vector<16xf32>
        %sub3A_2191 = arith.subf %mul3A_2190, %max3A_2187 : vector<16xf32>
        %sub3A_2192 = arith.subf %mul3A_2190, %sub3A_2191 : vector<16xf32>
        %mul3A_2193 = arith.mulf %get3A_2121, %sub3A_2192 : vector<16xf32>
        %add3A_2194 = arith.addf %scan3A_2112, %mul3A_2193 : vector<16xf32>
        %mul3A_2195 = arith.constant 16 : i32
        %mul3A_2196 = arith.muli %scan3A_2109, %mul3A_2195 : i32
        %get3A_2197 = arith.constant 3 : i32
        %get3A_2198 = arith.index_cast %get3A_2197 : i32 to index
        %get3A_2199 = arith.index_cast %mul3A_2196 : i32 to index
        %get3A_2200 = tpu.vector_load %arg12[%get3A_2198, %get3A_2199] {strides = array<i32>} : memref<8x1280xf32, #tpu.memory_space<vmem>>, vector<1x16xf32>,
        %get3A_2201 = vector.shape_cast %get3A_2200 : vector<1x16xf32> to vector<16xf32>
        %mul3A_2202 = arith.constant 16 : i32
        %mul3A_2203 = arith.muli %scan3A_2109, %mul3A_2202 : i32
        %get3A_2204 = arith.constant 3 : i32
        %get3A_2205 = arith.index_cast %get3A_2204 : i32 to index
        %get3A_2206 = arith.index_cast %mul3A_2203 : i32 to index
        %get3A_2207 = tpu.vector_load %arg17[%get3A_2205, %get3A_2206] {strides = array<i32>} : memref<8x1280xf32, #tpu.memory_space<vmem>>, vector<1x16xf32>,
        %get3A_2208 = vector.shape_cast %get3A_2207 : vector<1x16xf32> to vector<16xf32>
        %add3A_2209 = arith.addf %get3A_2201, %get3A_2208 : vector<16xf32>
        %max3A_2210 = arith.constant 0.000000e+00 : f32
        %max3A_2211 = vector.broadcast %max3A_2210 : f32 to vector<16xf32>
        %max3A_2212 = arith.maximumf %add3A_2209, %max3A_2211 : vector<16xf32>
        %mul3A_2213 = arith.constant 6.553700e+04 : f32
        %mul3A_2214 = vector.broadcast %mul3A_2213 : f32 to vector<16xf32>
        %mul3A_2215 = arith.mulf %max3A_2212, %mul3A_2214 : vector<16xf32>
        %sub3A_2216 = arith.subf %mul3A_2215, %max3A_2212 : vector<16xf32>
        %sub3A_2217 = arith.subf %mul3A_2215, %sub3A_2216 : vector<16xf32>
        %mul3A_2218 = arith.mulf %get3A_2121, %sub3A_2217 : vector<16xf32>
        %add3A_2219 = arith.addf %scan3A_2113, %mul3A_2218 : vector<16xf32>
        %mul3A_2220 = arith.constant 16 : i32
        %mul3A_2221 = arith.muli %scan3A_2109, %mul3A_2220 : i32
        %get3A_2222 = arith.constant 4 : i32
        %get3A_2223 = arith.index_cast %get3A_2222 : i32 to index
        %get3A_2224 = arith.index_cast %mul3A_2221 : i32 to index
        %get3A_2225 = tpu.vector_load %arg12[%get3A_2223, %get3A_2224] {strides = array<i32>} : memref<8x1280xf32, #tpu.memory_space<vmem>>, vector<1x16xf32>,
        %get3A_2226 = vector.shape_cast %get3A_2225 : vector<1x16xf32> to vector<16xf32>
        %mul3A_2227 = arith.constant 16 : i32
        %mul3A_2228 = arith.muli %scan3A_2109, %mul3A_2227 : i32
        %get3A_2229 = arith.constant 4 : i32
        %get3A_2230 = arith.index_cast %get3A_2229 : i32 to index
        %get3A_2231 = arith.index_cast %mul3A_2228 : i32 to index
        %get3A_2232 = tpu.vector_load %arg17[%get3A_2230, %get3A_2231] {strides = array<i32>} : memref<8x1280xf32, #tpu.memory_space<vmem>>, vector<1x16xf32>,
        %get3A_2233 = vector.shape_cast %get3A_2232 : vector<1x16xf32> to vector<16xf32>
        %add3A_2234 = arith.addf %get3A_2226, %get3A_2233 : vector<16xf32>
        %max3A_2235 = arith.constant 0.000000e+00 : f32
        %max3A_2236 = vector.broadcast %max3A_2235 : f32 to vector<16xf32>
        %max3A_2237 = arith.maximumf %add3A_2234, %max3A_2236 : vector<16xf32>
        %mul3A_2238 = arith.constant 6.553700e+04 : f32
        %mul3A_2239 = vector.broadcast %mul3A_2238 : f32 to vector<16xf32>
        %mul3A_2240 = arith.mulf %max3A_2237, %mul3A_2239 : vector<16xf32>
        %sub3A_2241 = arith.subf %mul3A_2240, %max3A_2237 : vector<16xf32>
        %sub3A_2242 = arith.subf %mul3A_2240, %sub3A_2241 : vector<16xf32>
        %mul3A_2243 = arith.mulf %get3A_2121, %sub3A_2242 : vector<16xf32>
        %add3A_2244 = arith.addf %scan3A_2114, %mul3A_2243 : vector<16xf32>
        %mul3A_2245 = arith.constant 16 : i32
        %mul3A_2246 = arith.muli %scan3A_2109, %mul3A_2245 : i32
        %get3A_2247 = arith.constant 5 : i32
        %get3A_2248 = arith.index_cast %get3A_2247 : i32 to index
        %get3A_2249 = arith.index_cast %mul3A_2246 : i32 to index
        %get3A_2250 = tpu.vector_load %arg12[%get3A_2248, %get3A_2249] {strides = array<i32>} : memref<8x1280xf32, #tpu.memory_space<vmem>>, vector<1x16xf32>,
        %get3A_2251 = vector.shape_cast %get3A_2250 : vector<1x16xf32> to vector<16xf32>
        %mul3A_2252 = arith.constant 16 : i32
        %mul3A_2253 = arith.muli %scan3A_2109, %mul3A_2252 : i32
        %get3A_2254 = arith.constant 5 : i32
        %get3A_2255 = arith.index_cast %get3A_2254 : i32 to index
        %get3A_2256 = arith.index_cast %mul3A_2253 : i32 to index
        %get3A_2257 = tpu.vector_load %arg17[%get3A_2255, %get3A_2256] {strides = array<i32>} : memref<8x1280xf32, #tpu.memory_space<vmem>>, vector<1x16xf32>,
        %get3A_2258 = vector.shape_cast %get3A_2257 : vector<1x16xf32> to vector<16xf32>
        %add3A_2259 = arith.addf %get3A_2251, %get3A_2258 : vector<16xf32>
        %max3A_2260 = arith.constant 0.000000e+00 : f32
        %max3A_2261 = vector.broadcast %max3A_2260 : f32 to vector<16xf32>
        %max3A_2262 = arith.maximumf %add3A_2259, %max3A_2261 : vector<16xf32>
        %mul3A_2263 = arith.constant 6.553700e+04 : f32
        %mul3A_2264 = vector.broadcast %mul3A_2263 : f32 to vector<16xf32>
        %mul3A_2265 = arith.mulf %max3A_2262, %mul3A_2264 : vector<16xf32>
        %sub3A_2266 = arith.subf %mul3A_2265, %max3A_2262 : vector<16xf32>
        %sub3A_2267 = arith.subf %mul3A_2265, %sub3A_2266 : vector<16xf32>
        %mul3A_2268 = arith.mulf %get3A_2121, %sub3A_2267 : vector<16xf32>
        %add3A_2269 = arith.addf %scan3A_2115, %mul3A_2268 : vector<16xf32>
        %mul3A_2270 = arith.constant 16 : i32
        %mul3A_2271 = arith.muli %scan3A_2109, %mul3A_2270 : i32
        %get3A_2272 = arith.constant 6 : i32
        %get3A_2273 = arith.index_cast %get3A_2272 : i32 to index
        %get3A_2274 = arith.index_cast %mul3A_2271 : i32 to index
        %get3A_2275 = tpu.vector_load %arg12[%get3A_2273, %get3A_2274] {strides = array<i32>} : memref<8x1280xf32, #tpu.memory_space<vmem>>, vector<1x16xf32>,
        %get3A_2276 = vector.shape_cast %get3A_2275 : vector<1x16xf32> to vector<16xf32>
        %mul3A_2277 = arith.constant 16 : i32
        %mul3A_2278 = arith.muli %scan3A_2109, %mul3A_2277 : i32
        %get3A_2279 = arith.constant 6 : i32
        %get3A_2280 = arith.index_cast %get3A_2279 : i32 to index
        %get3A_2281 = arith.index_cast %mul3A_2278 : i32 to index
        %get3A_2282 = tpu.vector_load %arg17[%get3A_2280, %get3A_2281] {strides = array<i32>} : memref<8x1280xf32, #tpu.memory_space<vmem>>, vector<1x16xf32>,
        %get3A_2283 = vector.shape_cast %get3A_2282 : vector<1x16xf32> to vector<16xf32>
        %add3A_2284 = arith.addf %get3A_2276, %get3A_2283 : vector<16xf32>
        %max3A_2285 = arith.constant 0.000000e+00 : f32
        %max3A_2286 = vector.broadcast %max3A_2285 : f32 to vector<16xf32>
        %max3A_2287 = arith.maximumf %add3A_2284, %max3A_2286 : vector<16xf32>
        %mul3A_2288 = arith.constant 6.553700e+04 : f32
        %mul3A_2289 = vector.broadcast %mul3A_2288 : f32 to vector<16xf32>
        %mul3A_2290 = arith.mulf %max3A_2287, %mul3A_2289 : vector<16xf32>
        %sub3A_2291 = arith.subf %mul3A_2290, %max3A_2287 : vector<16xf32>
        %sub3A_2292 = arith.subf %mul3A_2290, %sub3A_2291 : vector<16xf32>
        %mul3A_2293 = arith.mulf %get3A_2121, %sub3A_2292 : vector<16xf32>
        %add3A_2294 = arith.addf %scan3A_2116, %mul3A_2293 : vector<16xf32>
        %mul3A_2295 = arith.constant 16 : i32
        %mul3A_2296 = arith.muli %scan3A_2109, %mul3A_2295 : i32
        %get3A_2297 = arith.constant 7 : i32
        %get3A_2298 = arith.index_cast %get3A_2297 : i32 to index
        %get3A_2299 = arith.index_cast %mul3A_2296 : i32 to index
        %get3A_2300 = tpu.vector_load %arg12[%get3A_2298, %get3A_2299] {strides = array<i32>} : memref<8x1280xf32, #tpu.memory_space<vmem>>, vector<1x16xf32>,
        %get3A_2301 = vector.shape_cast %get3A_2300 : vector<1x16xf32> to vector<16xf32>
        %mul3A_2302 = arith.constant 16 : i32
        %mul3A_2303 = arith.muli %scan3A_2109, %mul3A_2302 : i32
        %get3A_2304 = arith.constant 7 : i32
        %get3A_2305 = arith.index_cast %get3A_2304 : i32 to index
        %get3A_2306 = arith.index_cast %mul3A_2303 : i32 to index
        %get3A_2307 = tpu.vector_load %arg17[%get3A_2305, %get3A_2306] {strides = array<i32>} : memref<8x1280xf32, #tpu.memory_space<vmem>>, vector<1x16xf32>,
        %get3A_2308 = vector.shape_cast %get3A_2307 : vector<1x16xf32> to vector<16xf32>
        %add3A_2309 = arith.addf %get3A_2301, %get3A_2308 : vector<16xf32>
        %max3A_2310 = arith.constant 0.000000e+00 : f32
        %max3A_2311 = vector.broadcast %max3A_2310 : f32 to vector<16xf32>
        %max3A_2312 = arith.maximumf %add3A_2309, %max3A_2311 : vector<16xf32>
        %mul3A_2313 = arith.constant 6.553700e+04 : f32
        %mul3A_2314 = vector.broadcast %mul3A_2313 : f32 to vector<16xf32>
        %mul3A_2315 = arith.mulf %max3A_2312, %mul3A_2314 : vector<16xf32>
        %sub3A_2316 = arith.subf %mul3A_2315, %max3A_2312 : vector<16xf32>
        %sub3A_2317 = arith.subf %mul3A_2315, %sub3A_2316 : vector<16xf32>
        %mul3A_2318 = arith.mulf %get3A_2121, %sub3A_2317 : vector<16xf32>
        %add3A_2319 = arith.addf %scan3A_2117, %mul3A_2318 : vector<16xf32>
        scf.yield %add3A_2144, %add3A_2169, %add3A_2194, %add3A_2219, %add3A_2244, %add3A_2269, %add3A_2294, %add3A_2319 : vector<16xf32>, vector<16xf32>, vector<16xf32>, vector<16xf32>, vector<16xf32>, vector<16xf32>, vector<16xf32>, vector<16xf32>
      }
      %scan3A_121 = arith.constant 80 : i32
      %iota3A = tpu.iota {dimensions = array<i32: 0>} : vector<16xi32>
      %broadcast_in_dim3A_122 = arith.constant 0.000000e+00 : f32
      %broadcast_in_dim3A_123 = vector.broadcast %broadcast_in_dim3A_122 : f32 to vector<16xf32>
      %add3A_124 = arith.constant 8 : i32
      %add3A_125 = vector.broadcast %add3A_124 : i32 to vector<16xi32>
      %add3A_126 = arith.addi %iota3A, %add3A_125 : vector<16xi32>
      %and3A = arith.constant 15 : i32
      %and3A_127 = vector.broadcast %and3A : i32 to vector<16xi32>
      %and3A_128 = arith.andi %add3A_126, %and3A_127 : vector<16xi32>
      %broadcast_in_dim3A_129 = vector.shape_cast %and3A_128 : vector<16xi32> to vector<16x1xi32>
      %gather3A = vector.shape_cast %broadcast_in_dim3A_129 : vector<16x1xi32> to vector<16xi32>
      %gather3A_130 = tpu.dynamic_gather %scan3A_120#0[%gather3A] in [0] : vector<16xf32>, vector<16xi32> -> vector<16xf32>
      %add3A_131 = arith.addf %scan3A_120#0, %gather3A_130 : vector<16xf32>
      %add3A_132 = arith.constant 4 : i32
      %add3A_133 = vector.broadcast %add3A_132 : i32 to vector<16xi32>
      %add3A_134 = arith.addi %iota3A, %add3A_133 : vector<16xi32>
      %and3A_135 = arith.constant 15 : i32
      %and3A_136 = vector.broadcast %and3A_135 : i32 to vector<16xi32>
      %and3A_137 = arith.andi %add3A_134, %and3A_136 : vector<16xi32>
      %broadcast_in_dim3A_138 = vector.shape_cast %and3A_137 : vector<16xi32> to vector<16x1xi32>
      %gather3A_139 = vector.shape_cast %broadcast_in_dim3A_138 : vector<16x1xi32> to vector<16xi32>
      %gather3A_140 = tpu.dynamic_gather %add3A_131[%gather3A_139] in [0] : vector<16xf32>, vector<16xi32> -> vector<16xf32>
      %add3A_141 = arith.addf %add3A_131, %gather3A_140 : vector<16xf32>
      %add3A_142 = arith.constant 2 : i32
      %add3A_143 = vector.broadcast %add3A_142 : i32 to vector<16xi32>
      %add3A_144 = arith.addi %iota3A, %add3A_143 : vector<16xi32>
      %and3A_145 = arith.constant 15 : i32
      %and3A_146 = vector.broadcast %and3A_145 : i32 to vector<16xi32>
      %and3A_147 = arith.andi %add3A_144, %and3A_146 : vector<16xi32>
      %broadcast_in_dim3A_148 = vector.shape_cast %and3A_147 : vector<16xi32> to vector<16x1xi32>
      %gather3A_149 = vector.shape_cast %broadcast_in_dim3A_148 : vector<16x1xi32> to vector<16xi32>
      %gather3A_150 = tpu.dynamic_gather %add3A_141[%gather3A_149] in [0] : vector<16xf32>, vector<16xi32> -> vector<16xf32>
      %add3A_151 = arith.addf %add3A_141, %gather3A_150 : vector<16xf32>
      %add3A_152 = arith.constant 1 : i32
      %add3A_153 = vector.broadcast %add3A_152 : i32 to vector<16xi32>
      %add3A_154 = arith.addi %iota3A, %add3A_153 : vector<16xi32>
      %and3A_155 = arith.constant 15 : i32
      %and3A_156 = vector.broadcast %and3A_155 : i32 to vector<16xi32>
      %and3A_157 = arith.andi %add3A_154, %and3A_156 : vector<16xi32>
      %broadcast_in_dim3A_158 = vector.shape_cast %and3A_157 : vector<16xi32> to vector<16x1xi32>
      %gather3A_159 = vector.shape_cast %broadcast_in_dim3A_158 : vector<16x1xi32> to vector<16xi32>
      %gather3A_160 = tpu.dynamic_gather %add3A_151[%gather3A_159] in [0] : vector<16xf32>, vector<16xi32> -> vector<16xf32>
      %add3A_161 = arith.addf %add3A_151, %gather3A_160 : vector<16xf32>
      %eq3A = arith.constant 0 : i32
      %eq3A_162 = vector.broadcast %eq3A : i32 to vector<16xi32>
      %eq3A_163 = arith.cmpi eq, %iota3A, %eq3A_162 : vector<16xi32>
      %select_n3A = arith.select %eq3A_163, %add3A_161, %broadcast_in_dim3A_123 : vector<16xi1>, vector<16xf32>
      %add3A_164 = arith.constant 8 : i32
      %add3A_165 = vector.broadcast %add3A_164 : i32 to vector<16xi32>
      %add3A_166 = arith.addi %iota3A, %add3A_165 : vector<16xi32>
      %and3A_167 = arith.constant 15 : i32
      %and3A_168 = vector.broadcast %and3A_167 : i32 to vector<16xi32>
      %and3A_169 = arith.andi %add3A_166, %and3A_168 : vector<16xi32>
      %broadcast_in_dim3A_170 = vector.shape_cast %and3A_169 : vector<16xi32> to vector<16x1xi32>
      %gather3A_171 = vector.shape_cast %broadcast_in_dim3A_170 : vector<16x1xi32> to vector<16xi32>
      %gather3A_172 = tpu.dynamic_gather %scan3A_120#1[%gather3A_171] in [0] : vector<16xf32>, vector<16xi32> -> vector<16xf32>
      %add3A_173 = arith.addf %scan3A_120#1, %gather3A_172 : vector<16xf32>
      %add3A_174 = arith.constant 4 : i32
      %add3A_175 = vector.broadcast %add3A_174 : i32 to vector<16xi32>
      %add3A_176 = arith.addi %iota3A, %add3A_175 : vector<16xi32>
      %and3A_177 = arith.constant 15 : i32
      %and3A_178 = vector.broadcast %and3A_177 : i32 to vector<16xi32>
      %and3A_179 = arith.andi %add3A_176, %and3A_178 : vector<16xi32>
      %broadcast_in_dim3A_180 = vector.shape_cast %and3A_179 : vector<16xi32> to vector<16x1xi32>
      %gather3A_181 = vector.shape_cast %broadcast_in_dim3A_180 : vector<16x1xi32> to vector<16xi32>
      %gather3A_182 = tpu.dynamic_gather %add3A_173[%gather3A_181] in [0] : vector<16xf32>, vector<16xi32> -> vector<16xf32>
      %add3A_183 = arith.addf %add3A_173, %gather3A_182 : vector<16xf32>
      %add3A_184 = arith.constant 2 : i32
      %add3A_185 = vector.broadcast %add3A_184 : i32 to vector<16xi32>
      %add3A_186 = arith.addi %iota3A, %add3A_185 : vector<16xi32>
      %and3A_187 = arith.constant 15 : i32
      %and3A_188 = vector.broadcast %and3A_187 : i32 to vector<16xi32>
      %and3A_189 = arith.andi %add3A_186, %and3A_188 : vector<16xi32>
      %broadcast_in_dim3A_190 = vector.shape_cast %and3A_189 : vector<16xi32> to vector<16x1xi32>
      %gather3A_191 = vector.shape_cast %broadcast_in_dim3A_190 : vector<16x1xi32> to vector<16xi32>
      %gather3A_192 = tpu.dynamic_gather %add3A_183[%gather3A_191] in [0] : vector<16xf32>, vector<16xi32> -> vector<16xf32>
      %add3A_193 = arith.addf %add3A_183, %gather3A_192 : vector<16xf32>
      %add3A_194 = arith.constant 1 : i32
      %add3A_195 = vector.broadcast %add3A_194 : i32 to vector<16xi32>
      %add3A_196 = arith.addi %iota3A, %add3A_195 : vector<16xi32>
      %and3A_197 = arith.constant 15 : i32
      %and3A_198 = vector.broadcast %and3A_197 : i32 to vector<16xi32>
      %and3A_199 = arith.andi %add3A_196, %and3A_198 : vector<16xi32>
      %broadcast_in_dim3A_200 = vector.shape_cast %and3A_199 : vector<16xi32> to vector<16x1xi32>
      %gather3A_201 = vector.shape_cast %broadcast_in_dim3A_200 : vector<16x1xi32> to vector<16xi32>
      %gather3A_202 = tpu.dynamic_gather %add3A_193[%gather3A_201] in [0] : vector<16xf32>, vector<16xi32> -> vector<16xf32>
      %add3A_203 = arith.addf %add3A_193, %gather3A_202 : vector<16xf32>
      %eq3A_204 = arith.constant 1 : i32
      %eq3A_205 = vector.broadcast %eq3A_204 : i32 to vector<16xi32>
      %eq3A_206 = arith.cmpi eq, %iota3A, %eq3A_205 : vector<16xi32>
      %select_n3A_207 = arith.select %eq3A_206, %add3A_203, %select_n3A : vector<16xi1>, vector<16xf32>
      %add3A_208 = arith.constant 8 : i32
      %add3A_209 = vector.broadcast %add3A_208 : i32 to vector<16xi32>
      %add3A_210 = arith.addi %iota3A, %add3A_209 : vector<16xi32>
      %and3A_211 = arith.constant 15 : i32
      %and3A_212 = vector.broadcast %and3A_211 : i32 to vector<16xi32>
      %and3A_213 = arith.andi %add3A_210, %and3A_212 : vector<16xi32>
      %broadcast_in_dim3A_214 = vector.shape_cast %and3A_213 : vector<16xi32> to vector<16x1xi32>
      %gather3A_215 = vector.shape_cast %broadcast_in_dim3A_214 : vector<16x1xi32> to vector<16xi32>
      %gather3A_216 = tpu.dynamic_gather %scan3A_120#2[%gather3A_215] in [0] : vector<16xf32>, vector<16xi32> -> vector<16xf32>
      %add3A_217 = arith.addf %scan3A_120#2, %gather3A_216 : vector<16xf32>
      %add3A_218 = arith.constant 4 : i32
      %add3A_219 = vector.broadcast %add3A_218 : i32 to vector<16xi32>
      %add3A_220 = arith.addi %iota3A, %add3A_219 : vector<16xi32>
      %and3A_221 = arith.constant 15 : i32
      %and3A_222 = vector.broadcast %and3A_221 : i32 to vector<16xi32>
      %and3A_223 = arith.andi %add3A_220, %and3A_222 : vector<16xi32>
      %broadcast_in_dim3A_224 = vector.shape_cast %and3A_223 : vector<16xi32> to vector<16x1xi32>
      %gather3A_225 = vector.shape_cast %broadcast_in_dim3A_224 : vector<16x1xi32> to vector<16xi32>
      %gather3A_226 = tpu.dynamic_gather %add3A_217[%gather3A_225] in [0] : vector<16xf32>, vector<16xi32> -> vector<16xf32>
      %add3A_227 = arith.addf %add3A_217, %gather3A_226 : vector<16xf32>
      %add3A_228 = arith.constant 2 : i32
      %add3A_229 = vector.broadcast %add3A_228 : i32 to vector<16xi32>
      %add3A_230 = arith.addi %iota3A, %add3A_229 : vector<16xi32>
      %and3A_231 = arith.constant 15 : i32
      %and3A_232 = vector.broadcast %and3A_231 : i32 to vector<16xi32>
      %and3A_233 = arith.andi %add3A_230, %and3A_232 : vector<16xi32>
      %broadcast_in_dim3A_234 = vector.shape_cast %and3A_233 : vector<16xi32> to vector<16x1xi32>
      %gather3A_235 = vector.shape_cast %broadcast_in_dim3A_234 : vector<16x1xi32> to vector<16xi32>
      %gather3A_236 = tpu.dynamic_gather %add3A_227[%gather3A_235] in [0] : vector<16xf32>, vector<16xi32> -> vector<16xf32>
      %add3A_237 = arith.addf %add3A_227, %gather3A_236 : vector<16xf32>
      %add3A_238 = arith.constant 1 : i32
      %add3A_239 = vector.broadcast %add3A_238 : i32 to vector<16xi32>
      %add3A_240 = arith.addi %iota3A, %add3A_239 : vector<16xi32>
      %and3A_241 = arith.constant 15 : i32
      %and3A_242 = vector.broadcast %and3A_241 : i32 to vector<16xi32>
      %and3A_243 = arith.andi %add3A_240, %and3A_242 : vector<16xi32>
      %broadcast_in_dim3A_244 = vector.shape_cast %and3A_243 : vector<16xi32> to vector<16x1xi32>
      %gather3A_245 = vector.shape_cast %broadcast_in_dim3A_244 : vector<16x1xi32> to vector<16xi32>
      %gather3A_246 = tpu.dynamic_gather %add3A_237[%gather3A_245] in [0] : vector<16xf32>, vector<16xi32> -> vector<16xf32>
      %add3A_247 = arith.addf %add3A_237, %gather3A_246 : vector<16xf32>
      %eq3A_248 = arith.constant 2 : i32
      %eq3A_249 = vector.broadcast %eq3A_248 : i32 to vector<16xi32>
      %eq3A_250 = arith.cmpi eq, %iota3A, %eq3A_249 : vector<16xi32>
      %select_n3A_251 = arith.select %eq3A_250, %add3A_247, %select_n3A_207 : vector<16xi1>, vector<16xf32>
      %add3A_252 = arith.constant 8 : i32
      %add3A_253 = vector.broadcast %add3A_252 : i32 to vector<16xi32>
      %add3A_254 = arith.addi %iota3A, %add3A_253 : vector<16xi32>
      %and3A_255 = arith.constant 15 : i32
      %and3A_256 = vector.broadcast %and3A_255 : i32 to vector<16xi32>
      %and3A_257 = arith.andi %add3A_254, %and3A_256 : vector<16xi32>
      %broadcast_in_dim3A_258 = vector.shape_cast %and3A_257 : vector<16xi32> to vector<16x1xi32>
      %gather3A_259 = vector.shape_cast %broadcast_in_dim3A_258 : vector<16x1xi32> to vector<16xi32>
      %gather3A_260 = tpu.dynamic_gather %scan3A_120#3[%gather3A_259] in [0] : vector<16xf32>, vector<16xi32> -> vector<16xf32>
      %add3A_261 = arith.addf %scan3A_120#3, %gather3A_260 : vector<16xf32>
      %add3A_262 = arith.constant 4 : i32
      %add3A_263 = vector.broadcast %add3A_262 : i32 to vector<16xi32>
      %add3A_264 = arith.addi %iota3A, %add3A_263 : vector<16xi32>
      %and3A_265 = arith.constant 15 : i32
      %and3A_266 = vector.broadcast %and3A_265 : i32 to vector<16xi32>
      %and3A_267 = arith.andi %add3A_264, %and3A_266 : vector<16xi32>
      %broadcast_in_dim3A_268 = vector.shape_cast %and3A_267 : vector<16xi32> to vector<16x1xi32>
      %gather3A_269 = vector.shape_cast %broadcast_in_dim3A_268 : vector<16x1xi32> to vector<16xi32>
      %gather3A_270 = tpu.dynamic_gather %add3A_261[%gather3A_269] in [0] : vector<16xf32>, vector<16xi32> -> vector<16xf32>
      %add3A_271 = arith.addf %add3A_261, %gather3A_270 : vector<16xf32>
      %add3A_272 = arith.constant 2 : i32
      %add3A_273 = vector.broadcast %add3A_272 : i32 to vector<16xi32>
      %add3A_274 = arith.addi %iota3A, %add3A_273 : vector<16xi32>
      %and3A_275 = arith.constant 15 : i32
      %and3A_276 = vector.broadcast %and3A_275 : i32 to vector<16xi32>
      %and3A_277 = arith.andi %add3A_274, %and3A_276 : vector<16xi32>
      %broadcast_in_dim3A_278 = vector.shape_cast %and3A_277 : vector<16xi32> to vector<16x1xi32>
      %gather3A_279 = vector.shape_cast %broadcast_in_dim3A_278 : vector<16x1xi32> to vector<16xi32>
      %gather3A_280 = tpu.dynamic_gather %add3A_271[%gather3A_279] in [0] : vector<16xf32>, vector<16xi32> -> vector<16xf32>
      %add3A_281 = arith.addf %add3A_271, %gather3A_280 : vector<16xf32>
      %add3A_282 = arith.constant 1 : i32
      %add3A_283 = vector.broadcast %add3A_282 : i32 to vector<16xi32>
      %add3A_284 = arith.addi %iota3A, %add3A_283 : vector<16xi32>
      %and3A_285 = arith.constant 15 : i32
      %and3A_286 = vector.broadcast %and3A_285 : i32 to vector<16xi32>
      %and3A_287 = arith.andi %add3A_284, %and3A_286 : vector<16xi32>
      %broadcast_in_dim3A_288 = vector.shape_cast %and3A_287 : vector<16xi32> to vector<16x1xi32>
      %gather3A_289 = vector.shape_cast %broadcast_in_dim3A_288 : vector<16x1xi32> to vector<16xi32>
      %gather3A_290 = tpu.dynamic_gather %add3A_281[%gather3A_289] in [0] : vector<16xf32>, vector<16xi32> -> vector<16xf32>
      %add3A_291 = arith.addf %add3A_281, %gather3A_290 : vector<16xf32>
      %eq3A_292 = arith.constant 3 : i32
      %eq3A_293 = vector.broadcast %eq3A_292 : i32 to vector<16xi32>
      %eq3A_294 = arith.cmpi eq, %iota3A, %eq3A_293 : vector<16xi32>
      %select_n3A_295 = arith.select %eq3A_294, %add3A_291, %select_n3A_251 : vector<16xi1>, vector<16xf32>
      %add3A_296 = arith.constant 8 : i32
      %add3A_297 = vector.broadcast %add3A_296 : i32 to vector<16xi32>
      %add3A_298 = arith.addi %iota3A, %add3A_297 : vector<16xi32>
      %and3A_299 = arith.constant 15 : i32
      %and3A_300 = vector.broadcast %and3A_299 : i32 to vector<16xi32>
      %and3A_301 = arith.andi %add3A_298, %and3A_300 : vector<16xi32>
      %broadcast_in_dim3A_302 = vector.shape_cast %and3A_301 : vector<16xi32> to vector<16x1xi32>
      %gather3A_303 = vector.shape_cast %broadcast_in_dim3A_302 : vector<16x1xi32> to vector<16xi32>
      %gather3A_304 = tpu.dynamic_gather %scan3A_120#4[%gather3A_303] in [0] : vector<16xf32>, vector<16xi32> -> vector<16xf32>
      %add3A_305 = arith.addf %scan3A_120#4, %gather3A_304 : vector<16xf32>
      %add3A_306 = arith.constant 4 : i32
      %add3A_307 = vector.broadcast %add3A_306 : i32 to vector<16xi32>
      %add3A_308 = arith.addi %iota3A, %add3A_307 : vector<16xi32>
      %and3A_309 = arith.constant 15 : i32
      %and3A_310 = vector.broadcast %and3A_309 : i32 to vector<16xi32>
      %and3A_311 = arith.andi %add3A_308, %and3A_310 : vector<16xi32>
      %broadcast_in_dim3A_312 = vector.shape_cast %and3A_311 : vector<16xi32> to vector<16x1xi32>
      %gather3A_313 = vector.shape_cast %broadcast_in_dim3A_312 : vector<16x1xi32> to vector<16xi32>
      %gather3A_314 = tpu.dynamic_gather %add3A_305[%gather3A_313] in [0] : vector<16xf32>, vector<16xi32> -> vector<16xf32>
      %add3A_315 = arith.addf %add3A_305, %gather3A_314 : vector<16xf32>
      %add3A_316 = arith.constant 2 : i32
      %add3A_317 = vector.broadcast %add3A_316 : i32 to vector<16xi32>
      %add3A_318 = arith.addi %iota3A, %add3A_317 : vector<16xi32>
      %and3A_319 = arith.constant 15 : i32
      %and3A_320 = vector.broadcast %and3A_319 : i32 to vector<16xi32>
      %and3A_321 = arith.andi %add3A_318, %and3A_320 : vector<16xi32>
      %broadcast_in_dim3A_322 = vector.shape_cast %and3A_321 : vector<16xi32> to vector<16x1xi32>
      %gather3A_323 = vector.shape_cast %broadcast_in_dim3A_322 : vector<16x1xi32> to vector<16xi32>
      %gather3A_324 = tpu.dynamic_gather %add3A_315[%gather3A_323] in [0] : vector<16xf32>, vector<16xi32> -> vector<16xf32>
      %add3A_325 = arith.addf %add3A_315, %gather3A_324 : vector<16xf32>
      %add3A_326 = arith.constant 1 : i32
      %add3A_327 = vector.broadcast %add3A_326 : i32 to vector<16xi32>
      %add3A_328 = arith.addi %iota3A, %add3A_327 : vector<16xi32>
      %and3A_329 = arith.constant 15 : i32
      %and3A_330 = vector.broadcast %and3A_329 : i32 to vector<16xi32>
      %and3A_331 = arith.andi %add3A_328, %and3A_330 : vector<16xi32>
      %broadcast_in_dim3A_332 = vector.shape_cast %and3A_331 : vector<16xi32> to vector<16x1xi32>
      %gather3A_333 = vector.shape_cast %broadcast_in_dim3A_332 : vector<16x1xi32> to vector<16xi32>
      %gather3A_334 = tpu.dynamic_gather %add3A_325[%gather3A_333] in [0] : vector<16xf32>, vector<16xi32> -> vector<16xf32>
      %add3A_335 = arith.addf %add3A_325, %gather3A_334 : vector<16xf32>
      %eq3A_336 = arith.constant 4 : i32
      %eq3A_337 = vector.broadcast %eq3A_336 : i32 to vector<16xi32>
      %eq3A_338 = arith.cmpi eq, %iota3A, %eq3A_337 : vector<16xi32>
      %select_n3A_339 = arith.select %eq3A_338, %add3A_335, %select_n3A_295 : vector<16xi1>, vector<16xf32>
      %add3A_340 = arith.constant 8 : i32
      %add3A_341 = vector.broadcast %add3A_340 : i32 to vector<16xi32>
      %add3A_342 = arith.addi %iota3A, %add3A_341 : vector<16xi32>
      %and3A_343 = arith.constant 15 : i32
      %and3A_344 = vector.broadcast %and3A_343 : i32 to vector<16xi32>
      %and3A_345 = arith.andi %add3A_342, %and3A_344 : vector<16xi32>
      %broadcast_in_dim3A_346 = vector.shape_cast %and3A_345 : vector<16xi32> to vector<16x1xi32>
      %gather3A_347 = vector.shape_cast %broadcast_in_dim3A_346 : vector<16x1xi32> to vector<16xi32>
      %gather3A_348 = tpu.dynamic_gather %scan3A_120#5[%gather3A_347] in [0] : vector<16xf32>, vector<16xi32> -> vector<16xf32>
      %add3A_349 = arith.addf %scan3A_120#5, %gather3A_348 : vector<16xf32>
      %add3A_350 = arith.constant 4 : i32
      %add3A_351 = vector.broadcast %add3A_350 : i32 to vector<16xi32>
      %add3A_352 = arith.addi %iota3A, %add3A_351 : vector<16xi32>
      %and3A_353 = arith.constant 15 : i32
      %and3A_354 = vector.broadcast %and3A_353 : i32 to vector<16xi32>
      %and3A_355 = arith.andi %add3A_352, %and3A_354 : vector<16xi32>
      %broadcast_in_dim3A_356 = vector.shape_cast %and3A_355 : vector<16xi32> to vector<16x1xi32>
      %gather3A_357 = vector.shape_cast %broadcast_in_dim3A_356 : vector<16x1xi32> to vector<16xi32>
      %gather3A_358 = tpu.dynamic_gather %add3A_349[%gather3A_357] in [0] : vector<16xf32>, vector<16xi32> -> vector<16xf32>
      %add3A_359 = arith.addf %add3A_349, %gather3A_358 : vector<16xf32>
      %add3A_360 = arith.constant 2 : i32
      %add3A_361 = vector.broadcast %add3A_360 : i32 to vector<16xi32>
      %add3A_362 = arith.addi %iota3A, %add3A_361 : vector<16xi32>
      %and3A_363 = arith.constant 15 : i32
      %and3A_364 = vector.broadcast %and3A_363 : i32 to vector<16xi32>
      %and3A_365 = arith.andi %add3A_362, %and3A_364 : vector<16xi32>
      %broadcast_in_dim3A_366 = vector.shape_cast %and3A_365 : vector<16xi32> to vector<16x1xi32>
      %gather3A_367 = vector.shape_cast %broadcast_in_dim3A_366 : vector<16x1xi32> to vector<16xi32>
      %gather3A_368 = tpu.dynamic_gather %add3A_359[%gather3A_367] in [0] : vector<16xf32>, vector<16xi32> -> vector<16xf32>
      %add3A_369 = arith.addf %add3A_359, %gather3A_368 : vector<16xf32>
      %add3A_370 = arith.constant 1 : i32
      %add3A_371 = vector.broadcast %add3A_370 : i32 to vector<16xi32>
      %add3A_372 = arith.addi %iota3A, %add3A_371 : vector<16xi32>
      %and3A_373 = arith.constant 15 : i32
      %and3A_374 = vector.broadcast %and3A_373 : i32 to vector<16xi32>
      %and3A_375 = arith.andi %add3A_372, %and3A_374 : vector<16xi32>
      %broadcast_in_dim3A_376 = vector.shape_cast %and3A_375 : vector<16xi32> to vector<16x1xi32>
      %gather3A_377 = vector.shape_cast %broadcast_in_dim3A_376 : vector<16x1xi32> to vector<16xi32>
      %gather3A_378 = tpu.dynamic_gather %add3A_369[%gather3A_377] in [0] : vector<16xf32>, vector<16xi32> -> vector<16xf32>
      %add3A_379 = arith.addf %add3A_369, %gather3A_378 : vector<16xf32>
      %eq3A_380 = arith.constant 5 : i32
      %eq3A_381 = vector.broadcast %eq3A_380 : i32 to vector<16xi32>
      %eq3A_382 = arith.cmpi eq, %iota3A, %eq3A_381 : vector<16xi32>
      %select_n3A_383 = arith.select %eq3A_382, %add3A_379, %select_n3A_339 : vector<16xi1>, vector<16xf32>
      %add3A_384 = arith.constant 8 : i32
      %add3A_385 = vector.broadcast %add3A_384 : i32 to vector<16xi32>
      %add3A_386 = arith.addi %iota3A, %add3A_385 : vector<16xi32>
      %and3A_387 = arith.constant 15 : i32
      %and3A_388 = vector.broadcast %and3A_387 : i32 to vector<16xi32>
      %and3A_389 = arith.andi %add3A_386, %and3A_388 : vector<16xi32>
      %broadcast_in_dim3A_390 = vector.shape_cast %and3A_389 : vector<16xi32> to vector<16x1xi32>
      %gather3A_391 = vector.shape_cast %broadcast_in_dim3A_390 : vector<16x1xi32> to vector<16xi32>
      %gather3A_392 = tpu.dynamic_gather %scan3A_120#6[%gather3A_391] in [0] : vector<16xf32>, vector<16xi32> -> vector<16xf32>
      %add3A_393 = arith.addf %scan3A_120#6, %gather3A_392 : vector<16xf32>
      %add3A_394 = arith.constant 4 : i32
      %add3A_395 = vector.broadcast %add3A_394 : i32 to vector<16xi32>
      %add3A_396 = arith.addi %iota3A, %add3A_395 : vector<16xi32>
      %and3A_397 = arith.constant 15 : i32
      %and3A_398 = vector.broadcast %and3A_397 : i32 to vector<16xi32>
      %and3A_399 = arith.andi %add3A_396, %and3A_398 : vector<16xi32>
      %broadcast_in_dim3A_400 = vector.shape_cast %and3A_399 : vector<16xi32> to vector<16x1xi32>
      %gather3A_401 = vector.shape_cast %broadcast_in_dim3A_400 : vector<16x1xi32> to vector<16xi32>
      %gather3A_402 = tpu.dynamic_gather %add3A_393[%gather3A_401] in [0] : vector<16xf32>, vector<16xi32> -> vector<16xf32>
      %add3A_403 = arith.addf %add3A_393, %gather3A_402 : vector<16xf32>
      %add3A_404 = arith.constant 2 : i32
      %add3A_405 = vector.broadcast %add3A_404 : i32 to vector<16xi32>
      %add3A_406 = arith.addi %iota3A, %add3A_405 : vector<16xi32>
      %and3A_407 = arith.constant 15 : i32
      %and3A_408 = vector.broadcast %and3A_407 : i32 to vector<16xi32>
      %and3A_409 = arith.andi %add3A_406, %and3A_408 : vector<16xi32>
      %broadcast_in_dim3A_410 = vector.shape_cast %and3A_409 : vector<16xi32> to vector<16x1xi32>
      %gather3A_411 = vector.shape_cast %broadcast_in_dim3A_410 : vector<16x1xi32> to vector<16xi32>
      %gather3A_412 = tpu.dynamic_gather %add3A_403[%gather3A_411] in [0] : vector<16xf32>, vector<16xi32> -> vector<16xf32>
      %add3A_413 = arith.addf %add3A_403, %gather3A_412 : vector<16xf32>
      %add3A_414 = arith.constant 1 : i32
      %add3A_415 = vector.broadcast %add3A_414 : i32 to vector<16xi32>
      %add3A_416 = arith.addi %iota3A, %add3A_415 : vector<16xi32>
      %and3A_417 = arith.constant 15 : i32
      %and3A_418 = vector.broadcast %and3A_417 : i32 to vector<16xi32>
      %and3A_419 = arith.andi %add3A_416, %and3A_418 : vector<16xi32>
      %broadcast_in_dim3A_420 = vector.shape_cast %and3A_419 : vector<16xi32> to vector<16x1xi32>
      %gather3A_421 = vector.shape_cast %broadcast_in_dim3A_420 : vector<16x1xi32> to vector<16xi32>
      %gather3A_422 = tpu.dynamic_gather %add3A_413[%gather3A_421] in [0] : vector<16xf32>, vector<16xi32> -> vector<16xf32>
      %add3A_423 = arith.addf %add3A_413, %gather3A_422 : vector<16xf32>
      %eq3A_424 = arith.constant 6 : i32
      %eq3A_425 = vector.broadcast %eq3A_424 : i32 to vector<16xi32>
      %eq3A_426 = arith.cmpi eq, %iota3A, %eq3A_425 : vector<16xi32>
      %select_n3A_427 = arith.select %eq3A_426, %add3A_423, %select_n3A_383 : vector<16xi1>, vector<16xf32>
      %add3A_428 = arith.constant 8 : i32
      %add3A_429 = vector.broadcast %add3A_428 : i32 to vector<16xi32>
      %add3A_430 = arith.addi %iota3A, %add3A_429 : vector<16xi32>
      %and3A_431 = arith.constant 15 : i32
      %and3A_432 = vector.broadcast %and3A_431 : i32 to vector<16xi32>
      %and3A_433 = arith.andi %add3A_430, %and3A_432 : vector<16xi32>
      %broadcast_in_dim3A_434 = vector.shape_cast %and3A_433 : vector<16xi32> to vector<16x1xi32>
      %gather3A_435 = vector.shape_cast %broadcast_in_dim3A_434 : vector<16x1xi32> to vector<16xi32>
      %gather3A_436 = tpu.dynamic_gather %scan3A_120#7[%gather3A_435] in [0] : vector<16xf32>, vector<16xi32> -> vector<16xf32>
      %add3A_437 = arith.addf %scan3A_120#7, %gather3A_436 : vector<16xf32>
      %add3A_438 = arith.constant 4 : i32
      %add3A_439 = vector.broadcast %add3A_438 : i32 to vector<16xi32>
      %add3A_440 = arith.addi %iota3A, %add3A_439 : vector<16xi32>
      %and3A_441 = arith.constant 15 : i32
      %and3A_442 = vector.broadcast %and3A_441 : i32 to vector<16xi32>
      %and3A_443 = arith.andi %add3A_440, %and3A_442 : vector<16xi32>
      %broadcast_in_dim3A_444 = vector.shape_cast %and3A_443 : vector<16xi32> to vector<16x1xi32>
      %gather3A_445 = vector.shape_cast %broadcast_in_dim3A_444 : vector<16x1xi32> to vector<16xi32>
      %gather3A_446 = tpu.dynamic_gather %add3A_437[%gather3A_445] in [0] : vector<16xf32>, vector<16xi32> -> vector<16xf32>
      %add3A_447 = arith.addf %add3A_437, %gather3A_446 : vector<16xf32>
      %add3A_448 = arith.constant 2 : i32
      %add3A_449 = vector.broadcast %add3A_448 : i32 to vector<16xi32>
      %add3A_450 = arith.addi %iota3A, %add3A_449 : vector<16xi32>
      %and3A_451 = arith.constant 15 : i32
      %and3A_452 = vector.broadcast %and3A_451 : i32 to vector<16xi32>
      %and3A_453 = arith.andi %add3A_450, %and3A_452 : vector<16xi32>
      %broadcast_in_dim3A_454 = vector.shape_cast %and3A_453 : vector<16xi32> to vector<16x1xi32>
      %gather3A_455 = vector.shape_cast %broadcast_in_dim3A_454 : vector<16x1xi32> to vector<16xi32>
      %gather3A_456 = tpu.dynamic_gather %add3A_447[%gather3A_455] in [0] : vector<16xf32>, vector<16xi32> -> vector<16xf32>
      %add3A_457 = arith.addf %add3A_447, %gather3A_456 : vector<16xf32>
      %add3A_458 = arith.constant 1 : i32
      %add3A_459 = vector.broadcast %add3A_458 : i32 to vector<16xi32>
      %add3A_460 = arith.addi %iota3A, %add3A_459 : vector<16xi32>
      %and3A_461 = arith.constant 15 : i32
      %and3A_462 = vector.broadcast %and3A_461 : i32 to vector<16xi32>
      %and3A_463 = arith.andi %add3A_460, %and3A_462 : vector<16xi32>
      %broadcast_in_dim3A_464 = vector.shape_cast %and3A_463 : vector<16xi32> to vector<16x1xi32>
      %gather3A_465 = vector.shape_cast %broadcast_in_dim3A_464 : vector<16x1xi32> to vector<16xi32>
      %gather3A_466 = tpu.dynamic_gather %add3A_457[%gather3A_465] in [0] : vector<16xf32>, vector<16xi32> -> vector<16xf32>
      %add3A_467 = arith.addf %add3A_457, %gather3A_466 : vector<16xf32>
      %eq3A_468 = arith.constant 7 : i32
      %eq3A_469 = vector.broadcast %eq3A_468 : i32 to vector<16xi32>
      %eq3A_470 = arith.cmpi eq, %iota3A, %eq3A_469 : vector<16xi32>
      %select_n3A_471 = arith.select %eq3A_470, %add3A_467, %select_n3A_427 : vector<16xi1>, vector<16xf32>
      %swap3A = arith.index_cast %add3A_87 : i32 to index
      %swap3A_472 = arith.constant 0 : index
      %swap3A_473 = tpu.vector_load %arg11[%swap3A, %swap3A_472] {strides = array<i32>} : memref<625x16xf32, #tpu.memory_space<vmem>>, vector<1x16xf32>,
      %swap3A_474 = vector.shape_cast %swap3A_473 : vector<1x16xf32> to vector<16xf32>
      %swap3A_475 = vector.shape_cast %select_n3A_471 : vector<16xf32> to vector<1x16xf32>
      tpu.vector_store %arg11[%swap3A, %swap3A_472], %swap3A_475 {strides = array<i32>} : memref<625x16xf32, #tpu.memory_space<vmem>>, vector<1x16xf32>,
      %add3A_476 = arith.constant 5 : i32
      %add3A_477 = arith.addi %add3A_87, %add3A_476 : i32
      %lt3A = arith.constant 625 : i32
      %lt3A_478 = arith.cmpi slt, %add3A_477, %lt3A : i32
      %convert_element_type3A = arith.extui %lt3A_478 : i1 to i32
      %cond3A = arith.constant 0 : i32
      %cond3A_479 = arith.cmpi ne, %convert_element_type3A, %cond3A : i32
      scf.if %cond3A_479 {
        %add3A_2109 = arith.constant 5 : i32
        %add3A_2110 = arith.addi %add3A_87, %add3A_2109 : i32
        %dma_start3A_2111 = arith.constant 0 : i32
        %dma_start3A_2112 = tpu.memref_slice %arg8[%add3A_2110, %dma_start3A_2111] : memref<625x8xi32, #tpu.memory_space<vmem>> -> memref<1x8xi32, #tpu.memory_space<vmem>>
        %dma_start3A_2113 = tpu.memref_squeeze %dma_start3A_2112 : memref<1x8xi32, #tpu.memory_space<vmem>> -> memref<8xi32, #tpu.memory_space<vmem>>
        %dma_start3A_2114 = arith.constant 0 : i32
        %dma_start3A_2115 = arith.constant 0 : i32
        %dma_start3A_2116 = tpu.memref_slice %arg2[%dma_start3A_2114, %dma_start3A_2115] : memref<10000x1280xf32, #tpu.memory_space<hbm>> -> memref<10000x1280xf32, #tpu.memory_space<hbm>>
        tpu.enqueue_indirect_dma source(%dma_start3A_2116 : memref<10000x1280xf32, #tpu.memory_space<hbm>>) target(%arg12 : memref<8x1280xf32, #tpu.memory_space<vmem>>) offsets(%dma_start3A_2113 : memref<8xi32, #tpu.memory_space<vmem>>) semaphore(%arg22 : memref<!tpu.dma_semaphore, #tpu.memory_space<semaphore_mem>>)
        %dma_start3A_2117 = arith.constant 0 : i32
        %dma_start3A_2118 = tpu.memref_slice %arg9[%add3A_2110, %dma_start3A_2117] : memref<625x8xi32, #tpu.memory_space<vmem>> -> memref<1x8xi32, #tpu.memory_space<vmem>>
        %dma_start3A_2119 = tpu.memref_squeeze %dma_start3A_2118 : memref<1x8xi32, #tpu.memory_space<vmem>> -> memref<8xi32, #tpu.memory_space<vmem>>
        %dma_start3A_2120 = arith.constant 0 : i32
        %dma_start3A_2121 = arith.constant 0 : i32
        %dma_start3A_2122 = tpu.memref_slice %arg3[%dma_start3A_2120, %dma_start3A_2121] : memref<10000x1280xf32, #tpu.memory_space<hbm>> -> memref<10000x1280xf32, #tpu.memory_space<hbm>>
        tpu.enqueue_indirect_dma source(%dma_start3A_2122 : memref<10000x1280xf32, #tpu.memory_space<hbm>>) target(%arg17 : memref<8x1280xf32, #tpu.memory_space<vmem>>) offsets(%dma_start3A_2119 : memref<8xi32, #tpu.memory_space<vmem>>) semaphore(%arg27 : memref<!tpu.dma_semaphore, #tpu.memory_space<semaphore_mem>>)
      } else {
      }
      %mul3A_480 = arith.constant 5 : i32
      %mul3A_481 = arith.muli %scan3A_82, %mul3A_480 : i32
      %add3A_482 = arith.constant 1 : i32
      %add3A_483 = arith.addi %mul3A_481, %add3A_482 : i32
      %dma_wait3A_484 = arith.constant 0 : i32
      %dma_wait3A_485 = arith.constant 0 : i32
      %dma_wait3A_486 = tpu.memref_slice %arg8[%dma_wait3A_484, %dma_wait3A_485] : memref<625x8xi32, #tpu.memory_space<vmem>> -> memref<1x8xi32, #tpu.memory_space<vmem>>
      %dma_wait3A_487 = tpu.memref_squeeze %dma_wait3A_486 : memref<1x8xi32, #tpu.memory_space<vmem>> -> memref<8xi32, #tpu.memory_space<vmem>>
      %dma_wait3A_488 = arith.constant 0 : i32
      %dma_wait3A_489 = arith.constant 0 : i32
      %dma_wait3A_490 = tpu.memref_slice %arg2[%dma_wait3A_488, %dma_wait3A_489] : memref<10000x1280xf32, #tpu.memory_space<hbm>> -> memref<10000x1280xf32, #tpu.memory_space<hbm>>
      tpu.wait_indirect_dma semaphore(%arg23 : memref<!tpu.dma_semaphore, #tpu.memory_space<semaphore_mem>>) src(%dma_wait3A_490 : memref<10000x1280xf32, #tpu.memory_space<hbm>>) dst(%arg13 : memref<8x1280xf32, #tpu.memory_space<vmem>>)
      %dma_wait3A_491 = arith.constant 0 : i32
      %dma_wait3A_492 = arith.constant 0 : i32
      %dma_wait3A_493 = tpu.memref_slice %arg9[%dma_wait3A_491, %dma_wait3A_492] : memref<625x8xi32, #tpu.memory_space<vmem>> -> memref<1x8xi32, #tpu.memory_space<vmem>>
      %dma_wait3A_494 = tpu.memref_squeeze %dma_wait3A_493 : memref<1x8xi32, #tpu.memory_space<vmem>> -> memref<8xi32, #tpu.memory_space<vmem>>
      %dma_wait3A_495 = arith.constant 0 : i32
      %dma_wait3A_496 = arith.constant 0 : i32
      %dma_wait3A_497 = tpu.memref_slice %arg3[%dma_wait3A_495, %dma_wait3A_496] : memref<10000x1280xf32, #tpu.memory_space<hbm>> -> memref<10000x1280xf32, #tpu.memory_space<hbm>>
      tpu.wait_indirect_dma semaphore(%arg28 : memref<!tpu.dma_semaphore, #tpu.memory_space<semaphore_mem>>) src(%dma_wait3A_497 : memref<10000x1280xf32, #tpu.memory_space<hbm>>) dst(%arg18 : memref<8x1280xf32, #tpu.memory_space<vmem>>)
      %broadcast_in_dim3A_498 = arith.constant 0.000000e+00 : f32
      %broadcast_in_dim3A_499 = vector.broadcast %broadcast_in_dim3A_498 : f32 to vector<16xf32>
      %broadcast_in_dim3A_500 = arith.constant 0.000000e+00 : f32
      %broadcast_in_dim3A_501 = vector.broadcast %broadcast_in_dim3A_500 : f32 to vector<16xf32>
      %broadcast_in_dim3A_502 = arith.constant 0.000000e+00 : f32
      %broadcast_in_dim3A_503 = vector.broadcast %broadcast_in_dim3A_502 : f32 to vector<16xf32>
      %broadcast_in_dim3A_504 = arith.constant 0.000000e+00 : f32
      %broadcast_in_dim3A_505 = vector.broadcast %broadcast_in_dim3A_504 : f32 to vector<16xf32>
      %broadcast_in_dim3A_506 = arith.constant 0.000000e+00 : f32
      %broadcast_in_dim3A_507 = vector.broadcast %broadcast_in_dim3A_506 : f32 to vector<16xf32>
      %broadcast_in_dim3A_508 = arith.constant 0.000000e+00 : f32
      %broadcast_in_dim3A_509 = vector.broadcast %broadcast_in_dim3A_508 : f32 to vector<16xf32>
      %broadcast_in_dim3A_510 = arith.constant 0.000000e+00 : f32
      %broadcast_in_dim3A_511 = vector.broadcast %broadcast_in_dim3A_510 : f32 to vector<16xf32>
      %broadcast_in_dim3A_512 = arith.constant 0.000000e+00 : f32
      %broadcast_in_dim3A_513 = vector.broadcast %broadcast_in_dim3A_512 : f32 to vector<16xf32>
      %scan3A_514 = arith.constant 0 : i32
      %scan3A_515 = arith.constant 80 : i32
      %scan3A_516 = arith.addi %scan3A_514, %scan3A_515 : i32
      %scan3A_517 = arith.constant 1 : i32
      %scan3A_518:8 = scf.for %scan3A_2109 = %scan3A_514 to %scan3A_516 step %scan3A_517 iter_args(%scan3A_2110 = %broadcast_in_dim3A_499, %scan3A_2111 = %broadcast_in_dim3A_501, %scan3A_2112 = %broadcast_in_dim3A_503, %scan3A_2113 = %broadcast_in_dim3A_505, %scan3A_2114 = %broadcast_in_dim3A_507, %scan3A_2115 = %broadcast_in_dim3A_509, %scan3A_2116 = %broadcast_in_dim3A_511, %scan3A_2117 = %broadcast_in_dim3A_513) -> (vector<16xf32>, vector<16xf32>, vector<16xf32>, vector<16xf32>, vector<16xf32>, vector<16xf32>, vector<16xf32>, vector<16xf32>)  : i32 {
        %mul3A_2118 = arith.constant 16 : i32
        %mul3A_2119 = arith.muli %scan3A_2109, %mul3A_2118 : i32
        %get3A = arith.index_cast %mul3A_2119 : i32 to index
        %get3A_2120 = tpu.vector_load %arg10[%get3A] {strides = array<i32>} : memref<1280xf32, #tpu.memory_space<vmem>>, vector<16xf32>,
        %get3A_2121 = vector.shape_cast %get3A_2120 : vector<16xf32> to vector<16xf32>
        %mul3A_2122 = arith.constant 16 : i32
        %mul3A_2123 = arith.muli %scan3A_2109, %mul3A_2122 : i32
        %get3A_2124 = arith.constant 0 : i32
        %get3A_2125 = arith.index_cast %get3A_2124 : i32 to index
        %get3A_2126 = arith.index_cast %mul3A_2123 : i32 to index
        %get3A_2127 = tpu.vector_load %arg13[%get3A_2125, %get3A_2126] {strides = array<i32>} : memref<8x1280xf32, #tpu.memory_space<vmem>>, vector<1x16xf32>,
        %get3A_2128 = vector.shape_cast %get3A_2127 : vector<1x16xf32> to vector<16xf32>
        %mul3A_2129 = arith.constant 16 : i32
        %mul3A_2130 = arith.muli %scan3A_2109, %mul3A_2129 : i32
        %get3A_2131 = arith.constant 0 : i32
        %get3A_2132 = arith.index_cast %get3A_2131 : i32 to index
        %get3A_2133 = arith.index_cast %mul3A_2130 : i32 to index
        %get3A_2134 = tpu.vector_load %arg18[%get3A_2132, %get3A_2133] {strides = array<i32>} : memref<8x1280xf32, #tpu.memory_space<vmem>>, vector<1x16xf32>,
        %get3A_2135 = vector.shape_cast %get3A_2134 : vector<1x16xf32> to vector<16xf32>
        %add3A_2136 = arith.addf %get3A_2128, %get3A_2135 : vector<16xf32>
        %max3A = arith.constant 0.000000e+00 : f32
        %max3A_2137 = vector.broadcast %max3A : f32 to vector<16xf32>
        %max3A_2138 = arith.maximumf %add3A_2136, %max3A_2137 : vector<16xf32>
        %mul3A_2139 = arith.constant 6.553700e+04 : f32
        %mul3A_2140 = vector.broadcast %mul3A_2139 : f32 to vector<16xf32>
        %mul3A_2141 = arith.mulf %max3A_2138, %mul3A_2140 : vector<16xf32>
        %sub3A = arith.subf %mul3A_2141, %max3A_2138 : vector<16xf32>
        %sub3A_2142 = arith.subf %mul3A_2141, %sub3A : vector<16xf32>
        %mul3A_2143 = arith.mulf %get3A_2121, %sub3A_2142 : vector<16xf32>
        %add3A_2144 = arith.addf %scan3A_2110, %mul3A_2143 : vector<16xf32>
        %mul3A_2145 = arith.constant 16 : i32
        %mul3A_2146 = arith.muli %scan3A_2109, %mul3A_2145 : i32
        %get3A_2147 = arith.constant 1 : i32
        %get3A_2148 = arith.index_cast %get3A_2147 : i32 to index
        %get3A_2149 = arith.index_cast %mul3A_2146 : i32 to index
        %get3A_2150 = tpu.vector_load %arg13[%get3A_2148, %get3A_2149] {strides = array<i32>} : memref<8x1280xf32, #tpu.memory_space<vmem>>, vector<1x16xf32>,
        %get3A_2151 = vector.shape_cast %get3A_2150 : vector<1x16xf32> to vector<16xf32>
        %mul3A_2152 = arith.constant 16 : i32
        %mul3A_2153 = arith.muli %scan3A_2109, %mul3A_2152 : i32
        %get3A_2154 = arith.constant 1 : i32
        %get3A_2155 = arith.index_cast %get3A_2154 : i32 to index
        %get3A_2156 = arith.index_cast %mul3A_2153 : i32 to index
        %get3A_2157 = tpu.vector_load %arg18[%get3A_2155, %get3A_2156] {strides = array<i32>} : memref<8x1280xf32, #tpu.memory_space<vmem>>, vector<1x16xf32>,
        %get3A_2158 = vector.shape_cast %get3A_2157 : vector<1x16xf32> to vector<16xf32>
        %add3A_2159 = arith.addf %get3A_2151, %get3A_2158 : vector<16xf32>
        %max3A_2160 = arith.constant 0.000000e+00 : f32
        %max3A_2161 = vector.broadcast %max3A_2160 : f32 to vector<16xf32>
        %max3A_2162 = arith.maximumf %add3A_2159, %max3A_2161 : vector<16xf32>
        %mul3A_2163 = arith.constant 6.553700e+04 : f32
        %mul3A_2164 = vector.broadcast %mul3A_2163 : f32 to vector<16xf32>
        %mul3A_2165 = arith.mulf %max3A_2162, %mul3A_2164 : vector<16xf32>
        %sub3A_2166 = arith.subf %mul3A_2165, %max3A_2162 : vector<16xf32>
        %sub3A_2167 = arith.subf %mul3A_2165, %sub3A_2166 : vector<16xf32>
        %mul3A_2168 = arith.mulf %get3A_2121, %sub3A_2167 : vector<16xf32>
        %add3A_2169 = arith.addf %scan3A_2111, %mul3A_2168 : vector<16xf32>
        %mul3A_2170 = arith.constant 16 : i32
        %mul3A_2171 = arith.muli %scan3A_2109, %mul3A_2170 : i32
        %get3A_2172 = arith.constant 2 : i32
        %get3A_2173 = arith.index_cast %get3A_2172 : i32 to index
        %get3A_2174 = arith.index_cast %mul3A_2171 : i32 to index
        %get3A_2175 = tpu.vector_load %arg13[%get3A_2173, %get3A_2174] {strides = array<i32>} : memref<8x1280xf32, #tpu.memory_space<vmem>>, vector<1x16xf32>,
        %get3A_2176 = vector.shape_cast %get3A_2175 : vector<1x16xf32> to vector<16xf32>
        %mul3A_2177 = arith.constant 16 : i32
        %mul3A_2178 = arith.muli %scan3A_2109, %mul3A_2177 : i32
        %get3A_2179 = arith.constant 2 : i32
        %get3A_2180 = arith.index_cast %get3A_2179 : i32 to index
        %get3A_2181 = arith.index_cast %mul3A_2178 : i32 to index
        %get3A_2182 = tpu.vector_load %arg18[%get3A_2180, %get3A_2181] {strides = array<i32>} : memref<8x1280xf32, #tpu.memory_space<vmem>>, vector<1x16xf32>,
        %get3A_2183 = vector.shape_cast %get3A_2182 : vector<1x16xf32> to vector<16xf32>
        %add3A_2184 = arith.addf %get3A_2176, %get3A_2183 : vector<16xf32>
        %max3A_2185 = arith.constant 0.000000e+00 : f32
        %max3A_2186 = vector.broadcast %max3A_2185 : f32 to vector<16xf32>
        %max3A_2187 = arith.maximumf %add3A_2184, %max3A_2186 : vector<16xf32>
        %mul3A_2188 = arith.constant 6.553700e+04 : f32
        %mul3A_2189 = vector.broadcast %mul3A_2188 : f32 to vector<16xf32>
        %mul3A_2190 = arith.mulf %max3A_2187, %mul3A_2189 : vector<16xf32>
        %sub3A_2191 = arith.subf %mul3A_2190, %max3A_2187 : vector<16xf32>
        %sub3A_2192 = arith.subf %mul3A_2190, %sub3A_2191 : vector<16xf32>
        %mul3A_2193 = arith.mulf %get3A_2121, %sub3A_2192 : vector<16xf32>
        %add3A_2194 = arith.addf %scan3A_2112, %mul3A_2193 : vector<16xf32>
        %mul3A_2195 = arith.constant 16 : i32
        %mul3A_2196 = arith.muli %scan3A_2109, %mul3A_2195 : i32
        %get3A_2197 = arith.constant 3 : i32
        %get3A_2198 = arith.index_cast %get3A_2197 : i32 to index
        %get3A_2199 = arith.index_cast %mul3A_2196 : i32 to index
        %get3A_2200 = tpu.vector_load %arg13[%get3A_2198, %get3A_2199] {strides = array<i32>} : memref<8x1280xf32, #tpu.memory_space<vmem>>, vector<1x16xf32>,
        %get3A_2201 = vector.shape_cast %get3A_2200 : vector<1x16xf32> to vector<16xf32>
        %mul3A_2202 = arith.constant 16 : i32
        %mul3A_2203 = arith.muli %scan3A_2109, %mul3A_2202 : i32
        %get3A_2204 = arith.constant 3 : i32
        %get3A_2205 = arith.index_cast %get3A_2204 : i32 to index
        %get3A_2206 = arith.index_cast %mul3A_2203 : i32 to index
        %get3A_2207 = tpu.vector_load %arg18[%get3A_2205, %get3A_2206] {strides = array<i32>} : memref<8x1280xf32, #tpu.memory_space<vmem>>, vector<1x16xf32>,
        %get3A_2208 = vector.shape_cast %get3A_2207 : vector<1x16xf32> to vector<16xf32>
        %add3A_2209 = arith.addf %get3A_2201, %get3A_2208 : vector<16xf32>
        %max3A_2210 = arith.constant 0.000000e+00 : f32
        %max3A_2211 = vector.broadcast %max3A_2210 : f32 to vector<16xf32>
        %max3A_2212 = arith.maximumf %add3A_2209, %max3A_2211 : vector<16xf32>
        %mul3A_2213 = arith.constant 6.553700e+04 : f32
        %mul3A_2214 = vector.broadcast %mul3A_2213 : f32 to vector<16xf32>
        %mul3A_2215 = arith.mulf %max3A_2212, %mul3A_2214 : vector<16xf32>
        %sub3A_2216 = arith.subf %mul3A_2215, %max3A_2212 : vector<16xf32>
        %sub3A_2217 = arith.subf %mul3A_2215, %sub3A_2216 : vector<16xf32>
        %mul3A_2218 = arith.mulf %get3A_2121, %sub3A_2217 : vector<16xf32>
        %add3A_2219 = arith.addf %scan3A_2113, %mul3A_2218 : vector<16xf32>
        %mul3A_2220 = arith.constant 16 : i32
        %mul3A_2221 = arith.muli %scan3A_2109, %mul3A_2220 : i32
        %get3A_2222 = arith.constant 4 : i32
        %get3A_2223 = arith.index_cast %get3A_2222 : i32 to index
        %get3A_2224 = arith.index_cast %mul3A_2221 : i32 to index
        %get3A_2225 = tpu.vector_load %arg13[%get3A_2223, %get3A_2224] {strides = array<i32>} : memref<8x1280xf32, #tpu.memory_space<vmem>>, vector<1x16xf32>,
        %get3A_2226 = vector.shape_cast %get3A_2225 : vector<1x16xf32> to vector<16xf32>
        %mul3A_2227 = arith.constant 16 : i32
        %mul3A_2228 = arith.muli %scan3A_2109, %mul3A_2227 : i32
        %get3A_2229 = arith.constant 4 : i32
        %get3A_2230 = arith.index_cast %get3A_2229 : i32 to index
        %get3A_2231 = arith.index_cast %mul3A_2228 : i32 to index
        %get3A_2232 = tpu.vector_load %arg18[%get3A_2230, %get3A_2231] {strides = array<i32>} : memref<8x1280xf32, #tpu.memory_space<vmem>>, vector<1x16xf32>,
        %get3A_2233 = vector.shape_cast %get3A_2232 : vector<1x16xf32> to vector<16xf32>
        %add3A_2234 = arith.addf %get3A_2226, %get3A_2233 : vector<16xf32>
        %max3A_2235 = arith.constant 0.000000e+00 : f32
        %max3A_2236 = vector.broadcast %max3A_2235 : f32 to vector<16xf32>
        %max3A_2237 = arith.maximumf %add3A_2234, %max3A_2236 : vector<16xf32>
        %mul3A_2238 = arith.constant 6.553700e+04 : f32
        %mul3A_2239 = vector.broadcast %mul3A_2238 : f32 to vector<16xf32>
        %mul3A_2240 = arith.mulf %max3A_2237, %mul3A_2239 : vector<16xf32>
        %sub3A_2241 = arith.subf %mul3A_2240, %max3A_2237 : vector<16xf32>
        %sub3A_2242 = arith.subf %mul3A_2240, %sub3A_2241 : vector<16xf32>
        %mul3A_2243 = arith.mulf %get3A_2121, %sub3A_2242 : vector<16xf32>
        %add3A_2244 = arith.addf %scan3A_2114, %mul3A_2243 : vector<16xf32>
        %mul3A_2245 = arith.constant 16 : i32
        %mul3A_2246 = arith.muli %scan3A_2109, %mul3A_2245 : i32
        %get3A_2247 = arith.constant 5 : i32
        %get3A_2248 = arith.index_cast %get3A_2247 : i32 to index
        %get3A_2249 = arith.index_cast %mul3A_2246 : i32 to index
        %get3A_2250 = tpu.vector_load %arg13[%get3A_2248, %get3A_2249] {strides = array<i32>} : memref<8x1280xf32, #tpu.memory_space<vmem>>, vector<1x16xf32>,
        %get3A_2251 = vector.shape_cast %get3A_2250 : vector<1x16xf32> to vector<16xf32>
        %mul3A_2252 = arith.constant 16 : i32
        %mul3A_2253 = arith.muli %scan3A_2109, %mul3A_2252 : i32
        %get3A_2254 = arith.constant 5 : i32
        %get3A_2255 = arith.index_cast %get3A_2254 : i32 to index
        %get3A_2256 = arith.index_cast %mul3A_2253 : i32 to index
        %get3A_2257 = tpu.vector_load %arg18[%get3A_2255, %get3A_2256] {strides = array<i32>} : memref<8x1280xf32, #tpu.memory_space<vmem>>, vector<1x16xf32>,
        %get3A_2258 = vector.shape_cast %get3A_2257 : vector<1x16xf32> to vector<16xf32>
        %add3A_2259 = arith.addf %get3A_2251, %get3A_2258 : vector<16xf32>
        %max3A_2260 = arith.constant 0.000000e+00 : f32
        %max3A_2261 = vector.broadcast %max3A_2260 : f32 to vector<16xf32>
        %max3A_2262 = arith.maximumf %add3A_2259, %max3A_2261 : vector<16xf32>
        %mul3A_2263 = arith.constant 6.553700e+04 : f32
        %mul3A_2264 = vector.broadcast %mul3A_2263 : f32 to vector<16xf32>
        %mul3A_2265 = arith.mulf %max3A_2262, %mul3A_2264 : vector<16xf32>
        %sub3A_2266 = arith.subf %mul3A_2265, %max3A_2262 : vector<16xf32>
        %sub3A_2267 = arith.subf %mul3A_2265, %sub3A_2266 : vector<16xf32>
        %mul3A_2268 = arith.mulf %get3A_2121, %sub3A_2267 : vector<16xf32>
        %add3A_2269 = arith.addf %scan3A_2115, %mul3A_2268 : vector<16xf32>
        %mul3A_2270 = arith.constant 16 : i32
        %mul3A_2271 = arith.muli %scan3A_2109, %mul3A_2270 : i32
        %get3A_2272 = arith.constant 6 : i32
        %get3A_2273 = arith.index_cast %get3A_2272 : i32 to index
        %get3A_2274 = arith.index_cast %mul3A_2271 : i32 to index
        %get3A_2275 = tpu.vector_load %arg13[%get3A_2273, %get3A_2274] {strides = array<i32>} : memref<8x1280xf32, #tpu.memory_space<vmem>>, vector<1x16xf32>,
        %get3A_2276 = vector.shape_cast %get3A_2275 : vector<1x16xf32> to vector<16xf32>
        %mul3A_2277 = arith.constant 16 : i32
        %mul3A_2278 = arith.muli %scan3A_2109, %mul3A_2277 : i32
        %get3A_2279 = arith.constant 6 : i32
        %get3A_2280 = arith.index_cast %get3A_2279 : i32 to index
        %get3A_2281 = arith.index_cast %mul3A_2278 : i32 to index
        %get3A_2282 = tpu.vector_load %arg18[%get3A_2280, %get3A_2281] {strides = array<i32>} : memref<8x1280xf32, #tpu.memory_space<vmem>>, vector<1x16xf32>,
        %get3A_2283 = vector.shape_cast %get3A_2282 : vector<1x16xf32> to vector<16xf32>
        %add3A_2284 = arith.addf %get3A_2276, %get3A_2283 : vector<16xf32>
        %max3A_2285 = arith.constant 0.000000e+00 : f32
        %max3A_2286 = vector.broadcast %max3A_2285 : f32 to vector<16xf32>
        %max3A_2287 = arith.maximumf %add3A_2284, %max3A_2286 : vector<16xf32>
        %mul3A_2288 = arith.constant 6.553700e+04 : f32
        %mul3A_2289 = vector.broadcast %mul3A_2288 : f32 to vector<16xf32>
        %mul3A_2290 = arith.mulf %max3A_2287, %mul3A_2289 : vector<16xf32>
        %sub3A_2291 = arith.subf %mul3A_2290, %max3A_2287 : vector<16xf32>
        %sub3A_2292 = arith.subf %mul3A_2290, %sub3A_2291 : vector<16xf32>
        %mul3A_2293 = arith.mulf %get3A_2121, %sub3A_2292 : vector<16xf32>
        %add3A_2294 = arith.addf %scan3A_2116, %mul3A_2293 : vector<16xf32>
        %mul3A_2295 = arith.constant 16 : i32
        %mul3A_2296 = arith.muli %scan3A_2109, %mul3A_2295 : i32
        %get3A_2297 = arith.constant 7 : i32
        %get3A_2298 = arith.index_cast %get3A_2297 : i32 to index
        %get3A_2299 = arith.index_cast %mul3A_2296 : i32 to index
        %get3A_2300 = tpu.vector_load %arg13[%get3A_2298, %get3A_2299] {strides = array<i32>} : memref<8x1280xf32, #tpu.memory_space<vmem>>, vector<1x16xf32>,
        %get3A_2301 = vector.shape_cast %get3A_2300 : vector<1x16xf32> to vector<16xf32>
        %mul3A_2302 = arith.constant 16 : i32
        %mul3A_2303 = arith.muli %scan3A_2109, %mul3A_2302 : i32
        %get3A_2304 = arith.constant 7 : i32
        %get3A_2305 = arith.index_cast %get3A_2304 : i32 to index
        %get3A_2306 = arith.index_cast %mul3A_2303 : i32 to index
        %get3A_2307 = tpu.vector_load %arg18[%get3A_2305, %get3A_2306] {strides = array<i32>} : memref<8x1280xf32, #tpu.memory_space<vmem>>, vector<1x16xf32>,
        %get3A_2308 = vector.shape_cast %get3A_2307 : vector<1x16xf32> to vector<16xf32>
        %add3A_2309 = arith.addf %get3A_2301, %get3A_2308 : vector<16xf32>
        %max3A_2310 = arith.constant 0.000000e+00 : f32
        %max3A_2311 = vector.broadcast %max3A_2310 : f32 to vector<16xf32>
        %max3A_2312 = arith.maximumf %add3A_2309, %max3A_2311 : vector<16xf32>
        %mul3A_2313 = arith.constant 6.553700e+04 : f32
        %mul3A_2314 = vector.broadcast %mul3A_2313 : f32 to vector<16xf32>
        %mul3A_2315 = arith.mulf %max3A_2312, %mul3A_2314 : vector<16xf32>
        %sub3A_2316 = arith.subf %mul3A_2315, %max3A_2312 : vector<16xf32>
        %sub3A_2317 = arith.subf %mul3A_2315, %sub3A_2316 : vector<16xf32>
        %mul3A_2318 = arith.mulf %get3A_2121, %sub3A_2317 : vector<16xf32>
        %add3A_2319 = arith.addf %scan3A_2117, %mul3A_2318 : vector<16xf32>
        scf.yield %add3A_2144, %add3A_2169, %add3A_2194, %add3A_2219, %add3A_2244, %add3A_2269, %add3A_2294, %add3A_2319 : vector<16xf32>, vector<16xf32>, vector<16xf32>, vector<16xf32>, vector<16xf32>, vector<16xf32>, vector<16xf32>, vector<16xf32>
      }
      %scan3A_519 = arith.constant 80 : i32
      %iota3A_520 = tpu.iota {dimensions = array<i32: 0>} : vector<16xi32>
      %broadcast_in_dim3A_521 = arith.constant 0.000000e+00 : f32
      %broadcast_in_dim3A_522 = vector.broadcast %broadcast_in_dim3A_521 : f32 to vector<16xf32>
      %add3A_523 = arith.constant 8 : i32
      %add3A_524 = vector.broadcast %add3A_523 : i32 to vector<16xi32>
      %add3A_525 = arith.addi %iota3A_520, %add3A_524 : vector<16xi32>
      %and3A_526 = arith.constant 15 : i32
      %and3A_527 = vector.broadcast %and3A_526 : i32 to vector<16xi32>
      %and3A_528 = arith.andi %add3A_525, %and3A_527 : vector<16xi32>
      %broadcast_in_dim3A_529 = vector.shape_cast %and3A_528 : vector<16xi32> to vector<16x1xi32>
      %gather3A_530 = vector.shape_cast %broadcast_in_dim3A_529 : vector<16x1xi32> to vector<16xi32>
      %gather3A_531 = tpu.dynamic_gather %scan3A_518#0[%gather3A_530] in [0] : vector<16xf32>, vector<16xi32> -> vector<16xf32>
      %add3A_532 = arith.addf %scan3A_518#0, %gather3A_531 : vector<16xf32>
      %add3A_533 = arith.constant 4 : i32
      %add3A_534 = vector.broadcast %add3A_533 : i32 to vector<16xi32>
      %add3A_535 = arith.addi %iota3A_520, %add3A_534 : vector<16xi32>
      %and3A_536 = arith.constant 15 : i32
      %and3A_537 = vector.broadcast %and3A_536 : i32 to vector<16xi32>
      %and3A_538 = arith.andi %add3A_535, %and3A_537 : vector<16xi32>
      %broadcast_in_dim3A_539 = vector.shape_cast %and3A_538 : vector<16xi32> to vector<16x1xi32>
      %gather3A_540 = vector.shape_cast %broadcast_in_dim3A_539 : vector<16x1xi32> to vector<16xi32>
      %gather3A_541 = tpu.dynamic_gather %add3A_532[%gather3A_540] in [0] : vector<16xf32>, vector<16xi32> -> vector<16xf32>
      %add3A_542 = arith.addf %add3A_532, %gather3A_541 : vector<16xf32>
      %add3A_543 = arith.constant 2 : i32
      %add3A_544 = vector.broadcast %add3A_543 : i32 to vector<16xi32>
      %add3A_545 = arith.addi %iota3A_520, %add3A_544 : vector<16xi32>
      %and3A_546 = arith.constant 15 : i32
      %and3A_547 = vector.broadcast %and3A_546 : i32 to vector<16xi32>
      %and3A_548 = arith.andi %add3A_545, %and3A_547 : vector<16xi32>
      %broadcast_in_dim3A_549 = vector.shape_cast %and3A_548 : vector<16xi32> to vector<16x1xi32>
      %gather3A_550 = vector.shape_cast %broadcast_in_dim3A_549 : vector<16x1xi32> to vector<16xi32>
      %gather3A_551 = tpu.dynamic_gather %add3A_542[%gather3A_550] in [0] : vector<16xf32>, vector<16xi32> -> vector<16xf32>
      %add3A_552 = arith.addf %add3A_542, %gather3A_551 : vector<16xf32>
      %add3A_553 = arith.constant 1 : i32
      %add3A_554 = vector.broadcast %add3A_553 : i32 to vector<16xi32>
      %add3A_555 = arith.addi %iota3A_520, %add3A_554 : vector<16xi32>
      %and3A_556 = arith.constant 15 : i32
      %and3A_557 = vector.broadcast %and3A_556 : i32 to vector<16xi32>
      %and3A_558 = arith.andi %add3A_555, %and3A_557 : vector<16xi32>
      %broadcast_in_dim3A_559 = vector.shape_cast %and3A_558 : vector<16xi32> to vector<16x1xi32>
      %gather3A_560 = vector.shape_cast %broadcast_in_dim3A_559 : vector<16x1xi32> to vector<16xi32>
      %gather3A_561 = tpu.dynamic_gather %add3A_552[%gather3A_560] in [0] : vector<16xf32>, vector<16xi32> -> vector<16xf32>
      %add3A_562 = arith.addf %add3A_552, %gather3A_561 : vector<16xf32>
      %eq3A_563 = arith.constant 0 : i32
      %eq3A_564 = vector.broadcast %eq3A_563 : i32 to vector<16xi32>
      %eq3A_565 = arith.cmpi eq, %iota3A_520, %eq3A_564 : vector<16xi32>
      %select_n3A_566 = arith.select %eq3A_565, %add3A_562, %broadcast_in_dim3A_522 : vector<16xi1>, vector<16xf32>
      %add3A_567 = arith.constant 8 : i32
      %add3A_568 = vector.broadcast %add3A_567 : i32 to vector<16xi32>
      %add3A_569 = arith.addi %iota3A_520, %add3A_568 : vector<16xi32>
      %and3A_570 = arith.constant 15 : i32
      %and3A_571 = vector.broadcast %and3A_570 : i32 to vector<16xi32>
      %and3A_572 = arith.andi %add3A_569, %and3A_571 : vector<16xi32>
      %broadcast_in_dim3A_573 = vector.shape_cast %and3A_572 : vector<16xi32> to vector<16x1xi32>
      %gather3A_574 = vector.shape_cast %broadcast_in_dim3A_573 : vector<16x1xi32> to vector<16xi32>
      %gather3A_575 = tpu.dynamic_gather %scan3A_518#1[%gather3A_574] in [0] : vector<16xf32>, vector<16xi32> -> vector<16xf32>
      %add3A_576 = arith.addf %scan3A_518#1, %gather3A_575 : vector<16xf32>
      %add3A_577 = arith.constant 4 : i32
      %add3A_578 = vector.broadcast %add3A_577 : i32 to vector<16xi32>
      %add3A_579 = arith.addi %iota3A_520, %add3A_578 : vector<16xi32>
      %and3A_580 = arith.constant 15 : i32
      %and3A_581 = vector.broadcast %and3A_580 : i32 to vector<16xi32>
      %and3A_582 = arith.andi %add3A_579, %and3A_581 : vector<16xi32>
      %broadcast_in_dim3A_583 = vector.shape_cast %and3A_582 : vector<16xi32> to vector<16x1xi32>
      %gather3A_584 = vector.shape_cast %broadcast_in_dim3A_583 : vector<16x1xi32> to vector<16xi32>
      %gather3A_585 = tpu.dynamic_gather %add3A_576[%gather3A_584] in [0] : vector<16xf32>, vector<16xi32> -> vector<16xf32>
      %add3A_586 = arith.addf %add3A_576, %gather3A_585 : vector<16xf32>
      %add3A_587 = arith.constant 2 : i32
      %add3A_588 = vector.broadcast %add3A_587 : i32 to vector<16xi32>
      %add3A_589 = arith.addi %iota3A_520, %add3A_588 : vector<16xi32>
      %and3A_590 = arith.constant 15 : i32
      %and3A_591 = vector.broadcast %and3A_590 : i32 to vector<16xi32>
      %and3A_592 = arith.andi %add3A_589, %and3A_591 : vector<16xi32>
      %broadcast_in_dim3A_593 = vector.shape_cast %and3A_592 : vector<16xi32> to vector<16x1xi32>
      %gather3A_594 = vector.shape_cast %broadcast_in_dim3A_593 : vector<16x1xi32> to vector<16xi32>
      %gather3A_595 = tpu.dynamic_gather %add3A_586[%gather3A_594] in [0] : vector<16xf32>, vector<16xi32> -> vector<16xf32>
      %add3A_596 = arith.addf %add3A_586, %gather3A_595 : vector<16xf32>
      %add3A_597 = arith.constant 1 : i32
      %add3A_598 = vector.broadcast %add3A_597 : i32 to vector<16xi32>
      %add3A_599 = arith.addi %iota3A_520, %add3A_598 : vector<16xi32>
      %and3A_600 = arith.constant 15 : i32
      %and3A_601 = vector.broadcast %and3A_600 : i32 to vector<16xi32>
      %and3A_602 = arith.andi %add3A_599, %and3A_601 : vector<16xi32>
      %broadcast_in_dim3A_603 = vector.shape_cast %and3A_602 : vector<16xi32> to vector<16x1xi32>
      %gather3A_604 = vector.shape_cast %broadcast_in_dim3A_603 : vector<16x1xi32> to vector<16xi32>
      %gather3A_605 = tpu.dynamic_gather %add3A_596[%gather3A_604] in [0] : vector<16xf32>, vector<16xi32> -> vector<16xf32>
      %add3A_606 = arith.addf %add3A_596, %gather3A_605 : vector<16xf32>
      %eq3A_607 = arith.constant 1 : i32
      %eq3A_608 = vector.broadcast %eq3A_607 : i32 to vector<16xi32>
      %eq3A_609 = arith.cmpi eq, %iota3A_520, %eq3A_608 : vector<16xi32>
      %select_n3A_610 = arith.select %eq3A_609, %add3A_606, %select_n3A_566 : vector<16xi1>, vector<16xf32>
      %add3A_611 = arith.constant 8 : i32
      %add3A_612 = vector.broadcast %add3A_611 : i32 to vector<16xi32>
      %add3A_613 = arith.addi %iota3A_520, %add3A_612 : vector<16xi32>
      %and3A_614 = arith.constant 15 : i32
      %and3A_615 = vector.broadcast %and3A_614 : i32 to vector<16xi32>
      %and3A_616 = arith.andi %add3A_613, %and3A_615 : vector<16xi32>
      %broadcast_in_dim3A_617 = vector.shape_cast %and3A_616 : vector<16xi32> to vector<16x1xi32>
      %gather3A_618 = vector.shape_cast %broadcast_in_dim3A_617 : vector<16x1xi32> to vector<16xi32>
      %gather3A_619 = tpu.dynamic_gather %scan3A_518#2[%gather3A_618] in [0] : vector<16xf32>, vector<16xi32> -> vector<16xf32>
      %add3A_620 = arith.addf %scan3A_518#2, %gather3A_619 : vector<16xf32>
      %add3A_621 = arith.constant 4 : i32
      %add3A_622 = vector.broadcast %add3A_621 : i32 to vector<16xi32>
      %add3A_623 = arith.addi %iota3A_520, %add3A_622 : vector<16xi32>
      %and3A_624 = arith.constant 15 : i32
      %and3A_625 = vector.broadcast %and3A_624 : i32 to vector<16xi32>
      %and3A_626 = arith.andi %add3A_623, %and3A_625 : vector<16xi32>
      %broadcast_in_dim3A_627 = vector.shape_cast %and3A_626 : vector<16xi32> to vector<16x1xi32>
      %gather3A_628 = vector.shape_cast %broadcast_in_dim3A_627 : vector<16x1xi32> to vector<16xi32>
      %gather3A_629 = tpu.dynamic_gather %add3A_620[%gather3A_628] in [0] : vector<16xf32>, vector<16xi32> -> vector<16xf32>
      %add3A_630 = arith.addf %add3A_620, %gather3A_629 : vector<16xf32>
      %add3A_631 = arith.constant 2 : i32
      %add3A_632 = vector.broadcast %add3A_631 : i32 to vector<16xi32>
      %add3A_633 = arith.addi %iota3A_520, %add3A_632 : vector<16xi32>
      %and3A_634 = arith.constant 15 : i32
      %and3A_635 = vector.broadcast %and3A_634 : i32 to vector<16xi32>
      %and3A_636 = arith.andi %add3A_633, %and3A_635 : vector<16xi32>
      %broadcast_in_dim3A_637 = vector.shape_cast %and3A_636 : vector<16xi32> to vector<16x1xi32>
      %gather3A_638 = vector.shape_cast %broadcast_in_dim3A_637 : vector<16x1xi32> to vector<16xi32>
      %gather3A_639 = tpu.dynamic_gather %add3A_630[%gather3A_638] in [0] : vector<16xf32>, vector<16xi32> -> vector<16xf32>
      %add3A_640 = arith.addf %add3A_630, %gather3A_639 : vector<16xf32>
      %add3A_641 = arith.constant 1 : i32
      %add3A_642 = vector.broadcast %add3A_641 : i32 to vector<16xi32>
      %add3A_643 = arith.addi %iota3A_520, %add3A_642 : vector<16xi32>
      %and3A_644 = arith.constant 15 : i32
      %and3A_645 = vector.broadcast %and3A_644 : i32 to vector<16xi32>
      %and3A_646 = arith.andi %add3A_643, %and3A_645 : vector<16xi32>
      %broadcast_in_dim3A_647 = vector.shape_cast %and3A_646 : vector<16xi32> to vector<16x1xi32>
      %gather3A_648 = vector.shape_cast %broadcast_in_dim3A_647 : vector<16x1xi32> to vector<16xi32>
      %gather3A_649 = tpu.dynamic_gather %add3A_640[%gather3A_648] in [0] : vector<16xf32>, vector<16xi32> -> vector<16xf32>
      %add3A_650 = arith.addf %add3A_640, %gather3A_649 : vector<16xf32>
      %eq3A_651 = arith.constant 2 : i32
      %eq3A_652 = vector.broadcast %eq3A_651 : i32 to vector<16xi32>
      %eq3A_653 = arith.cmpi eq, %iota3A_520, %eq3A_652 : vector<16xi32>
      %select_n3A_654 = arith.select %eq3A_653, %add3A_650, %select_n3A_610 : vector<16xi1>, vector<16xf32>
      %add3A_655 = arith.constant 8 : i32
      %add3A_656 = vector.broadcast %add3A_655 : i32 to vector<16xi32>
      %add3A_657 = arith.addi %iota3A_520, %add3A_656 : vector<16xi32>
      %and3A_658 = arith.constant 15 : i32
      %and3A_659 = vector.broadcast %and3A_658 : i32 to vector<16xi32>
      %and3A_660 = arith.andi %add3A_657, %and3A_659 : vector<16xi32>
      %broadcast_in_dim3A_661 = vector.shape_cast %and3A_660 : vector<16xi32> to vector<16x1xi32>
      %gather3A_662 = vector.shape_cast %broadcast_in_dim3A_661 : vector<16x1xi32> to vector<16xi32>
      %gather3A_663 = tpu.dynamic_gather %scan3A_518#3[%gather3A_662] in [0] : vector<16xf32>, vector<16xi32> -> vector<16xf32>
      %add3A_664 = arith.addf %scan3A_518#3, %gather3A_663 : vector<16xf32>
      %add3A_665 = arith.constant 4 : i32
      %add3A_666 = vector.broadcast %add3A_665 : i32 to vector<16xi32>
      %add3A_667 = arith.addi %iota3A_520, %add3A_666 : vector<16xi32>
      %and3A_668 = arith.constant 15 : i32
      %and3A_669 = vector.broadcast %and3A_668 : i32 to vector<16xi32>
      %and3A_670 = arith.andi %add3A_667, %and3A_669 : vector<16xi32>
      %broadcast_in_dim3A_671 = vector.shape_cast %and3A_670 : vector<16xi32> to vector<16x1xi32>
      %gather3A_672 = vector.shape_cast %broadcast_in_dim3A_671 : vector<16x1xi32> to vector<16xi32>
      %gather3A_673 = tpu.dynamic_gather %add3A_664[%gather3A_672] in [0] : vector<16xf32>, vector<16xi32> -> vector<16xf32>
      %add3A_674 = arith.addf %add3A_664, %gather3A_673 : vector<16xf32>
      %add3A_675 = arith.constant 2 : i32
      %add3A_676 = vector.broadcast %add3A_675 : i32 to vector<16xi32>
      %add3A_677 = arith.addi %iota3A_520, %add3A_676 : vector<16xi32>
      %and3A_678 = arith.constant 15 : i32
      %and3A_679 = vector.broadcast %and3A_678 : i32 to vector<16xi32>
      %and3A_680 = arith.andi %add3A_677, %and3A_679 : vector<16xi32>
      %broadcast_in_dim3A_681 = vector.shape_cast %and3A_680 : vector<16xi32> to vector<16x1xi32>
      %gather3A_682 = vector.shape_cast %broadcast_in_dim3A_681 : vector<16x1xi32> to vector<16xi32>
      %gather3A_683 = tpu.dynamic_gather %add3A_674[%gather3A_682] in [0] : vector<16xf32>, vector<16xi32> -> vector<16xf32>
      %add3A_684 = arith.addf %add3A_674, %gather3A_683 : vector<16xf32>
      %add3A_685 = arith.constant 1 : i32
      %add3A_686 = vector.broadcast %add3A_685 : i32 to vector<16xi32>
      %add3A_687 = arith.addi %iota3A_520, %add3A_686 : vector<16xi32>
      %and3A_688 = arith.constant 15 : i32
      %and3A_689 = vector.broadcast %and3A_688 : i32 to vector<16xi32>
      %and3A_690 = arith.andi %add3A_687, %and3A_689 : vector<16xi32>
      %broadcast_in_dim3A_691 = vector.shape_cast %and3A_690 : vector<16xi32> to vector<16x1xi32>
      %gather3A_692 = vector.shape_cast %broadcast_in_dim3A_691 : vector<16x1xi32> to vector<16xi32>
      %gather3A_693 = tpu.dynamic_gather %add3A_684[%gather3A_692] in [0] : vector<16xf32>, vector<16xi32> -> vector<16xf32>
      %add3A_694 = arith.addf %add3A_684, %gather3A_693 : vector<16xf32>
      %eq3A_695 = arith.constant 3 : i32
      %eq3A_696 = vector.broadcast %eq3A_695 : i32 to vector<16xi32>
      %eq3A_697 = arith.cmpi eq, %iota3A_520, %eq3A_696 : vector<16xi32>
      %select_n3A_698 = arith.select %eq3A_697, %add3A_694, %select_n3A_654 : vector<16xi1>, vector<16xf32>
      %add3A_699 = arith.constant 8 : i32
      %add3A_700 = vector.broadcast %add3A_699 : i32 to vector<16xi32>
      %add3A_701 = arith.addi %iota3A_520, %add3A_700 : vector<16xi32>
      %and3A_702 = arith.constant 15 : i32
      %and3A_703 = vector.broadcast %and3A_702 : i32 to vector<16xi32>
      %and3A_704 = arith.andi %add3A_701, %and3A_703 : vector<16xi32>
      %broadcast_in_dim3A_705 = vector.shape_cast %and3A_704 : vector<16xi32> to vector<16x1xi32>
      %gather3A_706 = vector.shape_cast %broadcast_in_dim3A_705 : vector<16x1xi32> to vector<16xi32>
      %gather3A_707 = tpu.dynamic_gather %scan3A_518#4[%gather3A_706] in [0] : vector<16xf32>, vector<16xi32> -> vector<16xf32>
      %add3A_708 = arith.addf %scan3A_518#4, %gather3A_707 : vector<16xf32>
      %add3A_709 = arith.constant 4 : i32
      %add3A_710 = vector.broadcast %add3A_709 : i32 to vector<16xi32>
      %add3A_711 = arith.addi %iota3A_520, %add3A_710 : vector<16xi32>
      %and3A_712 = arith.constant 15 : i32
      %and3A_713 = vector.broadcast %and3A_712 : i32 to vector<16xi32>
      %and3A_714 = arith.andi %add3A_711, %and3A_713 : vector<16xi32>
      %broadcast_in_dim3A_715 = vector.shape_cast %and3A_714 : vector<16xi32> to vector<16x1xi32>
      %gather3A_716 = vector.shape_cast %broadcast_in_dim3A_715 : vector<16x1xi32> to vector<16xi32>
      %gather3A_717 = tpu.dynamic_gather %add3A_708[%gather3A_716] in [0] : vector<16xf32>, vector<16xi32> -> vector<16xf32>
      %add3A_718 = arith.addf %add3A_708, %gather3A_717 : vector<16xf32>
      %add3A_719 = arith.constant 2 : i32
      %add3A_720 = vector.broadcast %add3A_719 : i32 to vector<16xi32>
      %add3A_721 = arith.addi %iota3A_520, %add3A_720 : vector<16xi32>
      %and3A_722 = arith.constant 15 : i32
      %and3A_723 = vector.broadcast %and3A_722 : i32 to vector<16xi32>
      %and3A_724 = arith.andi %add3A_721, %and3A_723 : vector<16xi32>
      %broadcast_in_dim3A_725 = vector.shape_cast %and3A_724 : vector<16xi32> to vector<16x1xi32>
      %gather3A_726 = vector.shape_cast %broadcast_in_dim3A_725 : vector<16x1xi32> to vector<16xi32>
      %gather3A_727 = tpu.dynamic_gather %add3A_718[%gather3A_726] in [0] : vector<16xf32>, vector<16xi32> -> vector<16xf32>
      %add3A_728 = arith.addf %add3A_718, %gather3A_727 : vector<16xf32>
      %add3A_729 = arith.constant 1 : i32
      %add3A_730 = vector.broadcast %add3A_729 : i32 to vector<16xi32>
      %add3A_731 = arith.addi %iota3A_520, %add3A_730 : vector<16xi32>
      %and3A_732 = arith.constant 15 : i32
      %and3A_733 = vector.broadcast %and3A_732 : i32 to vector<16xi32>
      %and3A_734 = arith.andi %add3A_731, %and3A_733 : vector<16xi32>
      %broadcast_in_dim3A_735 = vector.shape_cast %and3A_734 : vector<16xi32> to vector<16x1xi32>
      %gather3A_736 = vector.shape_cast %broadcast_in_dim3A_735 : vector<16x1xi32> to vector<16xi32>
      %gather3A_737 = tpu.dynamic_gather %add3A_728[%gather3A_736] in [0] : vector<16xf32>, vector<16xi32> -> vector<16xf32>
      %add3A_738 = arith.addf %add3A_728, %gather3A_737 : vector<16xf32>
      %eq3A_739 = arith.constant 4 : i32
      %eq3A_740 = vector.broadcast %eq3A_739 : i32 to vector<16xi32>
      %eq3A_741 = arith.cmpi eq, %iota3A_520, %eq3A_740 : vector<16xi32>
      %select_n3A_742 = arith.select %eq3A_741, %add3A_738, %select_n3A_698 : vector<16xi1>, vector<16xf32>
      %add3A_743 = arith.constant 8 : i32
      %add3A_744 = vector.broadcast %add3A_743 : i32 to vector<16xi32>
      %add3A_745 = arith.addi %iota3A_520, %add3A_744 : vector<16xi32>
      %and3A_746 = arith.constant 15 : i32
      %and3A_747 = vector.broadcast %and3A_746 : i32 to vector<16xi32>
      %and3A_748 = arith.andi %add3A_745, %and3A_747 : vector<16xi32>
      %broadcast_in_dim3A_749 = vector.shape_cast %and3A_748 : vector<16xi32> to vector<16x1xi32>
      %gather3A_750 = vector.shape_cast %broadcast_in_dim3A_749 : vector<16x1xi32> to vector<16xi32>
      %gather3A_751 = tpu.dynamic_gather %scan3A_518#5[%gather3A_750] in [0] : vector<16xf32>, vector<16xi32> -> vector<16xf32>
      %add3A_752 = arith.addf %scan3A_518#5, %gather3A_751 : vector<16xf32>
      %add3A_753 = arith.constant 4 : i32
      %add3A_754 = vector.broadcast %add3A_753 : i32 to vector<16xi32>
      %add3A_755 = arith.addi %iota3A_520, %add3A_754 : vector<16xi32>
      %and3A_756 = arith.constant 15 : i32
      %and3A_757 = vector.broadcast %and3A_756 : i32 to vector<16xi32>
      %and3A_758 = arith.andi %add3A_755, %and3A_757 : vector<16xi32>
      %broadcast_in_dim3A_759 = vector.shape_cast %and3A_758 : vector<16xi32> to vector<16x1xi32>
      %gather3A_760 = vector.shape_cast %broadcast_in_dim3A_759 : vector<16x1xi32> to vector<16xi32>
      %gather3A_761 = tpu.dynamic_gather %add3A_752[%gather3A_760] in [0] : vector<16xf32>, vector<16xi32> -> vector<16xf32>
      %add3A_762 = arith.addf %add3A_752, %gather3A_761 : vector<16xf32>
      %add3A_763 = arith.constant 2 : i32
      %add3A_764 = vector.broadcast %add3A_763 : i32 to vector<16xi32>
      %add3A_765 = arith.addi %iota3A_520, %add3A_764 : vector<16xi32>
      %and3A_766 = arith.constant 15 : i32
      %and3A_767 = vector.broadcast %and3A_766 : i32 to vector<16xi32>
      %and3A_768 = arith.andi %add3A_765, %and3A_767 : vector<16xi32>
      %broadcast_in_dim3A_769 = vector.shape_cast %and3A_768 : vector<16xi32> to vector<16x1xi32>
      %gather3A_770 = vector.shape_cast %broadcast_in_dim3A_769 : vector<16x1xi32> to vector<16xi32>
      %gather3A_771 = tpu.dynamic_gather %add3A_762[%gather3A_770] in [0] : vector<16xf32>, vector<16xi32> -> vector<16xf32>
      %add3A_772 = arith.addf %add3A_762, %gather3A_771 : vector<16xf32>
      %add3A_773 = arith.constant 1 : i32
      %add3A_774 = vector.broadcast %add3A_773 : i32 to vector<16xi32>
      %add3A_775 = arith.addi %iota3A_520, %add3A_774 : vector<16xi32>
      %and3A_776 = arith.constant 15 : i32
      %and3A_777 = vector.broadcast %and3A_776 : i32 to vector<16xi32>
      %and3A_778 = arith.andi %add3A_775, %and3A_777 : vector<16xi32>
      %broadcast_in_dim3A_779 = vector.shape_cast %and3A_778 : vector<16xi32> to vector<16x1xi32>
      %gather3A_780 = vector.shape_cast %broadcast_in_dim3A_779 : vector<16x1xi32> to vector<16xi32>
      %gather3A_781 = tpu.dynamic_gather %add3A_772[%gather3A_780] in [0] : vector<16xf32>, vector<16xi32> -> vector<16xf32>
      %add3A_782 = arith.addf %add3A_772, %gather3A_781 : vector<16xf32>
      %eq3A_783 = arith.constant 5 : i32
      %eq3A_784 = vector.broadcast %eq3A_783 : i32 to vector<16xi32>
      %eq3A_785 = arith.cmpi eq, %iota3A_520, %eq3A_784 : vector<16xi32>
      %select_n3A_786 = arith.select %eq3A_785, %add3A_782, %select_n3A_742 : vector<16xi1>, vector<16xf32>
      %add3A_787 = arith.constant 8 : i32
      %add3A_788 = vector.broadcast %add3A_787 : i32 to vector<16xi32>
      %add3A_789 = arith.addi %iota3A_520, %add3A_788 : vector<16xi32>
      %and3A_790 = arith.constant 15 : i32
      %and3A_791 = vector.broadcast %and3A_790 : i32 to vector<16xi32>
      %and3A_792 = arith.andi %add3A_789, %and3A_791 : vector<16xi32>
      %broadcast_in_dim3A_793 = vector.shape_cast %and3A_792 : vector<16xi32> to vector<16x1xi32>
      %gather3A_794 = vector.shape_cast %broadcast_in_dim3A_793 : vector<16x1xi32> to vector<16xi32>
      %gather3A_795 = tpu.dynamic_gather %scan3A_518#6[%gather3A_794] in [0] : vector<16xf32>, vector<16xi32> -> vector<16xf32>
      %add3A_796 = arith.addf %scan3A_518#6, %gather3A_795 : vector<16xf32>
      %add3A_797 = arith.constant 4 : i32
      %add3A_798 = vector.broadcast %add3A_797 : i32 to vector<16xi32>
      %add3A_799 = arith.addi %iota3A_520, %add3A_798 : vector<16xi32>
      %and3A_800 = arith.constant 15 : i32
      %and3A_801 = vector.broadcast %and3A_800 : i32 to vector<16xi32>
      %and3A_802 = arith.andi %add3A_799, %and3A_801 : vector<16xi32>
      %broadcast_in_dim3A_803 = vector.shape_cast %and3A_802 : vector<16xi32> to vector<16x1xi32>
      %gather3A_804 = vector.shape_cast %broadcast_in_dim3A_803 : vector<16x1xi32> to vector<16xi32>
      %gather3A_805 = tpu.dynamic_gather %add3A_796[%gather3A_804] in [0] : vector<16xf32>, vector<16xi32> -> vector<16xf32>
      %add3A_806 = arith.addf %add3A_796, %gather3A_805 : vector<16xf32>
      %add3A_807 = arith.constant 2 : i32
      %add3A_808 = vector.broadcast %add3A_807 : i32 to vector<16xi32>
      %add3A_809 = arith.addi %iota3A_520, %add3A_808 : vector<16xi32>
      %and3A_810 = arith.constant 15 : i32
      %and3A_811 = vector.broadcast %and3A_810 : i32 to vector<16xi32>
      %and3A_812 = arith.andi %add3A_809, %and3A_811 : vector<16xi32>
      %broadcast_in_dim3A_813 = vector.shape_cast %and3A_812 : vector<16xi32> to vector<16x1xi32>
      %gather3A_814 = vector.shape_cast %broadcast_in_dim3A_813 : vector<16x1xi32> to vector<16xi32>
      %gather3A_815 = tpu.dynamic_gather %add3A_806[%gather3A_814] in [0] : vector<16xf32>, vector<16xi32> -> vector<16xf32>
      %add3A_816 = arith.addf %add3A_806, %gather3A_815 : vector<16xf32>
      %add3A_817 = arith.constant 1 : i32
      %add3A_818 = vector.broadcast %add3A_817 : i32 to vector<16xi32>
      %add3A_819 = arith.addi %iota3A_520, %add3A_818 : vector<16xi32>
      %and3A_820 = arith.constant 15 : i32
      %and3A_821 = vector.broadcast %and3A_820 : i32 to vector<16xi32>
      %and3A_822 = arith.andi %add3A_819, %and3A_821 : vector<16xi32>
      %broadcast_in_dim3A_823 = vector.shape_cast %and3A_822 : vector<16xi32> to vector<16x1xi32>
      %gather3A_824 = vector.shape_cast %broadcast_in_dim3A_823 : vector<16x1xi32> to vector<16xi32>
      %gather3A_825 = tpu.dynamic_gather %add3A_816[%gather3A_824] in [0] : vector<16xf32>, vector<16xi32> -> vector<16xf32>
      %add3A_826 = arith.addf %add3A_816, %gather3A_825 : vector<16xf32>
      %eq3A_827 = arith.constant 6 : i32
      %eq3A_828 = vector.broadcast %eq3A_827 : i32 to vector<16xi32>
      %eq3A_829 = arith.cmpi eq, %iota3A_520, %eq3A_828 : vector<16xi32>
      %select_n3A_830 = arith.select %eq3A_829, %add3A_826, %select_n3A_786 : vector<16xi1>, vector<16xf32>
      %add3A_831 = arith.constant 8 : i32
      %add3A_832 = vector.broadcast %add3A_831 : i32 to vector<16xi32>
      %add3A_833 = arith.addi %iota3A_520, %add3A_832 : vector<16xi32>
      %and3A_834 = arith.constant 15 : i32
      %and3A_835 = vector.broadcast %and3A_834 : i32 to vector<16xi32>
      %and3A_836 = arith.andi %add3A_833, %and3A_835 : vector<16xi32>
      %broadcast_in_dim3A_837 = vector.shape_cast %and3A_836 : vector<16xi32> to vector<16x1xi32>
      %gather3A_838 = vector.shape_cast %broadcast_in_dim3A_837 : vector<16x1xi32> to vector<16xi32>
      %gather3A_839 = tpu.dynamic_gather %scan3A_518#7[%gather3A_838] in [0] : vector<16xf32>, vector<16xi32> -> vector<16xf32>
      %add3A_840 = arith.addf %scan3A_518#7, %gather3A_839 : vector<16xf32>
      %add3A_841 = arith.constant 4 : i32
      %add3A_842 = vector.broadcast %add3A_841 : i32 to vector<16xi32>
      %add3A_843 = arith.addi %iota3A_520, %add3A_842 : vector<16xi32>
      %and3A_844 = arith.constant 15 : i32
      %and3A_845 = vector.broadcast %and3A_844 : i32 to vector<16xi32>
      %and3A_846 = arith.andi %add3A_843, %and3A_845 : vector<16xi32>
      %broadcast_in_dim3A_847 = vector.shape_cast %and3A_846 : vector<16xi32> to vector<16x1xi32>
      %gather3A_848 = vector.shape_cast %broadcast_in_dim3A_847 : vector<16x1xi32> to vector<16xi32>
      %gather3A_849 = tpu.dynamic_gather %add3A_840[%gather3A_848] in [0] : vector<16xf32>, vector<16xi32> -> vector<16xf32>
      %add3A_850 = arith.addf %add3A_840, %gather3A_849 : vector<16xf32>
      %add3A_851 = arith.constant 2 : i32
      %add3A_852 = vector.broadcast %add3A_851 : i32 to vector<16xi32>
      %add3A_853 = arith.addi %iota3A_520, %add3A_852 : vector<16xi32>
      %and3A_854 = arith.constant 15 : i32
      %and3A_855 = vector.broadcast %and3A_854 : i32 to vector<16xi32>
      %and3A_856 = arith.andi %add3A_853, %and3A_855 : vector<16xi32>
      %broadcast_in_dim3A_857 = vector.shape_cast %and3A_856 : vector<16xi32> to vector<16x1xi32>
      %gather3A_858 = vector.shape_cast %broadcast_in_dim3A_857 : vector<16x1xi32> to vector<16xi32>
      %gather3A_859 = tpu.dynamic_gather %add3A_850[%gather3A_858] in [0] : vector<16xf32>, vector<16xi32> -> vector<16xf32>
      %add3A_860 = arith.addf %add3A_850, %gather3A_859 : vector<16xf32>
      %add3A_861 = arith.constant 1 : i32
      %add3A_862 = vector.broadcast %add3A_861 : i32 to vector<16xi32>
      %add3A_863 = arith.addi %iota3A_520, %add3A_862 : vector<16xi32>
      %and3A_864 = arith.constant 15 : i32
      %and3A_865 = vector.broadcast %and3A_864 : i32 to vector<16xi32>
      %and3A_866 = arith.andi %add3A_863, %and3A_865 : vector<16xi32>
      %broadcast_in_dim3A_867 = vector.shape_cast %and3A_866 : vector<16xi32> to vector<16x1xi32>
      %gather3A_868 = vector.shape_cast %broadcast_in_dim3A_867 : vector<16x1xi32> to vector<16xi32>
      %gather3A_869 = tpu.dynamic_gather %add3A_860[%gather3A_868] in [0] : vector<16xf32>, vector<16xi32> -> vector<16xf32>
      %add3A_870 = arith.addf %add3A_860, %gather3A_869 : vector<16xf32>
      %eq3A_871 = arith.constant 7 : i32
      %eq3A_872 = vector.broadcast %eq3A_871 : i32 to vector<16xi32>
      %eq3A_873 = arith.cmpi eq, %iota3A_520, %eq3A_872 : vector<16xi32>
      %select_n3A_874 = arith.select %eq3A_873, %add3A_870, %select_n3A_830 : vector<16xi1>, vector<16xf32>
      %swap3A_875 = arith.index_cast %add3A_483 : i32 to index
      %swap3A_876 = arith.constant 0 : index
      %swap3A_877 = tpu.vector_load %arg11[%swap3A_875, %swap3A_876] {strides = array<i32>} : memref<625x16xf32, #tpu.memory_space<vmem>>, vector<1x16xf32>,
      %swap3A_878 = vector.shape_cast %swap3A_877 : vector<1x16xf32> to vector<16xf32>
      %swap3A_879 = vector.shape_cast %select_n3A_874 : vector<16xf32> to vector<1x16xf32>
      tpu.vector_store %arg11[%swap3A_875, %swap3A_876], %swap3A_879 {strides = array<i32>} : memref<625x16xf32, #tpu.memory_space<vmem>>, vector<1x16xf32>,
      %add3A_880 = arith.constant 5 : i32
      %add3A_881 = arith.addi %add3A_483, %add3A_880 : i32
      %lt3A_882 = arith.constant 625 : i32
      %lt3A_883 = arith.cmpi slt, %add3A_881, %lt3A_882 : i32
      %convert_element_type3A_884 = arith.extui %lt3A_883 : i1 to i32
      %cond3A_885 = arith.constant 0 : i32
      %cond3A_886 = arith.cmpi ne, %convert_element_type3A_884, %cond3A_885 : i32
      scf.if %cond3A_886 {
        %add3A_2109 = arith.constant 5 : i32
        %add3A_2110 = arith.addi %add3A_483, %add3A_2109 : i32
        %dma_start3A_2111 = arith.constant 0 : i32
        %dma_start3A_2112 = tpu.memref_slice %arg8[%add3A_2110, %dma_start3A_2111] : memref<625x8xi32, #tpu.memory_space<vmem>> -> memref<1x8xi32, #tpu.memory_space<vmem>>
        %dma_start3A_2113 = tpu.memref_squeeze %dma_start3A_2112 : memref<1x8xi32, #tpu.memory_space<vmem>> -> memref<8xi32, #tpu.memory_space<vmem>>
        %dma_start3A_2114 = arith.constant 0 : i32
        %dma_start3A_2115 = arith.constant 0 : i32
        %dma_start3A_2116 = tpu.memref_slice %arg2[%dma_start3A_2114, %dma_start3A_2115] : memref<10000x1280xf32, #tpu.memory_space<hbm>> -> memref<10000x1280xf32, #tpu.memory_space<hbm>>
        tpu.enqueue_indirect_dma source(%dma_start3A_2116 : memref<10000x1280xf32, #tpu.memory_space<hbm>>) target(%arg13 : memref<8x1280xf32, #tpu.memory_space<vmem>>) offsets(%dma_start3A_2113 : memref<8xi32, #tpu.memory_space<vmem>>) semaphore(%arg23 : memref<!tpu.dma_semaphore, #tpu.memory_space<semaphore_mem>>)
        %dma_start3A_2117 = arith.constant 0 : i32
        %dma_start3A_2118 = tpu.memref_slice %arg9[%add3A_2110, %dma_start3A_2117] : memref<625x8xi32, #tpu.memory_space<vmem>> -> memref<1x8xi32, #tpu.memory_space<vmem>>
        %dma_start3A_2119 = tpu.memref_squeeze %dma_start3A_2118 : memref<1x8xi32, #tpu.memory_space<vmem>> -> memref<8xi32, #tpu.memory_space<vmem>>
        %dma_start3A_2120 = arith.constant 0 : i32
        %dma_start3A_2121 = arith.constant 0 : i32
        %dma_start3A_2122 = tpu.memref_slice %arg3[%dma_start3A_2120, %dma_start3A_2121] : memref<10000x1280xf32, #tpu.memory_space<hbm>> -> memref<10000x1280xf32, #tpu.memory_space<hbm>>
        tpu.enqueue_indirect_dma source(%dma_start3A_2122 : memref<10000x1280xf32, #tpu.memory_space<hbm>>) target(%arg18 : memref<8x1280xf32, #tpu.memory_space<vmem>>) offsets(%dma_start3A_2119 : memref<8xi32, #tpu.memory_space<vmem>>) semaphore(%arg28 : memref<!tpu.dma_semaphore, #tpu.memory_space<semaphore_mem>>)
      } else {
      }
      %mul3A_887 = arith.constant 5 : i32
      %mul3A_888 = arith.muli %scan3A_82, %mul3A_887 : i32
      %add3A_889 = arith.constant 2 : i32
      %add3A_890 = arith.addi %mul3A_888, %add3A_889 : i32
      %dma_wait3A_891 = arith.constant 0 : i32
      %dma_wait3A_892 = arith.constant 0 : i32
      %dma_wait3A_893 = tpu.memref_slice %arg8[%dma_wait3A_891, %dma_wait3A_892] : memref<625x8xi32, #tpu.memory_space<vmem>> -> memref<1x8xi32, #tpu.memory_space<vmem>>
      %dma_wait3A_894 = tpu.memref_squeeze %dma_wait3A_893 : memref<1x8xi32, #tpu.memory_space<vmem>> -> memref<8xi32, #tpu.memory_space<vmem>>
      %dma_wait3A_895 = arith.constant 0 : i32
      %dma_wait3A_896 = arith.constant 0 : i32
      %dma_wait3A_897 = tpu.memref_slice %arg2[%dma_wait3A_895, %dma_wait3A_896] : memref<10000x1280xf32, #tpu.memory_space<hbm>> -> memref<10000x1280xf32, #tpu.memory_space<hbm>>
      tpu.wait_indirect_dma semaphore(%arg24 : memref<!tpu.dma_semaphore, #tpu.memory_space<semaphore_mem>>) src(%dma_wait3A_897 : memref<10000x1280xf32, #tpu.memory_space<hbm>>) dst(%arg14 : memref<8x1280xf32, #tpu.memory_space<vmem>>)
      %dma_wait3A_898 = arith.constant 0 : i32
      %dma_wait3A_899 = arith.constant 0 : i32
      %dma_wait3A_900 = tpu.memref_slice %arg9[%dma_wait3A_898, %dma_wait3A_899] : memref<625x8xi32, #tpu.memory_space<vmem>> -> memref<1x8xi32, #tpu.memory_space<vmem>>
      %dma_wait3A_901 = tpu.memref_squeeze %dma_wait3A_900 : memref<1x8xi32, #tpu.memory_space<vmem>> -> memref<8xi32, #tpu.memory_space<vmem>>
      %dma_wait3A_902 = arith.constant 0 : i32
      %dma_wait3A_903 = arith.constant 0 : i32
      %dma_wait3A_904 = tpu.memref_slice %arg3[%dma_wait3A_902, %dma_wait3A_903] : memref<10000x1280xf32, #tpu.memory_space<hbm>> -> memref<10000x1280xf32, #tpu.memory_space<hbm>>
      tpu.wait_indirect_dma semaphore(%arg29 : memref<!tpu.dma_semaphore, #tpu.memory_space<semaphore_mem>>) src(%dma_wait3A_904 : memref<10000x1280xf32, #tpu.memory_space<hbm>>) dst(%arg19 : memref<8x1280xf32, #tpu.memory_space<vmem>>)
      %broadcast_in_dim3A_905 = arith.constant 0.000000e+00 : f32
      %broadcast_in_dim3A_906 = vector.broadcast %broadcast_in_dim3A_905 : f32 to vector<16xf32>
      %broadcast_in_dim3A_907 = arith.constant 0.000000e+00 : f32
      %broadcast_in_dim3A_908 = vector.broadcast %broadcast_in_dim3A_907 : f32 to vector<16xf32>
      %broadcast_in_dim3A_909 = arith.constant 0.000000e+00 : f32
      %broadcast_in_dim3A_910 = vector.broadcast %broadcast_in_dim3A_909 : f32 to vector<16xf32>
      %broadcast_in_dim3A_911 = arith.constant 0.000000e+00 : f32
      %broadcast_in_dim3A_912 = vector.broadcast %broadcast_in_dim3A_911 : f32 to vector<16xf32>
      %broadcast_in_dim3A_913 = arith.constant 0.000000e+00 : f32
      %broadcast_in_dim3A_914 = vector.broadcast %broadcast_in_dim3A_913 : f32 to vector<16xf32>
      %broadcast_in_dim3A_915 = arith.constant 0.000000e+00 : f32
      %broadcast_in_dim3A_916 = vector.broadcast %broadcast_in_dim3A_915 : f32 to vector<16xf32>
      %broadcast_in_dim3A_917 = arith.constant 0.000000e+00 : f32
      %broadcast_in_dim3A_918 = vector.broadcast %broadcast_in_dim3A_917 : f32 to vector<16xf32>
      %broadcast_in_dim3A_919 = arith.constant 0.000000e+00 : f32
      %broadcast_in_dim3A_920 = vector.broadcast %broadcast_in_dim3A_919 : f32 to vector<16xf32>
      %scan3A_921 = arith.constant 0 : i32
      %scan3A_922 = arith.constant 80 : i32
      %scan3A_923 = arith.addi %scan3A_921, %scan3A_922 : i32
      %scan3A_924 = arith.constant 1 : i32
      %scan3A_925:8 = scf.for %scan3A_2109 = %scan3A_921 to %scan3A_923 step %scan3A_924 iter_args(%scan3A_2110 = %broadcast_in_dim3A_906, %scan3A_2111 = %broadcast_in_dim3A_908, %scan3A_2112 = %broadcast_in_dim3A_910, %scan3A_2113 = %broadcast_in_dim3A_912, %scan3A_2114 = %broadcast_in_dim3A_914, %scan3A_2115 = %broadcast_in_dim3A_916, %scan3A_2116 = %broadcast_in_dim3A_918, %scan3A_2117 = %broadcast_in_dim3A_920) -> (vector<16xf32>, vector<16xf32>, vector<16xf32>, vector<16xf32>, vector<16xf32>, vector<16xf32>, vector<16xf32>, vector<16xf32>)  : i32 {
        %mul3A_2118 = arith.constant 16 : i32
        %mul3A_2119 = arith.muli %scan3A_2109, %mul3A_2118 : i32
        %get3A = arith.index_cast %mul3A_2119 : i32 to index
        %get3A_2120 = tpu.vector_load %arg10[%get3A] {strides = array<i32>} : memref<1280xf32, #tpu.memory_space<vmem>>, vector<16xf32>,
        %get3A_2121 = vector.shape_cast %get3A_2120 : vector<16xf32> to vector<16xf32>
        %mul3A_2122 = arith.constant 16 : i32
        %mul3A_2123 = arith.muli %scan3A_2109, %mul3A_2122 : i32
        %get3A_2124 = arith.constant 0 : i32
        %get3A_2125 = arith.index_cast %get3A_2124 : i32 to index
        %get3A_2126 = arith.index_cast %mul3A_2123 : i32 to index
        %get3A_2127 = tpu.vector_load %arg14[%get3A_2125, %get3A_2126] {strides = array<i32>} : memref<8x1280xf32, #tpu.memory_space<vmem>>, vector<1x16xf32>,
        %get3A_2128 = vector.shape_cast %get3A_2127 : vector<1x16xf32> to vector<16xf32>
        %mul3A_2129 = arith.constant 16 : i32
        %mul3A_2130 = arith.muli %scan3A_2109, %mul3A_2129 : i32
        %get3A_2131 = arith.constant 0 : i32
        %get3A_2132 = arith.index_cast %get3A_2131 : i32 to index
        %get3A_2133 = arith.index_cast %mul3A_2130 : i32 to index
        %get3A_2134 = tpu.vector_load %arg19[%get3A_2132, %get3A_2133] {strides = array<i32>} : memref<8x1280xf32, #tpu.memory_space<vmem>>, vector<1x16xf32>,
        %get3A_2135 = vector.shape_cast %get3A_2134 : vector<1x16xf32> to vector<16xf32>
        %add3A_2136 = arith.addf %get3A_2128, %get3A_2135 : vector<16xf32>
        %max3A = arith.constant 0.000000e+00 : f32
        %max3A_2137 = vector.broadcast %max3A : f32 to vector<16xf32>
        %max3A_2138 = arith.maximumf %add3A_2136, %max3A_2137 : vector<16xf32>
        %mul3A_2139 = arith.constant 6.553700e+04 : f32
        %mul3A_2140 = vector.broadcast %mul3A_2139 : f32 to vector<16xf32>
        %mul3A_2141 = arith.mulf %max3A_2138, %mul3A_2140 : vector<16xf32>
        %sub3A = arith.subf %mul3A_2141, %max3A_2138 : vector<16xf32>
        %sub3A_2142 = arith.subf %mul3A_2141, %sub3A : vector<16xf32>
        %mul3A_2143 = arith.mulf %get3A_2121, %sub3A_2142 : vector<16xf32>
        %add3A_2144 = arith.addf %scan3A_2110, %mul3A_2143 : vector<16xf32>
        %mul3A_2145 = arith.constant 16 : i32
        %mul3A_2146 = arith.muli %scan3A_2109, %mul3A_2145 : i32
        %get3A_2147 = arith.constant 1 : i32
        %get3A_2148 = arith.index_cast %get3A_2147 : i32 to index
        %get3A_2149 = arith.index_cast %mul3A_2146 : i32 to index
        %get3A_2150 = tpu.vector_load %arg14[%get3A_2148, %get3A_2149] {strides = array<i32>} : memref<8x1280xf32, #tpu.memory_space<vmem>>, vector<1x16xf32>,
        %get3A_2151 = vector.shape_cast %get3A_2150 : vector<1x16xf32> to vector<16xf32>
        %mul3A_2152 = arith.constant 16 : i32
        %mul3A_2153 = arith.muli %scan3A_2109, %mul3A_2152 : i32
        %get3A_2154 = arith.constant 1 : i32
        %get3A_2155 = arith.index_cast %get3A_2154 : i32 to index
        %get3A_2156 = arith.index_cast %mul3A_2153 : i32 to index
        %get3A_2157 = tpu.vector_load %arg19[%get3A_2155, %get3A_2156] {strides = array<i32>} : memref<8x1280xf32, #tpu.memory_space<vmem>>, vector<1x16xf32>,
        %get3A_2158 = vector.shape_cast %get3A_2157 : vector<1x16xf32> to vector<16xf32>
        %add3A_2159 = arith.addf %get3A_2151, %get3A_2158 : vector<16xf32>
        %max3A_2160 = arith.constant 0.000000e+00 : f32
        %max3A_2161 = vector.broadcast %max3A_2160 : f32 to vector<16xf32>
        %max3A_2162 = arith.maximumf %add3A_2159, %max3A_2161 : vector<16xf32>
        %mul3A_2163 = arith.constant 6.553700e+04 : f32
        %mul3A_2164 = vector.broadcast %mul3A_2163 : f32 to vector<16xf32>
        %mul3A_2165 = arith.mulf %max3A_2162, %mul3A_2164 : vector<16xf32>
        %sub3A_2166 = arith.subf %mul3A_2165, %max3A_2162 : vector<16xf32>
        %sub3A_2167 = arith.subf %mul3A_2165, %sub3A_2166 : vector<16xf32>
        %mul3A_2168 = arith.mulf %get3A_2121, %sub3A_2167 : vector<16xf32>
        %add3A_2169 = arith.addf %scan3A_2111, %mul3A_2168 : vector<16xf32>
        %mul3A_2170 = arith.constant 16 : i32
        %mul3A_2171 = arith.muli %scan3A_2109, %mul3A_2170 : i32
        %get3A_2172 = arith.constant 2 : i32
        %get3A_2173 = arith.index_cast %get3A_2172 : i32 to index
        %get3A_2174 = arith.index_cast %mul3A_2171 : i32 to index
        %get3A_2175 = tpu.vector_load %arg14[%get3A_2173, %get3A_2174] {strides = array<i32>} : memref<8x1280xf32, #tpu.memory_space<vmem>>, vector<1x16xf32>,
        %get3A_2176 = vector.shape_cast %get3A_2175 : vector<1x16xf32> to vector<16xf32>
        %mul3A_2177 = arith.constant 16 : i32
        %mul3A_2178 = arith.muli %scan3A_2109, %mul3A_2177 : i32
        %get3A_2179 = arith.constant 2 : i32
        %get3A_2180 = arith.index_cast %get3A_2179 : i32 to index
        %get3A_2181 = arith.index_cast %mul3A_2178 : i32 to index
        %get3A_2182 = tpu.vector_load %arg19[%get3A_2180, %get3A_2181] {strides = array<i32>} : memref<8x1280xf32, #tpu.memory_space<vmem>>, vector<1x16xf32>,
        %get3A_2183 = vector.shape_cast %get3A_2182 : vector<1x16xf32> to vector<16xf32>
        %add3A_2184 = arith.addf %get3A_2176, %get3A_2183 : vector<16xf32>
        %max3A_2185 = arith.constant 0.000000e+00 : f32
        %max3A_2186 = vector.broadcast %max3A_2185 : f32 to vector<16xf32>
        %max3A_2187 = arith.maximumf %add3A_2184, %max3A_2186 : vector<16xf32>
        %mul3A_2188 = arith.constant 6.553700e+04 : f32
        %mul3A_2189 = vector.broadcast %mul3A_2188 : f32 to vector<16xf32>
        %mul3A_2190 = arith.mulf %max3A_2187, %mul3A_2189 : vector<16xf32>
        %sub3A_2191 = arith.subf %mul3A_2190, %max3A_2187 : vector<16xf32>
        %sub3A_2192 = arith.subf %mul3A_2190, %sub3A_2191 : vector<16xf32>
        %mul3A_2193 = arith.mulf %get3A_2121, %sub3A_2192 : vector<16xf32>
        %add3A_2194 = arith.addf %scan3A_2112, %mul3A_2193 : vector<16xf32>
        %mul3A_2195 = arith.constant 16 : i32
        %mul3A_2196 = arith.muli %scan3A_2109, %mul3A_2195 : i32
        %get3A_2197 = arith.constant 3 : i32
        %get3A_2198 = arith.index_cast %get3A_2197 : i32 to index
        %get3A_2199 = arith.index_cast %mul3A_2196 : i32 to index
        %get3A_2200 = tpu.vector_load %arg14[%get3A_2198, %get3A_2199] {strides = array<i32>} : memref<8x1280xf32, #tpu.memory_space<vmem>>, vector<1x16xf32>,
        %get3A_2201 = vector.shape_cast %get3A_2200 : vector<1x16xf32> to vector<16xf32>
        %mul3A_2202 = arith.constant 16 : i32
        %mul3A_2203 = arith.muli %scan3A_2109, %mul3A_2202 : i32
        %get3A_2204 = arith.constant 3 : i32
        %get3A_2205 = arith.index_cast %get3A_2204 : i32 to index
        %get3A_2206 = arith.index_cast %mul3A_2203 : i32 to index
        %get3A_2207 = tpu.vector_load %arg19[%get3A_2205, %get3A_2206] {strides = array<i32>} : memref<8x1280xf32, #tpu.memory_space<vmem>>, vector<1x16xf32>,
        %get3A_2208 = vector.shape_cast %get3A_2207 : vector<1x16xf32> to vector<16xf32>
        %add3A_2209 = arith.addf %get3A_2201, %get3A_2208 : vector<16xf32>
        %max3A_2210 = arith.constant 0.000000e+00 : f32
        %max3A_2211 = vector.broadcast %max3A_2210 : f32 to vector<16xf32>
        %max3A_2212 = arith.maximumf %add3A_2209, %max3A_2211 : vector<16xf32>
        %mul3A_2213 = arith.constant 6.553700e+04 : f32
        %mul3A_2214 = vector.broadcast %mul3A_2213 : f32 to vector<16xf32>
        %mul3A_2215 = arith.mulf %max3A_2212, %mul3A_2214 : vector<16xf32>
        %sub3A_2216 = arith.subf %mul3A_2215, %max3A_2212 : vector<16xf32>
        %sub3A_2217 = arith.subf %mul3A_2215, %sub3A_2216 : vector<16xf32>
        %mul3A_2218 = arith.mulf %get3A_2121, %sub3A_2217 : vector<16xf32>
        %add3A_2219 = arith.addf %scan3A_2113, %mul3A_2218 : vector<16xf32>
        %mul3A_2220 = arith.constant 16 : i32
        %mul3A_2221 = arith.muli %scan3A_2109, %mul3A_2220 : i32
        %get3A_2222 = arith.constant 4 : i32
        %get3A_2223 = arith.index_cast %get3A_2222 : i32 to index
        %get3A_2224 = arith.index_cast %mul3A_2221 : i32 to index
        %get3A_2225 = tpu.vector_load %arg14[%get3A_2223, %get3A_2224] {strides = array<i32>} : memref<8x1280xf32, #tpu.memory_space<vmem>>, vector<1x16xf32>,
        %get3A_2226 = vector.shape_cast %get3A_2225 : vector<1x16xf32> to vector<16xf32>
        %mul3A_2227 = arith.constant 16 : i32
        %mul3A_2228 = arith.muli %scan3A_2109, %mul3A_2227 : i32
        %get3A_2229 = arith.constant 4 : i32
        %get3A_2230 = arith.index_cast %get3A_2229 : i32 to index
        %get3A_2231 = arith.index_cast %mul3A_2228 : i32 to index
        %get3A_2232 = tpu.vector_load %arg19[%get3A_2230, %get3A_2231] {strides = array<i32>} : memref<8x1280xf32, #tpu.memory_space<vmem>>, vector<1x16xf32>,
        %get3A_2233 = vector.shape_cast %get3A_2232 : vector<1x16xf32> to vector<16xf32>
        %add3A_2234 = arith.addf %get3A_2226, %get3A_2233 : vector<16xf32>
        %max3A_2235 = arith.constant 0.000000e+00 : f32
        %max3A_2236 = vector.broadcast %max3A_2235 : f32 to vector<16xf32>
        %max3A_2237 = arith.maximumf %add3A_2234, %max3A_2236 : vector<16xf32>
        %mul3A_2238 = arith.constant 6.553700e+04 : f32
        %mul3A_2239 = vector.broadcast %mul3A_2238 : f32 to vector<16xf32>
        %mul3A_2240 = arith.mulf %max3A_2237, %mul3A_2239 : vector<16xf32>
        %sub3A_2241 = arith.subf %mul3A_2240, %max3A_2237 : vector<16xf32>
        %sub3A_2242 = arith.subf %mul3A_2240, %sub3A_2241 : vector<16xf32>
        %mul3A_2243 = arith.mulf %get3A_2121, %sub3A_2242 : vector<16xf32>
        %add3A_2244 = arith.addf %scan3A_2114, %mul3A_2243 : vector<16xf32>
        %mul3A_2245 = arith.constant 16 : i32
        %mul3A_2246 = arith.muli %scan3A_2109, %mul3A_2245 : i32
        %get3A_2247 = arith.constant 5 : i32
        %get3A_2248 = arith.index_cast %get3A_2247 : i32 to index
        %get3A_2249 = arith.index_cast %mul3A_2246 : i32 to index
        %get3A_2250 = tpu.vector_load %arg14[%get3A_2248, %get3A_2249] {strides = array<i32>} : memref<8x1280xf32, #tpu.memory_space<vmem>>, vector<1x16xf32>,
        %get3A_2251 = vector.shape_cast %get3A_2250 : vector<1x16xf32> to vector<16xf32>
        %mul3A_2252 = arith.constant 16 : i32
        %mul3A_2253 = arith.muli %scan3A_2109, %mul3A_2252 : i32
        %get3A_2254 = arith.constant 5 : i32
        %get3A_2255 = arith.index_cast %get3A_2254 : i32 to index
        %get3A_2256 = arith.index_cast %mul3A_2253 : i32 to index
        %get3A_2257 = tpu.vector_load %arg19[%get3A_2255, %get3A_2256] {strides = array<i32>} : memref<8x1280xf32, #tpu.memory_space<vmem>>, vector<1x16xf32>,
        %get3A_2258 = vector.shape_cast %get3A_2257 : vector<1x16xf32> to vector<16xf32>
        %add3A_2259 = arith.addf %get3A_2251, %get3A_2258 : vector<16xf32>
        %max3A_2260 = arith.constant 0.000000e+00 : f32
        %max3A_2261 = vector.broadcast %max3A_2260 : f32 to vector<16xf32>
        %max3A_2262 = arith.maximumf %add3A_2259, %max3A_2261 : vector<16xf32>
        %mul3A_2263 = arith.constant 6.553700e+04 : f32
        %mul3A_2264 = vector.broadcast %mul3A_2263 : f32 to vector<16xf32>
        %mul3A_2265 = arith.mulf %max3A_2262, %mul3A_2264 : vector<16xf32>
        %sub3A_2266 = arith.subf %mul3A_2265, %max3A_2262 : vector<16xf32>
        %sub3A_2267 = arith.subf %mul3A_2265, %sub3A_2266 : vector<16xf32>
        %mul3A_2268 = arith.mulf %get3A_2121, %sub3A_2267 : vector<16xf32>
        %add3A_2269 = arith.addf %scan3A_2115, %mul3A_2268 : vector<16xf32>
        %mul3A_2270 = arith.constant 16 : i32
        %mul3A_2271 = arith.muli %scan3A_2109, %mul3A_2270 : i32
        %get3A_2272 = arith.constant 6 : i32
        %get3A_2273 = arith.index_cast %get3A_2272 : i32 to index
        %get3A_2274 = arith.index_cast %mul3A_2271 : i32 to index
        %get3A_2275 = tpu.vector_load %arg14[%get3A_2273, %get3A_2274] {strides = array<i32>} : memref<8x1280xf32, #tpu.memory_space<vmem>>, vector<1x16xf32>,
        %get3A_2276 = vector.shape_cast %get3A_2275 : vector<1x16xf32> to vector<16xf32>
        %mul3A_2277 = arith.constant 16 : i32
        %mul3A_2278 = arith.muli %scan3A_2109, %mul3A_2277 : i32
        %get3A_2279 = arith.constant 6 : i32
        %get3A_2280 = arith.index_cast %get3A_2279 : i32 to index
        %get3A_2281 = arith.index_cast %mul3A_2278 : i32 to index
        %get3A_2282 = tpu.vector_load %arg19[%get3A_2280, %get3A_2281] {strides = array<i32>} : memref<8x1280xf32, #tpu.memory_space<vmem>>, vector<1x16xf32>,
        %get3A_2283 = vector.shape_cast %get3A_2282 : vector<1x16xf32> to vector<16xf32>
        %add3A_2284 = arith.addf %get3A_2276, %get3A_2283 : vector<16xf32>
        %max3A_2285 = arith.constant 0.000000e+00 : f32
        %max3A_2286 = vector.broadcast %max3A_2285 : f32 to vector<16xf32>
        %max3A_2287 = arith.maximumf %add3A_2284, %max3A_2286 : vector<16xf32>
        %mul3A_2288 = arith.constant 6.553700e+04 : f32
        %mul3A_2289 = vector.broadcast %mul3A_2288 : f32 to vector<16xf32>
        %mul3A_2290 = arith.mulf %max3A_2287, %mul3A_2289 : vector<16xf32>
        %sub3A_2291 = arith.subf %mul3A_2290, %max3A_2287 : vector<16xf32>
        %sub3A_2292 = arith.subf %mul3A_2290, %sub3A_2291 : vector<16xf32>
        %mul3A_2293 = arith.mulf %get3A_2121, %sub3A_2292 : vector<16xf32>
        %add3A_2294 = arith.addf %scan3A_2116, %mul3A_2293 : vector<16xf32>
        %mul3A_2295 = arith.constant 16 : i32
        %mul3A_2296 = arith.muli %scan3A_2109, %mul3A_2295 : i32
        %get3A_2297 = arith.constant 7 : i32
        %get3A_2298 = arith.index_cast %get3A_2297 : i32 to index
        %get3A_2299 = arith.index_cast %mul3A_2296 : i32 to index
        %get3A_2300 = tpu.vector_load %arg14[%get3A_2298, %get3A_2299] {strides = array<i32>} : memref<8x1280xf32, #tpu.memory_space<vmem>>, vector<1x16xf32>,
        %get3A_2301 = vector.shape_cast %get3A_2300 : vector<1x16xf32> to vector<16xf32>
        %mul3A_2302 = arith.constant 16 : i32
        %mul3A_2303 = arith.muli %scan3A_2109, %mul3A_2302 : i32
        %get3A_2304 = arith.constant 7 : i32
        %get3A_2305 = arith.index_cast %get3A_2304 : i32 to index
        %get3A_2306 = arith.index_cast %mul3A_2303 : i32 to index
        %get3A_2307 = tpu.vector_load %arg19[%get3A_2305, %get3A_2306] {strides = array<i32>} : memref<8x1280xf32, #tpu.memory_space<vmem>>, vector<1x16xf32>,
        %get3A_2308 = vector.shape_cast %get3A_2307 : vector<1x16xf32> to vector<16xf32>
        %add3A_2309 = arith.addf %get3A_2301, %get3A_2308 : vector<16xf32>
        %max3A_2310 = arith.constant 0.000000e+00 : f32
        %max3A_2311 = vector.broadcast %max3A_2310 : f32 to vector<16xf32>
        %max3A_2312 = arith.maximumf %add3A_2309, %max3A_2311 : vector<16xf32>
        %mul3A_2313 = arith.constant 6.553700e+04 : f32
        %mul3A_2314 = vector.broadcast %mul3A_2313 : f32 to vector<16xf32>
        %mul3A_2315 = arith.mulf %max3A_2312, %mul3A_2314 : vector<16xf32>
        %sub3A_2316 = arith.subf %mul3A_2315, %max3A_2312 : vector<16xf32>
        %sub3A_2317 = arith.subf %mul3A_2315, %sub3A_2316 : vector<16xf32>
        %mul3A_2318 = arith.mulf %get3A_2121, %sub3A_2317 : vector<16xf32>
        %add3A_2319 = arith.addf %scan3A_2117, %mul3A_2318 : vector<16xf32>
        scf.yield %add3A_2144, %add3A_2169, %add3A_2194, %add3A_2219, %add3A_2244, %add3A_2269, %add3A_2294, %add3A_2319 : vector<16xf32>, vector<16xf32>, vector<16xf32>, vector<16xf32>, vector<16xf32>, vector<16xf32>, vector<16xf32>, vector<16xf32>
      }
      %scan3A_926 = arith.constant 80 : i32
      %iota3A_927 = tpu.iota {dimensions = array<i32: 0>} : vector<16xi32>
      %broadcast_in_dim3A_928 = arith.constant 0.000000e+00 : f32
      %broadcast_in_dim3A_929 = vector.broadcast %broadcast_in_dim3A_928 : f32 to vector<16xf32>
      %add3A_930 = arith.constant 8 : i32
      %add3A_931 = vector.broadcast %add3A_930 : i32 to vector<16xi32>
      %add3A_932 = arith.addi %iota3A_927, %add3A_931 : vector<16xi32>
      %and3A_933 = arith.constant 15 : i32
      %and3A_934 = vector.broadcast %and3A_933 : i32 to vector<16xi32>
      %and3A_935 = arith.andi %add3A_932, %and3A_934 : vector<16xi32>
      %broadcast_in_dim3A_936 = vector.shape_cast %and3A_935 : vector<16xi32> to vector<16x1xi32>
      %gather3A_937 = vector.shape_cast %broadcast_in_dim3A_936 : vector<16x1xi32> to vector<16xi32>
      %gather3A_938 = tpu.dynamic_gather %scan3A_925#0[%gather3A_937] in [0] : vector<16xf32>, vector<16xi32> -> vector<16xf32>
      %add3A_939 = arith.addf %scan3A_925#0, %gather3A_938 : vector<16xf32>
      %add3A_940 = arith.constant 4 : i32
      %add3A_941 = vector.broadcast %add3A_940 : i32 to vector<16xi32>
      %add3A_942 = arith.addi %iota3A_927, %add3A_941 : vector<16xi32>
      %and3A_943 = arith.constant 15 : i32
      %and3A_944 = vector.broadcast %and3A_943 : i32 to vector<16xi32>
      %and3A_945 = arith.andi %add3A_942, %and3A_944 : vector<16xi32>
      %broadcast_in_dim3A_946 = vector.shape_cast %and3A_945 : vector<16xi32> to vector<16x1xi32>
      %gather3A_947 = vector.shape_cast %broadcast_in_dim3A_946 : vector<16x1xi32> to vector<16xi32>
      %gather3A_948 = tpu.dynamic_gather %add3A_939[%gather3A_947] in [0] : vector<16xf32>, vector<16xi32> -> vector<16xf32>
      %add3A_949 = arith.addf %add3A_939, %gather3A_948 : vector<16xf32>
      %add3A_950 = arith.constant 2 : i32
      %add3A_951 = vector.broadcast %add3A_950 : i32 to vector<16xi32>
      %add3A_952 = arith.addi %iota3A_927, %add3A_951 : vector<16xi32>
      %and3A_953 = arith.constant 15 : i32
      %and3A_954 = vector.broadcast %and3A_953 : i32 to vector<16xi32>
      %and3A_955 = arith.andi %add3A_952, %and3A_954 : vector<16xi32>
      %broadcast_in_dim3A_956 = vector.shape_cast %and3A_955 : vector<16xi32> to vector<16x1xi32>
      %gather3A_957 = vector.shape_cast %broadcast_in_dim3A_956 : vector<16x1xi32> to vector<16xi32>
      %gather3A_958 = tpu.dynamic_gather %add3A_949[%gather3A_957] in [0] : vector<16xf32>, vector<16xi32> -> vector<16xf32>
      %add3A_959 = arith.addf %add3A_949, %gather3A_958 : vector<16xf32>
      %add3A_960 = arith.constant 1 : i32
      %add3A_961 = vector.broadcast %add3A_960 : i32 to vector<16xi32>
      %add3A_962 = arith.addi %iota3A_927, %add3A_961 : vector<16xi32>
      %and3A_963 = arith.constant 15 : i32
      %and3A_964 = vector.broadcast %and3A_963 : i32 to vector<16xi32>
      %and3A_965 = arith.andi %add3A_962, %and3A_964 : vector<16xi32>
      %broadcast_in_dim3A_966 = vector.shape_cast %and3A_965 : vector<16xi32> to vector<16x1xi32>
      %gather3A_967 = vector.shape_cast %broadcast_in_dim3A_966 : vector<16x1xi32> to vector<16xi32>
      %gather3A_968 = tpu.dynamic_gather %add3A_959[%gather3A_967] in [0] : vector<16xf32>, vector<16xi32> -> vector<16xf32>
      %add3A_969 = arith.addf %add3A_959, %gather3A_968 : vector<16xf32>
      %eq3A_970 = arith.constant 0 : i32
      %eq3A_971 = vector.broadcast %eq3A_970 : i32 to vector<16xi32>
      %eq3A_972 = arith.cmpi eq, %iota3A_927, %eq3A_971 : vector<16xi32>
      %select_n3A_973 = arith.select %eq3A_972, %add3A_969, %broadcast_in_dim3A_929 : vector<16xi1>, vector<16xf32>
      %add3A_974 = arith.constant 8 : i32
      %add3A_975 = vector.broadcast %add3A_974 : i32 to vector<16xi32>
      %add3A_976 = arith.addi %iota3A_927, %add3A_975 : vector<16xi32>
      %and3A_977 = arith.constant 15 : i32
      %and3A_978 = vector.broadcast %and3A_977 : i32 to vector<16xi32>
      %and3A_979 = arith.andi %add3A_976, %and3A_978 : vector<16xi32>
      %broadcast_in_dim3A_980 = vector.shape_cast %and3A_979 : vector<16xi32> to vector<16x1xi32>
      %gather3A_981 = vector.shape_cast %broadcast_in_dim3A_980 : vector<16x1xi32> to vector<16xi32>
      %gather3A_982 = tpu.dynamic_gather %scan3A_925#1[%gather3A_981] in [0] : vector<16xf32>, vector<16xi32> -> vector<16xf32>
      %add3A_983 = arith.addf %scan3A_925#1, %gather3A_982 : vector<16xf32>
      %add3A_984 = arith.constant 4 : i32
      %add3A_985 = vector.broadcast %add3A_984 : i32 to vector<16xi32>
      %add3A_986 = arith.addi %iota3A_927, %add3A_985 : vector<16xi32>
      %and3A_987 = arith.constant 15 : i32
      %and3A_988 = vector.broadcast %and3A_987 : i32 to vector<16xi32>
      %and3A_989 = arith.andi %add3A_986, %and3A_988 : vector<16xi32>
      %broadcast_in_dim3A_990 = vector.shape_cast %and3A_989 : vector<16xi32> to vector<16x1xi32>
      %gather3A_991 = vector.shape_cast %broadcast_in_dim3A_990 : vector<16x1xi32> to vector<16xi32>
      %gather3A_992 = tpu.dynamic_gather %add3A_983[%gather3A_991] in [0] : vector<16xf32>, vector<16xi32> -> vector<16xf32>
      %add3A_993 = arith.addf %add3A_983, %gather3A_992 : vector<16xf32>
      %add3A_994 = arith.constant 2 : i32
      %add3A_995 = vector.broadcast %add3A_994 : i32 to vector<16xi32>
      %add3A_996 = arith.addi %iota3A_927, %add3A_995 : vector<16xi32>
      %and3A_997 = arith.constant 15 : i32
      %and3A_998 = vector.broadcast %and3A_997 : i32 to vector<16xi32>
      %and3A_999 = arith.andi %add3A_996, %and3A_998 : vector<16xi32>
      %broadcast_in_dim3A_1000 = vector.shape_cast %and3A_999 : vector<16xi32> to vector<16x1xi32>
      %gather3A_1001 = vector.shape_cast %broadcast_in_dim3A_1000 : vector<16x1xi32> to vector<16xi32>
      %gather3A_1002 = tpu.dynamic_gather %add3A_993[%gather3A_1001] in [0] : vector<16xf32>, vector<16xi32> -> vector<16xf32>
      %add3A_1003 = arith.addf %add3A_993, %gather3A_1002 : vector<16xf32>
      %add3A_1004 = arith.constant 1 : i32
      %add3A_1005 = vector.broadcast %add3A_1004 : i32 to vector<16xi32>
      %add3A_1006 = arith.addi %iota3A_927, %add3A_1005 : vector<16xi32>
      %and3A_1007 = arith.constant 15 : i32
      %and3A_1008 = vector.broadcast %and3A_1007 : i32 to vector<16xi32>
      %and3A_1009 = arith.andi %add3A_1006, %and3A_1008 : vector<16xi32>
      %broadcast_in_dim3A_1010 = vector.shape_cast %and3A_1009 : vector<16xi32> to vector<16x1xi32>
      %gather3A_1011 = vector.shape_cast %broadcast_in_dim3A_1010 : vector<16x1xi32> to vector<16xi32>
      %gather3A_1012 = tpu.dynamic_gather %add3A_1003[%gather3A_1011] in [0] : vector<16xf32>, vector<16xi32> -> vector<16xf32>
      %add3A_1013 = arith.addf %add3A_1003, %gather3A_1012 : vector<16xf32>
      %eq3A_1014 = arith.constant 1 : i32
      %eq3A_1015 = vector.broadcast %eq3A_1014 : i32 to vector<16xi32>
      %eq3A_1016 = arith.cmpi eq, %iota3A_927, %eq3A_1015 : vector<16xi32>
      %select_n3A_1017 = arith.select %eq3A_1016, %add3A_1013, %select_n3A_973 : vector<16xi1>, vector<16xf32>
      %add3A_1018 = arith.constant 8 : i32
      %add3A_1019 = vector.broadcast %add3A_1018 : i32 to vector<16xi32>
      %add3A_1020 = arith.addi %iota3A_927, %add3A_1019 : vector<16xi32>
      %and3A_1021 = arith.constant 15 : i32
      %and3A_1022 = vector.broadcast %and3A_1021 : i32 to vector<16xi32>
      %and3A_1023 = arith.andi %add3A_1020, %and3A_1022 : vector<16xi32>
      %broadcast_in_dim3A_1024 = vector.shape_cast %and3A_1023 : vector<16xi32> to vector<16x1xi32>
      %gather3A_1025 = vector.shape_cast %broadcast_in_dim3A_1024 : vector<16x1xi32> to vector<16xi32>
      %gather3A_1026 = tpu.dynamic_gather %scan3A_925#2[%gather3A_1025] in [0] : vector<16xf32>, vector<16xi32> -> vector<16xf32>
      %add3A_1027 = arith.addf %scan3A_925#2, %gather3A_1026 : vector<16xf32>
      %add3A_1028 = arith.constant 4 : i32
      %add3A_1029 = vector.broadcast %add3A_1028 : i32 to vector<16xi32>
      %add3A_1030 = arith.addi %iota3A_927, %add3A_1029 : vector<16xi32>
      %and3A_1031 = arith.constant 15 : i32
      %and3A_1032 = vector.broadcast %and3A_1031 : i32 to vector<16xi32>
      %and3A_1033 = arith.andi %add3A_1030, %and3A_1032 : vector<16xi32>
      %broadcast_in_dim3A_1034 = vector.shape_cast %and3A_1033 : vector<16xi32> to vector<16x1xi32>
      %gather3A_1035 = vector.shape_cast %broadcast_in_dim3A_1034 : vector<16x1xi32> to vector<16xi32>
      %gather3A_1036 = tpu.dynamic_gather %add3A_1027[%gather3A_1035] in [0] : vector<16xf32>, vector<16xi32> -> vector<16xf32>
      %add3A_1037 = arith.addf %add3A_1027, %gather3A_1036 : vector<16xf32>
      %add3A_1038 = arith.constant 2 : i32
      %add3A_1039 = vector.broadcast %add3A_1038 : i32 to vector<16xi32>
      %add3A_1040 = arith.addi %iota3A_927, %add3A_1039 : vector<16xi32>
      %and3A_1041 = arith.constant 15 : i32
      %and3A_1042 = vector.broadcast %and3A_1041 : i32 to vector<16xi32>
      %and3A_1043 = arith.andi %add3A_1040, %and3A_1042 : vector<16xi32>
      %broadcast_in_dim3A_1044 = vector.shape_cast %and3A_1043 : vector<16xi32> to vector<16x1xi32>
      %gather3A_1045 = vector.shape_cast %broadcast_in_dim3A_1044 : vector<16x1xi32> to vector<16xi32>
      %gather3A_1046 = tpu.dynamic_gather %add3A_1037[%gather3A_1045] in [0] : vector<16xf32>, vector<16xi32> -> vector<16xf32>
      %add3A_1047 = arith.addf %add3A_1037, %gather3A_1046 : vector<16xf32>
      %add3A_1048 = arith.constant 1 : i32
      %add3A_1049 = vector.broadcast %add3A_1048 : i32 to vector<16xi32>
      %add3A_1050 = arith.addi %iota3A_927, %add3A_1049 : vector<16xi32>
      %and3A_1051 = arith.constant 15 : i32
      %and3A_1052 = vector.broadcast %and3A_1051 : i32 to vector<16xi32>
      %and3A_1053 = arith.andi %add3A_1050, %and3A_1052 : vector<16xi32>
      %broadcast_in_dim3A_1054 = vector.shape_cast %and3A_1053 : vector<16xi32> to vector<16x1xi32>
      %gather3A_1055 = vector.shape_cast %broadcast_in_dim3A_1054 : vector<16x1xi32> to vector<16xi32>
      %gather3A_1056 = tpu.dynamic_gather %add3A_1047[%gather3A_1055] in [0] : vector<16xf32>, vector<16xi32> -> vector<16xf32>
      %add3A_1057 = arith.addf %add3A_1047, %gather3A_1056 : vector<16xf32>
      %eq3A_1058 = arith.constant 2 : i32
      %eq3A_1059 = vector.broadcast %eq3A_1058 : i32 to vector<16xi32>
      %eq3A_1060 = arith.cmpi eq, %iota3A_927, %eq3A_1059 : vector<16xi32>
      %select_n3A_1061 = arith.select %eq3A_1060, %add3A_1057, %select_n3A_1017 : vector<16xi1>, vector<16xf32>
      %add3A_1062 = arith.constant 8 : i32
      %add3A_1063 = vector.broadcast %add3A_1062 : i32 to vector<16xi32>
      %add3A_1064 = arith.addi %iota3A_927, %add3A_1063 : vector<16xi32>
      %and3A_1065 = arith.constant 15 : i32
      %and3A_1066 = vector.broadcast %and3A_1065 : i32 to vector<16xi32>
      %and3A_1067 = arith.andi %add3A_1064, %and3A_1066 : vector<16xi32>
      %broadcast_in_dim3A_1068 = vector.shape_cast %and3A_1067 : vector<16xi32> to vector<16x1xi32>
      %gather3A_1069 = vector.shape_cast %broadcast_in_dim3A_1068 : vector<16x1xi32> to vector<16xi32>
      %gather3A_1070 = tpu.dynamic_gather %scan3A_925#3[%gather3A_1069] in [0] : vector<16xf32>, vector<16xi32> -> vector<16xf32>
      %add3A_1071 = arith.addf %scan3A_925#3, %gather3A_1070 : vector<16xf32>
      %add3A_1072 = arith.constant 4 : i32
      %add3A_1073 = vector.broadcast %add3A_1072 : i32 to vector<16xi32>
      %add3A_1074 = arith.addi %iota3A_927, %add3A_1073 : vector<16xi32>
      %and3A_1075 = arith.constant 15 : i32
      %and3A_1076 = vector.broadcast %and3A_1075 : i32 to vector<16xi32>
      %and3A_1077 = arith.andi %add3A_1074, %and3A_1076 : vector<16xi32>
      %broadcast_in_dim3A_1078 = vector.shape_cast %and3A_1077 : vector<16xi32> to vector<16x1xi32>
      %gather3A_1079 = vector.shape_cast %broadcast_in_dim3A_1078 : vector<16x1xi32> to vector<16xi32>
      %gather3A_1080 = tpu.dynamic_gather %add3A_1071[%gather3A_1079] in [0] : vector<16xf32>, vector<16xi32> -> vector<16xf32>
      %add3A_1081 = arith.addf %add3A_1071, %gather3A_1080 : vector<16xf32>
      %add3A_1082 = arith.constant 2 : i32
      %add3A_1083 = vector.broadcast %add3A_1082 : i32 to vector<16xi32>
      %add3A_1084 = arith.addi %iota3A_927, %add3A_1083 : vector<16xi32>
      %and3A_1085 = arith.constant 15 : i32
      %and3A_1086 = vector.broadcast %and3A_1085 : i32 to vector<16xi32>
      %and3A_1087 = arith.andi %add3A_1084, %and3A_1086 : vector<16xi32>
      %broadcast_in_dim3A_1088 = vector.shape_cast %and3A_1087 : vector<16xi32> to vector<16x1xi32>
      %gather3A_1089 = vector.shape_cast %broadcast_in_dim3A_1088 : vector<16x1xi32> to vector<16xi32>
      %gather3A_1090 = tpu.dynamic_gather %add3A_1081[%gather3A_1089] in [0] : vector<16xf32>, vector<16xi32> -> vector<16xf32>
      %add3A_1091 = arith.addf %add3A_1081, %gather3A_1090 : vector<16xf32>
      %add3A_1092 = arith.constant 1 : i32
      %add3A_1093 = vector.broadcast %add3A_1092 : i32 to vector<16xi32>
      %add3A_1094 = arith.addi %iota3A_927, %add3A_1093 : vector<16xi32>
      %and3A_1095 = arith.constant 15 : i32
      %and3A_1096 = vector.broadcast %and3A_1095 : i32 to vector<16xi32>
      %and3A_1097 = arith.andi %add3A_1094, %and3A_1096 : vector<16xi32>
      %broadcast_in_dim3A_1098 = vector.shape_cast %and3A_1097 : vector<16xi32> to vector<16x1xi32>
      %gather3A_1099 = vector.shape_cast %broadcast_in_dim3A_1098 : vector<16x1xi32> to vector<16xi32>
      %gather3A_1100 = tpu.dynamic_gather %add3A_1091[%gather3A_1099] in [0] : vector<16xf32>, vector<16xi32> -> vector<16xf32>
      %add3A_1101 = arith.addf %add3A_1091, %gather3A_1100 : vector<16xf32>
      %eq3A_1102 = arith.constant 3 : i32
      %eq3A_1103 = vector.broadcast %eq3A_1102 : i32 to vector<16xi32>
      %eq3A_1104 = arith.cmpi eq, %iota3A_927, %eq3A_1103 : vector<16xi32>
      %select_n3A_1105 = arith.select %eq3A_1104, %add3A_1101, %select_n3A_1061 : vector<16xi1>, vector<16xf32>
      %add3A_1106 = arith.constant 8 : i32
      %add3A_1107 = vector.broadcast %add3A_1106 : i32 to vector<16xi32>
      %add3A_1108 = arith.addi %iota3A_927, %add3A_1107 : vector<16xi32>
      %and3A_1109 = arith.constant 15 : i32
      %and3A_1110 = vector.broadcast %and3A_1109 : i32 to vector<16xi32>
      %and3A_1111 = arith.andi %add3A_1108, %and3A_1110 : vector<16xi32>
      %broadcast_in_dim3A_1112 = vector.shape_cast %and3A_1111 : vector<16xi32> to vector<16x1xi32>
      %gather3A_1113 = vector.shape_cast %broadcast_in_dim3A_1112 : vector<16x1xi32> to vector<16xi32>
      %gather3A_1114 = tpu.dynamic_gather %scan3A_925#4[%gather3A_1113] in [0] : vector<16xf32>, vector<16xi32> -> vector<16xf32>
      %add3A_1115 = arith.addf %scan3A_925#4, %gather3A_1114 : vector<16xf32>
      %add3A_1116 = arith.constant 4 : i32
      %add3A_1117 = vector.broadcast %add3A_1116 : i32 to vector<16xi32>
      %add3A_1118 = arith.addi %iota3A_927, %add3A_1117 : vector<16xi32>
      %and3A_1119 = arith.constant 15 : i32
      %and3A_1120 = vector.broadcast %and3A_1119 : i32 to vector<16xi32>
      %and3A_1121 = arith.andi %add3A_1118, %and3A_1120 : vector<16xi32>
      %broadcast_in_dim3A_1122 = vector.shape_cast %and3A_1121 : vector<16xi32> to vector<16x1xi32>
      %gather3A_1123 = vector.shape_cast %broadcast_in_dim3A_1122 : vector<16x1xi32> to vector<16xi32>
      %gather3A_1124 = tpu.dynamic_gather %add3A_1115[%gather3A_1123] in [0] : vector<16xf32>, vector<16xi32> -> vector<16xf32>
      %add3A_1125 = arith.addf %add3A_1115, %gather3A_1124 : vector<16xf32>
      %add3A_1126 = arith.constant 2 : i32
      %add3A_1127 = vector.broadcast %add3A_1126 : i32 to vector<16xi32>
      %add3A_1128 = arith.addi %iota3A_927, %add3A_1127 : vector<16xi32>
      %and3A_1129 = arith.constant 15 : i32
      %and3A_1130 = vector.broadcast %and3A_1129 : i32 to vector<16xi32>
      %and3A_1131 = arith.andi %add3A_1128, %and3A_1130 : vector<16xi32>
      %broadcast_in_dim3A_1132 = vector.shape_cast %and3A_1131 : vector<16xi32> to vector<16x1xi32>
      %gather3A_1133 = vector.shape_cast %broadcast_in_dim3A_1132 : vector<16x1xi32> to vector<16xi32>
      %gather3A_1134 = tpu.dynamic_gather %add3A_1125[%gather3A_1133] in [0] : vector<16xf32>, vector<16xi32> -> vector<16xf32>
      %add3A_1135 = arith.addf %add3A_1125, %gather3A_1134 : vector<16xf32>
      %add3A_1136 = arith.constant 1 : i32
      %add3A_1137 = vector.broadcast %add3A_1136 : i32 to vector<16xi32>
      %add3A_1138 = arith.addi %iota3A_927, %add3A_1137 : vector<16xi32>
      %and3A_1139 = arith.constant 15 : i32
      %and3A_1140 = vector.broadcast %and3A_1139 : i32 to vector<16xi32>
      %and3A_1141 = arith.andi %add3A_1138, %and3A_1140 : vector<16xi32>
      %broadcast_in_dim3A_1142 = vector.shape_cast %and3A_1141 : vector<16xi32> to vector<16x1xi32>
      %gather3A_1143 = vector.shape_cast %broadcast_in_dim3A_1142 : vector<16x1xi32> to vector<16xi32>
      %gather3A_1144 = tpu.dynamic_gather %add3A_1135[%gather3A_1143] in [0] : vector<16xf32>, vector<16xi32> -> vector<16xf32>
      %add3A_1145 = arith.addf %add3A_1135, %gather3A_1144 : vector<16xf32>
      %eq3A_1146 = arith.constant 4 : i32
      %eq3A_1147 = vector.broadcast %eq3A_1146 : i32 to vector<16xi32>
      %eq3A_1148 = arith.cmpi eq, %iota3A_927, %eq3A_1147 : vector<16xi32>
      %select_n3A_1149 = arith.select %eq3A_1148, %add3A_1145, %select_n3A_1105 : vector<16xi1>, vector<16xf32>
      %add3A_1150 = arith.constant 8 : i32
      %add3A_1151 = vector.broadcast %add3A_1150 : i32 to vector<16xi32>
      %add3A_1152 = arith.addi %iota3A_927, %add3A_1151 : vector<16xi32>
      %and3A_1153 = arith.constant 15 : i32
      %and3A_1154 = vector.broadcast %and3A_1153 : i32 to vector<16xi32>
      %and3A_1155 = arith.andi %add3A_1152, %and3A_1154 : vector<16xi32>
      %broadcast_in_dim3A_1156 = vector.shape_cast %and3A_1155 : vector<16xi32> to vector<16x1xi32>
      %gather3A_1157 = vector.shape_cast %broadcast_in_dim3A_1156 : vector<16x1xi32> to vector<16xi32>
      %gather3A_1158 = tpu.dynamic_gather %scan3A_925#5[%gather3A_1157] in [0] : vector<16xf32>, vector<16xi32> -> vector<16xf32>
      %add3A_1159 = arith.addf %scan3A_925#5, %gather3A_1158 : vector<16xf32>
      %add3A_1160 = arith.constant 4 : i32
      %add3A_1161 = vector.broadcast %add3A_1160 : i32 to vector<16xi32>
      %add3A_1162 = arith.addi %iota3A_927, %add3A_1161 : vector<16xi32>
      %and3A_1163 = arith.constant 15 : i32
      %and3A_1164 = vector.broadcast %and3A_1163 : i32 to vector<16xi32>
      %and3A_1165 = arith.andi %add3A_1162, %and3A_1164 : vector<16xi32>
      %broadcast_in_dim3A_1166 = vector.shape_cast %and3A_1165 : vector<16xi32> to vector<16x1xi32>
      %gather3A_1167 = vector.shape_cast %broadcast_in_dim3A_1166 : vector<16x1xi32> to vector<16xi32>
      %gather3A_1168 = tpu.dynamic_gather %add3A_1159[%gather3A_1167] in [0] : vector<16xf32>, vector<16xi32> -> vector<16xf32>
      %add3A_1169 = arith.addf %add3A_1159, %gather3A_1168 : vector<16xf32>
      %add3A_1170 = arith.constant 2 : i32
      %add3A_1171 = vector.broadcast %add3A_1170 : i32 to vector<16xi32>
      %add3A_1172 = arith.addi %iota3A_927, %add3A_1171 : vector<16xi32>
      %and3A_1173 = arith.constant 15 : i32
      %and3A_1174 = vector.broadcast %and3A_1173 : i32 to vector<16xi32>
      %and3A_1175 = arith.andi %add3A_1172, %and3A_1174 : vector<16xi32>
      %broadcast_in_dim3A_1176 = vector.shape_cast %and3A_1175 : vector<16xi32> to vector<16x1xi32>
      %gather3A_1177 = vector.shape_cast %broadcast_in_dim3A_1176 : vector<16x1xi32> to vector<16xi32>
      %gather3A_1178 = tpu.dynamic_gather %add3A_1169[%gather3A_1177] in [0] : vector<16xf32>, vector<16xi32> -> vector<16xf32>
      %add3A_1179 = arith.addf %add3A_1169, %gather3A_1178 : vector<16xf32>
      %add3A_1180 = arith.constant 1 : i32
      %add3A_1181 = vector.broadcast %add3A_1180 : i32 to vector<16xi32>
      %add3A_1182 = arith.addi %iota3A_927, %add3A_1181 : vector<16xi32>
      %and3A_1183 = arith.constant 15 : i32
      %and3A_1184 = vector.broadcast %and3A_1183 : i32 to vector<16xi32>
      %and3A_1185 = arith.andi %add3A_1182, %and3A_1184 : vector<16xi32>
      %broadcast_in_dim3A_1186 = vector.shape_cast %and3A_1185 : vector<16xi32> to vector<16x1xi32>
      %gather3A_1187 = vector.shape_cast %broadcast_in_dim3A_1186 : vector<16x1xi32> to vector<16xi32>
      %gather3A_1188 = tpu.dynamic_gather %add3A_1179[%gather3A_1187] in [0] : vector<16xf32>, vector<16xi32> -> vector<16xf32>
      %add3A_1189 = arith.addf %add3A_1179, %gather3A_1188 : vector<16xf32>
      %eq3A_1190 = arith.constant 5 : i32
      %eq3A_1191 = vector.broadcast %eq3A_1190 : i32 to vector<16xi32>
      %eq3A_1192 = arith.cmpi eq, %iota3A_927, %eq3A_1191 : vector<16xi32>
      %select_n3A_1193 = arith.select %eq3A_1192, %add3A_1189, %select_n3A_1149 : vector<16xi1>, vector<16xf32>
      %add3A_1194 = arith.constant 8 : i32
      %add3A_1195 = vector.broadcast %add3A_1194 : i32 to vector<16xi32>
      %add3A_1196 = arith.addi %iota3A_927, %add3A_1195 : vector<16xi32>
      %and3A_1197 = arith.constant 15 : i32
      %and3A_1198 = vector.broadcast %and3A_1197 : i32 to vector<16xi32>
      %and3A_1199 = arith.andi %add3A_1196, %and3A_1198 : vector<16xi32>
      %broadcast_in_dim3A_1200 = vector.shape_cast %and3A_1199 : vector<16xi32> to vector<16x1xi32>
      %gather3A_1201 = vector.shape_cast %broadcast_in_dim3A_1200 : vector<16x1xi32> to vector<16xi32>
      %gather3A_1202 = tpu.dynamic_gather %scan3A_925#6[%gather3A_1201] in [0] : vector<16xf32>, vector<16xi32> -> vector<16xf32>
      %add3A_1203 = arith.addf %scan3A_925#6, %gather3A_1202 : vector<16xf32>
      %add3A_1204 = arith.constant 4 : i32
      %add3A_1205 = vector.broadcast %add3A_1204 : i32 to vector<16xi32>
      %add3A_1206 = arith.addi %iota3A_927, %add3A_1205 : vector<16xi32>
      %and3A_1207 = arith.constant 15 : i32
      %and3A_1208 = vector.broadcast %and3A_1207 : i32 to vector<16xi32>
      %and3A_1209 = arith.andi %add3A_1206, %and3A_1208 : vector<16xi32>
      %broadcast_in_dim3A_1210 = vector.shape_cast %and3A_1209 : vector<16xi32> to vector<16x1xi32>
      %gather3A_1211 = vector.shape_cast %broadcast_in_dim3A_1210 : vector<16x1xi32> to vector<16xi32>
      %gather3A_1212 = tpu.dynamic_gather %add3A_1203[%gather3A_1211] in [0] : vector<16xf32>, vector<16xi32> -> vector<16xf32>
      %add3A_1213 = arith.addf %add3A_1203, %gather3A_1212 : vector<16xf32>
      %add3A_1214 = arith.constant 2 : i32
      %add3A_1215 = vector.broadcast %add3A_1214 : i32 to vector<16xi32>
      %add3A_1216 = arith.addi %iota3A_927, %add3A_1215 : vector<16xi32>
      %and3A_1217 = arith.constant 15 : i32
      %and3A_1218 = vector.broadcast %and3A_1217 : i32 to vector<16xi32>
      %and3A_1219 = arith.andi %add3A_1216, %and3A_1218 : vector<16xi32>
      %broadcast_in_dim3A_1220 = vector.shape_cast %and3A_1219 : vector<16xi32> to vector<16x1xi32>
      %gather3A_1221 = vector.shape_cast %broadcast_in_dim3A_1220 : vector<16x1xi32> to vector<16xi32>
      %gather3A_1222 = tpu.dynamic_gather %add3A_1213[%gather3A_1221] in [0] : vector<16xf32>, vector<16xi32> -> vector<16xf32>
      %add3A_1223 = arith.addf %add3A_1213, %gather3A_1222 : vector<16xf32>
      %add3A_1224 = arith.constant 1 : i32
      %add3A_1225 = vector.broadcast %add3A_1224 : i32 to vector<16xi32>
      %add3A_1226 = arith.addi %iota3A_927, %add3A_1225 : vector<16xi32>
      %and3A_1227 = arith.constant 15 : i32
      %and3A_1228 = vector.broadcast %and3A_1227 : i32 to vector<16xi32>
      %and3A_1229 = arith.andi %add3A_1226, %and3A_1228 : vector<16xi32>
      %broadcast_in_dim3A_1230 = vector.shape_cast %and3A_1229 : vector<16xi32> to vector<16x1xi32>
      %gather3A_1231 = vector.shape_cast %broadcast_in_dim3A_1230 : vector<16x1xi32> to vector<16xi32>
      %gather3A_1232 = tpu.dynamic_gather %add3A_1223[%gather3A_1231] in [0] : vector<16xf32>, vector<16xi32> -> vector<16xf32>
      %add3A_1233 = arith.addf %add3A_1223, %gather3A_1232 : vector<16xf32>
      %eq3A_1234 = arith.constant 6 : i32
      %eq3A_1235 = vector.broadcast %eq3A_1234 : i32 to vector<16xi32>
      %eq3A_1236 = arith.cmpi eq, %iota3A_927, %eq3A_1235 : vector<16xi32>
      %select_n3A_1237 = arith.select %eq3A_1236, %add3A_1233, %select_n3A_1193 : vector<16xi1>, vector<16xf32>
      %add3A_1238 = arith.constant 8 : i32
      %add3A_1239 = vector.broadcast %add3A_1238 : i32 to vector<16xi32>
      %add3A_1240 = arith.addi %iota3A_927, %add3A_1239 : vector<16xi32>
      %and3A_1241 = arith.constant 15 : i32
      %and3A_1242 = vector.broadcast %and3A_1241 : i32 to vector<16xi32>
      %and3A_1243 = arith.andi %add3A_1240, %and3A_1242 : vector<16xi32>
      %broadcast_in_dim3A_1244 = vector.shape_cast %and3A_1243 : vector<16xi32> to vector<16x1xi32>
      %gather3A_1245 = vector.shape_cast %broadcast_in_dim3A_1244 : vector<16x1xi32> to vector<16xi32>
      %gather3A_1246 = tpu.dynamic_gather %scan3A_925#7[%gather3A_1245] in [0] : vector<16xf32>, vector<16xi32> -> vector<16xf32>
      %add3A_1247 = arith.addf %scan3A_925#7, %gather3A_1246 : vector<16xf32>
      %add3A_1248 = arith.constant 4 : i32
      %add3A_1249 = vector.broadcast %add3A_1248 : i32 to vector<16xi32>
      %add3A_1250 = arith.addi %iota3A_927, %add3A_1249 : vector<16xi32>
      %and3A_1251 = arith.constant 15 : i32
      %and3A_1252 = vector.broadcast %and3A_1251 : i32 to vector<16xi32>
      %and3A_1253 = arith.andi %add3A_1250, %and3A_1252 : vector<16xi32>
      %broadcast_in_dim3A_1254 = vector.shape_cast %and3A_1253 : vector<16xi32> to vector<16x1xi32>
      %gather3A_1255 = vector.shape_cast %broadcast_in_dim3A_1254 : vector<16x1xi32> to vector<16xi32>
      %gather3A_1256 = tpu.dynamic_gather %add3A_1247[%gather3A_1255] in [0] : vector<16xf32>, vector<16xi32> -> vector<16xf32>
      %add3A_1257 = arith.addf %add3A_1247, %gather3A_1256 : vector<16xf32>
      %add3A_1258 = arith.constant 2 : i32
      %add3A_1259 = vector.broadcast %add3A_1258 : i32 to vector<16xi32>
      %add3A_1260 = arith.addi %iota3A_927, %add3A_1259 : vector<16xi32>
      %and3A_1261 = arith.constant 15 : i32
      %and3A_1262 = vector.broadcast %and3A_1261 : i32 to vector<16xi32>
      %and3A_1263 = arith.andi %add3A_1260, %and3A_1262 : vector<16xi32>
      %broadcast_in_dim3A_1264 = vector.shape_cast %and3A_1263 : vector<16xi32> to vector<16x1xi32>
      %gather3A_1265 = vector.shape_cast %broadcast_in_dim3A_1264 : vector<16x1xi32> to vector<16xi32>
      %gather3A_1266 = tpu.dynamic_gather %add3A_1257[%gather3A_1265] in [0] : vector<16xf32>, vector<16xi32> -> vector<16xf32>
      %add3A_1267 = arith.addf %add3A_1257, %gather3A_1266 : vector<16xf32>
      %add3A_1268 = arith.constant 1 : i32
      %add3A_1269 = vector.broadcast %add3A_1268 : i32 to vector<16xi32>
      %add3A_1270 = arith.addi %iota3A_927, %add3A_1269 : vector<16xi32>
      %and3A_1271 = arith.constant 15 : i32
      %and3A_1272 = vector.broadcast %and3A_1271 : i32 to vector<16xi32>
      %and3A_1273 = arith.andi %add3A_1270, %and3A_1272 : vector<16xi32>
      %broadcast_in_dim3A_1274 = vector.shape_cast %and3A_1273 : vector<16xi32> to vector<16x1xi32>
      %gather3A_1275 = vector.shape_cast %broadcast_in_dim3A_1274 : vector<16x1xi32> to vector<16xi32>
      %gather3A_1276 = tpu.dynamic_gather %add3A_1267[%gather3A_1275] in [0] : vector<16xf32>, vector<16xi32> -> vector<16xf32>
      %add3A_1277 = arith.addf %add3A_1267, %gather3A_1276 : vector<16xf32>
      %eq3A_1278 = arith.constant 7 : i32
      %eq3A_1279 = vector.broadcast %eq3A_1278 : i32 to vector<16xi32>
      %eq3A_1280 = arith.cmpi eq, %iota3A_927, %eq3A_1279 : vector<16xi32>
      %select_n3A_1281 = arith.select %eq3A_1280, %add3A_1277, %select_n3A_1237 : vector<16xi1>, vector<16xf32>
      %swap3A_1282 = arith.index_cast %add3A_890 : i32 to index
      %swap3A_1283 = arith.constant 0 : index
      %swap3A_1284 = tpu.vector_load %arg11[%swap3A_1282, %swap3A_1283] {strides = array<i32>} : memref<625x16xf32, #tpu.memory_space<vmem>>, vector<1x16xf32>,
      %swap3A_1285 = vector.shape_cast %swap3A_1284 : vector<1x16xf32> to vector<16xf32>
      %swap3A_1286 = vector.shape_cast %select_n3A_1281 : vector<16xf32> to vector<1x16xf32>
      tpu.vector_store %arg11[%swap3A_1282, %swap3A_1283], %swap3A_1286 {strides = array<i32>} : memref<625x16xf32, #tpu.memory_space<vmem>>, vector<1x16xf32>,
      %add3A_1287 = arith.constant 5 : i32
      %add3A_1288 = arith.addi %add3A_890, %add3A_1287 : i32
      %lt3A_1289 = arith.constant 625 : i32
      %lt3A_1290 = arith.cmpi slt, %add3A_1288, %lt3A_1289 : i32
      %convert_element_type3A_1291 = arith.extui %lt3A_1290 : i1 to i32
      %cond3A_1292 = arith.constant 0 : i32
      %cond3A_1293 = arith.cmpi ne, %convert_element_type3A_1291, %cond3A_1292 : i32
      scf.if %cond3A_1293 {
        %add3A_2109 = arith.constant 5 : i32
        %add3A_2110 = arith.addi %add3A_890, %add3A_2109 : i32
        %dma_start3A_2111 = arith.constant 0 : i32
        %dma_start3A_2112 = tpu.memref_slice %arg8[%add3A_2110, %dma_start3A_2111] : memref<625x8xi32, #tpu.memory_space<vmem>> -> memref<1x8xi32, #tpu.memory_space<vmem>>
        %dma_start3A_2113 = tpu.memref_squeeze %dma_start3A_2112 : memref<1x8xi32, #tpu.memory_space<vmem>> -> memref<8xi32, #tpu.memory_space<vmem>>
        %dma_start3A_2114 = arith.constant 0 : i32
        %dma_start3A_2115 = arith.constant 0 : i32
        %dma_start3A_2116 = tpu.memref_slice %arg2[%dma_start3A_2114, %dma_start3A_2115] : memref<10000x1280xf32, #tpu.memory_space<hbm>> -> memref<10000x1280xf32, #tpu.memory_space<hbm>>
        tpu.enqueue_indirect_dma source(%dma_start3A_2116 : memref<10000x1280xf32, #tpu.memory_space<hbm>>) target(%arg14 : memref<8x1280xf32, #tpu.memory_space<vmem>>) offsets(%dma_start3A_2113 : memref<8xi32, #tpu.memory_space<vmem>>) semaphore(%arg24 : memref<!tpu.dma_semaphore, #tpu.memory_space<semaphore_mem>>)
        %dma_start3A_2117 = arith.constant 0 : i32
        %dma_start3A_2118 = tpu.memref_slice %arg9[%add3A_2110, %dma_start3A_2117] : memref<625x8xi32, #tpu.memory_space<vmem>> -> memref<1x8xi32, #tpu.memory_space<vmem>>
        %dma_start3A_2119 = tpu.memref_squeeze %dma_start3A_2118 : memref<1x8xi32, #tpu.memory_space<vmem>> -> memref<8xi32, #tpu.memory_space<vmem>>
        %dma_start3A_2120 = arith.constant 0 : i32
        %dma_start3A_2121 = arith.constant 0 : i32
        %dma_start3A_2122 = tpu.memref_slice %arg3[%dma_start3A_2120, %dma_start3A_2121] : memref<10000x1280xf32, #tpu.memory_space<hbm>> -> memref<10000x1280xf32, #tpu.memory_space<hbm>>
        tpu.enqueue_indirect_dma source(%dma_start3A_2122 : memref<10000x1280xf32, #tpu.memory_space<hbm>>) target(%arg19 : memref<8x1280xf32, #tpu.memory_space<vmem>>) offsets(%dma_start3A_2119 : memref<8xi32, #tpu.memory_space<vmem>>) semaphore(%arg29 : memref<!tpu.dma_semaphore, #tpu.memory_space<semaphore_mem>>)
      } else {
      }
      %mul3A_1294 = arith.constant 5 : i32
      %mul3A_1295 = arith.muli %scan3A_82, %mul3A_1294 : i32
      %add3A_1296 = arith.constant 3 : i32
      %add3A_1297 = arith.addi %mul3A_1295, %add3A_1296 : i32
      %dma_wait3A_1298 = arith.constant 0 : i32
      %dma_wait3A_1299 = arith.constant 0 : i32
      %dma_wait3A_1300 = tpu.memref_slice %arg8[%dma_wait3A_1298, %dma_wait3A_1299] : memref<625x8xi32, #tpu.memory_space<vmem>> -> memref<1x8xi32, #tpu.memory_space<vmem>>
      %dma_wait3A_1301 = tpu.memref_squeeze %dma_wait3A_1300 : memref<1x8xi32, #tpu.memory_space<vmem>> -> memref<8xi32, #tpu.memory_space<vmem>>
      %dma_wait3A_1302 = arith.constant 0 : i32
      %dma_wait3A_1303 = arith.constant 0 : i32
      %dma_wait3A_1304 = tpu.memref_slice %arg2[%dma_wait3A_1302, %dma_wait3A_1303] : memref<10000x1280xf32, #tpu.memory_space<hbm>> -> memref<10000x1280xf32, #tpu.memory_space<hbm>>
      tpu.wait_indirect_dma semaphore(%arg25 : memref<!tpu.dma_semaphore, #tpu.memory_space<semaphore_mem>>) src(%dma_wait3A_1304 : memref<10000x1280xf32, #tpu.memory_space<hbm>>) dst(%arg15 : memref<8x1280xf32, #tpu.memory_space<vmem>>)
      %dma_wait3A_1305 = arith.constant 0 : i32
      %dma_wait3A_1306 = arith.constant 0 : i32
      %dma_wait3A_1307 = tpu.memref_slice %arg9[%dma_wait3A_1305, %dma_wait3A_1306] : memref<625x8xi32, #tpu.memory_space<vmem>> -> memref<1x8xi32, #tpu.memory_space<vmem>>
      %dma_wait3A_1308 = tpu.memref_squeeze %dma_wait3A_1307 : memref<1x8xi32, #tpu.memory_space<vmem>> -> memref<8xi32, #tpu.memory_space<vmem>>
      %dma_wait3A_1309 = arith.constant 0 : i32
      %dma_wait3A_1310 = arith.constant 0 : i32
      %dma_wait3A_1311 = tpu.memref_slice %arg3[%dma_wait3A_1309, %dma_wait3A_1310] : memref<10000x1280xf32, #tpu.memory_space<hbm>> -> memref<10000x1280xf32, #tpu.memory_space<hbm>>
      tpu.wait_indirect_dma semaphore(%arg30 : memref<!tpu.dma_semaphore, #tpu.memory_space<semaphore_mem>>) src(%dma_wait3A_1311 : memref<10000x1280xf32, #tpu.memory_space<hbm>>) dst(%arg20 : memref<8x1280xf32, #tpu.memory_space<vmem>>)
      %broadcast_in_dim3A_1312 = arith.constant 0.000000e+00 : f32
      %broadcast_in_dim3A_1313 = vector.broadcast %broadcast_in_dim3A_1312 : f32 to vector<16xf32>
      %broadcast_in_dim3A_1314 = arith.constant 0.000000e+00 : f32
      %broadcast_in_dim3A_1315 = vector.broadcast %broadcast_in_dim3A_1314 : f32 to vector<16xf32>
      %broadcast_in_dim3A_1316 = arith.constant 0.000000e+00 : f32
      %broadcast_in_dim3A_1317 = vector.broadcast %broadcast_in_dim3A_1316 : f32 to vector<16xf32>
      %broadcast_in_dim3A_1318 = arith.constant 0.000000e+00 : f32
      %broadcast_in_dim3A_1319 = vector.broadcast %broadcast_in_dim3A_1318 : f32 to vector<16xf32>
      %broadcast_in_dim3A_1320 = arith.constant 0.000000e+00 : f32
      %broadcast_in_dim3A_1321 = vector.broadcast %broadcast_in_dim3A_1320 : f32 to vector<16xf32>
      %broadcast_in_dim3A_1322 = arith.constant 0.000000e+00 : f32
      %broadcast_in_dim3A_1323 = vector.broadcast %broadcast_in_dim3A_1322 : f32 to vector<16xf32>
      %broadcast_in_dim3A_1324 = arith.constant 0.000000e+00 : f32
      %broadcast_in_dim3A_1325 = vector.broadcast %broadcast_in_dim3A_1324 : f32 to vector<16xf32>
      %broadcast_in_dim3A_1326 = arith.constant 0.000000e+00 : f32
      %broadcast_in_dim3A_1327 = vector.broadcast %broadcast_in_dim3A_1326 : f32 to vector<16xf32>
      %scan3A_1328 = arith.constant 0 : i32
      %scan3A_1329 = arith.constant 80 : i32
      %scan3A_1330 = arith.addi %scan3A_1328, %scan3A_1329 : i32
      %scan3A_1331 = arith.constant 1 : i32
      %scan3A_1332:8 = scf.for %scan3A_2109 = %scan3A_1328 to %scan3A_1330 step %scan3A_1331 iter_args(%scan3A_2110 = %broadcast_in_dim3A_1313, %scan3A_2111 = %broadcast_in_dim3A_1315, %scan3A_2112 = %broadcast_in_dim3A_1317, %scan3A_2113 = %broadcast_in_dim3A_1319, %scan3A_2114 = %broadcast_in_dim3A_1321, %scan3A_2115 = %broadcast_in_dim3A_1323, %scan3A_2116 = %broadcast_in_dim3A_1325, %scan3A_2117 = %broadcast_in_dim3A_1327) -> (vector<16xf32>, vector<16xf32>, vector<16xf32>, vector<16xf32>, vector<16xf32>, vector<16xf32>, vector<16xf32>, vector<16xf32>)  : i32 {
        %mul3A_2118 = arith.constant 16 : i32
        %mul3A_2119 = arith.muli %scan3A_2109, %mul3A_2118 : i32
        %get3A = arith.index_cast %mul3A_2119 : i32 to index
        %get3A_2120 = tpu.vector_load %arg10[%get3A] {strides = array<i32>} : memref<1280xf32, #tpu.memory_space<vmem>>, vector<16xf32>,
        %get3A_2121 = vector.shape_cast %get3A_2120 : vector<16xf32> to vector<16xf32>
        %mul3A_2122 = arith.constant 16 : i32
        %mul3A_2123 = arith.muli %scan3A_2109, %mul3A_2122 : i32
        %get3A_2124 = arith.constant 0 : i32
        %get3A_2125 = arith.index_cast %get3A_2124 : i32 to index
        %get3A_2126 = arith.index_cast %mul3A_2123 : i32 to index
        %get3A_2127 = tpu.vector_load %arg15[%get3A_2125, %get3A_2126] {strides = array<i32>} : memref<8x1280xf32, #tpu.memory_space<vmem>>, vector<1x16xf32>,
        %get3A_2128 = vector.shape_cast %get3A_2127 : vector<1x16xf32> to vector<16xf32>
        %mul3A_2129 = arith.constant 16 : i32
        %mul3A_2130 = arith.muli %scan3A_2109, %mul3A_2129 : i32
        %get3A_2131 = arith.constant 0 : i32
        %get3A_2132 = arith.index_cast %get3A_2131 : i32 to index
        %get3A_2133 = arith.index_cast %mul3A_2130 : i32 to index
        %get3A_2134 = tpu.vector_load %arg20[%get3A_2132, %get3A_2133] {strides = array<i32>} : memref<8x1280xf32, #tpu.memory_space<vmem>>, vector<1x16xf32>,
        %get3A_2135 = vector.shape_cast %get3A_2134 : vector<1x16xf32> to vector<16xf32>
        %add3A_2136 = arith.addf %get3A_2128, %get3A_2135 : vector<16xf32>
        %max3A = arith.constant 0.000000e+00 : f32
        %max3A_2137 = vector.broadcast %max3A : f32 to vector<16xf32>
        %max3A_2138 = arith.maximumf %add3A_2136, %max3A_2137 : vector<16xf32>
        %mul3A_2139 = arith.constant 6.553700e+04 : f32
        %mul3A_2140 = vector.broadcast %mul3A_2139 : f32 to vector<16xf32>
        %mul3A_2141 = arith.mulf %max3A_2138, %mul3A_2140 : vector<16xf32>
        %sub3A = arith.subf %mul3A_2141, %max3A_2138 : vector<16xf32>
        %sub3A_2142 = arith.subf %mul3A_2141, %sub3A : vector<16xf32>
        %mul3A_2143 = arith.mulf %get3A_2121, %sub3A_2142 : vector<16xf32>
        %add3A_2144 = arith.addf %scan3A_2110, %mul3A_2143 : vector<16xf32>
        %mul3A_2145 = arith.constant 16 : i32
        %mul3A_2146 = arith.muli %scan3A_2109, %mul3A_2145 : i32
        %get3A_2147 = arith.constant 1 : i32
        %get3A_2148 = arith.index_cast %get3A_2147 : i32 to index
        %get3A_2149 = arith.index_cast %mul3A_2146 : i32 to index
        %get3A_2150 = tpu.vector_load %arg15[%get3A_2148, %get3A_2149] {strides = array<i32>} : memref<8x1280xf32, #tpu.memory_space<vmem>>, vector<1x16xf32>,
        %get3A_2151 = vector.shape_cast %get3A_2150 : vector<1x16xf32> to vector<16xf32>
        %mul3A_2152 = arith.constant 16 : i32
        %mul3A_2153 = arith.muli %scan3A_2109, %mul3A_2152 : i32
        %get3A_2154 = arith.constant 1 : i32
        %get3A_2155 = arith.index_cast %get3A_2154 : i32 to index
        %get3A_2156 = arith.index_cast %mul3A_2153 : i32 to index
        %get3A_2157 = tpu.vector_load %arg20[%get3A_2155, %get3A_2156] {strides = array<i32>} : memref<8x1280xf32, #tpu.memory_space<vmem>>, vector<1x16xf32>,
        %get3A_2158 = vector.shape_cast %get3A_2157 : vector<1x16xf32> to vector<16xf32>
        %add3A_2159 = arith.addf %get3A_2151, %get3A_2158 : vector<16xf32>
        %max3A_2160 = arith.constant 0.000000e+00 : f32
        %max3A_2161 = vector.broadcast %max3A_2160 : f32 to vector<16xf32>
        %max3A_2162 = arith.maximumf %add3A_2159, %max3A_2161 : vector<16xf32>
        %mul3A_2163 = arith.constant 6.553700e+04 : f32
        %mul3A_2164 = vector.broadcast %mul3A_2163 : f32 to vector<16xf32>
        %mul3A_2165 = arith.mulf %max3A_2162, %mul3A_2164 : vector<16xf32>
        %sub3A_2166 = arith.subf %mul3A_2165, %max3A_2162 : vector<16xf32>
        %sub3A_2167 = arith.subf %mul3A_2165, %sub3A_2166 : vector<16xf32>
        %mul3A_2168 = arith.mulf %get3A_2121, %sub3A_2167 : vector<16xf32>
        %add3A_2169 = arith.addf %scan3A_2111, %mul3A_2168 : vector<16xf32>
        %mul3A_2170 = arith.constant 16 : i32
        %mul3A_2171 = arith.muli %scan3A_2109, %mul3A_2170 : i32
        %get3A_2172 = arith.constant 2 : i32
        %get3A_2173 = arith.index_cast %get3A_2172 : i32 to index
        %get3A_2174 = arith.index_cast %mul3A_2171 : i32 to index
        %get3A_2175 = tpu.vector_load %arg15[%get3A_2173, %get3A_2174] {strides = array<i32>} : memref<8x1280xf32, #tpu.memory_space<vmem>>, vector<1x16xf32>,
        %get3A_2176 = vector.shape_cast %get3A_2175 : vector<1x16xf32> to vector<16xf32>
        %mul3A_2177 = arith.constant 16 : i32
        %mul3A_2178 = arith.muli %scan3A_2109, %mul3A_2177 : i32
        %get3A_2179 = arith.constant 2 : i32
        %get3A_2180 = arith.index_cast %get3A_2179 : i32 to index
        %get3A_2181 = arith.index_cast %mul3A_2178 : i32 to index
        %get3A_2182 = tpu.vector_load %arg20[%get3A_2180, %get3A_2181] {strides = array<i32>} : memref<8x1280xf32, #tpu.memory_space<vmem>>, vector<1x16xf32>,
        %get3A_2183 = vector.shape_cast %get3A_2182 : vector<1x16xf32> to vector<16xf32>
        %add3A_2184 = arith.addf %get3A_2176, %get3A_2183 : vector<16xf32>
        %max3A_2185 = arith.constant 0.000000e+00 : f32
        %max3A_2186 = vector.broadcast %max3A_2185 : f32 to vector<16xf32>
        %max3A_2187 = arith.maximumf %add3A_2184, %max3A_2186 : vector<16xf32>
        %mul3A_2188 = arith.constant 6.553700e+04 : f32
        %mul3A_2189 = vector.broadcast %mul3A_2188 : f32 to vector<16xf32>
        %mul3A_2190 = arith.mulf %max3A_2187, %mul3A_2189 : vector<16xf32>
        %sub3A_2191 = arith.subf %mul3A_2190, %max3A_2187 : vector<16xf32>
        %sub3A_2192 = arith.subf %mul3A_2190, %sub3A_2191 : vector<16xf32>
        %mul3A_2193 = arith.mulf %get3A_2121, %sub3A_2192 : vector<16xf32>
        %add3A_2194 = arith.addf %scan3A_2112, %mul3A_2193 : vector<16xf32>
        %mul3A_2195 = arith.constant 16 : i32
        %mul3A_2196 = arith.muli %scan3A_2109, %mul3A_2195 : i32
        %get3A_2197 = arith.constant 3 : i32
        %get3A_2198 = arith.index_cast %get3A_2197 : i32 to index
        %get3A_2199 = arith.index_cast %mul3A_2196 : i32 to index
        %get3A_2200 = tpu.vector_load %arg15[%get3A_2198, %get3A_2199] {strides = array<i32>} : memref<8x1280xf32, #tpu.memory_space<vmem>>, vector<1x16xf32>,
        %get3A_2201 = vector.shape_cast %get3A_2200 : vector<1x16xf32> to vector<16xf32>
        %mul3A_2202 = arith.constant 16 : i32
        %mul3A_2203 = arith.muli %scan3A_2109, %mul3A_2202 : i32
        %get3A_2204 = arith.constant 3 : i32
        %get3A_2205 = arith.index_cast %get3A_2204 : i32 to index
        %get3A_2206 = arith.index_cast %mul3A_2203 : i32 to index
        %get3A_2207 = tpu.vector_load %arg20[%get3A_2205, %get3A_2206] {strides = array<i32>} : memref<8x1280xf32, #tpu.memory_space<vmem>>, vector<1x16xf32>,
        %get3A_2208 = vector.shape_cast %get3A_2207 : vector<1x16xf32> to vector<16xf32>
        %add3A_2209 = arith.addf %get3A_2201, %get3A_2208 : vector<16xf32>
        %max3A_2210 = arith.constant 0.000000e+00 : f32
        %max3A_2211 = vector.broadcast %max3A_2210 : f32 to vector<16xf32>
        %max3A_2212 = arith.maximumf %add3A_2209, %max3A_2211 : vector<16xf32>
        %mul3A_2213 = arith.constant 6.553700e+04 : f32
        %mul3A_2214 = vector.broadcast %mul3A_2213 : f32 to vector<16xf32>
        %mul3A_2215 = arith.mulf %max3A_2212, %mul3A_2214 : vector<16xf32>
        %sub3A_2216 = arith.subf %mul3A_2215, %max3A_2212 : vector<16xf32>
        %sub3A_2217 = arith.subf %mul3A_2215, %sub3A_2216 : vector<16xf32>
        %mul3A_2218 = arith.mulf %get3A_2121, %sub3A_2217 : vector<16xf32>
        %add3A_2219 = arith.addf %scan3A_2113, %mul3A_2218 : vector<16xf32>
        %mul3A_2220 = arith.constant 16 : i32
        %mul3A_2221 = arith.muli %scan3A_2109, %mul3A_2220 : i32
        %get3A_2222 = arith.constant 4 : i32
        %get3A_2223 = arith.index_cast %get3A_2222 : i32 to index
        %get3A_2224 = arith.index_cast %mul3A_2221 : i32 to index
        %get3A_2225 = tpu.vector_load %arg15[%get3A_2223, %get3A_2224] {strides = array<i32>} : memref<8x1280xf32, #tpu.memory_space<vmem>>, vector<1x16xf32>,
        %get3A_2226 = vector.shape_cast %get3A_2225 : vector<1x16xf32> to vector<16xf32>
        %mul3A_2227 = arith.constant 16 : i32
        %mul3A_2228 = arith.muli %scan3A_2109, %mul3A_2227 : i32
        %get3A_2229 = arith.constant 4 : i32
        %get3A_2230 = arith.index_cast %get3A_2229 : i32 to index
        %get3A_2231 = arith.index_cast %mul3A_2228 : i32 to index
        %get3A_2232 = tpu.vector_load %arg20[%get3A_2230, %get3A_2231] {strides = array<i32>} : memref<8x1280xf32, #tpu.memory_space<vmem>>, vector<1x16xf32>,
        %get3A_2233 = vector.shape_cast %get3A_2232 : vector<1x16xf32> to vector<16xf32>
        %add3A_2234 = arith.addf %get3A_2226, %get3A_2233 : vector<16xf32>
        %max3A_2235 = arith.constant 0.000000e+00 : f32
        %max3A_2236 = vector.broadcast %max3A_2235 : f32 to vector<16xf32>
        %max3A_2237 = arith.maximumf %add3A_2234, %max3A_2236 : vector<16xf32>
        %mul3A_2238 = arith.constant 6.553700e+04 : f32
        %mul3A_2239 = vector.broadcast %mul3A_2238 : f32 to vector<16xf32>
        %mul3A_2240 = arith.mulf %max3A_2237, %mul3A_2239 : vector<16xf32>
        %sub3A_2241 = arith.subf %mul3A_2240, %max3A_2237 : vector<16xf32>
        %sub3A_2242 = arith.subf %mul3A_2240, %sub3A_2241 : vector<16xf32>
        %mul3A_2243 = arith.mulf %get3A_2121, %sub3A_2242 : vector<16xf32>
        %add3A_2244 = arith.addf %scan3A_2114, %mul3A_2243 : vector<16xf32>
        %mul3A_2245 = arith.constant 16 : i32
        %mul3A_2246 = arith.muli %scan3A_2109, %mul3A_2245 : i32
        %get3A_2247 = arith.constant 5 : i32
        %get3A_2248 = arith.index_cast %get3A_2247 : i32 to index
        %get3A_2249 = arith.index_cast %mul3A_2246 : i32 to index
        %get3A_2250 = tpu.vector_load %arg15[%get3A_2248, %get3A_2249] {strides = array<i32>} : memref<8x1280xf32, #tpu.memory_space<vmem>>, vector<1x16xf32>,
        %get3A_2251 = vector.shape_cast %get3A_2250 : vector<1x16xf32> to vector<16xf32>
        %mul3A_2252 = arith.constant 16 : i32
        %mul3A_2253 = arith.muli %scan3A_2109, %mul3A_2252 : i32
        %get3A_2254 = arith.constant 5 : i32
        %get3A_2255 = arith.index_cast %get3A_2254 : i32 to index
        %get3A_2256 = arith.index_cast %mul3A_2253 : i32 to index
        %get3A_2257 = tpu.vector_load %arg20[%get3A_2255, %get3A_2256] {strides = array<i32>} : memref<8x1280xf32, #tpu.memory_space<vmem>>, vector<1x16xf32>,
        %get3A_2258 = vector.shape_cast %get3A_2257 : vector<1x16xf32> to vector<16xf32>
        %add3A_2259 = arith.addf %get3A_2251, %get3A_2258 : vector<16xf32>
        %max3A_2260 = arith.constant 0.000000e+00 : f32
        %max3A_2261 = vector.broadcast %max3A_2260 : f32 to vector<16xf32>
        %max3A_2262 = arith.maximumf %add3A_2259, %max3A_2261 : vector<16xf32>
        %mul3A_2263 = arith.constant 6.553700e+04 : f32
        %mul3A_2264 = vector.broadcast %mul3A_2263 : f32 to vector<16xf32>
        %mul3A_2265 = arith.mulf %max3A_2262, %mul3A_2264 : vector<16xf32>
        %sub3A_2266 = arith.subf %mul3A_2265, %max3A_2262 : vector<16xf32>
        %sub3A_2267 = arith.subf %mul3A_2265, %sub3A_2266 : vector<16xf32>
        %mul3A_2268 = arith.mulf %get3A_2121, %sub3A_2267 : vector<16xf32>
        %add3A_2269 = arith.addf %scan3A_2115, %mul3A_2268 : vector<16xf32>
        %mul3A_2270 = arith.constant 16 : i32
        %mul3A_2271 = arith.muli %scan3A_2109, %mul3A_2270 : i32
        %get3A_2272 = arith.constant 6 : i32
        %get3A_2273 = arith.index_cast %get3A_2272 : i32 to index
        %get3A_2274 = arith.index_cast %mul3A_2271 : i32 to index
        %get3A_2275 = tpu.vector_load %arg15[%get3A_2273, %get3A_2274] {strides = array<i32>} : memref<8x1280xf32, #tpu.memory_space<vmem>>, vector<1x16xf32>,
        %get3A_2276 = vector.shape_cast %get3A_2275 : vector<1x16xf32> to vector<16xf32>
        %mul3A_2277 = arith.constant 16 : i32
        %mul3A_2278 = arith.muli %scan3A_2109, %mul3A_2277 : i32
        %get3A_2279 = arith.constant 6 : i32
        %get3A_2280 = arith.index_cast %get3A_2279 : i32 to index
        %get3A_2281 = arith.index_cast %mul3A_2278 : i32 to index
        %get3A_2282 = tpu.vector_load %arg20[%get3A_2280, %get3A_2281] {strides = array<i32>} : memref<8x1280xf32, #tpu.memory_space<vmem>>, vector<1x16xf32>,
        %get3A_2283 = vector.shape_cast %get3A_2282 : vector<1x16xf32> to vector<16xf32>
        %add3A_2284 = arith.addf %get3A_2276, %get3A_2283 : vector<16xf32>
        %max3A_2285 = arith.constant 0.000000e+00 : f32
        %max3A_2286 = vector.broadcast %max3A_2285 : f32 to vector<16xf32>
        %max3A_2287 = arith.maximumf %add3A_2284, %max3A_2286 : vector<16xf32>
        %mul3A_2288 = arith.constant 6.553700e+04 : f32
        %mul3A_2289 = vector.broadcast %mul3A_2288 : f32 to vector<16xf32>
        %mul3A_2290 = arith.mulf %max3A_2287, %mul3A_2289 : vector<16xf32>
        %sub3A_2291 = arith.subf %mul3A_2290, %max3A_2287 : vector<16xf32>
        %sub3A_2292 = arith.subf %mul3A_2290, %sub3A_2291 : vector<16xf32>
        %mul3A_2293 = arith.mulf %get3A_2121, %sub3A_2292 : vector<16xf32>
        %add3A_2294 = arith.addf %scan3A_2116, %mul3A_2293 : vector<16xf32>
        %mul3A_2295 = arith.constant 16 : i32
        %mul3A_2296 = arith.muli %scan3A_2109, %mul3A_2295 : i32
        %get3A_2297 = arith.constant 7 : i32
        %get3A_2298 = arith.index_cast %get3A_2297 : i32 to index
        %get3A_2299 = arith.index_cast %mul3A_2296 : i32 to index
        %get3A_2300 = tpu.vector_load %arg15[%get3A_2298, %get3A_2299] {strides = array<i32>} : memref<8x1280xf32, #tpu.memory_space<vmem>>, vector<1x16xf32>,
        %get3A_2301 = vector.shape_cast %get3A_2300 : vector<1x16xf32> to vector<16xf32>
        %mul3A_2302 = arith.constant 16 : i32
        %mul3A_2303 = arith.muli %scan3A_2109, %mul3A_2302 : i32
        %get3A_2304 = arith.constant 7 : i32
        %get3A_2305 = arith.index_cast %get3A_2304 : i32 to index
        %get3A_2306 = arith.index_cast %mul3A_2303 : i32 to index
        %get3A_2307 = tpu.vector_load %arg20[%get3A_2305, %get3A_2306] {strides = array<i32>} : memref<8x1280xf32, #tpu.memory_space<vmem>>, vector<1x16xf32>,
        %get3A_2308 = vector.shape_cast %get3A_2307 : vector<1x16xf32> to vector<16xf32>
        %add3A_2309 = arith.addf %get3A_2301, %get3A_2308 : vector<16xf32>
        %max3A_2310 = arith.constant 0.000000e+00 : f32
        %max3A_2311 = vector.broadcast %max3A_2310 : f32 to vector<16xf32>
        %max3A_2312 = arith.maximumf %add3A_2309, %max3A_2311 : vector<16xf32>
        %mul3A_2313 = arith.constant 6.553700e+04 : f32
        %mul3A_2314 = vector.broadcast %mul3A_2313 : f32 to vector<16xf32>
        %mul3A_2315 = arith.mulf %max3A_2312, %mul3A_2314 : vector<16xf32>
        %sub3A_2316 = arith.subf %mul3A_2315, %max3A_2312 : vector<16xf32>
        %sub3A_2317 = arith.subf %mul3A_2315, %sub3A_2316 : vector<16xf32>
        %mul3A_2318 = arith.mulf %get3A_2121, %sub3A_2317 : vector<16xf32>
        %add3A_2319 = arith.addf %scan3A_2117, %mul3A_2318 : vector<16xf32>
        scf.yield %add3A_2144, %add3A_2169, %add3A_2194, %add3A_2219, %add3A_2244, %add3A_2269, %add3A_2294, %add3A_2319 : vector<16xf32>, vector<16xf32>, vector<16xf32>, vector<16xf32>, vector<16xf32>, vector<16xf32>, vector<16xf32>, vector<16xf32>
      }
      %scan3A_1333 = arith.constant 80 : i32
      %iota3A_1334 = tpu.iota {dimensions = array<i32: 0>} : vector<16xi32>
      %broadcast_in_dim3A_1335 = arith.constant 0.000000e+00 : f32
      %broadcast_in_dim3A_1336 = vector.broadcast %broadcast_in_dim3A_1335 : f32 to vector<16xf32>
      %add3A_1337 = arith.constant 8 : i32
      %add3A_1338 = vector.broadcast %add3A_1337 : i32 to vector<16xi32>
      %add3A_1339 = arith.addi %iota3A_1334, %add3A_1338 : vector<16xi32>
      %and3A_1340 = arith.constant 15 : i32
      %and3A_1341 = vector.broadcast %and3A_1340 : i32 to vector<16xi32>
      %and3A_1342 = arith.andi %add3A_1339, %and3A_1341 : vector<16xi32>
      %broadcast_in_dim3A_1343 = vector.shape_cast %and3A_1342 : vector<16xi32> to vector<16x1xi32>
      %gather3A_1344 = vector.shape_cast %broadcast_in_dim3A_1343 : vector<16x1xi32> to vector<16xi32>
      %gather3A_1345 = tpu.dynamic_gather %scan3A_1332#0[%gather3A_1344] in [0] : vector<16xf32>, vector<16xi32> -> vector<16xf32>
      %add3A_1346 = arith.addf %scan3A_1332#0, %gather3A_1345 : vector<16xf32>
      %add3A_1347 = arith.constant 4 : i32
      %add3A_1348 = vector.broadcast %add3A_1347 : i32 to vector<16xi32>
      %add3A_1349 = arith.addi %iota3A_1334, %add3A_1348 : vector<16xi32>
      %and3A_1350 = arith.constant 15 : i32
      %and3A_1351 = vector.broadcast %and3A_1350 : i32 to vector<16xi32>
      %and3A_1352 = arith.andi %add3A_1349, %and3A_1351 : vector<16xi32>
      %broadcast_in_dim3A_1353 = vector.shape_cast %and3A_1352 : vector<16xi32> to vector<16x1xi32>
      %gather3A_1354 = vector.shape_cast %broadcast_in_dim3A_1353 : vector<16x1xi32> to vector<16xi32>
      %gather3A_1355 = tpu.dynamic_gather %add3A_1346[%gather3A_1354] in [0] : vector<16xf32>, vector<16xi32> -> vector<16xf32>
      %add3A_1356 = arith.addf %add3A_1346, %gather3A_1355 : vector<16xf32>
      %add3A_1357 = arith.constant 2 : i32
      %add3A_1358 = vector.broadcast %add3A_1357 : i32 to vector<16xi32>
      %add3A_1359 = arith.addi %iota3A_1334, %add3A_1358 : vector<16xi32>
      %and3A_1360 = arith.constant 15 : i32
      %and3A_1361 = vector.broadcast %and3A_1360 : i32 to vector<16xi32>
      %and3A_1362 = arith.andi %add3A_1359, %and3A_1361 : vector<16xi32>
      %broadcast_in_dim3A_1363 = vector.shape_cast %and3A_1362 : vector<16xi32> to vector<16x1xi32>
      %gather3A_1364 = vector.shape_cast %broadcast_in_dim3A_1363 : vector<16x1xi32> to vector<16xi32>
      %gather3A_1365 = tpu.dynamic_gather %add3A_1356[%gather3A_1364] in [0] : vector<16xf32>, vector<16xi32> -> vector<16xf32>
      %add3A_1366 = arith.addf %add3A_1356, %gather3A_1365 : vector<16xf32>
      %add3A_1367 = arith.constant 1 : i32
      %add3A_1368 = vector.broadcast %add3A_1367 : i32 to vector<16xi32>
      %add3A_1369 = arith.addi %iota3A_1334, %add3A_1368 : vector<16xi32>
      %and3A_1370 = arith.constant 15 : i32
      %and3A_1371 = vector.broadcast %and3A_1370 : i32 to vector<16xi32>
      %and3A_1372 = arith.andi %add3A_1369, %and3A_1371 : vector<16xi32>
      %broadcast_in_dim3A_1373 = vector.shape_cast %and3A_1372 : vector<16xi32> to vector<16x1xi32>
      %gather3A_1374 = vector.shape_cast %broadcast_in_dim3A_1373 : vector<16x1xi32> to vector<16xi32>
      %gather3A_1375 = tpu.dynamic_gather %add3A_1366[%gather3A_1374] in [0] : vector<16xf32>, vector<16xi32> -> vector<16xf32>
      %add3A_1376 = arith.addf %add3A_1366, %gather3A_1375 : vector<16xf32>
      %eq3A_1377 = arith.constant 0 : i32
      %eq3A_1378 = vector.broadcast %eq3A_1377 : i32 to vector<16xi32>
      %eq3A_1379 = arith.cmpi eq, %iota3A_1334, %eq3A_1378 : vector<16xi32>
      %select_n3A_1380 = arith.select %eq3A_1379, %add3A_1376, %broadcast_in_dim3A_1336 : vector<16xi1>, vector<16xf32>
      %add3A_1381 = arith.constant 8 : i32
      %add3A_1382 = vector.broadcast %add3A_1381 : i32 to vector<16xi32>
      %add3A_1383 = arith.addi %iota3A_1334, %add3A_1382 : vector<16xi32>
      %and3A_1384 = arith.constant 15 : i32
      %and3A_1385 = vector.broadcast %and3A_1384 : i32 to vector<16xi32>
      %and3A_1386 = arith.andi %add3A_1383, %and3A_1385 : vector<16xi32>
      %broadcast_in_dim3A_1387 = vector.shape_cast %and3A_1386 : vector<16xi32> to vector<16x1xi32>
      %gather3A_1388 = vector.shape_cast %broadcast_in_dim3A_1387 : vector<16x1xi32> to vector<16xi32>
      %gather3A_1389 = tpu.dynamic_gather %scan3A_1332#1[%gather3A_1388] in [0] : vector<16xf32>, vector<16xi32> -> vector<16xf32>
      %add3A_1390 = arith.addf %scan3A_1332#1, %gather3A_1389 : vector<16xf32>
      %add3A_1391 = arith.constant 4 : i32
      %add3A_1392 = vector.broadcast %add3A_1391 : i32 to vector<16xi32>
      %add3A_1393 = arith.addi %iota3A_1334, %add3A_1392 : vector<16xi32>
      %and3A_1394 = arith.constant 15 : i32
      %and3A_1395 = vector.broadcast %and3A_1394 : i32 to vector<16xi32>
      %and3A_1396 = arith.andi %add3A_1393, %and3A_1395 : vector<16xi32>
      %broadcast_in_dim3A_1397 = vector.shape_cast %and3A_1396 : vector<16xi32> to vector<16x1xi32>
      %gather3A_1398 = vector.shape_cast %broadcast_in_dim3A_1397 : vector<16x1xi32> to vector<16xi32>
      %gather3A_1399 = tpu.dynamic_gather %add3A_1390[%gather3A_1398] in [0] : vector<16xf32>, vector<16xi32> -> vector<16xf32>
      %add3A_1400 = arith.addf %add3A_1390, %gather3A_1399 : vector<16xf32>
      %add3A_1401 = arith.constant 2 : i32
      %add3A_1402 = vector.broadcast %add3A_1401 : i32 to vector<16xi32>
      %add3A_1403 = arith.addi %iota3A_1334, %add3A_1402 : vector<16xi32>
      %and3A_1404 = arith.constant 15 : i32
      %and3A_1405 = vector.broadcast %and3A_1404 : i32 to vector<16xi32>
      %and3A_1406 = arith.andi %add3A_1403, %and3A_1405 : vector<16xi32>
      %broadcast_in_dim3A_1407 = vector.shape_cast %and3A_1406 : vector<16xi32> to vector<16x1xi32>
      %gather3A_1408 = vector.shape_cast %broadcast_in_dim3A_1407 : vector<16x1xi32> to vector<16xi32>
      %gather3A_1409 = tpu.dynamic_gather %add3A_1400[%gather3A_1408] in [0] : vector<16xf32>, vector<16xi32> -> vector<16xf32>
      %add3A_1410 = arith.addf %add3A_1400, %gather3A_1409 : vector<16xf32>
      %add3A_1411 = arith.constant 1 : i32
      %add3A_1412 = vector.broadcast %add3A_1411 : i32 to vector<16xi32>
      %add3A_1413 = arith.addi %iota3A_1334, %add3A_1412 : vector<16xi32>
      %and3A_1414 = arith.constant 15 : i32
      %and3A_1415 = vector.broadcast %and3A_1414 : i32 to vector<16xi32>
      %and3A_1416 = arith.andi %add3A_1413, %and3A_1415 : vector<16xi32>
      %broadcast_in_dim3A_1417 = vector.shape_cast %and3A_1416 : vector<16xi32> to vector<16x1xi32>
      %gather3A_1418 = vector.shape_cast %broadcast_in_dim3A_1417 : vector<16x1xi32> to vector<16xi32>
      %gather3A_1419 = tpu.dynamic_gather %add3A_1410[%gather3A_1418] in [0] : vector<16xf32>, vector<16xi32> -> vector<16xf32>
      %add3A_1420 = arith.addf %add3A_1410, %gather3A_1419 : vector<16xf32>
      %eq3A_1421 = arith.constant 1 : i32
      %eq3A_1422 = vector.broadcast %eq3A_1421 : i32 to vector<16xi32>
      %eq3A_1423 = arith.cmpi eq, %iota3A_1334, %eq3A_1422 : vector<16xi32>
      %select_n3A_1424 = arith.select %eq3A_1423, %add3A_1420, %select_n3A_1380 : vector<16xi1>, vector<16xf32>
      %add3A_1425 = arith.constant 8 : i32
      %add3A_1426 = vector.broadcast %add3A_1425 : i32 to vector<16xi32>
      %add3A_1427 = arith.addi %iota3A_1334, %add3A_1426 : vector<16xi32>
      %and3A_1428 = arith.constant 15 : i32
      %and3A_1429 = vector.broadcast %and3A_1428 : i32 to vector<16xi32>
      %and3A_1430 = arith.andi %add3A_1427, %and3A_1429 : vector<16xi32>
      %broadcast_in_dim3A_1431 = vector.shape_cast %and3A_1430 : vector<16xi32> to vector<16x1xi32>
      %gather3A_1432 = vector.shape_cast %broadcast_in_dim3A_1431 : vector<16x1xi32> to vector<16xi32>
      %gather3A_1433 = tpu.dynamic_gather %scan3A_1332#2[%gather3A_1432] in [0] : vector<16xf32>, vector<16xi32> -> vector<16xf32>
      %add3A_1434 = arith.addf %scan3A_1332#2, %gather3A_1433 : vector<16xf32>
      %add3A_1435 = arith.constant 4 : i32
      %add3A_1436 = vector.broadcast %add3A_1435 : i32 to vector<16xi32>
      %add3A_1437 = arith.addi %iota3A_1334, %add3A_1436 : vector<16xi32>
      %and3A_1438 = arith.constant 15 : i32
      %and3A_1439 = vector.broadcast %and3A_1438 : i32 to vector<16xi32>
      %and3A_1440 = arith.andi %add3A_1437, %and3A_1439 : vector<16xi32>
      %broadcast_in_dim3A_1441 = vector.shape_cast %and3A_1440 : vector<16xi32> to vector<16x1xi32>
      %gather3A_1442 = vector.shape_cast %broadcast_in_dim3A_1441 : vector<16x1xi32> to vector<16xi32>
      %gather3A_1443 = tpu.dynamic_gather %add3A_1434[%gather3A_1442] in [0] : vector<16xf32>, vector<16xi32> -> vector<16xf32>
      %add3A_1444 = arith.addf %add3A_1434, %gather3A_1443 : vector<16xf32>
      %add3A_1445 = arith.constant 2 : i32
      %add3A_1446 = vector.broadcast %add3A_1445 : i32 to vector<16xi32>
      %add3A_1447 = arith.addi %iota3A_1334, %add3A_1446 : vector<16xi32>
      %and3A_1448 = arith.constant 15 : i32
      %and3A_1449 = vector.broadcast %and3A_1448 : i32 to vector<16xi32>
      %and3A_1450 = arith.andi %add3A_1447, %and3A_1449 : vector<16xi32>
      %broadcast_in_dim3A_1451 = vector.shape_cast %and3A_1450 : vector<16xi32> to vector<16x1xi32>
      %gather3A_1452 = vector.shape_cast %broadcast_in_dim3A_1451 : vector<16x1xi32> to vector<16xi32>
      %gather3A_1453 = tpu.dynamic_gather %add3A_1444[%gather3A_1452] in [0] : vector<16xf32>, vector<16xi32> -> vector<16xf32>
      %add3A_1454 = arith.addf %add3A_1444, %gather3A_1453 : vector<16xf32>
      %add3A_1455 = arith.constant 1 : i32
      %add3A_1456 = vector.broadcast %add3A_1455 : i32 to vector<16xi32>
      %add3A_1457 = arith.addi %iota3A_1334, %add3A_1456 : vector<16xi32>
      %and3A_1458 = arith.constant 15 : i32
      %and3A_1459 = vector.broadcast %and3A_1458 : i32 to vector<16xi32>
      %and3A_1460 = arith.andi %add3A_1457, %and3A_1459 : vector<16xi32>
      %broadcast_in_dim3A_1461 = vector.shape_cast %and3A_1460 : vector<16xi32> to vector<16x1xi32>
      %gather3A_1462 = vector.shape_cast %broadcast_in_dim3A_1461 : vector<16x1xi32> to vector<16xi32>
      %gather3A_1463 = tpu.dynamic_gather %add3A_1454[%gather3A_1462] in [0] : vector<16xf32>, vector<16xi32> -> vector<16xf32>
      %add3A_1464 = arith.addf %add3A_1454, %gather3A_1463 : vector<16xf32>
      %eq3A_1465 = arith.constant 2 : i32
      %eq3A_1466 = vector.broadcast %eq3A_1465 : i32 to vector<16xi32>
      %eq3A_1467 = arith.cmpi eq, %iota3A_1334, %eq3A_1466 : vector<16xi32>
      %select_n3A_1468 = arith.select %eq3A_1467, %add3A_1464, %select_n3A_1424 : vector<16xi1>, vector<16xf32>
      %add3A_1469 = arith.constant 8 : i32
      %add3A_1470 = vector.broadcast %add3A_1469 : i32 to vector<16xi32>
      %add3A_1471 = arith.addi %iota3A_1334, %add3A_1470 : vector<16xi32>
      %and3A_1472 = arith.constant 15 : i32
      %and3A_1473 = vector.broadcast %and3A_1472 : i32 to vector<16xi32>
      %and3A_1474 = arith.andi %add3A_1471, %and3A_1473 : vector<16xi32>
      %broadcast_in_dim3A_1475 = vector.shape_cast %and3A_1474 : vector<16xi32> to vector<16x1xi32>
      %gather3A_1476 = vector.shape_cast %broadcast_in_dim3A_1475 : vector<16x1xi32> to vector<16xi32>
      %gather3A_1477 = tpu.dynamic_gather %scan3A_1332#3[%gather3A_1476] in [0] : vector<16xf32>, vector<16xi32> -> vector<16xf32>
      %add3A_1478 = arith.addf %scan3A_1332#3, %gather3A_1477 : vector<16xf32>
      %add3A_1479 = arith.constant 4 : i32
      %add3A_1480 = vector.broadcast %add3A_1479 : i32 to vector<16xi32>
      %add3A_1481 = arith.addi %iota3A_1334, %add3A_1480 : vector<16xi32>
      %and3A_1482 = arith.constant 15 : i32
      %and3A_1483 = vector.broadcast %and3A_1482 : i32 to vector<16xi32>
      %and3A_1484 = arith.andi %add3A_1481, %and3A_1483 : vector<16xi32>
      %broadcast_in_dim3A_1485 = vector.shape_cast %and3A_1484 : vector<16xi32> to vector<16x1xi32>
      %gather3A_1486 = vector.shape_cast %broadcast_in_dim3A_1485 : vector<16x1xi32> to vector<16xi32>
      %gather3A_1487 = tpu.dynamic_gather %add3A_1478[%gather3A_1486] in [0] : vector<16xf32>, vector<16xi32> -> vector<16xf32>
      %add3A_1488 = arith.addf %add3A_1478, %gather3A_1487 : vector<16xf32>
      %add3A_1489 = arith.constant 2 : i32
      %add3A_1490 = vector.broadcast %add3A_1489 : i32 to vector<16xi32>
      %add3A_1491 = arith.addi %iota3A_1334, %add3A_1490 : vector<16xi32>
      %and3A_1492 = arith.constant 15 : i32
      %and3A_1493 = vector.broadcast %and3A_1492 : i32 to vector<16xi32>
      %and3A_1494 = arith.andi %add3A_1491, %and3A_1493 : vector<16xi32>
      %broadcast_in_dim3A_1495 = vector.shape_cast %and3A_1494 : vector<16xi32> to vector<16x1xi32>
      %gather3A_1496 = vector.shape_cast %broadcast_in_dim3A_1495 : vector<16x1xi32> to vector<16xi32>
      %gather3A_1497 = tpu.dynamic_gather %add3A_1488[%gather3A_1496] in [0] : vector<16xf32>, vector<16xi32> -> vector<16xf32>
      %add3A_1498 = arith.addf %add3A_1488, %gather3A_1497 : vector<16xf32>
      %add3A_1499 = arith.constant 1 : i32
      %add3A_1500 = vector.broadcast %add3A_1499 : i32 to vector<16xi32>
      %add3A_1501 = arith.addi %iota3A_1334, %add3A_1500 : vector<16xi32>
      %and3A_1502 = arith.constant 15 : i32
      %and3A_1503 = vector.broadcast %and3A_1502 : i32 to vector<16xi32>
      %and3A_1504 = arith.andi %add3A_1501, %and3A_1503 : vector<16xi32>
      %broadcast_in_dim3A_1505 = vector.shape_cast %and3A_1504 : vector<16xi32> to vector<16x1xi32>
      %gather3A_1506 = vector.shape_cast %broadcast_in_dim3A_1505 : vector<16x1xi32> to vector<16xi32>
      %gather3A_1507 = tpu.dynamic_gather %add3A_1498[%gather3A_1506] in [0] : vector<16xf32>, vector<16xi32> -> vector<16xf32>
      %add3A_1508 = arith.addf %add3A_1498, %gather3A_1507 : vector<16xf32>
      %eq3A_1509 = arith.constant 3 : i32
      %eq3A_1510 = vector.broadcast %eq3A_1509 : i32 to vector<16xi32>
      %eq3A_1511 = arith.cmpi eq, %iota3A_1334, %eq3A_1510 : vector<16xi32>
      %select_n3A_1512 = arith.select %eq3A_1511, %add3A_1508, %select_n3A_1468 : vector<16xi1>, vector<16xf32>
      %add3A_1513 = arith.constant 8 : i32
      %add3A_1514 = vector.broadcast %add3A_1513 : i32 to vector<16xi32>
      %add3A_1515 = arith.addi %iota3A_1334, %add3A_1514 : vector<16xi32>
      %and3A_1516 = arith.constant 15 : i32
      %and3A_1517 = vector.broadcast %and3A_1516 : i32 to vector<16xi32>
      %and3A_1518 = arith.andi %add3A_1515, %and3A_1517 : vector<16xi32>
      %broadcast_in_dim3A_1519 = vector.shape_cast %and3A_1518 : vector<16xi32> to vector<16x1xi32>
      %gather3A_1520 = vector.shape_cast %broadcast_in_dim3A_1519 : vector<16x1xi32> to vector<16xi32>
      %gather3A_1521 = tpu.dynamic_gather %scan3A_1332#4[%gather3A_1520] in [0] : vector<16xf32>, vector<16xi32> -> vector<16xf32>
      %add3A_1522 = arith.addf %scan3A_1332#4, %gather3A_1521 : vector<16xf32>
      %add3A_1523 = arith.constant 4 : i32
      %add3A_1524 = vector.broadcast %add3A_1523 : i32 to vector<16xi32>
      %add3A_1525 = arith.addi %iota3A_1334, %add3A_1524 : vector<16xi32>
      %and3A_1526 = arith.constant 15 : i32
      %and3A_1527 = vector.broadcast %and3A_1526 : i32 to vector<16xi32>
      %and3A_1528 = arith.andi %add3A_1525, %and3A_1527 : vector<16xi32>
      %broadcast_in_dim3A_1529 = vector.shape_cast %and3A_1528 : vector<16xi32> to vector<16x1xi32>
      %gather3A_1530 = vector.shape_cast %broadcast_in_dim3A_1529 : vector<16x1xi32> to vector<16xi32>
      %gather3A_1531 = tpu.dynamic_gather %add3A_1522[%gather3A_1530] in [0] : vector<16xf32>, vector<16xi32> -> vector<16xf32>
      %add3A_1532 = arith.addf %add3A_1522, %gather3A_1531 : vector<16xf32>
      %add3A_1533 = arith.constant 2 : i32
      %add3A_1534 = vector.broadcast %add3A_1533 : i32 to vector<16xi32>
      %add3A_1535 = arith.addi %iota3A_1334, %add3A_1534 : vector<16xi32>
      %and3A_1536 = arith.constant 15 : i32
      %and3A_1537 = vector.broadcast %and3A_1536 : i32 to vector<16xi32>
      %and3A_1538 = arith.andi %add3A_1535, %and3A_1537 : vector<16xi32>
      %broadcast_in_dim3A_1539 = vector.shape_cast %and3A_1538 : vector<16xi32> to vector<16x1xi32>
      %gather3A_1540 = vector.shape_cast %broadcast_in_dim3A_1539 : vector<16x1xi32> to vector<16xi32>
      %gather3A_1541 = tpu.dynamic_gather %add3A_1532[%gather3A_1540] in [0] : vector<16xf32>, vector<16xi32> -> vector<16xf32>
      %add3A_1542 = arith.addf %add3A_1532, %gather3A_1541 : vector<16xf32>
      %add3A_1543 = arith.constant 1 : i32
      %add3A_1544 = vector.broadcast %add3A_1543 : i32 to vector<16xi32>
      %add3A_1545 = arith.addi %iota3A_1334, %add3A_1544 : vector<16xi32>
      %and3A_1546 = arith.constant 15 : i32
      %and3A_1547 = vector.broadcast %and3A_1546 : i32 to vector<16xi32>
      %and3A_1548 = arith.andi %add3A_1545, %and3A_1547 : vector<16xi32>
      %broadcast_in_dim3A_1549 = vector.shape_cast %and3A_1548 : vector<16xi32> to vector<16x1xi32>
      %gather3A_1550 = vector.shape_cast %broadcast_in_dim3A_1549 : vector<16x1xi32> to vector<16xi32>
      %gather3A_1551 = tpu.dynamic_gather %add3A_1542[%gather3A_1550] in [0] : vector<16xf32>, vector<16xi32> -> vector<16xf32>
      %add3A_1552 = arith.addf %add3A_1542, %gather3A_1551 : vector<16xf32>
      %eq3A_1553 = arith.constant 4 : i32
      %eq3A_1554 = vector.broadcast %eq3A_1553 : i32 to vector<16xi32>
      %eq3A_1555 = arith.cmpi eq, %iota3A_1334, %eq3A_1554 : vector<16xi32>
      %select_n3A_1556 = arith.select %eq3A_1555, %add3A_1552, %select_n3A_1512 : vector<16xi1>, vector<16xf32>
      %add3A_1557 = arith.constant 8 : i32
      %add3A_1558 = vector.broadcast %add3A_1557 : i32 to vector<16xi32>
      %add3A_1559 = arith.addi %iota3A_1334, %add3A_1558 : vector<16xi32>
      %and3A_1560 = arith.constant 15 : i32
      %and3A_1561 = vector.broadcast %and3A_1560 : i32 to vector<16xi32>
      %and3A_1562 = arith.andi %add3A_1559, %and3A_1561 : vector<16xi32>
      %broadcast_in_dim3A_1563 = vector.shape_cast %and3A_1562 : vector<16xi32> to vector<16x1xi32>
      %gather3A_1564 = vector.shape_cast %broadcast_in_dim3A_1563 : vector<16x1xi32> to vector<16xi32>
      %gather3A_1565 = tpu.dynamic_gather %scan3A_1332#5[%gather3A_1564] in [0] : vector<16xf32>, vector<16xi32> -> vector<16xf32>
      %add3A_1566 = arith.addf %scan3A_1332#5, %gather3A_1565 : vector<16xf32>
      %add3A_1567 = arith.constant 4 : i32
      %add3A_1568 = vector.broadcast %add3A_1567 : i32 to vector<16xi32>
      %add3A_1569 = arith.addi %iota3A_1334, %add3A_1568 : vector<16xi32>
      %and3A_1570 = arith.constant 15 : i32
      %and3A_1571 = vector.broadcast %and3A_1570 : i32 to vector<16xi32>
      %and3A_1572 = arith.andi %add3A_1569, %and3A_1571 : vector<16xi32>
      %broadcast_in_dim3A_1573 = vector.shape_cast %and3A_1572 : vector<16xi32> to vector<16x1xi32>
      %gather3A_1574 = vector.shape_cast %broadcast_in_dim3A_1573 : vector<16x1xi32> to vector<16xi32>
      %gather3A_1575 = tpu.dynamic_gather %add3A_1566[%gather3A_1574] in [0] : vector<16xf32>, vector<16xi32> -> vector<16xf32>
      %add3A_1576 = arith.addf %add3A_1566, %gather3A_1575 : vector<16xf32>
      %add3A_1577 = arith.constant 2 : i32
      %add3A_1578 = vector.broadcast %add3A_1577 : i32 to vector<16xi32>
      %add3A_1579 = arith.addi %iota3A_1334, %add3A_1578 : vector<16xi32>
      %and3A_1580 = arith.constant 15 : i32
      %and3A_1581 = vector.broadcast %and3A_1580 : i32 to vector<16xi32>
      %and3A_1582 = arith.andi %add3A_1579, %and3A_1581 : vector<16xi32>
      %broadcast_in_dim3A_1583 = vector.shape_cast %and3A_1582 : vector<16xi32> to vector<16x1xi32>
      %gather3A_1584 = vector.shape_cast %broadcast_in_dim3A_1583 : vector<16x1xi32> to vector<16xi32>
      %gather3A_1585 = tpu.dynamic_gather %add3A_1576[%gather3A_1584] in [0] : vector<16xf32>, vector<16xi32> -> vector<16xf32>
      %add3A_1586 = arith.addf %add3A_1576, %gather3A_1585 : vector<16xf32>
      %add3A_1587 = arith.constant 1 : i32
      %add3A_1588 = vector.broadcast %add3A_1587 : i32 to vector<16xi32>
      %add3A_1589 = arith.addi %iota3A_1334, %add3A_1588 : vector<16xi32>
      %and3A_1590 = arith.constant 15 : i32
      %and3A_1591 = vector.broadcast %and3A_1590 : i32 to vector<16xi32>
      %and3A_1592 = arith.andi %add3A_1589, %and3A_1591 : vector<16xi32>
      %broadcast_in_dim3A_1593 = vector.shape_cast %and3A_1592 : vector<16xi32> to vector<16x1xi32>
      %gather3A_1594 = vector.shape_cast %broadcast_in_dim3A_1593 : vector<16x1xi32> to vector<16xi32>
      %gather3A_1595 = tpu.dynamic_gather %add3A_1586[%gather3A_1594] in [0] : vector<16xf32>, vector<16xi32> -> vector<16xf32>
      %add3A_1596 = arith.addf %add3A_1586, %gather3A_1595 : vector<16xf32>
      %eq3A_1597 = arith.constant 5 : i32
      %eq3A_1598 = vector.broadcast %eq3A_1597 : i32 to vector<16xi32>
      %eq3A_1599 = arith.cmpi eq, %iota3A_1334, %eq3A_1598 : vector<16xi32>
      %select_n3A_1600 = arith.select %eq3A_1599, %add3A_1596, %select_n3A_1556 : vector<16xi1>, vector<16xf32>
      %add3A_1601 = arith.constant 8 : i32
      %add3A_1602 = vector.broadcast %add3A_1601 : i32 to vector<16xi32>
      %add3A_1603 = arith.addi %iota3A_1334, %add3A_1602 : vector<16xi32>
      %and3A_1604 = arith.constant 15 : i32
      %and3A_1605 = vector.broadcast %and3A_1604 : i32 to vector<16xi32>
      %and3A_1606 = arith.andi %add3A_1603, %and3A_1605 : vector<16xi32>
      %broadcast_in_dim3A_1607 = vector.shape_cast %and3A_1606 : vector<16xi32> to vector<16x1xi32>
      %gather3A_1608 = vector.shape_cast %broadcast_in_dim3A_1607 : vector<16x1xi32> to vector<16xi32>
      %gather3A_1609 = tpu.dynamic_gather %scan3A_1332#6[%gather3A_1608] in [0] : vector<16xf32>, vector<16xi32> -> vector<16xf32>
      %add3A_1610 = arith.addf %scan3A_1332#6, %gather3A_1609 : vector<16xf32>
      %add3A_1611 = arith.constant 4 : i32
      %add3A_1612 = vector.broadcast %add3A_1611 : i32 to vector<16xi32>
      %add3A_1613 = arith.addi %iota3A_1334, %add3A_1612 : vector<16xi32>
      %and3A_1614 = arith.constant 15 : i32
      %and3A_1615 = vector.broadcast %and3A_1614 : i32 to vector<16xi32>
      %and3A_1616 = arith.andi %add3A_1613, %and3A_1615 : vector<16xi32>
      %broadcast_in_dim3A_1617 = vector.shape_cast %and3A_1616 : vector<16xi32> to vector<16x1xi32>
      %gather3A_1618 = vector.shape_cast %broadcast_in_dim3A_1617 : vector<16x1xi32> to vector<16xi32>
      %gather3A_1619 = tpu.dynamic_gather %add3A_1610[%gather3A_1618] in [0] : vector<16xf32>, vector<16xi32> -> vector<16xf32>
      %add3A_1620 = arith.addf %add3A_1610, %gather3A_1619 : vector<16xf32>
      %add3A_1621 = arith.constant 2 : i32
      %add3A_1622 = vector.broadcast %add3A_1621 : i32 to vector<16xi32>
      %add3A_1623 = arith.addi %iota3A_1334, %add3A_1622 : vector<16xi32>
      %and3A_1624 = arith.constant 15 : i32
      %and3A_1625 = vector.broadcast %and3A_1624 : i32 to vector<16xi32>
      %and3A_1626 = arith.andi %add3A_1623, %and3A_1625 : vector<16xi32>
      %broadcast_in_dim3A_1627 = vector.shape_cast %and3A_1626 : vector<16xi32> to vector<16x1xi32>
      %gather3A_1628 = vector.shape_cast %broadcast_in_dim3A_1627 : vector<16x1xi32> to vector<16xi32>
      %gather3A_1629 = tpu.dynamic_gather %add3A_1620[%gather3A_1628] in [0] : vector<16xf32>, vector<16xi32> -> vector<16xf32>
      %add3A_1630 = arith.addf %add3A_1620, %gather3A_1629 : vector<16xf32>
      %add3A_1631 = arith.constant 1 : i32
      %add3A_1632 = vector.broadcast %add3A_1631 : i32 to vector<16xi32>
      %add3A_1633 = arith.addi %iota3A_1334, %add3A_1632 : vector<16xi32>
      %and3A_1634 = arith.constant 15 : i32
      %and3A_1635 = vector.broadcast %and3A_1634 : i32 to vector<16xi32>
      %and3A_1636 = arith.andi %add3A_1633, %and3A_1635 : vector<16xi32>
      %broadcast_in_dim3A_1637 = vector.shape_cast %and3A_1636 : vector<16xi32> to vector<16x1xi32>
      %gather3A_1638 = vector.shape_cast %broadcast_in_dim3A_1637 : vector<16x1xi32> to vector<16xi32>
      %gather3A_1639 = tpu.dynamic_gather %add3A_1630[%gather3A_1638] in [0] : vector<16xf32>, vector<16xi32> -> vector<16xf32>
      %add3A_1640 = arith.addf %add3A_1630, %gather3A_1639 : vector<16xf32>
      %eq3A_1641 = arith.constant 6 : i32
      %eq3A_1642 = vector.broadcast %eq3A_1641 : i32 to vector<16xi32>
      %eq3A_1643 = arith.cmpi eq, %iota3A_1334, %eq3A_1642 : vector<16xi32>
      %select_n3A_1644 = arith.select %eq3A_1643, %add3A_1640, %select_n3A_1600 : vector<16xi1>, vector<16xf32>
      %add3A_1645 = arith.constant 8 : i32
      %add3A_1646 = vector.broadcast %add3A_1645 : i32 to vector<16xi32>
      %add3A_1647 = arith.addi %iota3A_1334, %add3A_1646 : vector<16xi32>
      %and3A_1648 = arith.constant 15 : i32
      %and3A_1649 = vector.broadcast %and3A_1648 : i32 to vector<16xi32>
      %and3A_1650 = arith.andi %add3A_1647, %and3A_1649 : vector<16xi32>
      %broadcast_in_dim3A_1651 = vector.shape_cast %and3A_1650 : vector<16xi32> to vector<16x1xi32>
      %gather3A_1652 = vector.shape_cast %broadcast_in_dim3A_1651 : vector<16x1xi32> to vector<16xi32>
      %gather3A_1653 = tpu.dynamic_gather %scan3A_1332#7[%gather3A_1652] in [0] : vector<16xf32>, vector<16xi32> -> vector<16xf32>
      %add3A_1654 = arith.addf %scan3A_1332#7, %gather3A_1653 : vector<16xf32>
      %add3A_1655 = arith.constant 4 : i32
      %add3A_1656 = vector.broadcast %add3A_1655 : i32 to vector<16xi32>
      %add3A_1657 = arith.addi %iota3A_1334, %add3A_1656 : vector<16xi32>
      %and3A_1658 = arith.constant 15 : i32
      %and3A_1659 = vector.broadcast %and3A_1658 : i32 to vector<16xi32>
      %and3A_1660 = arith.andi %add3A_1657, %and3A_1659 : vector<16xi32>
      %broadcast_in_dim3A_1661 = vector.shape_cast %and3A_1660 : vector<16xi32> to vector<16x1xi32>
      %gather3A_1662 = vector.shape_cast %broadcast_in_dim3A_1661 : vector<16x1xi32> to vector<16xi32>
      %gather3A_1663 = tpu.dynamic_gather %add3A_1654[%gather3A_1662] in [0] : vector<16xf32>, vector<16xi32> -> vector<16xf32>
      %add3A_1664 = arith.addf %add3A_1654, %gather3A_1663 : vector<16xf32>
      %add3A_1665 = arith.constant 2 : i32
      %add3A_1666 = vector.broadcast %add3A_1665 : i32 to vector<16xi32>
      %add3A_1667 = arith.addi %iota3A_1334, %add3A_1666 : vector<16xi32>
      %and3A_1668 = arith.constant 15 : i32
      %and3A_1669 = vector.broadcast %and3A_1668 : i32 to vector<16xi32>
      %and3A_1670 = arith.andi %add3A_1667, %and3A_1669 : vector<16xi32>
      %broadcast_in_dim3A_1671 = vector.shape_cast %and3A_1670 : vector<16xi32> to vector<16x1xi32>
      %gather3A_1672 = vector.shape_cast %broadcast_in_dim3A_1671 : vector<16x1xi32> to vector<16xi32>
      %gather3A_1673 = tpu.dynamic_gather %add3A_1664[%gather3A_1672] in [0] : vector<16xf32>, vector<16xi32> -> vector<16xf32>
      %add3A_1674 = arith.addf %add3A_1664, %gather3A_1673 : vector<16xf32>
      %add3A_1675 = arith.constant 1 : i32
      %add3A_1676 = vector.broadcast %add3A_1675 : i32 to vector<16xi32>
      %add3A_1677 = arith.addi %iota3A_1334, %add3A_1676 : vector<16xi32>
      %and3A_1678 = arith.constant 15 : i32
      %and3A_1679 = vector.broadcast %and3A_1678 : i32 to vector<16xi32>
      %and3A_1680 = arith.andi %add3A_1677, %and3A_1679 : vector<16xi32>
      %broadcast_in_dim3A_1681 = vector.shape_cast %and3A_1680 : vector<16xi32> to vector<16x1xi32>
      %gather3A_1682 = vector.shape_cast %broadcast_in_dim3A_1681 : vector<16x1xi32> to vector<16xi32>
      %gather3A_1683 = tpu.dynamic_gather %add3A_1674[%gather3A_1682] in [0] : vector<16xf32>, vector<16xi32> -> vector<16xf32>
      %add3A_1684 = arith.addf %add3A_1674, %gather3A_1683 : vector<16xf32>
      %eq3A_1685 = arith.constant 7 : i32
      %eq3A_1686 = vector.broadcast %eq3A_1685 : i32 to vector<16xi32>
      %eq3A_1687 = arith.cmpi eq, %iota3A_1334, %eq3A_1686 : vector<16xi32>
      %select_n3A_1688 = arith.select %eq3A_1687, %add3A_1684, %select_n3A_1644 : vector<16xi1>, vector<16xf32>
      %swap3A_1689 = arith.index_cast %add3A_1297 : i32 to index
      %swap3A_1690 = arith.constant 0 : index
      %swap3A_1691 = tpu.vector_load %arg11[%swap3A_1689, %swap3A_1690] {strides = array<i32>} : memref<625x16xf32, #tpu.memory_space<vmem>>, vector<1x16xf32>,
      %swap3A_1692 = vector.shape_cast %swap3A_1691 : vector<1x16xf32> to vector<16xf32>
      %swap3A_1693 = vector.shape_cast %select_n3A_1688 : vector<16xf32> to vector<1x16xf32>
      tpu.vector_store %arg11[%swap3A_1689, %swap3A_1690], %swap3A_1693 {strides = array<i32>} : memref<625x16xf32, #tpu.memory_space<vmem>>, vector<1x16xf32>,
      %add3A_1694 = arith.constant 5 : i32
      %add3A_1695 = arith.addi %add3A_1297, %add3A_1694 : i32
      %lt3A_1696 = arith.constant 625 : i32
      %lt3A_1697 = arith.cmpi slt, %add3A_1695, %lt3A_1696 : i32
      %convert_element_type3A_1698 = arith.extui %lt3A_1697 : i1 to i32
      %cond3A_1699 = arith.constant 0 : i32
      %cond3A_1700 = arith.cmpi ne, %convert_element_type3A_1698, %cond3A_1699 : i32
      scf.if %cond3A_1700 {
        %add3A_2109 = arith.constant 5 : i32
        %add3A_2110 = arith.addi %add3A_1297, %add3A_2109 : i32
        %dma_start3A_2111 = arith.constant 0 : i32
        %dma_start3A_2112 = tpu.memref_slice %arg8[%add3A_2110, %dma_start3A_2111] : memref<625x8xi32, #tpu.memory_space<vmem>> -> memref<1x8xi32, #tpu.memory_space<vmem>>
        %dma_start3A_2113 = tpu.memref_squeeze %dma_start3A_2112 : memref<1x8xi32, #tpu.memory_space<vmem>> -> memref<8xi32, #tpu.memory_space<vmem>>
        %dma_start3A_2114 = arith.constant 0 : i32
        %dma_start3A_2115 = arith.constant 0 : i32
        %dma_start3A_2116 = tpu.memref_slice %arg2[%dma_start3A_2114, %dma_start3A_2115] : memref<10000x1280xf32, #tpu.memory_space<hbm>> -> memref<10000x1280xf32, #tpu.memory_space<hbm>>
        tpu.enqueue_indirect_dma source(%dma_start3A_2116 : memref<10000x1280xf32, #tpu.memory_space<hbm>>) target(%arg15 : memref<8x1280xf32, #tpu.memory_space<vmem>>) offsets(%dma_start3A_2113 : memref<8xi32, #tpu.memory_space<vmem>>) semaphore(%arg25 : memref<!tpu.dma_semaphore, #tpu.memory_space<semaphore_mem>>)
        %dma_start3A_2117 = arith.constant 0 : i32
        %dma_start3A_2118 = tpu.memref_slice %arg9[%add3A_2110, %dma_start3A_2117] : memref<625x8xi32, #tpu.memory_space<vmem>> -> memref<1x8xi32, #tpu.memory_space<vmem>>
        %dma_start3A_2119 = tpu.memref_squeeze %dma_start3A_2118 : memref<1x8xi32, #tpu.memory_space<vmem>> -> memref<8xi32, #tpu.memory_space<vmem>>
        %dma_start3A_2120 = arith.constant 0 : i32
        %dma_start3A_2121 = arith.constant 0 : i32
        %dma_start3A_2122 = tpu.memref_slice %arg3[%dma_start3A_2120, %dma_start3A_2121] : memref<10000x1280xf32, #tpu.memory_space<hbm>> -> memref<10000x1280xf32, #tpu.memory_space<hbm>>
        tpu.enqueue_indirect_dma source(%dma_start3A_2122 : memref<10000x1280xf32, #tpu.memory_space<hbm>>) target(%arg20 : memref<8x1280xf32, #tpu.memory_space<vmem>>) offsets(%dma_start3A_2119 : memref<8xi32, #tpu.memory_space<vmem>>) semaphore(%arg30 : memref<!tpu.dma_semaphore, #tpu.memory_space<semaphore_mem>>)
      } else {
      }
      %mul3A_1701 = arith.constant 5 : i32
      %mul3A_1702 = arith.muli %scan3A_82, %mul3A_1701 : i32
      %add3A_1703 = arith.constant 4 : i32
      %add3A_1704 = arith.addi %mul3A_1702, %add3A_1703 : i32
      %dma_wait3A_1705 = arith.constant 0 : i32
      %dma_wait3A_1706 = arith.constant 0 : i32
      %dma_wait3A_1707 = tpu.memref_slice %arg8[%dma_wait3A_1705, %dma_wait3A_1706] : memref<625x8xi32, #tpu.memory_space<vmem>> -> memref<1x8xi32, #tpu.memory_space<vmem>>
      %dma_wait3A_1708 = tpu.memref_squeeze %dma_wait3A_1707 : memref<1x8xi32, #tpu.memory_space<vmem>> -> memref<8xi32, #tpu.memory_space<vmem>>
      %dma_wait3A_1709 = arith.constant 0 : i32
      %dma_wait3A_1710 = arith.constant 0 : i32
      %dma_wait3A_1711 = tpu.memref_slice %arg2[%dma_wait3A_1709, %dma_wait3A_1710] : memref<10000x1280xf32, #tpu.memory_space<hbm>> -> memref<10000x1280xf32, #tpu.memory_space<hbm>>
      tpu.wait_indirect_dma semaphore(%arg26 : memref<!tpu.dma_semaphore, #tpu.memory_space<semaphore_mem>>) src(%dma_wait3A_1711 : memref<10000x1280xf32, #tpu.memory_space<hbm>>) dst(%arg16 : memref<8x1280xf32, #tpu.memory_space<vmem>>)
      %dma_wait3A_1712 = arith.constant 0 : i32
      %dma_wait3A_1713 = arith.constant 0 : i32
      %dma_wait3A_1714 = tpu.memref_slice %arg9[%dma_wait3A_1712, %dma_wait3A_1713] : memref<625x8xi32, #tpu.memory_space<vmem>> -> memref<1x8xi32, #tpu.memory_space<vmem>>
      %dma_wait3A_1715 = tpu.memref_squeeze %dma_wait3A_1714 : memref<1x8xi32, #tpu.memory_space<vmem>> -> memref<8xi32, #tpu.memory_space<vmem>>
      %dma_wait3A_1716 = arith.constant 0 : i32
      %dma_wait3A_1717 = arith.constant 0 : i32
      %dma_wait3A_1718 = tpu.memref_slice %arg3[%dma_wait3A_1716, %dma_wait3A_1717] : memref<10000x1280xf32, #tpu.memory_space<hbm>> -> memref<10000x1280xf32, #tpu.memory_space<hbm>>
      tpu.wait_indirect_dma semaphore(%arg31 : memref<!tpu.dma_semaphore, #tpu.memory_space<semaphore_mem>>) src(%dma_wait3A_1718 : memref<10000x1280xf32, #tpu.memory_space<hbm>>) dst(%arg21 : memref<8x1280xf32, #tpu.memory_space<vmem>>)
      %broadcast_in_dim3A_1719 = arith.constant 0.000000e+00 : f32
      %broadcast_in_dim3A_1720 = vector.broadcast %broadcast_in_dim3A_1719 : f32 to vector<16xf32>
      %broadcast_in_dim3A_1721 = arith.constant 0.000000e+00 : f32
      %broadcast_in_dim3A_1722 = vector.broadcast %broadcast_in_dim3A_1721 : f32 to vector<16xf32>
      %broadcast_in_dim3A_1723 = arith.constant 0.000000e+00 : f32
      %broadcast_in_dim3A_1724 = vector.broadcast %broadcast_in_dim3A_1723 : f32 to vector<16xf32>
      %broadcast_in_dim3A_1725 = arith.constant 0.000000e+00 : f32
      %broadcast_in_dim3A_1726 = vector.broadcast %broadcast_in_dim3A_1725 : f32 to vector<16xf32>
      %broadcast_in_dim3A_1727 = arith.constant 0.000000e+00 : f32
      %broadcast_in_dim3A_1728 = vector.broadcast %broadcast_in_dim3A_1727 : f32 to vector<16xf32>
      %broadcast_in_dim3A_1729 = arith.constant 0.000000e+00 : f32
      %broadcast_in_dim3A_1730 = vector.broadcast %broadcast_in_dim3A_1729 : f32 to vector<16xf32>
      %broadcast_in_dim3A_1731 = arith.constant 0.000000e+00 : f32
      %broadcast_in_dim3A_1732 = vector.broadcast %broadcast_in_dim3A_1731 : f32 to vector<16xf32>
      %broadcast_in_dim3A_1733 = arith.constant 0.000000e+00 : f32
      %broadcast_in_dim3A_1734 = vector.broadcast %broadcast_in_dim3A_1733 : f32 to vector<16xf32>
      %scan3A_1735 = arith.constant 0 : i32
      %scan3A_1736 = arith.constant 80 : i32
      %scan3A_1737 = arith.addi %scan3A_1735, %scan3A_1736 : i32
      %scan3A_1738 = arith.constant 1 : i32
      %scan3A_1739:8 = scf.for %scan3A_2109 = %scan3A_1735 to %scan3A_1737 step %scan3A_1738 iter_args(%scan3A_2110 = %broadcast_in_dim3A_1720, %scan3A_2111 = %broadcast_in_dim3A_1722, %scan3A_2112 = %broadcast_in_dim3A_1724, %scan3A_2113 = %broadcast_in_dim3A_1726, %scan3A_2114 = %broadcast_in_dim3A_1728, %scan3A_2115 = %broadcast_in_dim3A_1730, %scan3A_2116 = %broadcast_in_dim3A_1732, %scan3A_2117 = %broadcast_in_dim3A_1734) -> (vector<16xf32>, vector<16xf32>, vector<16xf32>, vector<16xf32>, vector<16xf32>, vector<16xf32>, vector<16xf32>, vector<16xf32>)  : i32 {
        %mul3A_2118 = arith.constant 16 : i32
        %mul3A_2119 = arith.muli %scan3A_2109, %mul3A_2118 : i32
        %get3A = arith.index_cast %mul3A_2119 : i32 to index
        %get3A_2120 = tpu.vector_load %arg10[%get3A] {strides = array<i32>} : memref<1280xf32, #tpu.memory_space<vmem>>, vector<16xf32>,
        %get3A_2121 = vector.shape_cast %get3A_2120 : vector<16xf32> to vector<16xf32>
        %mul3A_2122 = arith.constant 16 : i32
        %mul3A_2123 = arith.muli %scan3A_2109, %mul3A_2122 : i32
        %get3A_2124 = arith.constant 0 : i32
        %get3A_2125 = arith.index_cast %get3A_2124 : i32 to index
        %get3A_2126 = arith.index_cast %mul3A_2123 : i32 to index
        %get3A_2127 = tpu.vector_load %arg16[%get3A_2125, %get3A_2126] {strides = array<i32>} : memref<8x1280xf32, #tpu.memory_space<vmem>>, vector<1x16xf32>,
        %get3A_2128 = vector.shape_cast %get3A_2127 : vector<1x16xf32> to vector<16xf32>
        %mul3A_2129 = arith.constant 16 : i32
        %mul3A_2130 = arith.muli %scan3A_2109, %mul3A_2129 : i32
        %get3A_2131 = arith.constant 0 : i32
        %get3A_2132 = arith.index_cast %get3A_2131 : i32 to index
        %get3A_2133 = arith.index_cast %mul3A_2130 : i32 to index
        %get3A_2134 = tpu.vector_load %arg21[%get3A_2132, %get3A_2133] {strides = array<i32>} : memref<8x1280xf32, #tpu.memory_space<vmem>>, vector<1x16xf32>,
        %get3A_2135 = vector.shape_cast %get3A_2134 : vector<1x16xf32> to vector<16xf32>
        %add3A_2136 = arith.addf %get3A_2128, %get3A_2135 : vector<16xf32>
        %max3A = arith.constant 0.000000e+00 : f32
        %max3A_2137 = vector.broadcast %max3A : f32 to vector<16xf32>
        %max3A_2138 = arith.maximumf %add3A_2136, %max3A_2137 : vector<16xf32>
        %mul3A_2139 = arith.constant 6.553700e+04 : f32
        %mul3A_2140 = vector.broadcast %mul3A_2139 : f32 to vector<16xf32>
        %mul3A_2141 = arith.mulf %max3A_2138, %mul3A_2140 : vector<16xf32>
        %sub3A = arith.subf %mul3A_2141, %max3A_2138 : vector<16xf32>
        %sub3A_2142 = arith.subf %mul3A_2141, %sub3A : vector<16xf32>
        %mul3A_2143 = arith.mulf %get3A_2121, %sub3A_2142 : vector<16xf32>
        %add3A_2144 = arith.addf %scan3A_2110, %mul3A_2143 : vector<16xf32>
        %mul3A_2145 = arith.constant 16 : i32
        %mul3A_2146 = arith.muli %scan3A_2109, %mul3A_2145 : i32
        %get3A_2147 = arith.constant 1 : i32
        %get3A_2148 = arith.index_cast %get3A_2147 : i32 to index
        %get3A_2149 = arith.index_cast %mul3A_2146 : i32 to index
        %get3A_2150 = tpu.vector_load %arg16[%get3A_2148, %get3A_2149] {strides = array<i32>} : memref<8x1280xf32, #tpu.memory_space<vmem>>, vector<1x16xf32>,
        %get3A_2151 = vector.shape_cast %get3A_2150 : vector<1x16xf32> to vector<16xf32>
        %mul3A_2152 = arith.constant 16 : i32
        %mul3A_2153 = arith.muli %scan3A_2109, %mul3A_2152 : i32
        %get3A_2154 = arith.constant 1 : i32
        %get3A_2155 = arith.index_cast %get3A_2154 : i32 to index
        %get3A_2156 = arith.index_cast %mul3A_2153 : i32 to index
        %get3A_2157 = tpu.vector_load %arg21[%get3A_2155, %get3A_2156] {strides = array<i32>} : memref<8x1280xf32, #tpu.memory_space<vmem>>, vector<1x16xf32>,
        %get3A_2158 = vector.shape_cast %get3A_2157 : vector<1x16xf32> to vector<16xf32>
        %add3A_2159 = arith.addf %get3A_2151, %get3A_2158 : vector<16xf32>
        %max3A_2160 = arith.constant 0.000000e+00 : f32
        %max3A_2161 = vector.broadcast %max3A_2160 : f32 to vector<16xf32>
        %max3A_2162 = arith.maximumf %add3A_2159, %max3A_2161 : vector<16xf32>
        %mul3A_2163 = arith.constant 6.553700e+04 : f32
        %mul3A_2164 = vector.broadcast %mul3A_2163 : f32 to vector<16xf32>
        %mul3A_2165 = arith.mulf %max3A_2162, %mul3A_2164 : vector<16xf32>
        %sub3A_2166 = arith.subf %mul3A_2165, %max3A_2162 : vector<16xf32>
        %sub3A_2167 = arith.subf %mul3A_2165, %sub3A_2166 : vector<16xf32>
        %mul3A_2168 = arith.mulf %get3A_2121, %sub3A_2167 : vector<16xf32>
        %add3A_2169 = arith.addf %scan3A_2111, %mul3A_2168 : vector<16xf32>
        %mul3A_2170 = arith.constant 16 : i32
        %mul3A_2171 = arith.muli %scan3A_2109, %mul3A_2170 : i32
        %get3A_2172 = arith.constant 2 : i32
        %get3A_2173 = arith.index_cast %get3A_2172 : i32 to index
        %get3A_2174 = arith.index_cast %mul3A_2171 : i32 to index
        %get3A_2175 = tpu.vector_load %arg16[%get3A_2173, %get3A_2174] {strides = array<i32>} : memref<8x1280xf32, #tpu.memory_space<vmem>>, vector<1x16xf32>,
        %get3A_2176 = vector.shape_cast %get3A_2175 : vector<1x16xf32> to vector<16xf32>
        %mul3A_2177 = arith.constant 16 : i32
        %mul3A_2178 = arith.muli %scan3A_2109, %mul3A_2177 : i32
        %get3A_2179 = arith.constant 2 : i32
        %get3A_2180 = arith.index_cast %get3A_2179 : i32 to index
        %get3A_2181 = arith.index_cast %mul3A_2178 : i32 to index
        %get3A_2182 = tpu.vector_load %arg21[%get3A_2180, %get3A_2181] {strides = array<i32>} : memref<8x1280xf32, #tpu.memory_space<vmem>>, vector<1x16xf32>,
        %get3A_2183 = vector.shape_cast %get3A_2182 : vector<1x16xf32> to vector<16xf32>
        %add3A_2184 = arith.addf %get3A_2176, %get3A_2183 : vector<16xf32>
        %max3A_2185 = arith.constant 0.000000e+00 : f32
        %max3A_2186 = vector.broadcast %max3A_2185 : f32 to vector<16xf32>
        %max3A_2187 = arith.maximumf %add3A_2184, %max3A_2186 : vector<16xf32>
        %mul3A_2188 = arith.constant 6.553700e+04 : f32
        %mul3A_2189 = vector.broadcast %mul3A_2188 : f32 to vector<16xf32>
        %mul3A_2190 = arith.mulf %max3A_2187, %mul3A_2189 : vector<16xf32>
        %sub3A_2191 = arith.subf %mul3A_2190, %max3A_2187 : vector<16xf32>
        %sub3A_2192 = arith.subf %mul3A_2190, %sub3A_2191 : vector<16xf32>
        %mul3A_2193 = arith.mulf %get3A_2121, %sub3A_2192 : vector<16xf32>
        %add3A_2194 = arith.addf %scan3A_2112, %mul3A_2193 : vector<16xf32>
        %mul3A_2195 = arith.constant 16 : i32
        %mul3A_2196 = arith.muli %scan3A_2109, %mul3A_2195 : i32
        %get3A_2197 = arith.constant 3 : i32
        %get3A_2198 = arith.index_cast %get3A_2197 : i32 to index
        %get3A_2199 = arith.index_cast %mul3A_2196 : i32 to index
        %get3A_2200 = tpu.vector_load %arg16[%get3A_2198, %get3A_2199] {strides = array<i32>} : memref<8x1280xf32, #tpu.memory_space<vmem>>, vector<1x16xf32>,
        %get3A_2201 = vector.shape_cast %get3A_2200 : vector<1x16xf32> to vector<16xf32>
        %mul3A_2202 = arith.constant 16 : i32
        %mul3A_2203 = arith.muli %scan3A_2109, %mul3A_2202 : i32
        %get3A_2204 = arith.constant 3 : i32
        %get3A_2205 = arith.index_cast %get3A_2204 : i32 to index
        %get3A_2206 = arith.index_cast %mul3A_2203 : i32 to index
        %get3A_2207 = tpu.vector_load %arg21[%get3A_2205, %get3A_2206] {strides = array<i32>} : memref<8x1280xf32, #tpu.memory_space<vmem>>, vector<1x16xf32>,
        %get3A_2208 = vector.shape_cast %get3A_2207 : vector<1x16xf32> to vector<16xf32>
        %add3A_2209 = arith.addf %get3A_2201, %get3A_2208 : vector<16xf32>
        %max3A_2210 = arith.constant 0.000000e+00 : f32
        %max3A_2211 = vector.broadcast %max3A_2210 : f32 to vector<16xf32>
        %max3A_2212 = arith.maximumf %add3A_2209, %max3A_2211 : vector<16xf32>
        %mul3A_2213 = arith.constant 6.553700e+04 : f32
        %mul3A_2214 = vector.broadcast %mul3A_2213 : f32 to vector<16xf32>
        %mul3A_2215 = arith.mulf %max3A_2212, %mul3A_2214 : vector<16xf32>
        %sub3A_2216 = arith.subf %mul3A_2215, %max3A_2212 : vector<16xf32>
        %sub3A_2217 = arith.subf %mul3A_2215, %sub3A_2216 : vector<16xf32>
        %mul3A_2218 = arith.mulf %get3A_2121, %sub3A_2217 : vector<16xf32>
        %add3A_2219 = arith.addf %scan3A_2113, %mul3A_2218 : vector<16xf32>
        %mul3A_2220 = arith.constant 16 : i32
        %mul3A_2221 = arith.muli %scan3A_2109, %mul3A_2220 : i32
        %get3A_2222 = arith.constant 4 : i32
        %get3A_2223 = arith.index_cast %get3A_2222 : i32 to index
        %get3A_2224 = arith.index_cast %mul3A_2221 : i32 to index
        %get3A_2225 = tpu.vector_load %arg16[%get3A_2223, %get3A_2224] {strides = array<i32>} : memref<8x1280xf32, #tpu.memory_space<vmem>>, vector<1x16xf32>,
        %get3A_2226 = vector.shape_cast %get3A_2225 : vector<1x16xf32> to vector<16xf32>
        %mul3A_2227 = arith.constant 16 : i32
        %mul3A_2228 = arith.muli %scan3A_2109, %mul3A_2227 : i32
        %get3A_2229 = arith.constant 4 : i32
        %get3A_2230 = arith.index_cast %get3A_2229 : i32 to index
        %get3A_2231 = arith.index_cast %mul3A_2228 : i32 to index
        %get3A_2232 = tpu.vector_load %arg21[%get3A_2230, %get3A_2231] {strides = array<i32>} : memref<8x1280xf32, #tpu.memory_space<vmem>>, vector<1x16xf32>,
        %get3A_2233 = vector.shape_cast %get3A_2232 : vector<1x16xf32> to vector<16xf32>
        %add3A_2234 = arith.addf %get3A_2226, %get3A_2233 : vector<16xf32>
        %max3A_2235 = arith.constant 0.000000e+00 : f32
        %max3A_2236 = vector.broadcast %max3A_2235 : f32 to vector<16xf32>
        %max3A_2237 = arith.maximumf %add3A_2234, %max3A_2236 : vector<16xf32>
        %mul3A_2238 = arith.constant 6.553700e+04 : f32
        %mul3A_2239 = vector.broadcast %mul3A_2238 : f32 to vector<16xf32>
        %mul3A_2240 = arith.mulf %max3A_2237, %mul3A_2239 : vector<16xf32>
        %sub3A_2241 = arith.subf %mul3A_2240, %max3A_2237 : vector<16xf32>
        %sub3A_2242 = arith.subf %mul3A_2240, %sub3A_2241 : vector<16xf32>
        %mul3A_2243 = arith.mulf %get3A_2121, %sub3A_2242 : vector<16xf32>
        %add3A_2244 = arith.addf %scan3A_2114, %mul3A_2243 : vector<16xf32>
        %mul3A_2245 = arith.constant 16 : i32
        %mul3A_2246 = arith.muli %scan3A_2109, %mul3A_2245 : i32
        %get3A_2247 = arith.constant 5 : i32
        %get3A_2248 = arith.index_cast %get3A_2247 : i32 to index
        %get3A_2249 = arith.index_cast %mul3A_2246 : i32 to index
        %get3A_2250 = tpu.vector_load %arg16[%get3A_2248, %get3A_2249] {strides = array<i32>} : memref<8x1280xf32, #tpu.memory_space<vmem>>, vector<1x16xf32>,
        %get3A_2251 = vector.shape_cast %get3A_2250 : vector<1x16xf32> to vector<16xf32>
        %mul3A_2252 = arith.constant 16 : i32
        %mul3A_2253 = arith.muli %scan3A_2109, %mul3A_2252 : i32
        %get3A_2254 = arith.constant 5 : i32
        %get3A_2255 = arith.index_cast %get3A_2254 : i32 to index
        %get3A_2256 = arith.index_cast %mul3A_2253 : i32 to index
        %get3A_2257 = tpu.vector_load %arg21[%get3A_2255, %get3A_2256] {strides = array<i32>} : memref<8x1280xf32, #tpu.memory_space<vmem>>, vector<1x16xf32>,
        %get3A_2258 = vector.shape_cast %get3A_2257 : vector<1x16xf32> to vector<16xf32>
        %add3A_2259 = arith.addf %get3A_2251, %get3A_2258 : vector<16xf32>
        %max3A_2260 = arith.constant 0.000000e+00 : f32
        %max3A_2261 = vector.broadcast %max3A_2260 : f32 to vector<16xf32>
        %max3A_2262 = arith.maximumf %add3A_2259, %max3A_2261 : vector<16xf32>
        %mul3A_2263 = arith.constant 6.553700e+04 : f32
        %mul3A_2264 = vector.broadcast %mul3A_2263 : f32 to vector<16xf32>
        %mul3A_2265 = arith.mulf %max3A_2262, %mul3A_2264 : vector<16xf32>
        %sub3A_2266 = arith.subf %mul3A_2265, %max3A_2262 : vector<16xf32>
        %sub3A_2267 = arith.subf %mul3A_2265, %sub3A_2266 : vector<16xf32>
        %mul3A_2268 = arith.mulf %get3A_2121, %sub3A_2267 : vector<16xf32>
        %add3A_2269 = arith.addf %scan3A_2115, %mul3A_2268 : vector<16xf32>
        %mul3A_2270 = arith.constant 16 : i32
        %mul3A_2271 = arith.muli %scan3A_2109, %mul3A_2270 : i32
        %get3A_2272 = arith.constant 6 : i32
        %get3A_2273 = arith.index_cast %get3A_2272 : i32 to index
        %get3A_2274 = arith.index_cast %mul3A_2271 : i32 to index
        %get3A_2275 = tpu.vector_load %arg16[%get3A_2273, %get3A_2274] {strides = array<i32>} : memref<8x1280xf32, #tpu.memory_space<vmem>>, vector<1x16xf32>,
        %get3A_2276 = vector.shape_cast %get3A_2275 : vector<1x16xf32> to vector<16xf32>
        %mul3A_2277 = arith.constant 16 : i32
        %mul3A_2278 = arith.muli %scan3A_2109, %mul3A_2277 : i32
        %get3A_2279 = arith.constant 6 : i32
        %get3A_2280 = arith.index_cast %get3A_2279 : i32 to index
        %get3A_2281 = arith.index_cast %mul3A_2278 : i32 to index
        %get3A_2282 = tpu.vector_load %arg21[%get3A_2280, %get3A_2281] {strides = array<i32>} : memref<8x1280xf32, #tpu.memory_space<vmem>>, vector<1x16xf32>,
        %get3A_2283 = vector.shape_cast %get3A_2282 : vector<1x16xf32> to vector<16xf32>
        %add3A_2284 = arith.addf %get3A_2276, %get3A_2283 : vector<16xf32>
        %max3A_2285 = arith.constant 0.000000e+00 : f32
        %max3A_2286 = vector.broadcast %max3A_2285 : f32 to vector<16xf32>
        %max3A_2287 = arith.maximumf %add3A_2284, %max3A_2286 : vector<16xf32>
        %mul3A_2288 = arith.constant 6.553700e+04 : f32
        %mul3A_2289 = vector.broadcast %mul3A_2288 : f32 to vector<16xf32>
        %mul3A_2290 = arith.mulf %max3A_2287, %mul3A_2289 : vector<16xf32>
        %sub3A_2291 = arith.subf %mul3A_2290, %max3A_2287 : vector<16xf32>
        %sub3A_2292 = arith.subf %mul3A_2290, %sub3A_2291 : vector<16xf32>
        %mul3A_2293 = arith.mulf %get3A_2121, %sub3A_2292 : vector<16xf32>
        %add3A_2294 = arith.addf %scan3A_2116, %mul3A_2293 : vector<16xf32>
        %mul3A_2295 = arith.constant 16 : i32
        %mul3A_2296 = arith.muli %scan3A_2109, %mul3A_2295 : i32
        %get3A_2297 = arith.constant 7 : i32
        %get3A_2298 = arith.index_cast %get3A_2297 : i32 to index
        %get3A_2299 = arith.index_cast %mul3A_2296 : i32 to index
        %get3A_2300 = tpu.vector_load %arg16[%get3A_2298, %get3A_2299] {strides = array<i32>} : memref<8x1280xf32, #tpu.memory_space<vmem>>, vector<1x16xf32>,
        %get3A_2301 = vector.shape_cast %get3A_2300 : vector<1x16xf32> to vector<16xf32>
        %mul3A_2302 = arith.constant 16 : i32
        %mul3A_2303 = arith.muli %scan3A_2109, %mul3A_2302 : i32
        %get3A_2304 = arith.constant 7 : i32
        %get3A_2305 = arith.index_cast %get3A_2304 : i32 to index
        %get3A_2306 = arith.index_cast %mul3A_2303 : i32 to index
        %get3A_2307 = tpu.vector_load %arg21[%get3A_2305, %get3A_2306] {strides = array<i32>} : memref<8x1280xf32, #tpu.memory_space<vmem>>, vector<1x16xf32>,
        %get3A_2308 = vector.shape_cast %get3A_2307 : vector<1x16xf32> to vector<16xf32>
        %add3A_2309 = arith.addf %get3A_2301, %get3A_2308 : vector<16xf32>
        %max3A_2310 = arith.constant 0.000000e+00 : f32
        %max3A_2311 = vector.broadcast %max3A_2310 : f32 to vector<16xf32>
        %max3A_2312 = arith.maximumf %add3A_2309, %max3A_2311 : vector<16xf32>
        %mul3A_2313 = arith.constant 6.553700e+04 : f32
        %mul3A_2314 = vector.broadcast %mul3A_2313 : f32 to vector<16xf32>
        %mul3A_2315 = arith.mulf %max3A_2312, %mul3A_2314 : vector<16xf32>
        %sub3A_2316 = arith.subf %mul3A_2315, %max3A_2312 : vector<16xf32>
        %sub3A_2317 = arith.subf %mul3A_2315, %sub3A_2316 : vector<16xf32>
        %mul3A_2318 = arith.mulf %get3A_2121, %sub3A_2317 : vector<16xf32>
        %add3A_2319 = arith.addf %scan3A_2117, %mul3A_2318 : vector<16xf32>
        scf.yield %add3A_2144, %add3A_2169, %add3A_2194, %add3A_2219, %add3A_2244, %add3A_2269, %add3A_2294, %add3A_2319 : vector<16xf32>, vector<16xf32>, vector<16xf32>, vector<16xf32>, vector<16xf32>, vector<16xf32>, vector<16xf32>, vector<16xf32>
      }
      %scan3A_1740 = arith.constant 80 : i32
      %iota3A_1741 = tpu.iota {dimensions = array<i32: 0>} : vector<16xi32>
      %broadcast_in_dim3A_1742 = arith.constant 0.000000e+00 : f32
      %broadcast_in_dim3A_1743 = vector.broadcast %broadcast_in_dim3A_1742 : f32 to vector<16xf32>
      %add3A_1744 = arith.constant 8 : i32
      %add3A_1745 = vector.broadcast %add3A_1744 : i32 to vector<16xi32>
      %add3A_1746 = arith.addi %iota3A_1741, %add3A_1745 : vector<16xi32>
      %and3A_1747 = arith.constant 15 : i32
      %and3A_1748 = vector.broadcast %and3A_1747 : i32 to vector<16xi32>
      %and3A_1749 = arith.andi %add3A_1746, %and3A_1748 : vector<16xi32>
      %broadcast_in_dim3A_1750 = vector.shape_cast %and3A_1749 : vector<16xi32> to vector<16x1xi32>
      %gather3A_1751 = vector.shape_cast %broadcast_in_dim3A_1750 : vector<16x1xi32> to vector<16xi32>
      %gather3A_1752 = tpu.dynamic_gather %scan3A_1739#0[%gather3A_1751] in [0] : vector<16xf32>, vector<16xi32> -> vector<16xf32>
      %add3A_1753 = arith.addf %scan3A_1739#0, %gather3A_1752 : vector<16xf32>
      %add3A_1754 = arith.constant 4 : i32
      %add3A_1755 = vector.broadcast %add3A_1754 : i32 to vector<16xi32>
      %add3A_1756 = arith.addi %iota3A_1741, %add3A_1755 : vector<16xi32>
      %and3A_1757 = arith.constant 15 : i32
      %and3A_1758 = vector.broadcast %and3A_1757 : i32 to vector<16xi32>
      %and3A_1759 = arith.andi %add3A_1756, %and3A_1758 : vector<16xi32>
      %broadcast_in_dim3A_1760 = vector.shape_cast %and3A_1759 : vector<16xi32> to vector<16x1xi32>
      %gather3A_1761 = vector.shape_cast %broadcast_in_dim3A_1760 : vector<16x1xi32> to vector<16xi32>
      %gather3A_1762 = tpu.dynamic_gather %add3A_1753[%gather3A_1761] in [0] : vector<16xf32>, vector<16xi32> -> vector<16xf32>
      %add3A_1763 = arith.addf %add3A_1753, %gather3A_1762 : vector<16xf32>
      %add3A_1764 = arith.constant 2 : i32
      %add3A_1765 = vector.broadcast %add3A_1764 : i32 to vector<16xi32>
      %add3A_1766 = arith.addi %iota3A_1741, %add3A_1765 : vector<16xi32>
      %and3A_1767 = arith.constant 15 : i32
      %and3A_1768 = vector.broadcast %and3A_1767 : i32 to vector<16xi32>
      %and3A_1769 = arith.andi %add3A_1766, %and3A_1768 : vector<16xi32>
      %broadcast_in_dim3A_1770 = vector.shape_cast %and3A_1769 : vector<16xi32> to vector<16x1xi32>
      %gather3A_1771 = vector.shape_cast %broadcast_in_dim3A_1770 : vector<16x1xi32> to vector<16xi32>
      %gather3A_1772 = tpu.dynamic_gather %add3A_1763[%gather3A_1771] in [0] : vector<16xf32>, vector<16xi32> -> vector<16xf32>
      %add3A_1773 = arith.addf %add3A_1763, %gather3A_1772 : vector<16xf32>
      %add3A_1774 = arith.constant 1 : i32
      %add3A_1775 = vector.broadcast %add3A_1774 : i32 to vector<16xi32>
      %add3A_1776 = arith.addi %iota3A_1741, %add3A_1775 : vector<16xi32>
      %and3A_1777 = arith.constant 15 : i32
      %and3A_1778 = vector.broadcast %and3A_1777 : i32 to vector<16xi32>
      %and3A_1779 = arith.andi %add3A_1776, %and3A_1778 : vector<16xi32>
      %broadcast_in_dim3A_1780 = vector.shape_cast %and3A_1779 : vector<16xi32> to vector<16x1xi32>
      %gather3A_1781 = vector.shape_cast %broadcast_in_dim3A_1780 : vector<16x1xi32> to vector<16xi32>
      %gather3A_1782 = tpu.dynamic_gather %add3A_1773[%gather3A_1781] in [0] : vector<16xf32>, vector<16xi32> -> vector<16xf32>
      %add3A_1783 = arith.addf %add3A_1773, %gather3A_1782 : vector<16xf32>
      %eq3A_1784 = arith.constant 0 : i32
      %eq3A_1785 = vector.broadcast %eq3A_1784 : i32 to vector<16xi32>
      %eq3A_1786 = arith.cmpi eq, %iota3A_1741, %eq3A_1785 : vector<16xi32>
      %select_n3A_1787 = arith.select %eq3A_1786, %add3A_1783, %broadcast_in_dim3A_1743 : vector<16xi1>, vector<16xf32>
      %add3A_1788 = arith.constant 8 : i32
      %add3A_1789 = vector.broadcast %add3A_1788 : i32 to vector<16xi32>
      %add3A_1790 = arith.addi %iota3A_1741, %add3A_1789 : vector<16xi32>
      %and3A_1791 = arith.constant 15 : i32
      %and3A_1792 = vector.broadcast %and3A_1791 : i32 to vector<16xi32>
      %and3A_1793 = arith.andi %add3A_1790, %and3A_1792 : vector<16xi32>
      %broadcast_in_dim3A_1794 = vector.shape_cast %and3A_1793 : vector<16xi32> to vector<16x1xi32>
      %gather3A_1795 = vector.shape_cast %broadcast_in_dim3A_1794 : vector<16x1xi32> to vector<16xi32>
      %gather3A_1796 = tpu.dynamic_gather %scan3A_1739#1[%gather3A_1795] in [0] : vector<16xf32>, vector<16xi32> -> vector<16xf32>
      %add3A_1797 = arith.addf %scan3A_1739#1, %gather3A_1796 : vector<16xf32>
      %add3A_1798 = arith.constant 4 : i32
      %add3A_1799 = vector.broadcast %add3A_1798 : i32 to vector<16xi32>
      %add3A_1800 = arith.addi %iota3A_1741, %add3A_1799 : vector<16xi32>
      %and3A_1801 = arith.constant 15 : i32
      %and3A_1802 = vector.broadcast %and3A_1801 : i32 to vector<16xi32>
      %and3A_1803 = arith.andi %add3A_1800, %and3A_1802 : vector<16xi32>
      %broadcast_in_dim3A_1804 = vector.shape_cast %and3A_1803 : vector<16xi32> to vector<16x1xi32>
      %gather3A_1805 = vector.shape_cast %broadcast_in_dim3A_1804 : vector<16x1xi32> to vector<16xi32>
      %gather3A_1806 = tpu.dynamic_gather %add3A_1797[%gather3A_1805] in [0] : vector<16xf32>, vector<16xi32> -> vector<16xf32>
      %add3A_1807 = arith.addf %add3A_1797, %gather3A_1806 : vector<16xf32>
      %add3A_1808 = arith.constant 2 : i32
      %add3A_1809 = vector.broadcast %add3A_1808 : i32 to vector<16xi32>
      %add3A_1810 = arith.addi %iota3A_1741, %add3A_1809 : vector<16xi32>
      %and3A_1811 = arith.constant 15 : i32
      %and3A_1812 = vector.broadcast %and3A_1811 : i32 to vector<16xi32>
      %and3A_1813 = arith.andi %add3A_1810, %and3A_1812 : vector<16xi32>
      %broadcast_in_dim3A_1814 = vector.shape_cast %and3A_1813 : vector<16xi32> to vector<16x1xi32>
      %gather3A_1815 = vector.shape_cast %broadcast_in_dim3A_1814 : vector<16x1xi32> to vector<16xi32>
      %gather3A_1816 = tpu.dynamic_gather %add3A_1807[%gather3A_1815] in [0] : vector<16xf32>, vector<16xi32> -> vector<16xf32>
      %add3A_1817 = arith.addf %add3A_1807, %gather3A_1816 : vector<16xf32>
      %add3A_1818 = arith.constant 1 : i32
      %add3A_1819 = vector.broadcast %add3A_1818 : i32 to vector<16xi32>
      %add3A_1820 = arith.addi %iota3A_1741, %add3A_1819 : vector<16xi32>
      %and3A_1821 = arith.constant 15 : i32
      %and3A_1822 = vector.broadcast %and3A_1821 : i32 to vector<16xi32>
      %and3A_1823 = arith.andi %add3A_1820, %and3A_1822 : vector<16xi32>
      %broadcast_in_dim3A_1824 = vector.shape_cast %and3A_1823 : vector<16xi32> to vector<16x1xi32>
      %gather3A_1825 = vector.shape_cast %broadcast_in_dim3A_1824 : vector<16x1xi32> to vector<16xi32>
      %gather3A_1826 = tpu.dynamic_gather %add3A_1817[%gather3A_1825] in [0] : vector<16xf32>, vector<16xi32> -> vector<16xf32>
      %add3A_1827 = arith.addf %add3A_1817, %gather3A_1826 : vector<16xf32>
      %eq3A_1828 = arith.constant 1 : i32
      %eq3A_1829 = vector.broadcast %eq3A_1828 : i32 to vector<16xi32>
      %eq3A_1830 = arith.cmpi eq, %iota3A_1741, %eq3A_1829 : vector<16xi32>
      %select_n3A_1831 = arith.select %eq3A_1830, %add3A_1827, %select_n3A_1787 : vector<16xi1>, vector<16xf32>
      %add3A_1832 = arith.constant 8 : i32
      %add3A_1833 = vector.broadcast %add3A_1832 : i32 to vector<16xi32>
      %add3A_1834 = arith.addi %iota3A_1741, %add3A_1833 : vector<16xi32>
      %and3A_1835 = arith.constant 15 : i32
      %and3A_1836 = vector.broadcast %and3A_1835 : i32 to vector<16xi32>
      %and3A_1837 = arith.andi %add3A_1834, %and3A_1836 : vector<16xi32>
      %broadcast_in_dim3A_1838 = vector.shape_cast %and3A_1837 : vector<16xi32> to vector<16x1xi32>
      %gather3A_1839 = vector.shape_cast %broadcast_in_dim3A_1838 : vector<16x1xi32> to vector<16xi32>
      %gather3A_1840 = tpu.dynamic_gather %scan3A_1739#2[%gather3A_1839] in [0] : vector<16xf32>, vector<16xi32> -> vector<16xf32>
      %add3A_1841 = arith.addf %scan3A_1739#2, %gather3A_1840 : vector<16xf32>
      %add3A_1842 = arith.constant 4 : i32
      %add3A_1843 = vector.broadcast %add3A_1842 : i32 to vector<16xi32>
      %add3A_1844 = arith.addi %iota3A_1741, %add3A_1843 : vector<16xi32>
      %and3A_1845 = arith.constant 15 : i32
      %and3A_1846 = vector.broadcast %and3A_1845 : i32 to vector<16xi32>
      %and3A_1847 = arith.andi %add3A_1844, %and3A_1846 : vector<16xi32>
      %broadcast_in_dim3A_1848 = vector.shape_cast %and3A_1847 : vector<16xi32> to vector<16x1xi32>
      %gather3A_1849 = vector.shape_cast %broadcast_in_dim3A_1848 : vector<16x1xi32> to vector<16xi32>
      %gather3A_1850 = tpu.dynamic_gather %add3A_1841[%gather3A_1849] in [0] : vector<16xf32>, vector<16xi32> -> vector<16xf32>
      %add3A_1851 = arith.addf %add3A_1841, %gather3A_1850 : vector<16xf32>
      %add3A_1852 = arith.constant 2 : i32
      %add3A_1853 = vector.broadcast %add3A_1852 : i32 to vector<16xi32>
      %add3A_1854 = arith.addi %iota3A_1741, %add3A_1853 : vector<16xi32>
      %and3A_1855 = arith.constant 15 : i32
      %and3A_1856 = vector.broadcast %and3A_1855 : i32 to vector<16xi32>
      %and3A_1857 = arith.andi %add3A_1854, %and3A_1856 : vector<16xi32>
      %broadcast_in_dim3A_1858 = vector.shape_cast %and3A_1857 : vector<16xi32> to vector<16x1xi32>
      %gather3A_1859 = vector.shape_cast %broadcast_in_dim3A_1858 : vector<16x1xi32> to vector<16xi32>
      %gather3A_1860 = tpu.dynamic_gather %add3A_1851[%gather3A_1859] in [0] : vector<16xf32>, vector<16xi32> -> vector<16xf32>
      %add3A_1861 = arith.addf %add3A_1851, %gather3A_1860 : vector<16xf32>
      %add3A_1862 = arith.constant 1 : i32
      %add3A_1863 = vector.broadcast %add3A_1862 : i32 to vector<16xi32>
      %add3A_1864 = arith.addi %iota3A_1741, %add3A_1863 : vector<16xi32>
      %and3A_1865 = arith.constant 15 : i32
      %and3A_1866 = vector.broadcast %and3A_1865 : i32 to vector<16xi32>
      %and3A_1867 = arith.andi %add3A_1864, %and3A_1866 : vector<16xi32>
      %broadcast_in_dim3A_1868 = vector.shape_cast %and3A_1867 : vector<16xi32> to vector<16x1xi32>
      %gather3A_1869 = vector.shape_cast %broadcast_in_dim3A_1868 : vector<16x1xi32> to vector<16xi32>
      %gather3A_1870 = tpu.dynamic_gather %add3A_1861[%gather3A_1869] in [0] : vector<16xf32>, vector<16xi32> -> vector<16xf32>
      %add3A_1871 = arith.addf %add3A_1861, %gather3A_1870 : vector<16xf32>
      %eq3A_1872 = arith.constant 2 : i32
      %eq3A_1873 = vector.broadcast %eq3A_1872 : i32 to vector<16xi32>
      %eq3A_1874 = arith.cmpi eq, %iota3A_1741, %eq3A_1873 : vector<16xi32>
      %select_n3A_1875 = arith.select %eq3A_1874, %add3A_1871, %select_n3A_1831 : vector<16xi1>, vector<16xf32>
      %add3A_1876 = arith.constant 8 : i32
      %add3A_1877 = vector.broadcast %add3A_1876 : i32 to vector<16xi32>
      %add3A_1878 = arith.addi %iota3A_1741, %add3A_1877 : vector<16xi32>
      %and3A_1879 = arith.constant 15 : i32
      %and3A_1880 = vector.broadcast %and3A_1879 : i32 to vector<16xi32>
      %and3A_1881 = arith.andi %add3A_1878, %and3A_1880 : vector<16xi32>
      %broadcast_in_dim3A_1882 = vector.shape_cast %and3A_1881 : vector<16xi32> to vector<16x1xi32>
      %gather3A_1883 = vector.shape_cast %broadcast_in_dim3A_1882 : vector<16x1xi32> to vector<16xi32>
      %gather3A_1884 = tpu.dynamic_gather %scan3A_1739#3[%gather3A_1883] in [0] : vector<16xf32>, vector<16xi32> -> vector<16xf32>
      %add3A_1885 = arith.addf %scan3A_1739#3, %gather3A_1884 : vector<16xf32>
      %add3A_1886 = arith.constant 4 : i32
      %add3A_1887 = vector.broadcast %add3A_1886 : i32 to vector<16xi32>
      %add3A_1888 = arith.addi %iota3A_1741, %add3A_1887 : vector<16xi32>
      %and3A_1889 = arith.constant 15 : i32
      %and3A_1890 = vector.broadcast %and3A_1889 : i32 to vector<16xi32>
      %and3A_1891 = arith.andi %add3A_1888, %and3A_1890 : vector<16xi32>
      %broadcast_in_dim3A_1892 = vector.shape_cast %and3A_1891 : vector<16xi32> to vector<16x1xi32>
      %gather3A_1893 = vector.shape_cast %broadcast_in_dim3A_1892 : vector<16x1xi32> to vector<16xi32>
      %gather3A_1894 = tpu.dynamic_gather %add3A_1885[%gather3A_1893] in [0] : vector<16xf32>, vector<16xi32> -> vector<16xf32>
      %add3A_1895 = arith.addf %add3A_1885, %gather3A_1894 : vector<16xf32>
      %add3A_1896 = arith.constant 2 : i32
      %add3A_1897 = vector.broadcast %add3A_1896 : i32 to vector<16xi32>
      %add3A_1898 = arith.addi %iota3A_1741, %add3A_1897 : vector<16xi32>
      %and3A_1899 = arith.constant 15 : i32
      %and3A_1900 = vector.broadcast %and3A_1899 : i32 to vector<16xi32>
      %and3A_1901 = arith.andi %add3A_1898, %and3A_1900 : vector<16xi32>
      %broadcast_in_dim3A_1902 = vector.shape_cast %and3A_1901 : vector<16xi32> to vector<16x1xi32>
      %gather3A_1903 = vector.shape_cast %broadcast_in_dim3A_1902 : vector<16x1xi32> to vector<16xi32>
      %gather3A_1904 = tpu.dynamic_gather %add3A_1895[%gather3A_1903] in [0] : vector<16xf32>, vector<16xi32> -> vector<16xf32>
      %add3A_1905 = arith.addf %add3A_1895, %gather3A_1904 : vector<16xf32>
      %add3A_1906 = arith.constant 1 : i32
      %add3A_1907 = vector.broadcast %add3A_1906 : i32 to vector<16xi32>
      %add3A_1908 = arith.addi %iota3A_1741, %add3A_1907 : vector<16xi32>
      %and3A_1909 = arith.constant 15 : i32
      %and3A_1910 = vector.broadcast %and3A_1909 : i32 to vector<16xi32>
      %and3A_1911 = arith.andi %add3A_1908, %and3A_1910 : vector<16xi32>
      %broadcast_in_dim3A_1912 = vector.shape_cast %and3A_1911 : vector<16xi32> to vector<16x1xi32>
      %gather3A_1913 = vector.shape_cast %broadcast_in_dim3A_1912 : vector<16x1xi32> to vector<16xi32>
      %gather3A_1914 = tpu.dynamic_gather %add3A_1905[%gather3A_1913] in [0] : vector<16xf32>, vector<16xi32> -> vector<16xf32>
      %add3A_1915 = arith.addf %add3A_1905, %gather3A_1914 : vector<16xf32>
      %eq3A_1916 = arith.constant 3 : i32
      %eq3A_1917 = vector.broadcast %eq3A_1916 : i32 to vector<16xi32>
      %eq3A_1918 = arith.cmpi eq, %iota3A_1741, %eq3A_1917 : vector<16xi32>
      %select_n3A_1919 = arith.select %eq3A_1918, %add3A_1915, %select_n3A_1875 : vector<16xi1>, vector<16xf32>
      %add3A_1920 = arith.constant 8 : i32
      %add3A_1921 = vector.broadcast %add3A_1920 : i32 to vector<16xi32>
      %add3A_1922 = arith.addi %iota3A_1741, %add3A_1921 : vector<16xi32>
      %and3A_1923 = arith.constant 15 : i32
      %and3A_1924 = vector.broadcast %and3A_1923 : i32 to vector<16xi32>
      %and3A_1925 = arith.andi %add3A_1922, %and3A_1924 : vector<16xi32>
      %broadcast_in_dim3A_1926 = vector.shape_cast %and3A_1925 : vector<16xi32> to vector<16x1xi32>
      %gather3A_1927 = vector.shape_cast %broadcast_in_dim3A_1926 : vector<16x1xi32> to vector<16xi32>
      %gather3A_1928 = tpu.dynamic_gather %scan3A_1739#4[%gather3A_1927] in [0] : vector<16xf32>, vector<16xi32> -> vector<16xf32>
      %add3A_1929 = arith.addf %scan3A_1739#4, %gather3A_1928 : vector<16xf32>
      %add3A_1930 = arith.constant 4 : i32
      %add3A_1931 = vector.broadcast %add3A_1930 : i32 to vector<16xi32>
      %add3A_1932 = arith.addi %iota3A_1741, %add3A_1931 : vector<16xi32>
      %and3A_1933 = arith.constant 15 : i32
      %and3A_1934 = vector.broadcast %and3A_1933 : i32 to vector<16xi32>
      %and3A_1935 = arith.andi %add3A_1932, %and3A_1934 : vector<16xi32>
      %broadcast_in_dim3A_1936 = vector.shape_cast %and3A_1935 : vector<16xi32> to vector<16x1xi32>
      %gather3A_1937 = vector.shape_cast %broadcast_in_dim3A_1936 : vector<16x1xi32> to vector<16xi32>
      %gather3A_1938 = tpu.dynamic_gather %add3A_1929[%gather3A_1937] in [0] : vector<16xf32>, vector<16xi32> -> vector<16xf32>
      %add3A_1939 = arith.addf %add3A_1929, %gather3A_1938 : vector<16xf32>
      %add3A_1940 = arith.constant 2 : i32
      %add3A_1941 = vector.broadcast %add3A_1940 : i32 to vector<16xi32>
      %add3A_1942 = arith.addi %iota3A_1741, %add3A_1941 : vector<16xi32>
      %and3A_1943 = arith.constant 15 : i32
      %and3A_1944 = vector.broadcast %and3A_1943 : i32 to vector<16xi32>
      %and3A_1945 = arith.andi %add3A_1942, %and3A_1944 : vector<16xi32>
      %broadcast_in_dim3A_1946 = vector.shape_cast %and3A_1945 : vector<16xi32> to vector<16x1xi32>
      %gather3A_1947 = vector.shape_cast %broadcast_in_dim3A_1946 : vector<16x1xi32> to vector<16xi32>
      %gather3A_1948 = tpu.dynamic_gather %add3A_1939[%gather3A_1947] in [0] : vector<16xf32>, vector<16xi32> -> vector<16xf32>
      %add3A_1949 = arith.addf %add3A_1939, %gather3A_1948 : vector<16xf32>
      %add3A_1950 = arith.constant 1 : i32
      %add3A_1951 = vector.broadcast %add3A_1950 : i32 to vector<16xi32>
      %add3A_1952 = arith.addi %iota3A_1741, %add3A_1951 : vector<16xi32>
      %and3A_1953 = arith.constant 15 : i32
      %and3A_1954 = vector.broadcast %and3A_1953 : i32 to vector<16xi32>
      %and3A_1955 = arith.andi %add3A_1952, %and3A_1954 : vector<16xi32>
      %broadcast_in_dim3A_1956 = vector.shape_cast %and3A_1955 : vector<16xi32> to vector<16x1xi32>
      %gather3A_1957 = vector.shape_cast %broadcast_in_dim3A_1956 : vector<16x1xi32> to vector<16xi32>
      %gather3A_1958 = tpu.dynamic_gather %add3A_1949[%gather3A_1957] in [0] : vector<16xf32>, vector<16xi32> -> vector<16xf32>
      %add3A_1959 = arith.addf %add3A_1949, %gather3A_1958 : vector<16xf32>
      %eq3A_1960 = arith.constant 4 : i32
      %eq3A_1961 = vector.broadcast %eq3A_1960 : i32 to vector<16xi32>
      %eq3A_1962 = arith.cmpi eq, %iota3A_1741, %eq3A_1961 : vector<16xi32>
      %select_n3A_1963 = arith.select %eq3A_1962, %add3A_1959, %select_n3A_1919 : vector<16xi1>, vector<16xf32>
      %add3A_1964 = arith.constant 8 : i32
      %add3A_1965 = vector.broadcast %add3A_1964 : i32 to vector<16xi32>
      %add3A_1966 = arith.addi %iota3A_1741, %add3A_1965 : vector<16xi32>
      %and3A_1967 = arith.constant 15 : i32
      %and3A_1968 = vector.broadcast %and3A_1967 : i32 to vector<16xi32>
      %and3A_1969 = arith.andi %add3A_1966, %and3A_1968 : vector<16xi32>
      %broadcast_in_dim3A_1970 = vector.shape_cast %and3A_1969 : vector<16xi32> to vector<16x1xi32>
      %gather3A_1971 = vector.shape_cast %broadcast_in_dim3A_1970 : vector<16x1xi32> to vector<16xi32>
      %gather3A_1972 = tpu.dynamic_gather %scan3A_1739#5[%gather3A_1971] in [0] : vector<16xf32>, vector<16xi32> -> vector<16xf32>
      %add3A_1973 = arith.addf %scan3A_1739#5, %gather3A_1972 : vector<16xf32>
      %add3A_1974 = arith.constant 4 : i32
      %add3A_1975 = vector.broadcast %add3A_1974 : i32 to vector<16xi32>
      %add3A_1976 = arith.addi %iota3A_1741, %add3A_1975 : vector<16xi32>
      %and3A_1977 = arith.constant 15 : i32
      %and3A_1978 = vector.broadcast %and3A_1977 : i32 to vector<16xi32>
      %and3A_1979 = arith.andi %add3A_1976, %and3A_1978 : vector<16xi32>
      %broadcast_in_dim3A_1980 = vector.shape_cast %and3A_1979 : vector<16xi32> to vector<16x1xi32>
      %gather3A_1981 = vector.shape_cast %broadcast_in_dim3A_1980 : vector<16x1xi32> to vector<16xi32>
      %gather3A_1982 = tpu.dynamic_gather %add3A_1973[%gather3A_1981] in [0] : vector<16xf32>, vector<16xi32> -> vector<16xf32>
      %add3A_1983 = arith.addf %add3A_1973, %gather3A_1982 : vector<16xf32>
      %add3A_1984 = arith.constant 2 : i32
      %add3A_1985 = vector.broadcast %add3A_1984 : i32 to vector<16xi32>
      %add3A_1986 = arith.addi %iota3A_1741, %add3A_1985 : vector<16xi32>
      %and3A_1987 = arith.constant 15 : i32
      %and3A_1988 = vector.broadcast %and3A_1987 : i32 to vector<16xi32>
      %and3A_1989 = arith.andi %add3A_1986, %and3A_1988 : vector<16xi32>
      %broadcast_in_dim3A_1990 = vector.shape_cast %and3A_1989 : vector<16xi32> to vector<16x1xi32>
      %gather3A_1991 = vector.shape_cast %broadcast_in_dim3A_1990 : vector<16x1xi32> to vector<16xi32>
      %gather3A_1992 = tpu.dynamic_gather %add3A_1983[%gather3A_1991] in [0] : vector<16xf32>, vector<16xi32> -> vector<16xf32>
      %add3A_1993 = arith.addf %add3A_1983, %gather3A_1992 : vector<16xf32>
      %add3A_1994 = arith.constant 1 : i32
      %add3A_1995 = vector.broadcast %add3A_1994 : i32 to vector<16xi32>
      %add3A_1996 = arith.addi %iota3A_1741, %add3A_1995 : vector<16xi32>
      %and3A_1997 = arith.constant 15 : i32
      %and3A_1998 = vector.broadcast %and3A_1997 : i32 to vector<16xi32>
      %and3A_1999 = arith.andi %add3A_1996, %and3A_1998 : vector<16xi32>
      %broadcast_in_dim3A_2000 = vector.shape_cast %and3A_1999 : vector<16xi32> to vector<16x1xi32>
      %gather3A_2001 = vector.shape_cast %broadcast_in_dim3A_2000 : vector<16x1xi32> to vector<16xi32>
      %gather3A_2002 = tpu.dynamic_gather %add3A_1993[%gather3A_2001] in [0] : vector<16xf32>, vector<16xi32> -> vector<16xf32>
      %add3A_2003 = arith.addf %add3A_1993, %gather3A_2002 : vector<16xf32>
      %eq3A_2004 = arith.constant 5 : i32
      %eq3A_2005 = vector.broadcast %eq3A_2004 : i32 to vector<16xi32>
      %eq3A_2006 = arith.cmpi eq, %iota3A_1741, %eq3A_2005 : vector<16xi32>
      %select_n3A_2007 = arith.select %eq3A_2006, %add3A_2003, %select_n3A_1963 : vector<16xi1>, vector<16xf32>
      %add3A_2008 = arith.constant 8 : i32
      %add3A_2009 = vector.broadcast %add3A_2008 : i32 to vector<16xi32>
      %add3A_2010 = arith.addi %iota3A_1741, %add3A_2009 : vector<16xi32>
      %and3A_2011 = arith.constant 15 : i32
      %and3A_2012 = vector.broadcast %and3A_2011 : i32 to vector<16xi32>
      %and3A_2013 = arith.andi %add3A_2010, %and3A_2012 : vector<16xi32>
      %broadcast_in_dim3A_2014 = vector.shape_cast %and3A_2013 : vector<16xi32> to vector<16x1xi32>
      %gather3A_2015 = vector.shape_cast %broadcast_in_dim3A_2014 : vector<16x1xi32> to vector<16xi32>
      %gather3A_2016 = tpu.dynamic_gather %scan3A_1739#6[%gather3A_2015] in [0] : vector<16xf32>, vector<16xi32> -> vector<16xf32>
      %add3A_2017 = arith.addf %scan3A_1739#6, %gather3A_2016 : vector<16xf32>
      %add3A_2018 = arith.constant 4 : i32
      %add3A_2019 = vector.broadcast %add3A_2018 : i32 to vector<16xi32>
      %add3A_2020 = arith.addi %iota3A_1741, %add3A_2019 : vector<16xi32>
      %and3A_2021 = arith.constant 15 : i32
      %and3A_2022 = vector.broadcast %and3A_2021 : i32 to vector<16xi32>
      %and3A_2023 = arith.andi %add3A_2020, %and3A_2022 : vector<16xi32>
      %broadcast_in_dim3A_2024 = vector.shape_cast %and3A_2023 : vector<16xi32> to vector<16x1xi32>
      %gather3A_2025 = vector.shape_cast %broadcast_in_dim3A_2024 : vector<16x1xi32> to vector<16xi32>
      %gather3A_2026 = tpu.dynamic_gather %add3A_2017[%gather3A_2025] in [0] : vector<16xf32>, vector<16xi32> -> vector<16xf32>
      %add3A_2027 = arith.addf %add3A_2017, %gather3A_2026 : vector<16xf32>
      %add3A_2028 = arith.constant 2 : i32
      %add3A_2029 = vector.broadcast %add3A_2028 : i32 to vector<16xi32>
      %add3A_2030 = arith.addi %iota3A_1741, %add3A_2029 : vector<16xi32>
      %and3A_2031 = arith.constant 15 : i32
      %and3A_2032 = vector.broadcast %and3A_2031 : i32 to vector<16xi32>
      %and3A_2033 = arith.andi %add3A_2030, %and3A_2032 : vector<16xi32>
      %broadcast_in_dim3A_2034 = vector.shape_cast %and3A_2033 : vector<16xi32> to vector<16x1xi32>
      %gather3A_2035 = vector.shape_cast %broadcast_in_dim3A_2034 : vector<16x1xi32> to vector<16xi32>
      %gather3A_2036 = tpu.dynamic_gather %add3A_2027[%gather3A_2035] in [0] : vector<16xf32>, vector<16xi32> -> vector<16xf32>
      %add3A_2037 = arith.addf %add3A_2027, %gather3A_2036 : vector<16xf32>
      %add3A_2038 = arith.constant 1 : i32
      %add3A_2039 = vector.broadcast %add3A_2038 : i32 to vector<16xi32>
      %add3A_2040 = arith.addi %iota3A_1741, %add3A_2039 : vector<16xi32>
      %and3A_2041 = arith.constant 15 : i32
      %and3A_2042 = vector.broadcast %and3A_2041 : i32 to vector<16xi32>
      %and3A_2043 = arith.andi %add3A_2040, %and3A_2042 : vector<16xi32>
      %broadcast_in_dim3A_2044 = vector.shape_cast %and3A_2043 : vector<16xi32> to vector<16x1xi32>
      %gather3A_2045 = vector.shape_cast %broadcast_in_dim3A_2044 : vector<16x1xi32> to vector<16xi32>
      %gather3A_2046 = tpu.dynamic_gather %add3A_2037[%gather3A_2045] in [0] : vector<16xf32>, vector<16xi32> -> vector<16xf32>
      %add3A_2047 = arith.addf %add3A_2037, %gather3A_2046 : vector<16xf32>
      %eq3A_2048 = arith.constant 6 : i32
      %eq3A_2049 = vector.broadcast %eq3A_2048 : i32 to vector<16xi32>
      %eq3A_2050 = arith.cmpi eq, %iota3A_1741, %eq3A_2049 : vector<16xi32>
      %select_n3A_2051 = arith.select %eq3A_2050, %add3A_2047, %select_n3A_2007 : vector<16xi1>, vector<16xf32>
      %add3A_2052 = arith.constant 8 : i32
      %add3A_2053 = vector.broadcast %add3A_2052 : i32 to vector<16xi32>
      %add3A_2054 = arith.addi %iota3A_1741, %add3A_2053 : vector<16xi32>
      %and3A_2055 = arith.constant 15 : i32
      %and3A_2056 = vector.broadcast %and3A_2055 : i32 to vector<16xi32>
      %and3A_2057 = arith.andi %add3A_2054, %and3A_2056 : vector<16xi32>
      %broadcast_in_dim3A_2058 = vector.shape_cast %and3A_2057 : vector<16xi32> to vector<16x1xi32>
      %gather3A_2059 = vector.shape_cast %broadcast_in_dim3A_2058 : vector<16x1xi32> to vector<16xi32>
      %gather3A_2060 = tpu.dynamic_gather %scan3A_1739#7[%gather3A_2059] in [0] : vector<16xf32>, vector<16xi32> -> vector<16xf32>
      %add3A_2061 = arith.addf %scan3A_1739#7, %gather3A_2060 : vector<16xf32>
      %add3A_2062 = arith.constant 4 : i32
      %add3A_2063 = vector.broadcast %add3A_2062 : i32 to vector<16xi32>
      %add3A_2064 = arith.addi %iota3A_1741, %add3A_2063 : vector<16xi32>
      %and3A_2065 = arith.constant 15 : i32
      %and3A_2066 = vector.broadcast %and3A_2065 : i32 to vector<16xi32>
      %and3A_2067 = arith.andi %add3A_2064, %and3A_2066 : vector<16xi32>
      %broadcast_in_dim3A_2068 = vector.shape_cast %and3A_2067 : vector<16xi32> to vector<16x1xi32>
      %gather3A_2069 = vector.shape_cast %broadcast_in_dim3A_2068 : vector<16x1xi32> to vector<16xi32>
      %gather3A_2070 = tpu.dynamic_gather %add3A_2061[%gather3A_2069] in [0] : vector<16xf32>, vector<16xi32> -> vector<16xf32>
      %add3A_2071 = arith.addf %add3A_2061, %gather3A_2070 : vector<16xf32>
      %add3A_2072 = arith.constant 2 : i32
      %add3A_2073 = vector.broadcast %add3A_2072 : i32 to vector<16xi32>
      %add3A_2074 = arith.addi %iota3A_1741, %add3A_2073 : vector<16xi32>
      %and3A_2075 = arith.constant 15 : i32
      %and3A_2076 = vector.broadcast %and3A_2075 : i32 to vector<16xi32>
      %and3A_2077 = arith.andi %add3A_2074, %and3A_2076 : vector<16xi32>
      %broadcast_in_dim3A_2078 = vector.shape_cast %and3A_2077 : vector<16xi32> to vector<16x1xi32>
      %gather3A_2079 = vector.shape_cast %broadcast_in_dim3A_2078 : vector<16x1xi32> to vector<16xi32>
      %gather3A_2080 = tpu.dynamic_gather %add3A_2071[%gather3A_2079] in [0] : vector<16xf32>, vector<16xi32> -> vector<16xf32>
      %add3A_2081 = arith.addf %add3A_2071, %gather3A_2080 : vector<16xf32>
      %add3A_2082 = arith.constant 1 : i32
      %add3A_2083 = vector.broadcast %add3A_2082 : i32 to vector<16xi32>
      %add3A_2084 = arith.addi %iota3A_1741, %add3A_2083 : vector<16xi32>
      %and3A_2085 = arith.constant 15 : i32
      %and3A_2086 = vector.broadcast %and3A_2085 : i32 to vector<16xi32>
      %and3A_2087 = arith.andi %add3A_2084, %and3A_2086 : vector<16xi32>
      %broadcast_in_dim3A_2088 = vector.shape_cast %and3A_2087 : vector<16xi32> to vector<16x1xi32>
      %gather3A_2089 = vector.shape_cast %broadcast_in_dim3A_2088 : vector<16x1xi32> to vector<16xi32>
      %gather3A_2090 = tpu.dynamic_gather %add3A_2081[%gather3A_2089] in [0] : vector<16xf32>, vector<16xi32> -> vector<16xf32>
      %add3A_2091 = arith.addf %add3A_2081, %gather3A_2090 : vector<16xf32>
      %eq3A_2092 = arith.constant 7 : i32
      %eq3A_2093 = vector.broadcast %eq3A_2092 : i32 to vector<16xi32>
      %eq3A_2094 = arith.cmpi eq, %iota3A_1741, %eq3A_2093 : vector<16xi32>
      %select_n3A_2095 = arith.select %eq3A_2094, %add3A_2091, %select_n3A_2051 : vector<16xi1>, vector<16xf32>
      %swap3A_2096 = arith.index_cast %add3A_1704 : i32 to index
      %swap3A_2097 = arith.constant 0 : index
      %swap3A_2098 = tpu.vector_load %arg11[%swap3A_2096, %swap3A_2097] {strides = array<i32>} : memref<625x16xf32, #tpu.memory_space<vmem>>, vector<1x16xf32>,
      %swap3A_2099 = vector.shape_cast %swap3A_2098 : vector<1x16xf32> to vector<16xf32>
      %swap3A_2100 = vector.shape_cast %select_n3A_2095 : vector<16xf32> to vector<1x16xf32>
      tpu.vector_store %arg11[%swap3A_2096, %swap3A_2097], %swap3A_2100 {strides = array<i32>} : memref<625x16xf32, #tpu.memory_space<vmem>>, vector<1x16xf32>,
      %add3A_2101 = arith.constant 5 : i32
      %add3A_2102 = arith.addi %add3A_1704, %add3A_2101 : i32
      %lt3A_2103 = arith.constant 625 : i32
      %lt3A_2104 = arith.cmpi slt, %add3A_2102, %lt3A_2103 : i32
      %convert_element_type3A_2105 = arith.extui %lt3A_2104 : i1 to i32
      %cond3A_2106 = arith.constant 0 : i32
      %cond3A_2107 = arith.cmpi ne, %convert_element_type3A_2105, %cond3A_2106 : i32
      scf.if %cond3A_2107 {
        %add3A_2109 = arith.constant 5 : i32
        %add3A_2110 = arith.addi %add3A_1704, %add3A_2109 : i32
        %dma_start3A_2111 = arith.constant 0 : i32
        %dma_start3A_2112 = tpu.memref_slice %arg8[%add3A_2110, %dma_start3A_2111] : memref<625x8xi32, #tpu.memory_space<vmem>> -> memref<1x8xi32, #tpu.memory_space<vmem>>
        %dma_start3A_2113 = tpu.memref_squeeze %dma_start3A_2112 : memref<1x8xi32, #tpu.memory_space<vmem>> -> memref<8xi32, #tpu.memory_space<vmem>>
        %dma_start3A_2114 = arith.constant 0 : i32
        %dma_start3A_2115 = arith.constant 0 : i32
        %dma_start3A_2116 = tpu.memref_slice %arg2[%dma_start3A_2114, %dma_start3A_2115] : memref<10000x1280xf32, #tpu.memory_space<hbm>> -> memref<10000x1280xf32, #tpu.memory_space<hbm>>
        tpu.enqueue_indirect_dma source(%dma_start3A_2116 : memref<10000x1280xf32, #tpu.memory_space<hbm>>) target(%arg16 : memref<8x1280xf32, #tpu.memory_space<vmem>>) offsets(%dma_start3A_2113 : memref<8xi32, #tpu.memory_space<vmem>>) semaphore(%arg26 : memref<!tpu.dma_semaphore, #tpu.memory_space<semaphore_mem>>)
        %dma_start3A_2117 = arith.constant 0 : i32
        %dma_start3A_2118 = tpu.memref_slice %arg9[%add3A_2110, %dma_start3A_2117] : memref<625x8xi32, #tpu.memory_space<vmem>> -> memref<1x8xi32, #tpu.memory_space<vmem>>
        %dma_start3A_2119 = tpu.memref_squeeze %dma_start3A_2118 : memref<1x8xi32, #tpu.memory_space<vmem>> -> memref<8xi32, #tpu.memory_space<vmem>>
        %dma_start3A_2120 = arith.constant 0 : i32
        %dma_start3A_2121 = arith.constant 0 : i32
        %dma_start3A_2122 = tpu.memref_slice %arg3[%dma_start3A_2120, %dma_start3A_2121] : memref<10000x1280xf32, #tpu.memory_space<hbm>> -> memref<10000x1280xf32, #tpu.memory_space<hbm>>
        tpu.enqueue_indirect_dma source(%dma_start3A_2122 : memref<10000x1280xf32, #tpu.memory_space<hbm>>) target(%arg21 : memref<8x1280xf32, #tpu.memory_space<vmem>>) offsets(%dma_start3A_2119 : memref<8xi32, #tpu.memory_space<vmem>>) semaphore(%arg31 : memref<!tpu.dma_semaphore, #tpu.memory_space<semaphore_mem>>)
      } else {
      }
      %scan3A_2108 = arith.constant 0 : i32
      scf.yield %scan3A_2108 : i32
    }
    %scan3A_81 = arith.constant 125 : i32
    "tpu.region"() ({
      %run_scoped3A = tpu.sem_alloc : memref<!tpu.dma_semaphore, #tpu.memory_space<semaphore_mem>>
      %dma_start3A_82 = arith.constant 0 : i32
      %dma_start3A_83 = arith.constant 0 : i32
      %dma_start3A_84 = tpu.memref_slice %arg7[%add3A, %dma_start3A_82, %dma_start3A_83] : memref<32x625x16xf32, #tpu.memory_space<hbm>> -> memref<1x625x16xf32, #tpu.memory_space<hbm>>
      %dma_start3A_85 = tpu.memref_squeeze %dma_start3A_84 : memref<1x625x16xf32, #tpu.memory_space<hbm>> -> memref<625x16xf32, #tpu.memory_space<hbm>>
      %dma_start3A_86 = arith.constant 0 : i32
      %dma_start3A_87 = arith.constant 0 : i32
      %dma_start3A_88 = tpu.memref_slice %arg7[%add3A, %dma_start3A_86, %dma_start3A_87] : memref<32x625x16xf32, #tpu.memory_space<hbm>> -> memref<1x625x16xf32, #tpu.memory_space<hbm>>
      %dma_start3A_89 = tpu.memref_squeeze %dma_start3A_88 : memref<1x625x16xf32, #tpu.memory_space<hbm>> -> memref<625x16xf32, #tpu.memory_space<hbm>>
      tpu.enqueue_dma source(%arg11 : memref<625x16xf32, #tpu.memory_space<vmem>>) target(%dma_start3A_89 : memref<625x16xf32, #tpu.memory_space<hbm>>) target_semaphore(%run_scoped3A : memref<!tpu.dma_semaphore, #tpu.memory_space<semaphore_mem>>)
      %dma_wait3A = arith.constant 0 : i32
      %dma_wait3A_90 = arith.constant 0 : i32
      %dma_wait3A_91 = tpu.memref_slice %arg7[%add3A, %dma_wait3A, %dma_wait3A_90] : memref<32x625x16xf32, #tpu.memory_space<hbm>> -> memref<1x625x16xf32, #tpu.memory_space<hbm>>
      %dma_wait3A_92 = tpu.memref_squeeze %dma_wait3A_91 : memref<1x625x16xf32, #tpu.memory_space<hbm>> -> memref<625x16xf32, #tpu.memory_space<hbm>>
      %dma_wait3A_93 = arith.constant 0 : i32
      %dma_wait3A_94 = arith.constant 0 : i32
      %dma_wait3A_95 = tpu.memref_slice %arg7[%add3A, %dma_wait3A_93, %dma_wait3A_94] : memref<32x625x16xf32, #tpu.memory_space<hbm>> -> memref<1x625x16xf32, #tpu.memory_space<hbm>>
      %dma_wait3A_96 = tpu.memref_squeeze %dma_wait3A_95 : memref<1x625x16xf32, #tpu.memory_space<hbm>> -> memref<625x16xf32, #tpu.memory_space<hbm>>
      tpu.wait_dma2 semaphore(%run_scoped3A : memref<!tpu.dma_semaphore, #tpu.memory_space<semaphore_mem>>) src(%arg11 : memref<625x16xf32, #tpu.memory_space<vmem>>) dst(%dma_wait3A_96 : memref<625x16xf32, #tpu.memory_space<hbm>>)
      tpu.yield
    }) : () -> ()
    return
  }
}

module attributes {stable_mosaic.version = 14 : i64} {
  func.func @_tables_kernel(%arg0: i32, %arg1: memref<1000x300xf32, #tpu.memory_space<vmem>>, %arg2: memref<300x1280xf32, #tpu.memory_space<vmem>>, %arg3: memref<300x1280xf32, #tpu.memory_space<vmem>>, %arg4: memref<1x1280xf32, #tpu.memory_space<vmem>>, %arg5: memref<1000x1280xf32, #tpu.memory_space<vmem>>, %arg6: memref<1000x1280xf32, #tpu.memory_space<vmem>>) attributes {dimension_semantics = [#tpu.dimension_semantics<arbitrary>], iteration_bounds = array<i64: 10>, scalar_prefetch = 0 : i64, scratch_operands = 0 : i64, tpu.core_type = #tpu.core_type<tc>, window_params = [{transform_indices = @transform_0, window_bounds = array<i64: 1000, 300>}, {pipeline_mode = #tpu.pipeline_mode<synchronous>, transform_indices = @transform_1, window_bounds = array<i64: 300, 1280>}, {pipeline_mode = #tpu.pipeline_mode<synchronous>, transform_indices = @transform_2, window_bounds = array<i64: 300, 1280>}, {pipeline_mode = #tpu.pipeline_mode<synchronous>, transform_indices = @transform_3, window_bounds = array<i64: 1, 1280>}, {transform_indices = @transform_4, window_bounds = array<i64: 1000, 1280>}, {transform_indices = @transform_5, window_bounds = array<i64: 1000, 1280>}]} {
    %get3A = arith.constant 0 : index
    %get3A_0 = arith.constant 0 : index
    %get3A_1 = vector.load %arg1[%get3A, %get3A_0] : memref<1000x300xf32, #tpu.memory_space<vmem>>, vector<1000x300xf32>
    %get3A_2 = arith.constant 0 : index
    %get3A_3 = arith.constant 0 : index
    %get3A_4 = vector.load %arg2[%get3A_2, %get3A_3] : memref<300x1280xf32, #tpu.memory_space<vmem>>, vector<300x1280xf32>
    %dot_general3A = arith.constant dense<0.000000e+00> : vector<1000x1280xf32>
    %dot_general3A_5 = tpu.matmul %get3A_1, %get3A_4, %dot_general3A {dimension_numbers = #tpu.dot_dimension_numbers<[1], [0], [0], [1], [0, 0, 1, 1], [], []>, transpose_lhs_hint = false} : vector<1000x300xf32>, vector<300x1280xf32>, vector<1000x1280xf32> -> vector<1000x1280xf32>
    %get3A_6 = arith.constant 0 : index
    %get3A_7 = arith.constant 0 : index
    %get3A_8 = vector.load %arg4[%get3A_6, %get3A_7] : memref<1x1280xf32, #tpu.memory_space<vmem>>, vector<1x1280xf32>
    %add3A = vector.broadcast %get3A_8 : vector<1x1280xf32> to vector<1000x1280xf32>
    %add3A_9 = arith.addf %dot_general3A_5, %add3A : vector<1000x1280xf32>
    %swap3A = arith.constant 0 : index
    %swap3A_10 = arith.constant 0 : index
    %swap3A_11 = vector.load %arg5[%swap3A, %swap3A_10] : memref<1000x1280xf32, #tpu.memory_space<vmem>>, vector<1000x1280xf32>
    tpu.vector_store %arg5[%swap3A, %swap3A_10], %add3A_9 {strides = array<i32>} : memref<1000x1280xf32, #tpu.memory_space<vmem>>, vector<1000x1280xf32>,
    %get3A_12 = arith.constant 0 : index
    %get3A_13 = arith.constant 0 : index
    %get3A_14 = vector.load %arg3[%get3A_12, %get3A_13] : memref<300x1280xf32, #tpu.memory_space<vmem>>, vector<300x1280xf32>
    %dot_general3A_15 = arith.constant dense<0.000000e+00> : vector<1000x1280xf32>
    %dot_general3A_16 = tpu.matmul %get3A_1, %get3A_14, %dot_general3A_15 {dimension_numbers = #tpu.dot_dimension_numbers<[1], [0], [0], [1], [0, 0, 1, 1], [], []>, transpose_lhs_hint = false} : vector<1000x300xf32>, vector<300x1280xf32>, vector<1000x1280xf32> -> vector<1000x1280xf32>
    %swap3A_17 = arith.constant 0 : index
    %swap3A_18 = arith.constant 0 : index
    %swap3A_19 = vector.load %arg6[%swap3A_17, %swap3A_18] : memref<1000x1280xf32, #tpu.memory_space<vmem>>, vector<1000x1280xf32>
    tpu.vector_store %arg6[%swap3A_17, %swap3A_18], %dot_general3A_16 {strides = array<i32>} : memref<1000x1280xf32, #tpu.memory_space<vmem>>, vector<1000x1280xf32>,
    return
  }
  func.func @transform_0(%arg0: i32) -> (i32, i32) {
    %c0_i32 = arith.constant 0 : i32
    %c0_i32_0 = arith.constant 0 : i32
    return %arg0, %c0_i32 : i32, i32
  }
  func.func @transform_1(%arg0: i32) -> (i32, i32) {
    %c0_i32 = arith.constant 0 : i32
    %c0_i32_0 = arith.constant 0 : i32
    %c0_i32_1 = arith.constant 0 : i32
    return %c0_i32, %c0_i32_0 : i32, i32
  }
  func.func @transform_2(%arg0: i32) -> (i32, i32) {
    %c0_i32 = arith.constant 0 : i32
    %c0_i32_0 = arith.constant 0 : i32
    %c0_i32_1 = arith.constant 0 : i32
    return %c0_i32, %c0_i32_0 : i32, i32
  }
  func.func @transform_3(%arg0: i32) -> (i32, i32) {
    %c0_i32 = arith.constant 0 : i32
    %c0_i32_0 = arith.constant 0 : i32
    %c0_i32_1 = arith.constant 0 : i32
    return %c0_i32, %c0_i32_0 : i32, i32
  }
  func.func @transform_4(%arg0: i32) -> (i32, i32) {
    %c0_i32 = arith.constant 0 : i32
    %c0_i32_0 = arith.constant 0 : i32
    return %arg0, %c0_i32 : i32, i32
  }
  func.func @transform_5(%arg0: i32) -> (i32, i32) {
    %c0_i32 = arith.constant 0 : i32
    %c0_i32_0 = arith.constant 0 : i32
    return %arg0, %c0_i32 : i32, i32
  }
}

module attributes {stable_mosaic.version = 14 : i64} {
  func.func @_topk_mask_kernel(%arg0: memref<1250x128xf32, #tpu.memory_space<vmem>>, %arg1: memref<1x1xf32, #tpu.memory_space<vmem>>, %arg2: memref<1250x128xf32, #tpu.memory_space<vmem>>) attributes {dimension_semantics = [], scalar_prefetch = 0 : i64, scratch_operands = 0 : i64, tpu.core_type = #tpu.core_type<tc>} {
    %get3A = arith.constant 0 : index
    %get3A_0 = arith.constant 0 : index
    %get3A_1 = vector.load %arg0[%get3A, %get3A_0] : memref<1250x128xf32, #tpu.memory_space<vmem>>, vector<1250x128xf32>
    %get3A_2 = arith.constant 0 : index
    %get3A_3 = arith.constant 0 : index
    %get3A_4 = vector.load %arg1[%get3A_2, %get3A_3] : memref<1x1xf32, #tpu.memory_space<vmem>>, vector<1x1xf32>
    %get3A_5 = vector.extract %get3A_4[0, 0] : f32 from vector<1x1xf32>
    %add3A = vector.broadcast %get3A_5 : f32 to vector<1250x128xf32>
    %add3A_6 = arith.addf %get3A_1, %add3A : vector<1250x128xf32>
    %logistic3A = arith.negf %add3A_6 : vector<1250x128xf32>
    %logistic3A_7 = math.exp %logistic3A : vector<1250x128xf32>
    %logistic3A_8 = arith.constant 1.000000e+00 : f32
    %logistic3A_9 = vector.broadcast %logistic3A_8 : f32 to vector<1250x128xf32>
    %logistic3A_10 = arith.addf %logistic3A_9, %logistic3A_7 : vector<1250x128xf32>
    %logistic3A_11 = arith.divf %logistic3A_9, %logistic3A_10 : vector<1250x128xf32>
    %logistic3A_12 = arith.negf %logistic3A_11 : vector<1250x128xf32>
    %logistic3A_13 = math.exp %logistic3A_12 : vector<1250x128xf32>
    %logistic3A_14 = arith.constant 1.000000e+00 : f32
    %logistic3A_15 = vector.broadcast %logistic3A_14 : f32 to vector<1250x128xf32>
    %logistic3A_16 = arith.addf %logistic3A_15, %logistic3A_13 : vector<1250x128xf32>
    %logistic3A_17 = arith.divf %logistic3A_15, %logistic3A_16 : vector<1250x128xf32>
    %bitcast_convert_type3A = tpu.bitcast %logistic3A_17 : vector<1250x128xf32> -> vector<1250x128xi32>
    %scan3A = arith.constant 0 : i32
    %scan3A_18 = arith.constant 2147483647 : i32
    %scan3A_19 = arith.constant 0 : i32
    %scan3A_20 = arith.constant 31 : i32
    %scan3A_21 = arith.addi %scan3A_19, %scan3A_20 : i32
    %scan3A_22 = arith.constant 1 : i32
    %scan3A_23:2 = scf.for %scan3A_55 = %scan3A_19 to %scan3A_21 step %scan3A_22 iter_args(%scan3A_56 = %scan3A, %scan3A_57 = %scan3A_18) -> (i32, i32)  : i32 {
      %sub3A_58 = arith.subi %scan3A_57, %scan3A_56 : i32
      %jit3A = arith.constant 2 : i32
      %div3A = arith.divsi %sub3A_58, %jit3A : i32
      %sign3A = arith.constant 0 : i32
      %sign3A_59 = arith.cmpi sgt, %sub3A_58, %sign3A : i32
      %sign3A_60 = arith.extui %sign3A_59 : i1 to i32
      %sign3A_61 = arith.constant 0 : i32
      %sign3A_62 = arith.cmpi slt, %sub3A_58, %sign3A_61 : i32
      %sign3A_63 = arith.extui %sign3A_62 : i1 to i32
      %sign3A_64 = arith.subi %sign3A_60, %sign3A_63 : i32
      %sign3A_65 = arith.constant 0 : i32
      %sign3A_66 = arith.cmpi sgt, %jit3A, %sign3A_65 : i32
      %sign3A_67 = arith.extui %sign3A_66 : i1 to i32
      %sign3A_68 = arith.constant 0 : i32
      %sign3A_69 = arith.cmpi slt, %jit3A, %sign3A_68 : i32
      %sign3A_70 = arith.extui %sign3A_69 : i1 to i32
      %sign3A_71 = arith.subi %sign3A_67, %sign3A_70 : i32
      %ne3A = arith.cmpi ne, %sign3A_64, %sign3A_71 : i32
      %rem3A = arith.remsi %sub3A_58, %jit3A : i32
      %ne3A_72 = arith.constant 0 : i32
      %ne3A_73 = arith.cmpi ne, %rem3A, %ne3A_72 : i32
      %and3A_74 = arith.andi %ne3A, %ne3A_73 : i1
      %sub3A_75 = arith.constant 1 : i32
      %sub3A_76 = arith.subi %div3A, %sub3A_75 : i32
      %select_n3A = arith.select %and3A_74, %sub3A_76, %div3A : i32
      %add3A_77 = arith.addi %scan3A_56, %select_n3A : i32
      %gt3A_78 = vector.broadcast %add3A_77 : i32 to vector<1250x128xi32>
      %gt3A_79 = arith.cmpi sgt, %bitcast_convert_type3A, %gt3A_78 : vector<1250x128xi32>
      %convert_element_type3A_80 = arith.extui %gt3A_79 : vector<1250x128xi1> to vector<1250x128xi32>
      %reduce_sum3A_81 = vector.shape_cast %convert_element_type3A_80 : vector<1250x128xi32> to vector<1x1250x128xi32>
      %reduce_sum3A_82 = arith.constant dense<0> : vector<1xi32>
      %reduce_sum3A_83 = vector.multi_reduction <add>, %reduce_sum3A_81, %reduce_sum3A_82 [1, 2] : vector<1x1250x128xi32> to vector<1xi32>
      %reduce_sum3A_84 = vector.shape_cast %reduce_sum3A_83 : vector<1xi32> to vector<1x1x1xi32>
      %reduce_sum3A_85 = vector.extract %reduce_sum3A_84[0, 0, 0] : i32 from vector<1x1x1xi32>
      %ge3A = arith.constant 40000 : i32
      %ge3A_86 = arith.cmpi sge, %reduce_sum3A_85, %ge3A : i32
      %add3A_87 = arith.constant 1 : i32
      %add3A_88 = arith.addi %add3A_77, %add3A_87 : i32
      %select_n3A_89 = arith.select %ge3A_86, %add3A_88, %scan3A_56 : i32
      %select_n3A_90 = arith.select %ge3A_86, %scan3A_57, %add3A_77 : i32
      scf.yield %select_n3A_89, %select_n3A_90 : i32, i32
    }
    %gt3A = vector.broadcast %scan3A_23#0 : i32 to vector<1250x128xi32>
    %gt3A_24 = arith.cmpi sgt, %bitcast_convert_type3A, %gt3A : vector<1250x128xi32>
    %convert_element_type3A = arith.extui %gt3A_24 : vector<1250x128xi1> to vector<1250x128xi32>
    %reduce_sum3A = vector.shape_cast %convert_element_type3A : vector<1250x128xi32> to vector<1x1250x128xi32>
    %reduce_sum3A_25 = arith.constant dense<0> : vector<1xi32>
    %reduce_sum3A_26 = vector.multi_reduction <add>, %reduce_sum3A, %reduce_sum3A_25 [1, 2] : vector<1x1250x128xi32> to vector<1xi32>
    %reduce_sum3A_27 = vector.shape_cast %reduce_sum3A_26 : vector<1xi32> to vector<1x1x1xi32>
    %reduce_sum3A_28 = vector.extract %reduce_sum3A_27[0, 0, 0] : i32 from vector<1x1x1xi32>
    %sub3A = arith.constant 40000 : i32
    %sub3A_29 = arith.subi %sub3A, %reduce_sum3A_28 : i32
    %convert_element_type3A_30 = arith.sitofp %sub3A_29 : i32 to f32
    %eq3A = vector.broadcast %scan3A_23#0 : i32 to vector<1250x128xi32>
    %eq3A_31 = arith.cmpi eq, %bitcast_convert_type3A, %eq3A : vector<1250x128xi32>
    %convert_element_type3A_32 = arith.extui %eq3A_31 : vector<1250x128xi1> to vector<1250x128xi32>
    %convert_element_type3A_33 = arith.sitofp %convert_element_type3A_32 : vector<1250x128xi32> to vector<1250x128xf32>
    %iota3A = tpu.iota {dimensions = array<i32: 0>} : vector<128x128xi32>
    %iota3A_34 = tpu.iota {dimensions = array<i32: 1>} : vector<128x128xi32>
    %le3A = arith.cmpi sle, %iota3A, %iota3A_34 : vector<128x128xi32>
    %convert_element_type3A_35 = arith.extui %le3A : vector<128x128xi1> to vector<128x128xi32>
    %convert_element_type3A_36 = arith.sitofp %convert_element_type3A_35 : vector<128x128xi32> to vector<128x128xf32>
    %dot_general3A = arith.constant dense<0.000000e+00> : vector<1250x128xf32>
    %dot_general3A_37 = tpu.matmul %convert_element_type3A_33, %convert_element_type3A_36, %dot_general3A {dimension_numbers = #tpu.dot_dimension_numbers<[1], [0], [0], [1], [0, 0, 1, 1], [], []>, transpose_lhs_hint = false} : vector<1250x128xf32>, vector<128x128xf32>, vector<1250x128xf32> -> vector<1250x128xf32>
    %slice3A = vector.extract_strided_slice %dot_general3A_37 {offsets = [0, 127], sizes = [1250, 1], strides = [1, 1]} : vector<1250x128xf32> to vector<1250x1xf32>
    %iota3A_38 = tpu.iota {dimensions = array<i32: 0>} : vector<1250x1250xi32>
    %iota3A_39 = tpu.iota {dimensions = array<i32: 1>} : vector<1250x1250xi32>
    %gt3A_40 = arith.cmpi sgt, %iota3A_38, %iota3A_39 : vector<1250x1250xi32>
    %convert_element_type3A_41 = arith.extui %gt3A_40 : vector<1250x1250xi1> to vector<1250x1250xi32>
    %convert_element_type3A_42 = arith.sitofp %convert_element_type3A_41 : vector<1250x1250xi32> to vector<1250x1250xf32>
    %dot_general3A_43 = arith.constant dense<0.000000e+00> : vector<1250x1xf32>
    %dot_general3A_44 = tpu.matmul %convert_element_type3A_42, %slice3A, %dot_general3A_43 {dimension_numbers = #tpu.dot_dimension_numbers<[1], [0], [0], [1], [0, 0, 1, 1], [], []>, transpose_lhs_hint = false} : vector<1250x1250xf32>, vector<1250x1xf32>, vector<1250x1xf32> -> vector<1250x1xf32>
    %add3A_45 = vector.broadcast %dot_general3A_44 : vector<1250x1xf32> to vector<1250x128xf32>
    %add3A_46 = arith.addf %add3A_45, %dot_general3A_37 : vector<1250x128xf32>
    %sub3A_47 = arith.subf %add3A_46, %convert_element_type3A_33 : vector<1250x128xf32>
    %gt3A_48 = vector.broadcast %scan3A_23#0 : i32 to vector<1250x128xi32>
    %gt3A_49 = arith.cmpi sgt, %bitcast_convert_type3A, %gt3A_48 : vector<1250x128xi32>
    %lt3A = vector.broadcast %convert_element_type3A_30 : f32 to vector<1250x128xf32>
    %lt3A_50 = arith.cmpf olt, %sub3A_47, %lt3A : vector<1250x128xf32>
    %and3A = arith.andi %eq3A_31, %lt3A_50 : vector<1250x128xi1>
    %or3A = arith.ori %gt3A_49, %and3A : vector<1250x128xi1>
    %convert_element_type3A_51 = arith.extui %or3A : vector<1250x128xi1> to vector<1250x128xi32>
    %convert_element_type3A_52 = arith.sitofp %convert_element_type3A_51 : vector<1250x128xi32> to vector<1250x128xf32>
    %mul3A = arith.mulf %logistic3A_17, %convert_element_type3A_52 : vector<1250x128xf32>
    %swap3A = arith.constant 0 : index
    %swap3A_53 = arith.constant 0 : index
    %swap3A_54 = vector.load %arg2[%swap3A, %swap3A_53] : memref<1250x128xf32, #tpu.memory_space<vmem>>, vector<1250x128xf32>
    tpu.vector_store %arg2[%swap3A, %swap3A_53], %mul3A {strides = array<i32>} : memref<1250x128xf32, #tpu.memory_space<vmem>>, vector<1250x128xf32>,
    return
  }
}

</mosaic_0001>

<sc_bundles>
// kernel: kernel.5.cloned.1.call-start
scs
__scs_entry_jumppad:
0x0: {  	(pc) =	sbr.rel $0x88, $3  }
0x1: {  	(tag) =	ssettag $0x0;
	lr =	simm.s32 $0x1  }
0x2: {  	[smem:$0x3F9B] =	sst lr;
	_ =	strace $0xD0000000  }
0x3: {  	_ = 	snop  }
0x4: {  	_ = 	snop  }
0x5: {  	_ = 	snop  }
0x6: {  	_ = 	snop  }
0x7: {  	_ = 	snop  }
__scs_overlays_trampoline_lowered:
0x8: {  	[smem:$0x3FAA] =	sst s0  }
0x9: {  	[smem:$0x3FAB] =	sst s1  }
0xa: {  	[smem:$0x3FAC] =	sst s2  }
0xb: {  	[smem:$0x3FAD] =	sst s3  }
0xc: {  	[smem:$0x3FAE] =	sst s4  }
0xd: {  	[smem:$0x3FAF] =	sst s5  }
0xe: {  	[smem:$0x3FB0] =	sst s6  }
0xf: {  	[smem:$0x3FB1] =	sst s7  }
0x10: {  	[smem:$0x3FB2] =	sst s8  }
0x11: {  	[smem:$0x3FB3] =	sst s9;
	s0 =	simm.s32 @!p0 $0x0  }
0x12: {  	s1 =	sld [smem:$0x3F99];
	s0 =	simm.s32 @p0 $0x1  }
0x13: {  	[smem:$0x3FB4] =	sst s0;
	s0 =	simm.s32 @!p1 $0x0  }
0x14: {  	s2 =	sld [smem:$0x3F98];
	s0 =	simm.s32 @p1 $0x1  }
0x15: {  	[smem:$0x3FB5] =	sst s0;
	s0 =	simm.s32 @!p2 $0x0  }
0x16: {  	s3 =	sld [smem:$0x3FDB];
	s0 =	simm.s32 @p2 $0x1  }
0x17: {  	s4 =	simm.s32 $0x1BF5;
	[smem:$0x3FB7] =	sst s0  }
0x18: {  	s0 =	sld [smem:$0x3F9A];
	_ =	swait.ge [sflag:s4], $0x0  }
0x19: {  	s7 =	sld [smem:$0x3F9B]  }
0x1a: {  	s8 =	sadd.s32 $0xFFFFE003, lr  }
0x1b: {  	s9 =	sadd.s32 $0xFFFFFEF7, lr;
	s5 =	simm.s32 $0xFFFFFFFF;
	p2 =	slt.u32 s8, $0xFFFFF086  }
0x1c: {  	p1 =	slt.u32 s9, $0xF7A;
	s5 =	simm.s32 @!p2 $0x0  }
0x1d: {  	s5 =	simm.s32 @p1 $0x1;
	p0 =	seq.s32 s7, s2  }
0x1e: {  	s7 =	smul.u32 @!p0 $0xF7A, s2;
	p2 =	seq.s32 @!p0 s5, $0x0  }
0x1f: {  	s9 =	smul.u32 $0xF7A, s1;
	s8 =	simm.s32 @!p0 $0x1BF5;
	p2 =	por !p2, p0  }
0x20: {  	[sflag:s8] =	ssyncset.s32 @!p0 $0xFFFFF086;
	s6 =	sadd.s32 @!p0 s3, s7;
	s7 =	simm.s32 @!p0 $0x108  }
0x21: {  	s3 =	sadd.s32 s3, s9;
	s6 =	sadd.s32 @!p0 $0x88, s6;
	s7 =	simm.s32 @p2 $0x1082  }
0x22: {  	[simem:s7], [sflag:s8] =	dma.local @!p0 [hbm:s6], $0xF7A  }
0x23: {  	s9 =	sor.u32 $0xD0000000, s2;
	s6 =	simm.s32 $0x108;
	_ =	swait.ge @!p0 [sflag:s8], $0x0  }
0x24: {  	s3 =	sadd.s32 $0x88, s3;
	s6 =	simm.s32 @!p1 $0x1082;
	[sflag:s4] =	ssyncset.s32 $0xFFFFF086  }
0x25: {  	[simem:s6], [sflag:s4] =	dma.local [hbm:s3], $0xF7A  }
0x26: {  	[smem:$0x3F9B] =	sst s1;
	(tag) =	ssettag s2;
	_ =	strace s9  }
0x27: {  	s1 =	sld [smem:$0x3FAB]  }
0x28: {  	s2 =	sld [smem:$0x3FAC]  }
0x29: {  	s4 =	sld [smem:$0x3FAE]  }
0x2a: {  	p0 =	seq.s32 s5, $0x0;
	s5 =	sld [smem:$0x3FAF]  }
0x2b: {  	s6 =	sld [smem:$0x3FB0]  }
0x2c: {  	s7 =	sld [smem:$0x3FB1]  }
0x2d: {  	s3 =	simm.s32 $0x108;
	s8 =	sld [smem:$0x3FB2]  }
0x2e: {  	s3 =	simm.s32 @!p0 $0x1082;
	s9 =	sld [smem:$0x3FB3]  }
0x2f: {  	lr =	sadd.s32 s0, s3;
	s0 =	sld [smem:$0x3FAA]  }
0x30: {  	s3 =	sld [smem:$0x3FAD]  }
0x31: {  	[smem:$0x3FB6] =	sst s10  }
0x32: {  	s10 =	sld [smem:$0x3FB4];
	_ =	sdelay $0x3  }
0x33: {  	p0 =	seq.s32 s10, $0x1;
	s10 =	sld [smem:$0x3FB6];
	_ =	sdelay $0x3  }
0x34: {  	[smem:$0x3FB6] =	sst s10  }
0x35: {  	s10 =	sld [smem:$0x3FB5];
	_ =	sdelay $0x3  }
0x36: {  	p1 =	seq.s32 s10, $0x1;
	s10 =	sld [smem:$0x3FB6];
	_ =	sdelay $0x3  }
0x37: {  	[smem:$0x3FB6] =	sst s10  }
0x38: {  	s10 =	sld [smem:$0x3FB7]  }
0x39: {  	_ = 	snop;
	(pc) =	sbr.ind lr, $3  }
0x3a: {  	_ = 	snop  }
0x3b: {  	_ = 	snop  }
0x3c: {  	p2 =	seq.s32 s10, $0x1;
	s10 =	sld [smem:$0x3FB6]  }
0x3d: {  	_ =	shalt  }
0x3e: {  	_ =	shalt  }
0x3f: {  	_ =	shalt  }
0x40: {  	_ =	shalt  }
0x41: {  	_ =	shalt  }
0x42: {  	_ =	shalt  }
0x43: {  	_ =	shalt  }
0x44: {  	_ =	shalt  }
0x45: {  	_ =	shalt  }
0x46: {  	_ =	shalt  }
0x47: {  	_ =	shalt  }
0x48: {  	_ =	shalt  }
0x49: {  	_ =	shalt  }
0x4a: {  	_ =	shalt  }
0x4b: {  	_ =	shalt  }
0x4c: {  	_ =	shalt  }
0x4d: {  	_ =	shalt  }
0x4e: {  	_ =	shalt  }
0x4f: {  	_ =	shalt  }
0x50: {  	_ =	shalt  }
0x51: {  	_ =	shalt  }
0x52: {  	_ =	shalt  }
0x53: {  	_ =	shalt  }
0x54: {  	_ =	shalt  }
0x55: {  	_ =	shalt  }
0x56: {  	_ =	shalt  }
0x57: {  	_ =	shalt  }
0x58: {  	_ =	shalt  }
0x59: {  	_ =	shalt  }
0x5a: {  	_ =	shalt  }
0x5b: {  	_ =	shalt  }
0x5c: {  	_ =	shalt  }
0x5d: {  	_ =	shalt  }
0x5e: {  	_ =	shalt  }
0x5f: {  	_ =	shalt  }
0x60: {  	_ =	shalt  }
0x61: {  	_ =	shalt  }
0x62: {  	_ =	shalt  }
0x63: {  	_ =	shalt  }
0x64: {  	_ =	shalt  }
0x65: {  	_ =	shalt  }
0x66: {  	_ =	shalt  }
0x67: {  	_ =	shalt  }
0x68: {  	_ =	shalt  }
0x69: {  	_ =	shalt  }
0x6a: {  	_ =	shalt  }
0x6b: {  	_ =	shalt  }
0x6c: {  	_ =	shalt  }
0x6d: {  	_ =	shalt  }
0x6e: {  	_ =	shalt  }
0x6f: {  	_ =	shalt  }
0x70: {  	_ =	shalt  }
0x71: {  	_ =	shalt  }
0x72: {  	_ =	shalt  }
0x73: {  	_ =	shalt  }
0x74: {  	_ =	shalt  }
0x75: {  	_ =	shalt  }
0x76: {  	_ =	shalt  }
0x77: {  	_ =	shalt  }
0x78: {  	_ =	shalt  }
0x79: {  	_ =	shalt  }
0x7a: {  	_ =	shalt  }
0x7b: {  	_ =	shalt  }
0x7c: {  	_ =	shalt  }
0x7d: {  	_ =	shalt  }
0x7e: {  	_ =	shalt  }
0x7f: {  	_ =	shalt  }
0x80: {  	_ =	shalt  }
0x81: {  	_ =	shalt  }
0x82: {  	_ =	shalt  }
0x83: {  	_ =	shalt  }
0x84: {  	_ =	shalt  }
0x85: {  	_ =	shalt  }
0x86: {  	_ =	shalt  }
0x87: {  	_ =	shalt  }
.Lfunc_end0:
.L_simem_size_0:
called_computation_lowered:
.L_overlay_start_0:
0x88: {  	s2 =	sld [smem:$0x3FD9]  }
0x89: {  	s3 =	sld [smem:$0x3FFE];
	_ =	sdelay $0x1  }
0x8a: {  	s1 =	srdreg.scid  }
0x8b: {  	s0 =	sand.u32 $0x1, s1  }
0x8c: {  	s17 =	sshll.u32 s0, $0xA;
	s2 =	sadd.s32 s3, s2  }
0x8d: {  	s2 =	sadd.s32 s2, s17  }
0x8e: {  	[smem:$0x3FC2] =	sst s2  }
0x8f: {  	_ = 	snop  }
0x90: {  	s2 =	sld [smem:$0x3FD0];
	(tm) =	ssettm $0x1  }
0x91: {  	s18 =	sld [smem:$0x3FFB];
	_ =	sdelay $0x3  }
0x92: {  	_ =	strace s18  }
0x93: {  	s3 =	sld [smem:$0x3FFC];
	_ =	sdelay $0x3  }
0x94: {  	_ =	strace s3  }
0x95: {  	s3 =	sld [smem:$0x3FFD];
	_ =	sdelay $0x3  }
0x96: {  	_ =	strace s3  }
0x97: {  	_ =	strace $0x8FFFFFFF  }
0x98: {  	s19 =	sld [smem:$0x3FDB];
	_ =	sdelay $0x1  }
0x99: {  	s4 =	simm.s32 $_scs_section_size  }
0x9a: {  	s5 =	simm.s32 $_size__tile_overlayer_lowered;
	s6 =	simm.s32 $_tile_overlayer_lowered  }
0x9b: {  	s22 =	simm.s32 $0x1BFF;
	s21 =	sshll.u32 s6, $0x1;
	s3 =	sadd.s32 s4, s19  }
0x9c: {  	s7 =	simm.s32 $0x0;
	s20 =	sshll.u32 s5, $0x1;
	s5 =	sadd.s32 s21, s3  }
0x9d: {  	[timem:s7], [sflag:s22] =	dma.local [hbm:s5], s20  }
0x9e: {  	_ =	swait.ge [sflag:s22], s20  }
0x9f: {  	s4 =	ssub.s32 $0x0, s20;
	[sflag:s22] =	ssyncset.done $0x0  }
0xa0: {  	[sflag:s22] =	ssyncadd.s32 s4;
	_ =	sdelay $0x1  }
0xa1: {  	s23 =	simm.s32 $0x1B8B  }
0xa2: {  	_ =	swait.ge [sflag:s23], $0x1  }
0xa3: {  	[sflag:s23] =	ssyncset.done $0x0  }
0xa4: {  	s25 =	simm.s32 $0x1B8E;
	s24 =	sld [smem:$0x3FFE];
	[sflag:s23] =	ssyncadd.s32 $0xFFFFFFFF  }
0xa5: {  	s26 =	simm.s32 $execute0_lowered;
	[smem:$0x3FD2] =	sst s25  }
0xa6: {  	s5 =	sshll.u32 s26, $0x1;
	_ =	strace $0x80000046;
	[dreg:$0x1] =	wrdreg $0xFFFFFFFF  }
0xa7: {  	s28 =	simm.s32 $_size_execute0_lowered;
	s3 =	sadd.s32 s3, s5;
	[dreg:$0x0] =	wrdreg $0x0  }
0xa8: {  	s5 =	sshll.u32 s28, $0x1;
	[dreg:$0x2] =	wrdreg s3  }
0xa9: {  	[dreg:$0x3] =	wrdreg s5  }
0xaa: {  	[dreg:$0x4] =	wrdreg $0xC0  }
0xab: {  	_ =	task [dreg:s7], $0x5FFFF  }
0xac: {  	[dreg:$0x1] =	wrdreg $0xFFFFFFFF  }
0xad: {  	[dreg:$0x0] =	wrdreg $0x60  }
0xae: {  	[dreg:$0x2] =	wrdreg s24  }
0xaf: {  	[dreg:$0x3] =	wrdreg s2  }
0xb0: {  	[dreg:$0x4] =	wrdreg $0x9  }
0xb1: {  	_ =	task.clear_ibuf [dreg:s7], $0x5FFFF;
	_ =	strace $0x90000046  }
0xb2: {  	s29 =	simm.s32 $0x9;
	_ =	strace $0x80000048  }
0xb3: {  	_ =	swait.ge [sflag:s29], $0x1  }
0xb4: {  	[sflag:s29] =	ssyncadd.s32 $0xFFFFFFFF  }
0xb5: {  	_ =	strace $0x90000048  }
0xb6: {  	_ =	sfence  }
0xb7: {  	s30 =	sld [smem:$0x0];
	_ =	sdelay $0x2  }
0xb8: {  	s31 =	sshll.u32 s1, $0xD;
	s1 =	sshrl.u32 s1, $0x2  }
0xb9: {  	s3 =	sand.u32 $0x4000, s31;
	s1 =	sadd.s32 s1, s30  }
0xba: {  	s0 =	sor.u32 s3, s0;
	s1 =	sshll.u32 s1, $0x11  }
0xbb: {  	s0 =	sor.u32 s1, s0  }
0xbc: {  	s0 =	sadd.s32 $0x8F2B, s0  }
0xbd: {  	[sflag:s0] =	ssyncadd.remote.s32 $0x1  }
0xbe: {  	_ =	sfence.sel $0xFFFF  }
0xbf: {  	[dreg:$0x0] =	wrdreg $0xFFFFFFFF;
	(pc) =	sbr.abs _section_cstart, $3  }
0xc0: {  	[dreg:$0x1] =	wrdreg $0xFFFFFFFF  }
0xc1: {  	_ =	task.clear_ibuf [dreg:s7], $0x2FFFF;
	_ =	strace $0x9FFFFFFF  }
0xc2: {  	(tm) =	ssettm $0x7FFFFFFF  }
0xc3: {  	_ =	shalt  }
tec
execute0_lowered:
.L_overlay_start_1:
0x0: {  	(tag) =	ssettag $0x1  }
0x1: {  	s0 =	rddreg [dreg:$0x0]  }
0x2: {  	s1 =	rddreg [dreg:$0x1];
	s3 =	srdreg.scid;
	v0 =	vimm.s32 $0x76543210;
	v1 =	vimm.s32 $0xFEDCBA98;
	v2 =	vimm.s32 $0x3210FEDC  }
0x3: {  	s4 =	stileid.u32;
	s2 =	simm.s32 $0x0;
	v3 =	vimm.s32 $0xBA987654;
	v4 =	vimm.s32 $0x10FEDCBA;
	s11 =	simm.s32 $0x1388  }
0x4: {  	v5 =	vimm.s32 $0x98765432;
	s13 =	simm.s32 $0x8;
	v6 =	vimm.s32 $0xFEDCBA9;
	s29 =	simm.s32 $0xF320;
	s30 =	simm.s32 $0x13A8  }
0x5: {  	v7 =	vimm.s32 $0x87654321;
	s31 =	simm.s32 $0x1BB20;
	vm0 =	vmmov $0x1;
	vm1 =	vcmask $0x320;
	s12 =	simm.s32 $0x2;
	s14 =	simm.s32 $0x7  }
0x6: {  	s15 =	simm.s32 $0x3;
	vm2 =	vcmask $0x720;
	vm3 =	vcmask $0xB20;
	vm4 =	vcmask $0xF20;
	s16 =	simm.s32 $0x4;
	s17 =	simm.s32 $0x9  }
0x7: {  	s18 =	simm.s32 $0x5;
	s6 =	sand.u32 $0x1, s3;
	s25 =	sshll.u32 s4, $0x1;
	v0 =	vunpack.c.l.s4.s8 v0;
	v1 =	vunpack.c.l.s4.s8 v1;
	v2 =	vunpack.c.l.s4.s8 v2  }
0x8: {  	s19 =	simm.s32 $0xA;
	s20 =	simm.s32 $0x2C10;
	v3 =	vunpack.c.l.s4.s8 v3;
	v4 =	vunpack.c.l.s4.s8 v4;
	v5 =	vunpack.c.l.s4.s8 v5;
	s5 =	sor.u32 s6, s25  }
0x9: {  	s21 =	simm.s32 $0x0;
	[smem:$0x7FF] =	sst s2;
	v6 =	vunpack.c.l.s4.s8 v6;
	v7 =	vunpack.c.l.s4.s8 v7;
	s7 =	smul.u32 $0x271, s5;
	v2 =	vunpack.c.0.s8.s32 v2  }
0xa: {  	s3 =	sadd.s32 $0x200, s0;
	s10 =	ssub.s32 $0x2, s6;
	s8 =	smul.u32 $0x4E2, s5;
	v3 =	vunpack.c.0.s8.s32 v3;
	v4 =	vunpack.c.0.s8.s32 v4;
	v5 =	vunpack.c.0.s8.s32 v5  }
.Ltmp0:
0xb: {  	s4 =	sadd.s32 $0x30D600, s0;
	s26 =	sshrl.u32 s10, $0x1;
	v1 =	vunpack.c.0.s8.s32 v1;
	v6 =	vunpack.c.0.s8.s32 v6;
	v7 =	vunpack.c.0.s8.s32 v7;
	(pc) =	sbr.rel .LBB2_1-.Ltmp0, $4  }
0xc: {  	vm5 =	vcmask $0x1320;
	_ =	strace $0x80000047;
	s5 =	sadd.s32 $0x18BC00, s0;
	v0 =	vunpack.c.0.s8.s32 v0;
	s28 =	ssub.s32 s10, s26;
	v2 =	vcombine.low v3, v2  }
0xd: {  	s10 =	simm.s32 $0xB;
	s9 =	sadd.s32 s7, s0;
	s0 =	sadd.s32 s8, s0;
	v3 =	vcombine.low v5, v4;
	v4 =	vcombine.low v7, v6;
	v1 =	vand.u32 $0xF, v1  }
0xe: {  	vm6 =	vcmask $0x1720;
	vm7 =	vcmask $0x1B20;
	s7 =	sadd.s32 s1, s7;
	s1 =	simm.s32 $0x6;
	s6 =	sadd.s32 $0x186C00, s9;
	v0 =	vcombine.low v1, v0  }
0xf: {  	s8 =	sadd.s32 $0x18BE00, s0;
	s9 =	smax.u32 s28, $0x1;
	s0 =	simm.s32 $0x1;
	v1 =	vand.u32 $0xF, v2;
	v2 =	vand.u32 $0xF, v3;
	v3 =	vand.u32 $0xF, v4  }
.LBB2_16:
0x10: {  	s21 =	sadd.s32 $0x1, s21  }
0x11: {  	p0 =	sne.s32 s21, s9  }
.Ltmp1:
0x12: {  	_ = 	snop;
	(pc) =	sbr.rel @!p0 .LBB2_17-.Ltmp1, $4  }
0x13: {  	[hbm4b:s8+s2] =	stream.linear.scatter [tilespmem:s20], [sflag:$0xB], $0x2710, $0x38;
	[tilespmem:$0x1E320] =	vst v63  }
0x14: {  	_ =	swait.ge [sflag:s10], $0x2710  }
0x15: {  	[sflag:s10] =	ssyncset.done $0x0  }
0x16: {  	[sflag:s10] =	ssyncadd.s32 $0xFFFFD8F0  }
.LBB2_1:
0x17: {  	[tilespmem:s2], [sflag:$0xB] =	stream.linear.gather [hbm4b:s6+s2], $0x1388, $0x38;
	[tilespmem:$0x1E320] =	vst v63  }
0x18: {  	_ =	swait.ge [sflag:s10], $0x1388  }
0x19: {  	[sflag:s10] =	ssyncset.done $0x0  }
0x1a: {  	[sflag:s10] =	ssyncadd.s32 $0xFFFFEC78  }
0x1b: {  	[tilespmem:s11], [sflag:$0xB] =	stream.linear.gather [hbm4b:s7+s2], $0x1388, $0x38;
	[tilespmem:$0x1E320] =	vst v63  }
0x1c: {  	_ =	swait.ge [sflag:s10], $0x1388  }
0x1d: {  	[sflag:s10] =	ssyncset.done $0x0  }
0x1e: {  	s22 =	simm.s32 $0x2710;
	[sflag:s10] =	ssyncadd.s32 $0xFFFFEC78  }
0x1f: {  	[tilespmem:s22], [sflag:$0xB] =	stream.linear.gather [hbm4b:s5+s2], $0x500, $0x38;
	[tilespmem:$0x1E320] =	vst v63  }
0x20: {  	_ =	swait.ge [sflag:s10], $0x500  }
0x21: {  	[sflag:s10] =	ssyncset.done $0x0  }
0x22: {  	s23 =	simm.s32 $0x40;
	s22 =	simm.s32 $0x0;
	[sflag:s10] =	ssyncadd.s32 $0xFFFFFB00  }
.LBB2_2:
0x23: {  	p0 =	sne.s32 s23, $0x13C0;
	v4 =	vld [tilespmem:s22+$0x2710];
	_ =	sdelay $0x4  }
0x24: {  	v5 =	vmul.f32 $6.553700000e+04, v4;
	_ =	sdelay $0x1  }
.Ltmp2:
0x25: {  	v4 =	vsub.f32 v5, v4;
	(pc) =	sbr.rel @p0 .LBB2_2-.Ltmp2, $3  }
0x26: {  	_ = 	snop  }
0x27: {  	v4 =	vsub.f32 v5, v4;
	_ =	sdelay $0x1  }
0x28: {  	[tilespmem:s22+$0x2710] =	vst v4;
	s22 =	sshra.s32 s23, $0x2;
	s23 =	sadd.s32 $0x40, s23  }
0x29: {  	v4 =	vld [tilespmem:s22+$0x2710];
	_ =	sdelay $0x4  }
0x2a: {  	v5 =	vmul.f32 $6.553700000e+04, v4;
	_ =	sdelay $0x1  }
0x2b: {  	v4 =	vsub.f32 v5, v4;
	_ =	sdelay $0x1  }
0x2c: {  	v4 =	vsub.f32 v5, v4;
	_ =	sdelay $0x1  }
0x2d: {  	s23 =	simm.s32 $0x5320;
	[tilespmem:s22+$0x2710] =	vst v4;
	s22 =	simm.s32 $0x0  }
0x2e: {  	[tilespmem:s23], [sflag:$0x1] =	stream.indirect.gather [hbm4b:s3+s13], $0x500, s22, s13, $0xb8;
	[tilespmem:$0x1E320] =	vst v63  }
0x2f: {  	s28 =	simm.s32 $0x11B20  }
0x30: {  	[tilespmem:s28], [sflag:$0x6] =	stream.indirect.gather [hbm4b:s4+s13], $0x500, s11, s13, $0xb8;
	[tilespmem:$0x1E320] =	vst v63  }
0x31: {  	s24 =	simm.s32 $0x7B20  }
0x32: {  	[tilespmem:s24], [sflag:$0x2] =	stream.indirect.gather [hbm4b:s3+s13], $0x500, s13, s13, $0xb8;
	[tilespmem:$0x1E320] =	vst v63  }
0x33: {  	s25 =	simm.s32 $0x1390;
	s24 =	simm.s32 $0x14320  }
0x34: {  	[tilespmem:s24], [sflag:$0x7] =	stream.indirect.gather [hbm4b:s4+s13], $0x500, s25, s13, $0xb8;
	[tilespmem:$0x1E320] =	vst v63  }
0x35: {  	s26 =	simm.s32 $0x10;
	s28 =	simm.s32 $0xA320  }
0x36: {  	[tilespmem:s28], [sflag:$0x3] =	stream.indirect.gather [hbm4b:s3+s13], $0x500, s26, s13, $0xb8;
	[tilespmem:$0x1E320] =	vst v63  }
0x37: {  	s24 =	simm.s32 $0x1398;
	s25 =	simm.s32 $0x16B20  }
0x38: {  	[tilespmem:s25], [sflag:$0x8] =	stream.indirect.gather [hbm4b:s4+s13], $0x500, s24, s13, $0xb8;
	[tilespmem:$0x1E320] =	vst v63  }
0x39: {  	s26 =	simm.s32 $0x18;
	s28 =	simm.s32 $0xCB20  }
0x3a: {  	[tilespmem:s28], [sflag:$0x4] =	stream.indirect.gather [hbm4b:s3+s13], $0x500, s26, s13, $0xb8;
	[tilespmem:$0x1E320] =	vst v63  }
0x3b: {  	s25 =	simm.s32 $0x13A0;
	s26 =	simm.s32 $0x19320  }
0x3c: {  	[tilespmem:s26], [sflag:$0x9] =	stream.indirect.gather [hbm4b:s4+s13], $0x500, s25, s13, $0xb8;
	[tilespmem:$0x1E320] =	vst v63  }
0x3d: {  	s28 =	simm.s32 $0x20  }
0x3e: {  	[tilespmem:s29], [sflag:$0x5] =	stream.indirect.gather [hbm4b:s3+s13], $0x500, s28, s13, $0xb8;
	[tilespmem:$0x1E320] =	vst v63  }
0x3f: {  	_ = 	snop  }
0x40: {  	[tilespmem:s31], [sflag:$0xA] =	stream.indirect.gather [hbm4b:s4+s13], $0x500, s30, s13, $0xb8;
	[tilespmem:$0x1E320] =	vst v63  }
.LBB2_4:
0x41: {  	_ =	swait.ge [sflag:s0], $0x2800  }
0x42: {  	[sflag:s0] =	ssyncset.done $0x0  }
0x43: {  	[sflag:s0] =	ssyncadd.s32 $0xFFFFD800  }
0x44: {  	_ =	swait.ge [sflag:s1], $0x2800  }
0x45: {  	[sflag:s1] =	ssyncset.done $0x0  }
0x46: {  	s23 =	simm.s32 $0x0;
	[sflag:s1] =	ssyncadd.s32 $0xFFFFD800  }
0x47: {  	v4 =	vld [tilespmem:s23+$0x7620]  }
0x48: {  	v5 =	vld [tilespmem:s23+$0x13E20]  }
0x49: {  	v6 =	vld [tilespmem:s23+$0x5320]  }
0x4a: {  	v7 =	vld [tilespmem:s23+$0x11B20]  }
0x4b: {  	v8 =	vld [tilespmem:s23+$0x5820]  }
0x4c: {  	v9 =	vld [tilespmem:s23+$0x12020]  }
0x4d: {  	v10 =	vld [tilespmem:s23+$0x5D20]  }
0x4e: {  	v11 =	vld [tilespmem:s23+$0x12520]  }
0x4f: {  	v12 =	vld [tilespmem:s23+$0x6220]  }
0x50: {  	v16 =	vld [tilespmem:s23+$0x12F20];
	v4 =	vadd.f32 v5, v4  }
0x51: {  	v6 =	vadd.f32 v7, v6;
	v7 =	vld [tilespmem:s23+$0x12A20]  }
0x52: {  	v8 =	vadd.f32 v9, v8;
	v9 =	vld [tilespmem:s23+$0x6720];
	v4 =	vmax.f32 v4, $0.0e+00  }
0x53: {  	v11 =	vadd.f32 v11, v10;
	v6 =	vmax.f32 v6, $0.0e+00;
	v13 =	vmul.f32 $6.553700000e+04, v4  }
0x54: {  	v8 =	vmax.f32 v8, $0.0e+00;
	v14 =	vmul.f32 $6.553700000e+04, v6  }
0x55: {  	v23 =	vld [tilespmem:s23+$0x6C20];
	v11 =	vmax.f32 v11, $0.0e+00;
	v18 =	vmul.f32 $6.553700000e+04, v8;
	v4 =	vsub.f32 v13, v4  }
0x56: {  	v5 =	vld [tilespmem:s23+$0x2710];
	v15 =	vmul.f32 $6.553700000e+04, v11;
	v6 =	vsub.f32 v14, v6;
	v7 =	vadd.f32 v7, v12  }
0x57: {  	v10 =	vimm.f32 $0.0e+00;
	v12 =	vld [tilespmem:s23+$0x13420];
	v8 =	vsub.f32 v18, v8;
	v9 =	vadd.f32 v16, v9  }
0x58: {  	v22 =	vsub.f32 v15, v11;
	v11 =	vimm.f32 $0.0e+00;
	v4 =	vsub.f32 v13, v4  }
0x59: {  	v16 =	vld [tilespmem:s23+$0x7120];
	v6 =	vsub.f32 v14, v6;
	v7 =	vmax.f32 v7, $0.0e+00;
	v19 =	vsub.f32 v18, v8  }
0x5a: {  	v20 =	vmax.f32 v9, $0.0e+00;
	v18 =	vld [tilespmem:s23+$0x13920];
	v9 =	vimm.f32 $0.0e+00;
	v17 =	vmul.f32 $6.553700000e+04, v7  }
0x5b: {  	v8 =	vimm.f32 $0.0e+00;
	v4 =	vmul.f32 v4, v5;
	v13 =	vmul.f32 v6, v5  }
0x5c: {  	s23 =	simm.s32 $0x10;
	v6 =	vimm.f32 $0.0e+00;
	v21 =	vsub.f32 v17, v7;
	v23 =	vadd.f32 v12, v23  }
0x5d: {  	s24 =	simm.s32 $0x80;
	v14 =	vld [tilespmem:s23+$0x7620];
	v12 =	vimm.f32 $0.0e+00;
	v7 =	vimm.f32 $0.0e+00;
	v4 =	vadd.f32 v4, v10  }
.LBB2_5:
0x5e: {  	p0 =	sne.s32 s24, $0x13C0;
	v24 =	vld [tilespmem:s23+$0x13E20];
	v19 =	vmul.f32 v19, v5;
	v15 =	vsub.f32 v15, v22;
	v22 =	vmul.f32 $6.553700000e+04, v20  }
0x5f: {  	v25 =	vld [tilespmem:s23+$0x5320];
	v17 =	vsub.f32 v17, v21;
	v21 =	vmax.f32 v23, $0.0e+00;
	v16 =	vadd.f32 v18, v16  }
0x60: {  	v18 =	vld [tilespmem:s23+$0x11B20];
	v15 =	vmul.f32 v15, v5;
	v20 =	vsub.f32 v22, v20;
	v23 =	vmul.f32 $6.553700000e+04, v21  }
0x61: {  	v10 =	vadd.f32 v13, v10;
	v26 =	vld [tilespmem:s23+$0x5820];
	v13 =	vmul.f32 v17, v5;
	v16 =	vmax.f32 v16, $0.0e+00  }
0x62: {  	v17 =	vld [tilespmem:s23+$0x12020];
	v20 =	vsub.f32 v22, v20;
	v21 =	vsub.f32 v23, v21;
	v22 =	vmul.f32 $6.553700000e+04, v16  }
0x63: {  	v12 =	vadd.f32 v19, v12;
	v27 =	vld [tilespmem:s23+$0x5D20];
	v14 =	vadd.f32 v24, v14  }
0x64: {  	v19 =	vld [tilespmem:s23+$0x12520];
	v20 =	vmul.f32 v20, v5;
	v21 =	vsub.f32 v23, v21;
	v16 =	vsub.f32 v22, v16  }
0x65: {  	v11 =	vadd.f32 v15, v11;
	v18 =	vadd.f32 v18, v25;
	v23 =	vld [tilespmem:s23+$0x6220];
	v14 =	vmax.f32 v14, $0.0e+00  }
0x66: {  	v15 =	vld [tilespmem:s23+$0x12A20];
	v24 =	vmul.f32 $6.553700000e+04, v14;
	v21 =	vmul.f32 v21, v5;
	v16 =	vsub.f32 v22, v16  }
0x67: {  	v9 =	vadd.f32 v13, v9;
	v22 =	vld [tilespmem:s23+$0x2710];
	v18 =	vmax.f32 v18, $0.0e+00;
	v17 =	vadd.f32 v17, v26  }
0x68: {  	v13 =	vmul.f32 $6.553700000e+04, v18;
	v25 =	vld [tilespmem:s23+$0x6720];
	v14 =	vsub.f32 v24, v14;
	v26 =	vmul.f32 v16, v5  }
0x69: {  	v8 =	vadd.f32 v20, v8;
	v5 =	vmax.f32 v17, $0.0e+00;
	v16 =	vadd.f32 v19, v27;
	v19 =	vld [tilespmem:s23+$0x12F20]  }
0x6a: {  	v17 =	vsub.f32 v13, v18;
	v20 =	vmul.f32 $6.553700000e+04, v5;
	v27 =	vld [tilespmem:s23+$0x6C20];
	v14 =	vsub.f32 v24, v14  }
0x6b: {  	v7 =	vadd.f32 v21, v7;
	v24 =	vmax.f32 v16, $0.0e+00;
	v18 =	vadd.f32 v15, v23;
	v23 =	vld [tilespmem:s23+$0x13420]  }
.Ltmp3:
0x6c: {  	v21 =	vsub.f32 v20, v5;
	v15 =	vmul.f32 $6.553700000e+04, v24;
	v16 =	vld [tilespmem:s23+$0x7120];
	v14 =	vmul.f32 v14, v22;
	v5 =	vmovc v22;
	(pc) =	sbr.rel @p0 .LBB2_5-.Ltmp3, $4  }
0x6d: {  	v6 =	vadd.f32 v26, v6;
	v13 =	vsub.f32 v13, v17;
	v28 =	vmax.f32 v18, $0.0e+00;
	v18 =	vld [tilespmem:s23+$0x13920]  }
0x6e: {  	v17 =	vmul.f32 $6.553700000e+04, v28;
	v25 =	vadd.f32 v19, v25;
	v4 =	vadd.f32 v14, v4  }
0x6f: {  	s23 =	sshra.s32 s24, $0x2;
	v13 =	vmul.f32 v13, v5;
	v19 =	vsub.f32 v20, v21;
	v22 =	vsub.f32 v15, v24  }
0x70: {  	s24 =	sadd.s32 $0x40, s24;
	v14 =	vld [tilespmem:s23+$0x7620];
	v21 =	vsub.f32 v17, v28;
	v20 =	vmax.f32 v25, $0.0e+00;
	v23 =	vadd.f32 v23, v27  }
0x71: {  	v24 =	vld [tilespmem:s23+$0x13E20]  }
0x72: {  	v25 =	vld [tilespmem:s23+$0x5320]  }
0x73: {  	v26 =	vmul.f32 $6.553700000e+04, v20;
	v27 =	vld [tilespmem:s23+$0x11B20];
	v15 =	vsub.f32 v15, v22  }
0x74: {  	v28 =	vld [tilespmem:s23+$0x12020];
	v19 =	vmul.f32 v19, v5;
	v10 =	vadd.f32 v13, v10;
	v22 =	vmax.f32 v23, $0.0e+00  }
0x75: {  	v23 =	vld [tilespmem:s23+$0x5820];
	v16 =	vadd.f32 v18, v16;
	v18 =	vsub.f32 v26, v20;
	v20 =	vmul.f32 $6.553700000e+04, v22  }
0x76: {  	v17 =	vsub.f32 v17, v21;
	v12 =	vadd.f32 v19, v12;
	v15 =	vmul.f32 v15, v5  }
0x77: {  	v13 =	vmax.f32 v16, $0.0e+00;
	v16 =	vsub.f32 v26, v18;
	v18 =	vsub.f32 v20, v22  }
0x78: {  	v17 =	vmul.f32 v17, v5;
	v11 =	vadd.f32 v15, v11;
	v14 =	vadd.f32 v24, v14  }
0x79: {  	v19 =	vld [tilespmem:s23+$0x5D20];
	v21 =	vmul.f32 $6.553700000e+04, v13;
	v18 =	vsub.f32 v20, v18;
	v20 =	vadd.f32 v27, v25  }
0x7a: {  	v22 =	vld [tilespmem:s23+$0x12520];
	v9 =	vadd.f32 v17, v9;
	v23 =	vadd.f32 v28, v23  }
0x7b: {  	v60 =	vld [tilespmem:s23+$0x6220];
	v13 =	vsub.f32 v21, v13;
	v16 =	vmul.f32 v16, v5;
	v15 =	vmax.f32 v20, $0.0e+00  }
0x7c: {  	v14 =	vmax.f32 v14, $0.0e+00;
	v20 =	vld [tilespmem:s23+$0x12A20];
	v23 =	vmax.f32 v23, $0.0e+00;
	v62 =	vmul.f32 $6.553700000e+04, v15  }
0x7d: {  	v61 =	vmul.f32 $6.553700000e+04, v14;
	v13 =	vsub.f32 v21, v13;
	v21 =	vld [tilespmem:s23+$0x2710];
	v17 =	vmul.f32 $6.553700000e+04, v23  }
0x7e: {  	v18 =	vmul.f32 v18, v5;
	v8 =	vadd.f32 v16, v8;
	v15 =	vsub.f32 v62, v15  }
0x7f: {  	v19 =	vadd.f32 v22, v19;
	v5 =	vmul.f32 v13, v5;
	v13 =	vld [tilespmem:s23+$0x12F20];
	v22 =	vsub.f32 v17, v23  }
0x80: {  	v14 =	vsub.f32 v61, v14;
	v23 =	vld [tilespmem:s23+$0x6720];
	v15 =	vsub.f32 v62, v15  }
0x81: {  	v7 =	vadd.f32 v18, v7;
	v19 =	vmax.f32 v19, $0.0e+00;
	v16 =	vsub.f32 v17, v22;
	v17 =	vld [tilespmem:s23+$0x6C20]  }
0x82: {  	v14 =	vsub.f32 v61, v14;
	v20 =	vadd.f32 v20, v60;
	v22 =	vld [tilespmem:s23+$0x13420];
	v15 =	vmul.f32 v15, v21  }
0x83: {  	v18 =	vmul.f32 $6.553700000e+04, v19;
	v5 =	vadd.f32 v5, v6;
	v16 =	vmul.f32 v16, v21  }
0x84: {  	v63 =	vld [tilespmem:s23+$0x7120];
	v14 =	vmul.f32 v14, v21;
	v20 =	vmax.f32 v20, $0.0e+00;
	v10 =	vadd.f32 v15, v10  }
0x85: {  	v6 =	vmul.f32 $6.553700000e+04, v20;
	v13 =	vadd.f32 v13, v23;
	v15 =	vld [tilespmem:s23+$0x13920];
	v12 =	vadd.f32 v16, v12  }
0x86: {  	v4 =	vadd.f32 v14, v4;
	v16 =	vsub.f32 v18, v19;
	v14 =	vperm.xlane v10, v0  }
0x87: {  	v19 =	vsub.f32 v6, v20;
	v17 =	vadd.f32 v22, v17;
	v20 =	vperm.xlane v12, v0  }
0x88: {  	v13 =	vmax.f32 v13, $0.0e+00;
	v10 =	vadd.f32 v14, v10  }
0x89: {  	v17 =	vmax.f32 v17, $0.0e+00;
	v14 =	vsub.f32 v18, v16;
	v12 =	vadd.f32 v20, v12  }
0x8a: {  	v16 =	vmul.f32 $6.553700000e+04, v13;
	v15 =	vadd.f32 v15, v63;
	v18 =	vperm.xlane v10, v1  }
0x8b: {  	v6 =	vsub.f32 v6, v19;
	v19 =	vmul.f32 $6.553700000e+04, v17;
	v20 =	vperm.xlane v12, v1  }
0x8c: {  	v13 =	vsub.f32 v16, v13;
	v15 =	vmax.f32 v15, $0.0e+00;
	v10 =	vadd.f32 v18, v10  }
0x8d: {  	v17 =	vsub.f32 v19, v17;
	v18 =	vmul.f32 $6.553700000e+04, v15;
	v12 =	vadd.f32 v20, v12  }
0x8e: {  	v14 =	vmul.f32 v14, v21;
	v13 =	vsub.f32 v16, v13;
	v16 =	vperm.xlane v10, v2  }
0x8f: {  	v17 =	vsub.f32 v19, v17;
	v15 =	vsub.f32 v18, v15;
	v19 =	vperm.xlane v12, v2  }
0x90: {  	v6 =	vmul.f32 v6, v21;
	v11 =	vadd.f32 v14, v11;
	v10 =	vadd.f32 v16, v10  }
0x91: {  	v13 =	vmul.f32 v13, v21;
	v14 =	vsub.f32 v18, v15;
	v12 =	vadd.f32 v19, v12  }
0x92: {  	v6 =	vadd.f32 v6, v9;
	v15 =	vmul.f32 v17, v21;
	v9 =	vperm.xlane v10, v3  }
0x93: {  	v8 =	vadd.f32 v13, v8;
	v14 =	vmul.f32 v14, v21;
	v13 =	vperm.xlane v12, v3  }
0x94: {  	v7 =	vadd.f32 v15, v7;
	v9 =	vadd.f32 v9, v10;
	v10 =	vperm.xlane v11, v0  }
0x95: {  	v5 =	vadd.f32 v14, v5;
	v12 =	vadd.f32 v13, v12;
	v13 =	vperm.xlane v6, v0  }
0x96: {  	v9 =	vnsel vm0, $0x0, v9;
	v10 =	vadd.f32 v10, v11;
	v11 =	vperm.xlane v8, v0  }
0x97: {  	v6 =	vadd.f32 v13, v6;
	v9 =	vsel vm1, v9, v12;
	v12 =	vperm.xlane v7, v0  }
0x98: {  	v13 =	vperm.xlane v10, v1;
	v8 =	vadd.f32 v11, v8;
	v11 =	vperm.xlane v5, v0  }
0x99: {  	v14 =	vperm.xlane v6, v1;
	v7 =	vadd.f32 v12, v7;
	v12 =	vperm.xlane v4, v0  }
0x9a: {  	v10 =	vadd.f32 v13, v10;
	v13 =	vperm.xlane v8, v1;
	v5 =	vadd.f32 v11, v5  }
0x9b: {  	v6 =	vadd.f32 v14, v6;
	v11 =	vperm.xlane v7, v1;
	v4 =	vadd.f32 v12, v4  }
0x9c: {  	v12 =	vperm.xlane v10, v2;
	v8 =	vadd.f32 v13, v8;
	v13 =	vperm.xlane v5, v1  }
0x9d: {  	v14 =	vperm.xlane v6, v2;
	v7 =	vadd.f32 v11, v7;
	v11 =	vperm.xlane v4, v1  }
0x9e: {  	v10 =	vadd.f32 v12, v10;
	v12 =	vperm.xlane v8, v2;
	v5 =	vadd.f32 v13, v5  }
0x9f: {  	v6 =	vadd.f32 v14, v6;
	v13 =	vperm.xlane v7, v2;
	v4 =	vadd.f32 v11, v4  }
0xa0: {  	v11 =	vperm.xlane v10, v3;
	v8 =	vadd.f32 v12, v8;
	v12 =	vperm.xlane v5, v2  }
0xa1: {  	v14 =	vperm.xlane v6, v3;
	v7 =	vadd.f32 v13, v7;
	v13 =	vperm.xlane v4, v2  }
0xa2: {  	v10 =	vadd.f32 v11, v10;
	v11 =	vperm.xlane v8, v3;
	v5 =	vadd.f32 v12, v5  }
0xa3: {  	v6 =	vadd.f32 v14, v6;
	v12 =	vperm.xlane v7, v3;
	v4 =	vadd.f32 v13, v4  }
0xa4: {  	v9 =	vsel vm2, v9, v10;
	v8 =	vadd.f32 v11, v8;
	v10 =	vperm.xlane v5, v3  }
0xa5: {  	v6 =	vsel vm3, v9, v6;
	v7 =	vadd.f32 v12, v7;
	v9 =	vperm.xlane v4, v3  }
0xa6: {  	v6 =	vsel vm4, v6, v8;
	v5 =	vadd.f32 v10, v5  }
0xa7: {  	s26 =	smul.u32 $0x140, s22;
	p0 =	seq.s32 s22, $0x7C;
	v6 =	vsel vm5, v6, v7;
	v4 =	vadd.f32 v9, v4  }
0xa8: {  	s24 =	smul.u32 @!p0 $0x28, s22;
	v5 =	vsel vm6, v6, v5  }
0xa9: {  	s23 =	sshra.s32 s26, $0x2;
	v4 =	vsel vm7, v5, v4  }
0xaa: {  	s28 =	simm.s32 @!p0 $0x5320;
	s25 =	sadd.s32 @!p0 $0x28, s24;
	s26 =	simm.s32 @!p0 $0x8;
	[tilespmem:s23+$0x2C10] =	vst v4  }
0xab: {  	[tilespmem:s28], [sflag:$0x1] =	stream.indirect.gather @!p0 [hbm4b:s3+s26], $0x500, s25, s26, $0xb8;
	[tilespmem:$0x1E320] =	vst v63  }
0xac: {  	s25 =	sadd.s32 @!p0 $0x13B0, s24;
	s28 =	simm.s32 @!p0 $0x11B20  }
0xad: {  	[tilespmem:s28], [sflag:$0x6] =	stream.indirect.gather @!p0 [hbm4b:s4+s26], $0x500, s25, s26, $0xb8;
	[tilespmem:$0x1E320] =	vst v63  }
0xae: {  	_ =	swait.ge [sflag:s12], $0x2800  }
0xaf: {  	[sflag:s12] =	ssyncset.done $0x0  }
0xb0: {  	[sflag:s12] =	ssyncadd.s32 $0xFFFFD800  }
0xb1: {  	_ =	swait.ge [sflag:s14], $0x2800  }
0xb2: {  	[sflag:s14] =	ssyncset.done $0x0  }
0xb3: {  	s28 =	simm.s32 $0x0;
	[sflag:s14] =	ssyncadd.s32 $0xFFFFD800  }
0xb4: {  	v4 =	vld [tilespmem:s28+$0x9E20]  }
0xb5: {  	v5 =	vld [tilespmem:s28+$0x16620]  }
0xb6: {  	v6 =	vld [tilespmem:s28+$0x7B20]  }
0xb7: {  	v7 =	vld [tilespmem:s28+$0x14320]  }
0xb8: {  	v8 =	vld [tilespmem:s28+$0x8020]  }
0xb9: {  	v9 =	vld [tilespmem:s28+$0x14820]  }
0xba: {  	v10 =	vld [tilespmem:s28+$0x8520]  }
0xbb: {  	v11 =	vld [tilespmem:s28+$0x14D20]  }
0xbc: {  	v12 =	vld [tilespmem:s28+$0x8A20]  }
0xbd: {  	v16 =	vld [tilespmem:s28+$0x15720];
	v4 =	vadd.f32 v5, v4  }
0xbe: {  	v6 =	vadd.f32 v7, v6;
	v7 =	vld [tilespmem:s28+$0x15220]  }
0xbf: {  	v8 =	vadd.f32 v9, v8;
	v9 =	vld [tilespmem:s28+$0x8F20];
	v4 =	vmax.f32 v4, $0.0e+00  }
0xc0: {  	v11 =	vadd.f32 v11, v10;
	v6 =	vmax.f32 v6, $0.0e+00;
	v13 =	vmul.f32 $6.553700000e+04, v4  }
0xc1: {  	v8 =	vmax.f32 v8, $0.0e+00;
	v14 =	vmul.f32 $6.553700000e+04, v6  }
0xc2: {  	v23 =	vld [tilespmem:s28+$0x9420];
	v11 =	vmax.f32 v11, $0.0e+00;
	v18 =	vmul.f32 $6.553700000e+04, v8;
	v4 =	vsub.f32 v13, v4  }
0xc3: {  	v5 =	vld [tilespmem:s28+$0x2710];
	v15 =	vmul.f32 $6.553700000e+04, v11;
	v6 =	vsub.f32 v14, v6;
	v7 =	vadd.f32 v7, v12  }
0xc4: {  	v10 =	vimm.f32 $0.0e+00;
	v12 =	vld [tilespmem:s28+$0x15C20];
	v8 =	vsub.f32 v18, v8;
	v9 =	vadd.f32 v16, v9  }
0xc5: {  	v22 =	vsub.f32 v15, v11;
	v11 =	vimm.f32 $0.0e+00;
	v4 =	vsub.f32 v13, v4  }
0xc6: {  	v16 =	vld [tilespmem:s28+$0x9920];
	v6 =	vsub.f32 v14, v6;
	v7 =	vmax.f32 v7, $0.0e+00;
	v19 =	vsub.f32 v18, v8  }
0xc7: {  	v20 =	vmax.f32 v9, $0.0e+00;
	v18 =	vld [tilespmem:s28+$0x16120];
	v9 =	vimm.f32 $0.0e+00;
	v17 =	vmul.f32 $6.553700000e+04, v7  }
0xc8: {  	v8 =	vimm.f32 $0.0e+00;
	v4 =	vmul.f32 v4, v5;
	v13 =	vmul.f32 v6, v5  }
0xc9: {  	s25 =	simm.s32 $0x10;
	v6 =	vimm.f32 $0.0e+00;
	v21 =	vsub.f32 v17, v7;
	v23 =	vadd.f32 v12, v23  }
0xca: {  	s26 =	simm.s32 $0x80;
	v14 =	vld [tilespmem:s25+$0x9E20];
	v12 =	vimm.f32 $0.0e+00;
	v7 =	vimm.f32 $0.0e+00;
	v4 =	vadd.f32 v4, v10  }
.LBB2_7:
0xcb: {  	p1 =	sne.s32 s26, $0x13C0;
	v24 =	vld [tilespmem:s25+$0x16620];
	v19 =	vmul.f32 v19, v5;
	v15 =	vsub.f32 v15, v22;
	v22 =	vmul.f32 $6.553700000e+04, v20  }
0xcc: {  	v25 =	vld [tilespmem:s25+$0x7B20];
	v17 =	vsub.f32 v17, v21;
	v21 =	vmax.f32 v23, $0.0e+00;
	v16 =	vadd.f32 v18, v16  }
0xcd: {  	v18 =	vld [tilespmem:s25+$0x14320];
	v15 =	vmul.f32 v15, v5;
	v20 =	vsub.f32 v22, v20;
	v23 =	vmul.f32 $6.553700000e+04, v21  }
0xce: {  	v10 =	vadd.f32 v13, v10;
	v26 =	vld [tilespmem:s25+$0x8020];
	v13 =	vmul.f32 v17, v5;
	v16 =	vmax.f32 v16, $0.0e+00  }
0xcf: {  	v17 =	vld [tilespmem:s25+$0x14820];
	v20 =	vsub.f32 v22, v20;
	v21 =	vsub.f32 v23, v21;
	v22 =	vmul.f32 $6.553700000e+04, v16  }
0xd0: {  	v12 =	vadd.f32 v19, v12;
	v27 =	vld [tilespmem:s25+$0x8520];
	v14 =	vadd.f32 v24, v14  }
0xd1: {  	v19 =	vld [tilespmem:s25+$0x14D20];
	v20 =	vmul.f32 v20, v5;
	v21 =	vsub.f32 v23, v21;
	v16 =	vsub.f32 v22, v16  }
0xd2: {  	v11 =	vadd.f32 v15, v11;
	v18 =	vadd.f32 v18, v25;
	v23 =	vld [tilespmem:s25+$0x8A20];
	v14 =	vmax.f32 v14, $0.0e+00  }
0xd3: {  	v15 =	vld [tilespmem:s25+$0x15220];
	v24 =	vmul.f32 $6.553700000e+04, v14;
	v21 =	vmul.f32 v21, v5;
	v16 =	vsub.f32 v22, v16  }
0xd4: {  	v9 =	vadd.f32 v13, v9;
	v22 =	vld [tilespmem:s25+$0x2710];
	v18 =	vmax.f32 v18, $0.0e+00;
	v17 =	vadd.f32 v17, v26  }
0xd5: {  	v13 =	vmul.f32 $6.553700000e+04, v18;
	v25 =	vld [tilespmem:s25+$0x8F20];
	v14 =	vsub.f32 v24, v14;
	v26 =	vmul.f32 v16, v5  }
0xd6: {  	v8 =	vadd.f32 v20, v8;
	v5 =	vmax.f32 v17, $0.0e+00;
	v16 =	vadd.f32 v19, v27;
	v19 =	vld [tilespmem:s25+$0x15720]  }
0xd7: {  	v17 =	vsub.f32 v13, v18;
	v20 =	vmul.f32 $6.553700000e+04, v5;
	v27 =	vld [tilespmem:s25+$0x9420];
	v14 =	vsub.f32 v24, v14  }
0xd8: {  	v7 =	vadd.f32 v21, v7;
	v24 =	vmax.f32 v16, $0.0e+00;
	v18 =	vadd.f32 v15, v23;
	v23 =	vld [tilespmem:s25+$0x15C20]  }
.Ltmp4:
0xd9: {  	v21 =	vsub.f32 v20, v5;
	v15 =	vmul.f32 $6.553700000e+04, v24;
	v16 =	vld [tilespmem:s25+$0x9920];
	v14 =	vmul.f32 v14, v22;
	v5 =	vmovc v22;
	(pc) =	sbr.rel @p1 .LBB2_7-.Ltmp4, $4  }
0xda: {  	v6 =	vadd.f32 v26, v6;
	v13 =	vsub.f32 v13, v17;
	v28 =	vmax.f32 v18, $0.0e+00;
	v18 =	vld [tilespmem:s25+$0x16120]  }
0xdb: {  	v17 =	vmul.f32 $6.553700000e+04, v28;
	v25 =	vadd.f32 v19, v25;
	v4 =	vadd.f32 v14, v4  }
0xdc: {  	s25 =	sshra.s32 s26, $0x2;
	v13 =	vmul.f32 v13, v5;
	v19 =	vsub.f32 v20, v21;
	v22 =	vsub.f32 v15, v24  }
0xdd: {  	s26 =	sadd.s32 $0x40, s26;
	v14 =	vld [tilespmem:s25+$0x9E20];
	v21 =	vsub.f32 v17, v28;
	v20 =	vmax.f32 v25, $0.0e+00;
	v23 =	vadd.f32 v23, v27  }
0xde: {  	v24 =	vld [tilespmem:s25+$0x16620]  }
0xdf: {  	v25 =	vld [tilespmem:s25+$0x7B20]  }
0xe0: {  	v26 =	vmul.f32 $6.553700000e+04, v20;
	v27 =	vld [tilespmem:s25+$0x14320];
	v15 =	vsub.f32 v15, v22  }
0xe1: {  	v28 =	vld [tilespmem:s25+$0x14820];
	v19 =	vmul.f32 v19, v5;
	v10 =	vadd.f32 v13, v10;
	v22 =	vmax.f32 v23, $0.0e+00  }
0xe2: {  	v23 =	vld [tilespmem:s25+$0x8020];
	v16 =	vadd.f32 v18, v16;
	v18 =	vsub.f32 v26, v20;
	v20 =	vmul.f32 $6.553700000e+04, v22  }
0xe3: {  	v17 =	vsub.f32 v17, v21;
	v12 =	vadd.f32 v19, v12;
	v15 =	vmul.f32 v15, v5  }
0xe4: {  	v13 =	vmax.f32 v16, $0.0e+00;
	v16 =	vsub.f32 v26, v18;
	v18 =	vsub.f32 v20, v22  }
0xe5: {  	v17 =	vmul.f32 v17, v5;
	v11 =	vadd.f32 v15, v11;
	v14 =	vadd.f32 v24, v14  }
0xe6: {  	v19 =	vld [tilespmem:s25+$0x8520];
	v21 =	vmul.f32 $6.553700000e+04, v13;
	v18 =	vsub.f32 v20, v18;
	v20 =	vadd.f32 v27, v25  }
0xe7: {  	v22 =	vld [tilespmem:s25+$0x14D20];
	v9 =	vadd.f32 v17, v9;
	v23 =	vadd.f32 v28, v23  }
0xe8: {  	v60 =	vld [tilespmem:s25+$0x8A20];
	v13 =	vsub.f32 v21, v13;
	v16 =	vmul.f32 v16, v5;
	v15 =	vmax.f32 v20, $0.0e+00  }
0xe9: {  	v14 =	vmax.f32 v14, $0.0e+00;
	v20 =	vld [tilespmem:s25+$0x15220];
	v23 =	vmax.f32 v23, $0.0e+00;
	v62 =	vmul.f32 $6.553700000e+04, v15  }
0xea: {  	v61 =	vmul.f32 $6.553700000e+04, v14;
	v13 =	vsub.f32 v21, v13;
	v21 =	vld [tilespmem:s25+$0x2710];
	v17 =	vmul.f32 $6.553700000e+04, v23  }
0xeb: {  	v18 =	vmul.f32 v18, v5;
	v8 =	vadd.f32 v16, v8;
	v15 =	vsub.f32 v62, v15  }
0xec: {  	v19 =	vadd.f32 v22, v19;
	v5 =	vmul.f32 v13, v5;
	v13 =	vld [tilespmem:s25+$0x15720];
	v22 =	vsub.f32 v17, v23  }
0xed: {  	v14 =	vsub.f32 v61, v14;
	v23 =	vld [tilespmem:s25+$0x8F20];
	v15 =	vsub.f32 v62, v15  }
0xee: {  	v7 =	vadd.f32 v18, v7;
	v19 =	vmax.f32 v19, $0.0e+00;
	v16 =	vsub.f32 v17, v22;
	v17 =	vld [tilespmem:s25+$0x9420]  }
0xef: {  	v14 =	vsub.f32 v61, v14;
	v20 =	vadd.f32 v20, v60;
	v22 =	vld [tilespmem:s25+$0x15C20];
	v15 =	vmul.f32 v15, v21  }
0xf0: {  	v18 =	vmul.f32 $6.553700000e+04, v19;
	v5 =	vadd.f32 v5, v6;
	v16 =	vmul.f32 v16, v21  }
0xf1: {  	v63 =	vld [tilespmem:s25+$0x9920];
	v14 =	vmul.f32 v14, v21;
	v20 =	vmax.f32 v20, $0.0e+00;
	v10 =	vadd.f32 v15, v10  }
0xf2: {  	v6 =	vmul.f32 $6.553700000e+04, v20;
	v13 =	vadd.f32 v13, v23;
	v15 =	vld [tilespmem:s25+$0x16120];
	v12 =	vadd.f32 v16, v12  }
0xf3: {  	v4 =	vadd.f32 v14, v4;
	v16 =	vsub.f32 v18, v19;
	v14 =	vperm.xlane v10, v0  }
0xf4: {  	v19 =	vsub.f32 v6, v20;
	v17 =	vadd.f32 v22, v17;
	v20 =	vperm.xlane v12, v0  }
0xf5: {  	v13 =	vmax.f32 v13, $0.0e+00;
	v10 =	vadd.f32 v14, v10  }
0xf6: {  	v17 =	vmax.f32 v17, $0.0e+00;
	v14 =	vsub.f32 v18, v16;
	v12 =	vadd.f32 v20, v12  }
0xf7: {  	v16 =	vmul.f32 $6.553700000e+04, v13;
	v15 =	vadd.f32 v15, v63;
	v18 =	vperm.xlane v10, v1  }
0xf8: {  	v6 =	vsub.f32 v6, v19;
	v19 =	vmul.f32 $6.553700000e+04, v17;
	v20 =	vperm.xlane v12, v1  }
0xf9: {  	v13 =	vsub.f32 v16, v13;
	v15 =	vmax.f32 v15, $0.0e+00;
	v10 =	vadd.f32 v18, v10  }
0xfa: {  	v17 =	vsub.f32 v19, v17;
	v18 =	vmul.f32 $6.553700000e+04, v15;
	v12 =	vadd.f32 v20, v12  }
0xfb: {  	v14 =	vmul.f32 v14, v21;
	v13 =	vsub.f32 v16, v13;
	v16 =	vperm.xlane v10, v2  }
0xfc: {  	v17 =	vsub.f32 v19, v17;
	v15 =	vsub.f32 v18, v15;
	v19 =	vperm.xlane v12, v2  }
0xfd: {  	v6 =	vmul.f32 v6, v21;
	v11 =	vadd.f32 v14, v11;
	v10 =	vadd.f32 v16, v10  }
0xfe: {  	v13 =	vmul.f32 v13, v21;
	v14 =	vsub.f32 v18, v15;
	v12 =	vadd.f32 v19, v12  }
0xff: {  	v6 =	vadd.f32 v6, v9;
	v15 =	vmul.f32 v17, v21;
	v9 =	vperm.xlane v10, v3  }
0x100: {  	v8 =	vadd.f32 v13, v8;
	v14 =	vmul.f32 v14, v21;
	v13 =	vperm.xlane v12, v3  }
0x101: {  	v7 =	vadd.f32 v15, v7;
	v9 =	vadd.f32 v9, v10;
	v10 =	vperm.xlane v11, v0  }
0x102: {  	v5 =	vadd.f32 v14, v5;
	v12 =	vadd.f32 v13, v12;
	v13 =	vperm.xlane v6, v0  }
0x103: {  	v9 =	vnsel vm0, $0x0, v9;
	v10 =	vadd.f32 v10, v11;
	v11 =	vperm.xlane v8, v0  }
0x104: {  	v6 =	vadd.f32 v13, v6;
	v9 =	vsel vm1, v9, v12;
	v12 =	vperm.xlane v7, v0  }
0x105: {  	v13 =	vperm.xlane v10, v1;
	v8 =	vadd.f32 v11, v8;
	v11 =	vperm.xlane v5, v0  }
0x106: {  	v14 =	vperm.xlane v6, v1;
	v7 =	vadd.f32 v12, v7;
	v12 =	vperm.xlane v4, v0  }
0x107: {  	v10 =	vadd.f32 v13, v10;
	v13 =	vperm.xlane v8, v1;
	v5 =	vadd.f32 v11, v5  }
0x108: {  	v6 =	vadd.f32 v14, v6;
	v11 =	vperm.xlane v7, v1;
	v4 =	vadd.f32 v12, v4  }
0x109: {  	v12 =	vperm.xlane v10, v2;
	v8 =	vadd.f32 v13, v8;
	v13 =	vperm.xlane v5, v1  }
0x10a: {  	v14 =	vperm.xlane v6, v2;
	v7 =	vadd.f32 v11, v7;
	v11 =	vperm.xlane v4, v1  }
0x10b: {  	v10 =	vadd.f32 v12, v10;
	v12 =	vperm.xlane v8, v2;
	v5 =	vadd.f32 v13, v5  }
0x10c: {  	v6 =	vadd.f32 v14, v6;
	v13 =	vperm.xlane v7, v2;
	v4 =	vadd.f32 v11, v4  }
0x10d: {  	v11 =	vperm.xlane v10, v3;
	v8 =	vadd.f32 v12, v8;
	v12 =	vperm.xlane v5, v2  }
0x10e: {  	v14 =	vperm.xlane v6, v3;
	v7 =	vadd.f32 v13, v7;
	v13 =	vperm.xlane v4, v2  }
0x10f: {  	v10 =	vadd.f32 v11, v10;
	v11 =	vperm.xlane v8, v3;
	v5 =	vadd.f32 v12, v5  }
0x110: {  	v6 =	vadd.f32 v14, v6;
	v12 =	vperm.xlane v7, v3;
	v4 =	vadd.f32 v13, v4  }
0x111: {  	v9 =	vsel vm2, v9, v10;
	v8 =	vadd.f32 v11, v8;
	v10 =	vperm.xlane v5, v3  }
0x112: {  	v6 =	vsel vm3, v9, v6;
	v7 =	vadd.f32 v12, v7;
	v9 =	vperm.xlane v4, v3  }
0x113: {  	v6 =	vsel vm4, v6, v8;
	v5 =	vadd.f32 v10, v5  }
0x114: {  	v6 =	vsel vm5, v6, v7;
	v4 =	vadd.f32 v9, v4  }
0x115: {  	v5 =	vsel vm6, v6, v5  }
0x116: {  	v4 =	vsel vm7, v5, v4  }
0x117: {  	s26 =	simm.s32 @!p0 $0x8;
	s28 =	simm.s32 @!p0 $0x7B20;
	s25 =	sadd.s32 @!p0 $0x30, s24;
	[tilespmem:s23+$0x2C20] =	vst v4  }
0x118: {  	[tilespmem:s28], [sflag:$0x2] =	stream.indirect.gather @!p0 [hbm4b:s3+s26], $0x500, s25, s26, $0xb8;
	[tilespmem:$0x1E320] =	vst v63  }
0x119: {  	s25 =	sadd.s32 @!p0 $0x13B8, s24;
	s28 =	simm.s32 @!p0 $0x14320  }
0x11a: {  	[tilespmem:s28], [sflag:$0x7] =	stream.indirect.gather @!p0 [hbm4b:s4+s26], $0x500, s25, s26, $0xb8;
	[tilespmem:$0x1E320] =	vst v63  }
0x11b: {  	_ =	swait.ge [sflag:s15], $0x2800  }
0x11c: {  	[sflag:s15] =	ssyncset.done $0x0  }
0x11d: {  	[sflag:s15] =	ssyncadd.s32 $0xFFFFD800  }
0x11e: {  	_ =	swait.ge [sflag:s13], $0x2800  }
0x11f: {  	[sflag:s13] =	ssyncset.done $0x0  }
0x120: {  	s28 =	simm.s32 $0x0;
	[sflag:s13] =	ssyncadd.s32 $0xFFFFD800  }
0x121: {  	v4 =	vld [tilespmem:s28+$0xC620]  }
0x122: {  	v5 =	vld [tilespmem:s28+$0x18E20]  }
0x123: {  	v6 =	vld [tilespmem:s28+$0xA320]  }
0x124: {  	v7 =	vld [tilespmem:s28+$0x16B20]  }
0x125: {  	v8 =	vld [tilespmem:s28+$0xA820]  }
0x126: {  	v9 =	vld [tilespmem:s28+$0x17020]  }
0x127: {  	v10 =	vld [tilespmem:s28+$0xAD20]  }
0x128: {  	v11 =	vld [tilespmem:s28+$0x17520]  }
0x129: {  	v12 =	vld [tilespmem:s28+$0xB220]  }
0x12a: {  	v16 =	vld [tilespmem:s28+$0x17F20];
	v4 =	vadd.f32 v5, v4  }
0x12b: {  	v6 =	vadd.f32 v7, v6;
	v7 =	vld [tilespmem:s28+$0x17A20]  }
0x12c: {  	v8 =	vadd.f32 v9, v8;
	v9 =	vld [tilespmem:s28+$0xB720];
	v4 =	vmax.f32 v4, $0.0e+00  }
0x12d: {  	v11 =	vadd.f32 v11, v10;
	v6 =	vmax.f32 v6, $0.0e+00;
	v13 =	vmul.f32 $6.553700000e+04, v4  }
0x12e: {  	v8 =	vmax.f32 v8, $0.0e+00;
	v14 =	vmul.f32 $6.553700000e+04, v6  }
0x12f: {  	v23 =	vld [tilespmem:s28+$0xBC20];
	v11 =	vmax.f32 v11, $0.0e+00;
	v18 =	vmul.f32 $6.553700000e+04, v8;
	v4 =	vsub.f32 v13, v4  }
0x130: {  	v5 =	vld [tilespmem:s28+$0x2710];
	v15 =	vmul.f32 $6.553700000e+04, v11;
	v6 =	vsub.f32 v14, v6;
	v7 =	vadd.f32 v7, v12  }
0x131: {  	v10 =	vimm.f32 $0.0e+00;
	v12 =	vld [tilespmem:s28+$0x18420];
	v8 =	vsub.f32 v18, v8;
	v9 =	vadd.f32 v16, v9  }
0x132: {  	v22 =	vsub.f32 v15, v11;
	v11 =	vimm.f32 $0.0e+00;
	v4 =	vsub.f32 v13, v4  }
0x133: {  	v16 =	vld [tilespmem:s28+$0xC120];
	v6 =	vsub.f32 v14, v6;
	v7 =	vmax.f32 v7, $0.0e+00;
	v19 =	vsub.f32 v18, v8  }
0x134: {  	v20 =	vmax.f32 v9, $0.0e+00;
	v18 =	vld [tilespmem:s28+$0x18920];
	v9 =	vimm.f32 $0.0e+00;
	v17 =	vmul.f32 $6.553700000e+04, v7  }
0x135: {  	v8 =	vimm.f32 $0.0e+00;
	v4 =	vmul.f32 v4, v5;
	v13 =	vmul.f32 v6, v5  }
0x136: {  	s25 =	simm.s32 $0x10;
	v6 =	vimm.f32 $0.0e+00;
	v21 =	vsub.f32 v17, v7;
	v23 =	vadd.f32 v12, v23  }
0x137: {  	s26 =	simm.s32 $0x80;
	v14 =	vld [tilespmem:s25+$0xC620];
	v12 =	vimm.f32 $0.0e+00;
	v7 =	vimm.f32 $0.0e+00;
	v4 =	vadd.f32 v4, v10  }
.LBB2_9:
0x138: {  	p1 =	sne.s32 s26, $0x13C0;
	v24 =	vld [tilespmem:s25+$0x18E20];
	v19 =	vmul.f32 v19, v5;
	v15 =	vsub.f32 v15, v22;
	v22 =	vmul.f32 $6.553700000e+04, v20  }
0x139: {  	v25 =	vld [tilespmem:s25+$0xA320];
	v17 =	vsub.f32 v17, v21;
	v21 =	vmax.f32 v23, $0.0e+00;
	v16 =	vadd.f32 v18, v16  }
0x13a: {  	v18 =	vld [tilespmem:s25+$0x16B20];
	v15 =	vmul.f32 v15, v5;
	v20 =	vsub.f32 v22, v20;
	v23 =	vmul.f32 $6.553700000e+04, v21  }
0x13b: {  	v10 =	vadd.f32 v13, v10;
	v26 =	vld [tilespmem:s25+$0xA820];
	v13 =	vmul.f32 v17, v5;
	v16 =	vmax.f32 v16, $0.0e+00  }
0x13c: {  	v17 =	vld [tilespmem:s25+$0x17020];
	v20 =	vsub.f32 v22, v20;
	v21 =	vsub.f32 v23, v21;
	v22 =	vmul.f32 $6.553700000e+04, v16  }
0x13d: {  	v12 =	vadd.f32 v19, v12;
	v27 =	vld [tilespmem:s25+$0xAD20];
	v14 =	vadd.f32 v24, v14  }
0x13e: {  	v19 =	vld [tilespmem:s25+$0x17520];
	v20 =	vmul.f32 v20, v5;
	v21 =	vsub.f32 v23, v21;
	v16 =	vsub.f32 v22, v16  }
0x13f: {  	v11 =	vadd.f32 v15, v11;
	v18 =	vadd.f32 v18, v25;
	v23 =	vld [tilespmem:s25+$0xB220];
	v14 =	vmax.f32 v14, $0.0e+00  }
0x140: {  	v15 =	vld [tilespmem:s25+$0x17A20];
	v24 =	vmul.f32 $6.553700000e+04, v14;
	v21 =	vmul.f32 v21, v5;
	v16 =	vsub.f32 v22, v16  }
0x141: {  	v9 =	vadd.f32 v13, v9;
	v22 =	vld [tilespmem:s25+$0x2710];
	v18 =	vmax.f32 v18, $0.0e+00;
	v17 =	vadd.f32 v17, v26  }
0x142: {  	v13 =	vmul.f32 $6.553700000e+04, v18;
	v25 =	vld [tilespmem:s25+$0xB720];
	v14 =	vsub.f32 v24, v14;
	v26 =	vmul.f32 v16, v5  }
0x143: {  	v8 =	vadd.f32 v20, v8;
	v5 =	vmax.f32 v17, $0.0e+00;
	v16 =	vadd.f32 v19, v27;
	v19 =	vld [tilespmem:s25+$0x17F20]  }
0x144: {  	v17 =	vsub.f32 v13, v18;
	v20 =	vmul.f32 $6.553700000e+04, v5;
	v27 =	vld [tilespmem:s25+$0xBC20];
	v14 =	vsub.f32 v24, v14  }
0x145: {  	v7 =	vadd.f32 v21, v7;
	v24 =	vmax.f32 v16, $0.0e+00;
	v18 =	vadd.f32 v15, v23;
	v23 =	vld [tilespmem:s25+$0x18420]  }
.Ltmp5:
0x146: {  	v21 =	vsub.f32 v20, v5;
	v15 =	vmul.f32 $6.553700000e+04, v24;
	v16 =	vld [tilespmem:s25+$0xC120];
	v14 =	vmul.f32 v14, v22;
	v5 =	vmovc v22;
	(pc) =	sbr.rel @p1 .LBB2_9-.Ltmp5, $4  }
0x147: {  	v6 =	vadd.f32 v26, v6;
	v13 =	vsub.f32 v13, v17;
	v28 =	vmax.f32 v18, $0.0e+00;
	v18 =	vld [tilespmem:s25+$0x18920]  }
0x148: {  	v17 =	vmul.f32 $6.553700000e+04, v28;
	v25 =	vadd.f32 v19, v25;
	v4 =	vadd.f32 v14, v4  }
0x149: {  	s25 =	sshra.s32 s26, $0x2;
	v13 =	vmul.f32 v13, v5;
	v19 =	vsub.f32 v20, v21;
	v22 =	vsub.f32 v15, v24  }
0x14a: {  	s26 =	sadd.s32 $0x40, s26;
	v14 =	vld [tilespmem:s25+$0xC620];
	v21 =	vsub.f32 v17, v28;
	v20 =	vmax.f32 v25, $0.0e+00;
	v23 =	vadd.f32 v23, v27  }
0x14b: {  	v24 =	vld [tilespmem:s25+$0x18E20]  }
0x14c: {  	v25 =	vld [tilespmem:s25+$0xA320]  }
0x14d: {  	v26 =	vmul.f32 $6.553700000e+04, v20;
	v27 =	vld [tilespmem:s25+$0x16B20];
	v15 =	vsub.f32 v15, v22  }
0x14e: {  	v28 =	vld [tilespmem:s25+$0x17020];
	v19 =	vmul.f32 v19, v5;
	v10 =	vadd.f32 v13, v10;
	v22 =	vmax.f32 v23, $0.0e+00  }
0x14f: {  	v23 =	vld [tilespmem:s25+$0xA820];
	v16 =	vadd.f32 v18, v16;
	v18 =	vsub.f32 v26, v20;
	v20 =	vmul.f32 $6.553700000e+04, v22  }
0x150: {  	v17 =	vsub.f32 v17, v21;
	v12 =	vadd.f32 v19, v12;
	v15 =	vmul.f32 v15, v5  }
0x151: {  	v13 =	vmax.f32 v16, $0.0e+00;
	v16 =	vsub.f32 v26, v18;
	v18 =	vsub.f32 v20, v22  }
0x152: {  	v17 =	vmul.f32 v17, v5;
	v11 =	vadd.f32 v15, v11;
	v14 =	vadd.f32 v24, v14  }
0x153: {  	v19 =	vld [tilespmem:s25+$0xAD20];
	v21 =	vmul.f32 $6.553700000e+04, v13;
	v18 =	vsub.f32 v20, v18;
	v20 =	vadd.f32 v27, v25  }
0x154: {  	v22 =	vld [tilespmem:s25+$0x17520];
	v9 =	vadd.f32 v17, v9;
	v23 =	vadd.f32 v28, v23  }
0x155: {  	v60 =	vld [tilespmem:s25+$0xB220];
	v13 =	vsub.f32 v21, v13;
	v16 =	vmul.f32 v16, v5;
	v15 =	vmax.f32 v20, $0.0e+00  }
0x156: {  	v14 =	vmax.f32 v14, $0.0e+00;
	v20 =	vld [tilespmem:s25+$0x17A20];
	v23 =	vmax.f32 v23, $0.0e+00;
	v62 =	vmul.f32 $6.553700000e+04, v15  }
0x157: {  	v61 =	vmul.f32 $6.553700000e+04, v14;
	v13 =	vsub.f32 v21, v13;
	v21 =	vld [tilespmem:s25+$0x2710];
	v17 =	vmul.f32 $6.553700000e+04, v23  }
0x158: {  	v18 =	vmul.f32 v18, v5;
	v8 =	vadd.f32 v16, v8;
	v15 =	vsub.f32 v62, v15  }
0x159: {  	v19 =	vadd.f32 v22, v19;
	v5 =	vmul.f32 v13, v5;
	v13 =	vld [tilespmem:s25+$0x17F20];
	v22 =	vsub.f32 v17, v23  }
0x15a: {  	v14 =	vsub.f32 v61, v14;
	v23 =	vld [tilespmem:s25+$0xB720];
	v15 =	vsub.f32 v62, v15  }
0x15b: {  	v7 =	vadd.f32 v18, v7;
	v19 =	vmax.f32 v19, $0.0e+00;
	v16 =	vsub.f32 v17, v22;
	v17 =	vld [tilespmem:s25+$0xBC20]  }
0x15c: {  	v14 =	vsub.f32 v61, v14;
	v20 =	vadd.f32 v20, v60;
	v22 =	vld [tilespmem:s25+$0x18420];
	v15 =	vmul.f32 v15, v21  }
0x15d: {  	v18 =	vmul.f32 $6.553700000e+04, v19;
	v5 =	vadd.f32 v5, v6;
	v16 =	vmul.f32 v16, v21  }
0x15e: {  	v63 =	vld [tilespmem:s25+$0xC120];
	v14 =	vmul.f32 v14, v21;
	v20 =	vmax.f32 v20, $0.0e+00;
	v10 =	vadd.f32 v15, v10  }
0x15f: {  	v6 =	vmul.f32 $6.553700000e+04, v20;
	v13 =	vadd.f32 v13, v23;
	v15 =	vld [tilespmem:s25+$0x18920];
	v12 =	vadd.f32 v16, v12  }
0x160: {  	v4 =	vadd.f32 v14, v4;
	v16 =	vsub.f32 v18, v19;
	v14 =	vperm.xlane v10, v0  }
0x161: {  	v19 =	vsub.f32 v6, v20;
	v17 =	vadd.f32 v22, v17;
	v20 =	vperm.xlane v12, v0  }
0x162: {  	v13 =	vmax.f32 v13, $0.0e+00;
	v10 =	vadd.f32 v14, v10  }
0x163: {  	v17 =	vmax.f32 v17, $0.0e+00;
	v14 =	vsub.f32 v18, v16;
	v12 =	vadd.f32 v20, v12  }
0x164: {  	v16 =	vmul.f32 $6.553700000e+04, v13;
	v15 =	vadd.f32 v15, v63;
	v18 =	vperm.xlane v10, v1  }
0x165: {  	v6 =	vsub.f32 v6, v19;
	v19 =	vmul.f32 $6.553700000e+04, v17;
	v20 =	vperm.xlane v12, v1  }
0x166: {  	v13 =	vsub.f32 v16, v13;
	v15 =	vmax.f32 v15, $0.0e+00;
	v10 =	vadd.f32 v18, v10  }
0x167: {  	v17 =	vsub.f32 v19, v17;
	v18 =	vmul.f32 $6.553700000e+04, v15;
	v12 =	vadd.f32 v20, v12  }
0x168: {  	v14 =	vmul.f32 v14, v21;
	v13 =	vsub.f32 v16, v13;
	v16 =	vperm.xlane v10, v2  }
0x169: {  	v17 =	vsub.f32 v19, v17;
	v15 =	vsub.f32 v18, v15;
	v19 =	vperm.xlane v12, v2  }
0x16a: {  	v6 =	vmul.f32 v6, v21;
	v11 =	vadd.f32 v14, v11;
	v10 =	vadd.f32 v16, v10  }
0x16b: {  	v13 =	vmul.f32 v13, v21;
	v14 =	vsub.f32 v18, v15;
	v12 =	vadd.f32 v19, v12  }
0x16c: {  	v6 =	vadd.f32 v6, v9;
	v15 =	vmul.f32 v17, v21;
	v9 =	vperm.xlane v10, v3  }
0x16d: {  	v8 =	vadd.f32 v13, v8;
	v14 =	vmul.f32 v14, v21;
	v13 =	vperm.xlane v12, v3  }
0x16e: {  	v7 =	vadd.f32 v15, v7;
	v9 =	vadd.f32 v9, v10;
	v10 =	vperm.xlane v11, v0  }
0x16f: {  	v5 =	vadd.f32 v14, v5;
	v12 =	vadd.f32 v13, v12;
	v13 =	vperm.xlane v6, v0  }
0x170: {  	v9 =	vnsel vm0, $0x0, v9;
	v10 =	vadd.f32 v10, v11;
	v11 =	vperm.xlane v8, v0  }
0x171: {  	v6 =	vadd.f32 v13, v6;
	v9 =	vsel vm1, v9, v12;
	v12 =	vperm.xlane v7, v0  }
0x172: {  	v13 =	vperm.xlane v10, v1;
	v8 =	vadd.f32 v11, v8;
	v11 =	vperm.xlane v5, v0  }
0x173: {  	v14 =	vperm.xlane v6, v1;
	v7 =	vadd.f32 v12, v7;
	v12 =	vperm.xlane v4, v0  }
0x174: {  	v10 =	vadd.f32 v13, v10;
	v13 =	vperm.xlane v8, v1;
	v5 =	vadd.f32 v11, v5  }
0x175: {  	v6 =	vadd.f32 v14, v6;
	v11 =	vperm.xlane v7, v1;
	v4 =	vadd.f32 v12, v4  }
0x176: {  	v12 =	vperm.xlane v10, v2;
	v8 =	vadd.f32 v13, v8;
	v13 =	vperm.xlane v5, v1  }
0x177: {  	v14 =	vperm.xlane v6, v2;
	v7 =	vadd.f32 v11, v7;
	v11 =	vperm.xlane v4, v1  }
0x178: {  	v10 =	vadd.f32 v12, v10;
	v12 =	vperm.xlane v8, v2;
	v5 =	vadd.f32 v13, v5  }
0x179: {  	v6 =	vadd.f32 v14, v6;
	v13 =	vperm.xlane v7, v2;
	v4 =	vadd.f32 v11, v4  }
0x17a: {  	v11 =	vperm.xlane v10, v3;
	v8 =	vadd.f32 v12, v8;
	v12 =	vperm.xlane v5, v2  }
0x17b: {  	v14 =	vperm.xlane v6, v3;
	v7 =	vadd.f32 v13, v7;
	v13 =	vperm.xlane v4, v2  }
0x17c: {  	v10 =	vadd.f32 v11, v10;
	v11 =	vperm.xlane v8, v3;
	v5 =	vadd.f32 v12, v5  }
0x17d: {  	v6 =	vadd.f32 v14, v6;
	v12 =	vperm.xlane v7, v3;
	v4 =	vadd.f32 v13, v4  }
0x17e: {  	v9 =	vsel vm2, v9, v10;
	v8 =	vadd.f32 v11, v8;
	v10 =	vperm.xlane v5, v3  }
0x17f: {  	v6 =	vsel vm3, v9, v6;
	v7 =	vadd.f32 v12, v7;
	v9 =	vperm.xlane v4, v3  }
0x180: {  	v6 =	vsel vm4, v6, v8;
	v5 =	vadd.f32 v10, v5  }
0x181: {  	v6 =	vsel vm5, v6, v7;
	v4 =	vadd.f32 v9, v4  }
0x182: {  	v5 =	vsel vm6, v6, v5  }
0x183: {  	v4 =	vsel vm7, v5, v4  }
0x184: {  	s26 =	simm.s32 @!p0 $0x8;
	s28 =	simm.s32 @!p0 $0xA320;
	s25 =	sadd.s32 @!p0 $0x38, s24;
	[tilespmem:s23+$0x2C30] =	vst v4  }
0x185: {  	[tilespmem:s28], [sflag:$0x3] =	stream.indirect.gather @!p0 [hbm4b:s3+s26], $0x500, s25, s26, $0xb8;
	[tilespmem:$0x1E320] =	vst v63  }
0x186: {  	s25 =	sadd.s32 @!p0 $0x13C0, s24;
	s28 =	simm.s32 @!p0 $0x16B20  }
0x187: {  	[tilespmem:s28], [sflag:$0x8] =	stream.indirect.gather @!p0 [hbm4b:s4+s26], $0x500, s25, s26, $0xb8;
	[tilespmem:$0x1E320] =	vst v63  }
0x188: {  	_ =	swait.ge [sflag:s16], $0x2800  }
0x189: {  	[sflag:s16] =	ssyncset.done $0x0  }
0x18a: {  	[sflag:s16] =	ssyncadd.s32 $0xFFFFD800  }
0x18b: {  	_ =	swait.ge [sflag:s17], $0x2800  }
0x18c: {  	[sflag:s17] =	ssyncset.done $0x0  }
0x18d: {  	s28 =	simm.s32 $0x0;
	[sflag:s17] =	ssyncadd.s32 $0xFFFFD800  }
0x18e: {  	v4 =	vld [tilespmem:s28+$0xEE20]  }
0x18f: {  	v5 =	vld [tilespmem:s28+$0x1B620]  }
0x190: {  	v6 =	vld [tilespmem:s28+$0xCB20]  }
0x191: {  	v7 =	vld [tilespmem:s28+$0x19320]  }
0x192: {  	v8 =	vld [tilespmem:s28+$0xD020]  }
0x193: {  	v9 =	vld [tilespmem:s28+$0x19820]  }
0x194: {  	v10 =	vld [tilespmem:s28+$0xD520]  }
0x195: {  	v11 =	vld [tilespmem:s28+$0x19D20]  }
0x196: {  	v12 =	vld [tilespmem:s28+$0xDA20]  }
0x197: {  	v16 =	vld [tilespmem:s28+$0x1A720];
	v4 =	vadd.f32 v5, v4  }
0x198: {  	v6 =	vadd.f32 v7, v6;
	v7 =	vld [tilespmem:s28+$0x1A220]  }
0x199: {  	v8 =	vadd.f32 v9, v8;
	v9 =	vld [tilespmem:s28+$0xDF20];
	v4 =	vmax.f32 v4, $0.0e+00  }
0x19a: {  	v11 =	vadd.f32 v11, v10;
	v6 =	vmax.f32 v6, $0.0e+00;
	v13 =	vmul.f32 $6.553700000e+04, v4  }
0x19b: {  	v8 =	vmax.f32 v8, $0.0e+00;
	v14 =	vmul.f32 $6.553700000e+04, v6  }
0x19c: {  	v23 =	vld [tilespmem:s28+$0xE420];
	v11 =	vmax.f32 v11, $0.0e+00;
	v18 =	vmul.f32 $6.553700000e+04, v8;
	v4 =	vsub.f32 v13, v4  }
0x19d: {  	v5 =	vld [tilespmem:s28+$0x2710];
	v15 =	vmul.f32 $6.553700000e+04, v11;
	v6 =	vsub.f32 v14, v6;
	v7 =	vadd.f32 v7, v12  }
0x19e: {  	v10 =	vimm.f32 $0.0e+00;
	v12 =	vld [tilespmem:s28+$0x1AC20];
	v8 =	vsub.f32 v18, v8;
	v9 =	vadd.f32 v16, v9  }
0x19f: {  	v22 =	vsub.f32 v15, v11;
	v11 =	vimm.f32 $0.0e+00;
	v4 =	vsub.f32 v13, v4  }
0x1a0: {  	v16 =	vld [tilespmem:s28+$0xE920];
	v6 =	vsub.f32 v14, v6;
	v7 =	vmax.f32 v7, $0.0e+00;
	v19 =	vsub.f32 v18, v8  }
0x1a1: {  	v20 =	vmax.f32 v9, $0.0e+00;
	v18 =	vld [tilespmem:s28+$0x1B120];
	v9 =	vimm.f32 $0.0e+00;
	v17 =	vmul.f32 $6.553700000e+04, v7  }
0x1a2: {  	v8 =	vimm.f32 $0.0e+00;
	v4 =	vmul.f32 v4, v5;
	v13 =	vmul.f32 v6, v5  }
0x1a3: {  	s25 =	simm.s32 $0x10;
	v6 =	vimm.f32 $0.0e+00;
	v21 =	vsub.f32 v17, v7;
	v23 =	vadd.f32 v12, v23  }
0x1a4: {  	s26 =	simm.s32 $0x80;
	v14 =	vld [tilespmem:s25+$0xEE20];
	v12 =	vimm.f32 $0.0e+00;
	v7 =	vimm.f32 $0.0e+00;
	v4 =	vadd.f32 v4, v10  }
.LBB2_11:
0x1a5: {  	p1 =	sne.s32 s26, $0x13C0;
	v24 =	vld [tilespmem:s25+$0x1B620];
	v19 =	vmul.f32 v19, v5;
	v15 =	vsub.f32 v15, v22;
	v22 =	vmul.f32 $6.553700000e+04, v20  }
0x1a6: {  	v25 =	vld [tilespmem:s25+$0xCB20];
	v17 =	vsub.f32 v17, v21;
	v21 =	vmax.f32 v23, $0.0e+00;
	v16 =	vadd.f32 v18, v16  }
0x1a7: {  	v18 =	vld [tilespmem:s25+$0x19320];
	v15 =	vmul.f32 v15, v5;
	v20 =	vsub.f32 v22, v20;
	v23 =	vmul.f32 $6.553700000e+04, v21  }
0x1a8: {  	v10 =	vadd.f32 v13, v10;
	v26 =	vld [tilespmem:s25+$0xD020];
	v13 =	vmul.f32 v17, v5;
	v16 =	vmax.f32 v16, $0.0e+00  }
0x1a9: {  	v17 =	vld [tilespmem:s25+$0x19820];
	v20 =	vsub.f32 v22, v20;
	v21 =	vsub.f32 v23, v21;
	v22 =	vmul.f32 $6.553700000e+04, v16  }
0x1aa: {  	v12 =	vadd.f32 v19, v12;
	v27 =	vld [tilespmem:s25+$0xD520];
	v14 =	vadd.f32 v24, v14  }
0x1ab: {  	v19 =	vld [tilespmem:s25+$0x19D20];
	v20 =	vmul.f32 v20, v5;
	v21 =	vsub.f32 v23, v21;
	v16 =	vsub.f32 v22, v16  }
0x1ac: {  	v11 =	vadd.f32 v15, v11;
	v18 =	vadd.f32 v18, v25;
	v23 =	vld [tilespmem:s25+$0xDA20];
	v14 =	vmax.f32 v14, $0.0e+00  }
0x1ad: {  	v15 =	vld [tilespmem:s25+$0x1A220];
	v24 =	vmul.f32 $6.553700000e+04, v14;
	v21 =	vmul.f32 v21, v5;
	v16 =	vsub.f32 v22, v16  }
0x1ae: {  	v9 =	vadd.f32 v13, v9;
	v22 =	vld [tilespmem:s25+$0x2710];
	v18 =	vmax.f32 v18, $0.0e+00;
	v17 =	vadd.f32 v17, v26  }
0x1af: {  	v13 =	vmul.f32 $6.553700000e+04, v18;
	v25 =	vld [tilespmem:s25+$0xDF20];
	v14 =	vsub.f32 v24, v14;
	v26 =	vmul.f32 v16, v5  }
0x1b0: {  	v8 =	vadd.f32 v20, v8;
	v5 =	vmax.f32 v17, $0.0e+00;
	v16 =	vadd.f32 v19, v27;
	v19 =	vld [tilespmem:s25+$0x1A720]  }
0x1b1: {  	v17 =	vsub.f32 v13, v18;
	v20 =	vmul.f32 $6.553700000e+04, v5;
	v27 =	vld [tilespmem:s25+$0xE420];
	v14 =	vsub.f32 v24, v14  }
0x1b2: {  	v7 =	vadd.f32 v21, v7;
	v24 =	vmax.f32 v16, $0.0e+00;
	v18 =	vadd.f32 v15, v23;
	v23 =	vld [tilespmem:s25+$0x1AC20]  }
.Ltmp6:
0x1b3: {  	v21 =	vsub.f32 v20, v5;
	v15 =	vmul.f32 $6.553700000e+04, v24;
	v16 =	vld [tilespmem:s25+$0xE920];
	v14 =	vmul.f32 v14, v22;
	v5 =	vmovc v22;
	(pc) =	sbr.rel @p1 .LBB2_11-.Ltmp6, $4  }
0x1b4: {  	v6 =	vadd.f32 v26, v6;
	v13 =	vsub.f32 v13, v17;
	v28 =	vmax.f32 v18, $0.0e+00;
	v18 =	vld [tilespmem:s25+$0x1B120]  }
0x1b5: {  	v17 =	vmul.f32 $6.553700000e+04, v28;
	v25 =	vadd.f32 v19, v25;
	v4 =	vadd.f32 v14, v4  }
0x1b6: {  	s25 =	sshra.s32 s26, $0x2;
	v13 =	vmul.f32 v13, v5;
	v19 =	vsub.f32 v20, v21;
	v22 =	vsub.f32 v15, v24  }
0x1b7: {  	s26 =	sadd.s32 $0x40, s26;
	v14 =	vld [tilespmem:s25+$0xEE20];
	v21 =	vsub.f32 v17, v28;
	v20 =	vmax.f32 v25, $0.0e+00;
	v23 =	vadd.f32 v23, v27  }
0x1b8: {  	v24 =	vld [tilespmem:s25+$0x1B620]  }
0x1b9: {  	v25 =	vld [tilespmem:s25+$0xCB20]  }
0x1ba: {  	v26 =	vmul.f32 $6.553700000e+04, v20;
	v27 =	vld [tilespmem:s25+$0x19320];
	v15 =	vsub.f32 v15, v22  }
0x1bb: {  	v28 =	vld [tilespmem:s25+$0x19820];
	v19 =	vmul.f32 v19, v5;
	v10 =	vadd.f32 v13, v10;
	v22 =	vmax.f32 v23, $0.0e+00  }
0x1bc: {  	v23 =	vld [tilespmem:s25+$0xD020];
	v16 =	vadd.f32 v18, v16;
	v18 =	vsub.f32 v26, v20;
	v20 =	vmul.f32 $6.553700000e+04, v22  }
0x1bd: {  	v17 =	vsub.f32 v17, v21;
	v12 =	vadd.f32 v19, v12;
	v15 =	vmul.f32 v15, v5  }
0x1be: {  	v13 =	vmax.f32 v16, $0.0e+00;
	v16 =	vsub.f32 v26, v18;
	v18 =	vsub.f32 v20, v22  }
0x1bf: {  	v17 =	vmul.f32 v17, v5;
	v11 =	vadd.f32 v15, v11;
	v14 =	vadd.f32 v24, v14  }
0x1c0: {  	v19 =	vld [tilespmem:s25+$0xD520];
	v21 =	vmul.f32 $6.553700000e+04, v13;
	v18 =	vsub.f32 v20, v18;
	v20 =	vadd.f32 v27, v25  }
0x1c1: {  	v22 =	vld [tilespmem:s25+$0x19D20];
	v9 =	vadd.f32 v17, v9;
	v23 =	vadd.f32 v28, v23  }
0x1c2: {  	v60 =	vld [tilespmem:s25+$0xDA20];
	v13 =	vsub.f32 v21, v13;
	v16 =	vmul.f32 v16, v5;
	v15 =	vmax.f32 v20, $0.0e+00  }
0x1c3: {  	v14 =	vmax.f32 v14, $0.0e+00;
	v20 =	vld [tilespmem:s25+$0x1A220];
	v23 =	vmax.f32 v23, $0.0e+00;
	v62 =	vmul.f32 $6.553700000e+04, v15  }
0x1c4: {  	v61 =	vmul.f32 $6.553700000e+04, v14;
	v13 =	vsub.f32 v21, v13;
	v21 =	vld [tilespmem:s25+$0x2710];
	v17 =	vmul.f32 $6.553700000e+04, v23  }
0x1c5: {  	v18 =	vmul.f32 v18, v5;
	v8 =	vadd.f32 v16, v8;
	v15 =	vsub.f32 v62, v15  }
0x1c6: {  	v19 =	vadd.f32 v22, v19;
	v5 =	vmul.f32 v13, v5;
	v13 =	vld [tilespmem:s25+$0x1A720];
	v22 =	vsub.f32 v17, v23  }
0x1c7: {  	v14 =	vsub.f32 v61, v14;
	v23 =	vld [tilespmem:s25+$0xDF20];
	v15 =	vsub.f32 v62, v15  }
0x1c8: {  	v7 =	vadd.f32 v18, v7;
	v19 =	vmax.f32 v19, $0.0e+00;
	v16 =	vsub.f32 v17, v22;
	v17 =	vld [tilespmem:s25+$0xE420]  }
0x1c9: {  	v14 =	vsub.f32 v61, v14;
	v20 =	vadd.f32 v20, v60;
	v22 =	vld [tilespmem:s25+$0x1AC20];
	v15 =	vmul.f32 v15, v21  }
0x1ca: {  	v18 =	vmul.f32 $6.553700000e+04, v19;
	v5 =	vadd.f32 v5, v6;
	v16 =	vmul.f32 v16, v21  }
0x1cb: {  	v63 =	vld [tilespmem:s25+$0xE920];
	v14 =	vmul.f32 v14, v21;
	v20 =	vmax.f32 v20, $0.0e+00;
	v10 =	vadd.f32 v15, v10  }
0x1cc: {  	v6 =	vmul.f32 $6.553700000e+04, v20;
	v13 =	vadd.f32 v13, v23;
	v15 =	vld [tilespmem:s25+$0x1B120];
	v12 =	vadd.f32 v16, v12  }
0x1cd: {  	v4 =	vadd.f32 v14, v4;
	v16 =	vsub.f32 v18, v19;
	v14 =	vperm.xlane v10, v0  }
0x1ce: {  	v19 =	vsub.f32 v6, v20;
	v17 =	vadd.f32 v22, v17;
	v20 =	vperm.xlane v12, v0  }
0x1cf: {  	v13 =	vmax.f32 v13, $0.0e+00;
	v10 =	vadd.f32 v14, v10  }
0x1d0: {  	v17 =	vmax.f32 v17, $0.0e+00;
	v14 =	vsub.f32 v18, v16;
	v12 =	vadd.f32 v20, v12  }
0x1d1: {  	v16 =	vmul.f32 $6.553700000e+04, v13;
	v15 =	vadd.f32 v15, v63;
	v18 =	vperm.xlane v10, v1  }
0x1d2: {  	v6 =	vsub.f32 v6, v19;
	v19 =	vmul.f32 $6.553700000e+04, v17;
	v20 =	vperm.xlane v12, v1  }
0x1d3: {  	v13 =	vsub.f32 v16, v13;
	v15 =	vmax.f32 v15, $0.0e+00;
	v10 =	vadd.f32 v18, v10  }
0x1d4: {  	v17 =	vsub.f32 v19, v17;
	v18 =	vmul.f32 $6.553700000e+04, v15;
	v12 =	vadd.f32 v20, v12  }
0x1d5: {  	v14 =	vmul.f32 v14, v21;
	v13 =	vsub.f32 v16, v13;
	v16 =	vperm.xlane v10, v2  }
0x1d6: {  	v17 =	vsub.f32 v19, v17;
	v15 =	vsub.f32 v18, v15;
	v19 =	vperm.xlane v12, v2  }
0x1d7: {  	v6 =	vmul.f32 v6, v21;
	v11 =	vadd.f32 v14, v11;
	v10 =	vadd.f32 v16, v10  }
0x1d8: {  	v13 =	vmul.f32 v13, v21;
	v14 =	vsub.f32 v18, v15;
	v12 =	vadd.f32 v19, v12  }
0x1d9: {  	v6 =	vadd.f32 v6, v9;
	v15 =	vmul.f32 v17, v21;
	v9 =	vperm.xlane v10, v3  }
0x1da: {  	v8 =	vadd.f32 v13, v8;
	v14 =	vmul.f32 v14, v21;
	v13 =	vperm.xlane v12, v3  }
0x1db: {  	v7 =	vadd.f32 v15, v7;
	v9 =	vadd.f32 v9, v10;
	v10 =	vperm.xlane v11, v0  }
0x1dc: {  	v5 =	vadd.f32 v14, v5;
	v12 =	vadd.f32 v13, v12;
	v13 =	vperm.xlane v6, v0  }
0x1dd: {  	v9 =	vnsel vm0, $0x0, v9;
	v10 =	vadd.f32 v10, v11;
	v11 =	vperm.xlane v8, v0  }
0x1de: {  	v6 =	vadd.f32 v13, v6;
	v9 =	vsel vm1, v9, v12;
	v12 =	vperm.xlane v7, v0  }
0x1df: {  	v13 =	vperm.xlane v10, v1;
	v8 =	vadd.f32 v11, v8;
	v11 =	vperm.xlane v5, v0  }
0x1e0: {  	v14 =	vperm.xlane v6, v1;
	v7 =	vadd.f32 v12, v7;
	v12 =	vperm.xlane v4, v0  }
0x1e1: {  	v10 =	vadd.f32 v13, v10;
	v13 =	vperm.xlane v8, v1;
	v5 =	vadd.f32 v11, v5  }
0x1e2: {  	v6 =	vadd.f32 v14, v6;
	v11 =	vperm.xlane v7, v1;
	v4 =	vadd.f32 v12, v4  }
0x1e3: {  	v12 =	vperm.xlane v10, v2;
	v8 =	vadd.f32 v13, v8;
	v13 =	vperm.xlane v5, v1  }
0x1e4: {  	v14 =	vperm.xlane v6, v2;
	v7 =	vadd.f32 v11, v7;
	v11 =	vperm.xlane v4, v1  }
0x1e5: {  	v10 =	vadd.f32 v12, v10;
	v12 =	vperm.xlane v8, v2;
	v5 =	vadd.f32 v13, v5  }
0x1e6: {  	v6 =	vadd.f32 v14, v6;
	v13 =	vperm.xlane v7, v2;
	v4 =	vadd.f32 v11, v4  }
0x1e7: {  	v11 =	vperm.xlane v10, v3;
	v8 =	vadd.f32 v12, v8;
	v12 =	vperm.xlane v5, v2  }
0x1e8: {  	v14 =	vperm.xlane v6, v3;
	v7 =	vadd.f32 v13, v7;
	v13 =	vperm.xlane v4, v2  }
0x1e9: {  	v10 =	vadd.f32 v11, v10;
	v11 =	vperm.xlane v8, v3;
	v5 =	vadd.f32 v12, v5  }
0x1ea: {  	v6 =	vadd.f32 v14, v6;
	v12 =	vperm.xlane v7, v3;
	v4 =	vadd.f32 v13, v4  }
0x1eb: {  	v9 =	vsel vm2, v9, v10;
	v8 =	vadd.f32 v11, v8;
	v10 =	vperm.xlane v5, v3  }
0x1ec: {  	v6 =	vsel vm3, v9, v6;
	v7 =	vadd.f32 v12, v7;
	v9 =	vperm.xlane v4, v3  }
0x1ed: {  	v6 =	vsel vm4, v6, v8;
	v5 =	vadd.f32 v10, v5  }
0x1ee: {  	v6 =	vsel vm5, v6, v7;
	v4 =	vadd.f32 v9, v4  }
0x1ef: {  	v5 =	vsel vm6, v6, v5  }
0x1f0: {  	v4 =	vsel vm7, v5, v4  }
0x1f1: {  	s26 =	simm.s32 @!p0 $0x8;
	s28 =	simm.s32 @!p0 $0xCB20;
	s25 =	sadd.s32 @!p0 $0x40, s24;
	[tilespmem:s23+$0x2C40] =	vst v4  }
0x1f2: {  	[tilespmem:s28], [sflag:$0x4] =	stream.indirect.gather @!p0 [hbm4b:s3+s26], $0x500, s25, s26, $0xb8;
	[tilespmem:$0x1E320] =	vst v63  }
0x1f3: {  	s24 =	sadd.s32 @!p0 $0x13C8, s24;
	s25 =	simm.s32 @!p0 $0x19320  }
0x1f4: {  	[tilespmem:s25], [sflag:$0x9] =	stream.indirect.gather @!p0 [hbm4b:s4+s26], $0x500, s24, s26, $0xb8;
	[tilespmem:$0x1E320] =	vst v63  }
0x1f5: {  	_ =	swait.ge [sflag:s18], $0x2800  }
0x1f6: {  	[sflag:s18] =	ssyncset.done $0x0  }
0x1f7: {  	[sflag:s18] =	ssyncadd.s32 $0xFFFFD800  }
0x1f8: {  	_ =	swait.ge [sflag:s19], $0x2800  }
0x1f9: {  	[sflag:s19] =	ssyncset.done $0x0  }
0x1fa: {  	s28 =	simm.s32 $0x0;
	[sflag:s19] =	ssyncadd.s32 $0xFFFFD800  }
0x1fb: {  	v4 =	vld [tilespmem:s28+$0x11620]  }
0x1fc: {  	v5 =	vld [tilespmem:s28+$0x1DE20]  }
0x1fd: {  	v6 =	vld [tilespmem:s28+$0xF320]  }
0x1fe: {  	v7 =	vld [tilespmem:s28+$0x1BB20]  }
0x1ff: {  	v8 =	vld [tilespmem:s28+$0xF820]  }
0x200: {  	v9 =	vld [tilespmem:s28+$0x1C020]  }
0x201: {  	v10 =	vld [tilespmem:s28+$0xFD20]  }
0x202: {  	v11 =	vld [tilespmem:s28+$0x1C520]  }
0x203: {  	v12 =	vld [tilespmem:s28+$0x10220]  }
0x204: {  	v16 =	vld [tilespmem:s28+$0x1CF20];
	v4 =	vadd.f32 v5, v4  }
0x205: {  	v6 =	vadd.f32 v7, v6;
	v7 =	vld [tilespmem:s28+$0x1CA20]  }
0x206: {  	v8 =	vadd.f32 v9, v8;
	v9 =	vld [tilespmem:s28+$0x10720];
	v4 =	vmax.f32 v4, $0.0e+00  }
0x207: {  	v11 =	vadd.f32 v11, v10;
	v6 =	vmax.f32 v6, $0.0e+00;
	v13 =	vmul.f32 $6.553700000e+04, v4  }
0x208: {  	v8 =	vmax.f32 v8, $0.0e+00;
	v14 =	vmul.f32 $6.553700000e+04, v6  }
0x209: {  	v23 =	vld [tilespmem:s28+$0x10C20];
	v11 =	vmax.f32 v11, $0.0e+00;
	v18 =	vmul.f32 $6.553700000e+04, v8;
	v4 =	vsub.f32 v13, v4  }
0x20a: {  	v5 =	vld [tilespmem:s28+$0x2710];
	v15 =	vmul.f32 $6.553700000e+04, v11;
	v6 =	vsub.f32 v14, v6;
	v7 =	vadd.f32 v7, v12  }
0x20b: {  	v10 =	vimm.f32 $0.0e+00;
	v12 =	vld [tilespmem:s28+$0x1D420];
	v8 =	vsub.f32 v18, v8;
	v9 =	vadd.f32 v16, v9  }
0x20c: {  	v22 =	vsub.f32 v15, v11;
	v11 =	vimm.f32 $0.0e+00;
	v4 =	vsub.f32 v13, v4  }
0x20d: {  	v16 =	vld [tilespmem:s28+$0x11120];
	v6 =	vsub.f32 v14, v6;
	v7 =	vmax.f32 v7, $0.0e+00;
	v19 =	vsub.f32 v18, v8  }
0x20e: {  	v20 =	vmax.f32 v9, $0.0e+00;
	v18 =	vld [tilespmem:s28+$0x1D920];
	v9 =	vimm.f32 $0.0e+00;
	v17 =	vmul.f32 $6.553700000e+04, v7  }
0x20f: {  	v8 =	vimm.f32 $0.0e+00;
	v4 =	vmul.f32 v4, v5;
	v13 =	vmul.f32 v6, v5  }
0x210: {  	s24 =	simm.s32 $0x10;
	v6 =	vimm.f32 $0.0e+00;
	v21 =	vsub.f32 v17, v7;
	v23 =	vadd.f32 v12, v23  }
0x211: {  	s25 =	simm.s32 $0x80;
	v14 =	vld [tilespmem:s24+$0x11620];
	v12 =	vimm.f32 $0.0e+00;
	v7 =	vimm.f32 $0.0e+00;
	v4 =	vadd.f32 v4, v10  }
.LBB2_13:
0x212: {  	p1 =	sne.s32 s25, $0x13C0;
	v24 =	vld [tilespmem:s24+$0x1DE20];
	v19 =	vmul.f32 v19, v5;
	v15 =	vsub.f32 v15, v22;
	v22 =	vmul.f32 $6.553700000e+04, v20  }
0x213: {  	v25 =	vld [tilespmem:s24+$0xF320];
	v17 =	vsub.f32 v17, v21;
	v21 =	vmax.f32 v23, $0.0e+00;
	v16 =	vadd.f32 v18, v16  }
0x214: {  	v18 =	vld [tilespmem:s24+$0x1BB20];
	v15 =	vmul.f32 v15, v5;
	v20 =	vsub.f32 v22, v20;
	v23 =	vmul.f32 $6.553700000e+04, v21  }
0x215: {  	v10 =	vadd.f32 v13, v10;
	v26 =	vld [tilespmem:s24+$0xF820];
	v13 =	vmul.f32 v17, v5;
	v16 =	vmax.f32 v16, $0.0e+00  }
0x216: {  	v17 =	vld [tilespmem:s24+$0x1C020];
	v20 =	vsub.f32 v22, v20;
	v21 =	vsub.f32 v23, v21;
	v22 =	vmul.f32 $6.553700000e+04, v16  }
0x217: {  	v12 =	vadd.f32 v19, v12;
	v27 =	vld [tilespmem:s24+$0xFD20];
	v14 =	vadd.f32 v24, v14  }
0x218: {  	v19 =	vld [tilespmem:s24+$0x1C520];
	v20 =	vmul.f32 v20, v5;
	v21 =	vsub.f32 v23, v21;
	v16 =	vsub.f32 v22, v16  }
0x219: {  	v11 =	vadd.f32 v15, v11;
	v18 =	vadd.f32 v18, v25;
	v23 =	vld [tilespmem:s24+$0x10220];
	v14 =	vmax.f32 v14, $0.0e+00  }
0x21a: {  	v15 =	vld [tilespmem:s24+$0x1CA20];
	v24 =	vmul.f32 $6.553700000e+04, v14;
	v21 =	vmul.f32 v21, v5;
	v16 =	vsub.f32 v22, v16  }
0x21b: {  	v9 =	vadd.f32 v13, v9;
	v22 =	vld [tilespmem:s24+$0x2710];
	v18 =	vmax.f32 v18, $0.0e+00;
	v17 =	vadd.f32 v17, v26  }
0x21c: {  	v13 =	vmul.f32 $6.553700000e+04, v18;
	v25 =	vld [tilespmem:s24+$0x10720];
	v14 =	vsub.f32 v24, v14;
	v26 =	vmul.f32 v16, v5  }
0x21d: {  	v8 =	vadd.f32 v20, v8;
	v5 =	vmax.f32 v17, $0.0e+00;
	v16 =	vadd.f32 v19, v27;
	v19 =	vld [tilespmem:s24+$0x1CF20]  }
0x21e: {  	v17 =	vsub.f32 v13, v18;
	v20 =	vmul.f32 $6.553700000e+04, v5;
	v27 =	vld [tilespmem:s24+$0x10C20];
	v14 =	vsub.f32 v24, v14  }
0x21f: {  	v7 =	vadd.f32 v21, v7;
	v24 =	vmax.f32 v16, $0.0e+00;
	v18 =	vadd.f32 v15, v23;
	v23 =	vld [tilespmem:s24+$0x1D420]  }
.Ltmp7:
0x220: {  	v21 =	vsub.f32 v20, v5;
	v15 =	vmul.f32 $6.553700000e+04, v24;
	v16 =	vld [tilespmem:s24+$0x11120];
	v14 =	vmul.f32 v14, v22;
	v5 =	vmovc v22;
	(pc) =	sbr.rel @p1 .LBB2_13-.Ltmp7, $4  }
0x221: {  	v6 =	vadd.f32 v26, v6;
	v13 =	vsub.f32 v13, v17;
	v28 =	vmax.f32 v18, $0.0e+00;
	v18 =	vld [tilespmem:s24+$0x1D920]  }
0x222: {  	v17 =	vmul.f32 $6.553700000e+04, v28;
	v25 =	vadd.f32 v19, v25;
	v4 =	vadd.f32 v14, v4  }
0x223: {  	s24 =	sshra.s32 s25, $0x2;
	v13 =	vmul.f32 v13, v5;
	v19 =	vsub.f32 v20, v21;
	v22 =	vsub.f32 v15, v24  }
0x224: {  	s25 =	sadd.s32 $0x40, s25;
	v14 =	vld [tilespmem:s24+$0x11620];
	v21 =	vsub.f32 v17, v28;
	v20 =	vmax.f32 v25, $0.0e+00;
	v23 =	vadd.f32 v23, v27  }
0x225: {  	v24 =	vld [tilespmem:s24+$0x1DE20]  }
0x226: {  	v25 =	vld [tilespmem:s24+$0xF320]  }
0x227: {  	v27 =	vld [tilespmem:s24+$0x1BB20]  }
0x228: {  	v39 =	vld [tilespmem:s24+$0xF820]  }
0x229: {  	v28 =	vld [tilespmem:s24+$0x1C020]  }
0x22a: {  	v46 =	vld [tilespmem:s24+$0xFD20]  }
0x22b: {  	v26 =	vmul.f32 $6.553700000e+04, v20;
	v48 =	vld [tilespmem:s24+$0x1C520]  }
0x22c: {  	v15 =	vsub.f32 v15, v22;
	v19 =	vmul.f32 v19, v5;
	v10 =	vadd.f32 v13, v10;
	v49 =	vld [tilespmem:s24+$0x10220]  }
0x22d: {  	v51 =	vld [tilespmem:s24+$0x1CA20];
	v38 =	vmax.f32 v23, $0.0e+00;
	v16 =	vadd.f32 v18, v16;
	v40 =	vsub.f32 v26, v20  }
0x22e: {  	v60 =	vld [tilespmem:s24+$0x10C20];
	v17 =	vsub.f32 v17, v21;
	v41 =	vmul.f32 $6.553700000e+04, v38;
	v15 =	vmul.f32 v15, v5  }
0x22f: {  	v61 =	vld [tilespmem:s24+$0x1D420];
	v12 =	vadd.f32 v19, v12;
	v43 =	vsub.f32 v26, v40  }
0x230: {  	v17 =	vmul.f32 v17, v5;
	v44 =	vsub.f32 v41, v38;
	v11 =	vadd.f32 v15, v11  }
0x231: {  	v14 =	vadd.f32 v24, v14;
	v47 =	vadd.f32 v27, v25  }
0x232: {  	v42 =	vmax.f32 v16, $0.0e+00;
	v23 =	vadd.f32 v28, v39;
	v9 =	vadd.f32 v17, v9  }
0x233: {  	v45 =	vmul.f32 $6.553700000e+04, v42;
	v19 =	vadd.f32 v48, v46;
	v20 =	vadd.f32 v51, v49  }
0x234: {  	v17 =	vadd.f32 v61, v60;
	v18 =	vsub.f32 v41, v44  }
0x235: {  	v13 =	vsub.f32 v45, v42;
	v16 =	vmul.f32 v43, v5;
	v14 =	vmax.f32 v14, $0.0e+00  }
0x236: {  	v57 =	vld [tilespmem:s24+$0x10720];
	v50 =	vmax.f32 v47, $0.0e+00;
	v23 =	vmax.f32 v23, $0.0e+00;
	v19 =	vmax.f32 v19, $0.0e+00  }
0x237: {  	v58 =	vld [tilespmem:s24+$0x1CF20];
	v20 =	vmax.f32 v20, $0.0e+00;
	v17 =	vmax.f32 v17, $0.0e+00;
	v53 =	vmul.f32 $6.553700000e+04, v50  }
0x238: {  	v54 =	vld [tilespmem:s24+$0x2710];
	v52 =	vmul.f32 $6.553700000e+04, v14;
	v13 =	vsub.f32 v45, v13;
	v55 =	vmul.f32 $6.553700000e+04, v23  }
0x239: {  	v18 =	vmul.f32 v18, v5;
	v8 =	vadd.f32 v16, v8;
	v15 =	vsub.f32 v53, v50  }
0x23a: {  	v62 =	vmul.f32 $6.553700000e+04, v19;
	v26 =	vmul.f32 $6.553700000e+04, v20;
	v14 =	vsub.f32 v52, v14  }
0x23b: {  	v34 =	vmul.f32 $6.553700000e+04, v17;
	v56 =	vsub.f32 v55, v23;
	v15 =	vsub.f32 v53, v15  }
0x23c: {  	v5 =	vmul.f32 v13, v5;
	v7 =	vadd.f32 v18, v7;
	v13 =	vadd.f32 v58, v57  }
0x23d: {  	v63 =	vld [tilespmem:s24+$0x11120];
	v28 =	vsub.f32 v62, v19;
	v29 =	vsub.f32 v26, v20;
	v15 =	vmul.f32 v15, v54  }
0x23e: {  	v25 =	vld [tilespmem:s24+$0x1D920];
	v17 =	vsub.f32 v34, v17;
	v14 =	vsub.f32 v52, v14  }
0x23f: {  	v59 =	vsub.f32 v55, v56;
	v10 =	vadd.f32 v15, v10  }
0x240: {  	v5 =	vadd.f32 v5, v6;
	v13 =	vmax.f32 v13, $0.0e+00;
	v31 =	vsub.f32 v62, v28  }
0x241: {  	v6 =	vsub.f32 v26, v29;
	v32 =	vmul.f32 $6.553700000e+04, v13;
	v27 =	vperm.xlane v10, v0  }
0x242: {  	v17 =	vsub.f32 v34, v17;
	v16 =	vmul.f32 v59, v54;
	v14 =	vmul.f32 v14, v54  }
0x243: {  	v6 =	vmul.f32 v6, v54;
	v15 =	vadd.f32 v25, v63;
	v10 =	vadd.f32 v27, v10  }
0x244: {  	v39 =	vmul.f32 v17, v54;
	v13 =	vsub.f32 v32, v13;
	v12 =	vadd.f32 v16, v12  }
0x245: {  	v4 =	vadd.f32 v14, v4;
	v15 =	vmax.f32 v15, $0.0e+00;
	v33 =	vperm.xlane v10, v1  }
0x246: {  	v6 =	vadd.f32 v6, v9;
	v7 =	vadd.f32 v39, v7;
	v35 =	vmul.f32 $6.553700000e+04, v15  }
0x247: {  	v14 =	vmul.f32 v31, v54;
	v13 =	vsub.f32 v32, v13;
	v10 =	vadd.f32 v33, v10  }
0x248: {  	v30 =	vperm.xlane v12, v0;
	v43 =	vperm.xlane v6, v0;
	v15 =	vsub.f32 v35, v15  }
0x249: {  	v11 =	vadd.f32 v14, v11;
	v45 =	vperm.xlane v7, v0;
	v36 =	vperm.xlane v10, v2  }
0x24a: {  	v49 =	vperm.xlane v4, v0;
	v13 =	vmul.f32 v13, v54;
	v38 =	vsub.f32 v35, v15  }
0x24b: {  	v12 =	vadd.f32 v30, v12;
	v42 =	vperm.xlane v11, v0;
	v10 =	vadd.f32 v36, v10  }
0x24c: {  	v6 =	vadd.f32 v43, v6;
	v7 =	vadd.f32 v45, v7;
	v14 =	vmul.f32 v38, v54  }
0x24d: {  	v4 =	vadd.f32 v49, v4;
	v8 =	vadd.f32 v13, v8;
	v40 =	vperm.xlane v10, v3  }
0x24e: {  	v20 =	vperm.xlane v12, v1;
	v48 =	vperm.xlane v6, v1;
	v5 =	vadd.f32 v14, v5  }
0x24f: {  	v44 =	vperm.xlane v8, v0;
	v9 =	vadd.f32 v40, v10;
	v10 =	vadd.f32 v42, v11  }
0x250: {  	v51 =	vperm.xlane v7, v1;
	v12 =	vadd.f32 v20, v12;
	v6 =	vadd.f32 v48, v6  }
0x251: {  	v8 =	vadd.f32 v44, v8;
	v47 =	vperm.xlane v5, v0;
	v46 =	vperm.xlane v10, v1  }
0x252: {  	v7 =	vadd.f32 v51, v7;
	v54 =	vperm.xlane v4, v1;
	v37 =	vperm.xlane v12, v2  }
0x253: {  	v50 =	vperm.xlane v8, v1;
	v5 =	vadd.f32 v47, v5;
	v10 =	vadd.f32 v46, v10  }
0x254: {  	v56 =	vperm.xlane v7, v2;
	v14 =	vperm.xlane v6, v2;
	v4 =	vadd.f32 v54, v4  }
0x255: {  	v8 =	vadd.f32 v50, v8;
	v53 =	vperm.xlane v5, v1;
	v52 =	vperm.xlane v10, v2  }
0x256: {  	v12 =	vadd.f32 v37, v12;
	v7 =	vadd.f32 v56, v7;
	v59 =	vperm.xlane v4, v2  }
0x257: {  	v55 =	vperm.xlane v8, v2;
	v5 =	vadd.f32 v53, v5;
	v10 =	vadd.f32 v52, v10  }
0x258: {  	v6 =	vadd.f32 v14, v6;
	v41 =	vperm.xlane v12, v3;
	v61 =	vperm.xlane v7, v3  }
0x259: {  	v8 =	vadd.f32 v55, v8;
	v58 =	vperm.xlane v5, v2;
	v57 =	vperm.xlane v10, v3  }
0x25a: {  	v14 =	vperm.xlane v6, v3;
	v12 =	vadd.f32 v41, v12;
	v9 =	vnsel vm0, $0x0, v9  }
0x25b: {  	v60 =	vperm.xlane v8, v3;
	v5 =	vadd.f32 v58, v5;
	v10 =	vadd.f32 v57, v10  }
0x25c: {  	v4 =	vadd.f32 v59, v4;
	v6 =	vadd.f32 v14, v6;
	v9 =	vsel vm1, v9, v12  }
0x25d: {  	v8 =	vadd.f32 v60, v8;
	v62 =	vperm.xlane v5, v3;
	v9 =	vsel vm2, v9, v10  }
0x25e: {  	v7 =	vadd.f32 v61, v7;
	v63 =	vperm.xlane v4, v3;
	v6 =	vsel vm3, v9, v6  }
.Ltmp8:
0x25f: {  	v5 =	vadd.f32 v62, v5;
	v6 =	vsel vm4, v6, v8;
	(pc) =	sbr.rel @p0 .LBB2_16-.Ltmp8, $4  }
0x260: {  	v4 =	vadd.f32 v63, v4;
	v6 =	vsel vm5, v6, v7  }
0x261: {  	v5 =	vsel vm6, v6, v5  }
0x262: {  	v4 =	vsel vm7, v5, v4  }
0x263: {  	[tilespmem:s23+$0x2C50] =	vst v4  }
0x264: {  	s23 =	smul.u32 $0x28, s22  }
.Ltmp9:
0x265: {  	_ = 	snop;
	(pc) =	sbr.rel .LBB2_4-.Ltmp9, $4  }
0x266: {  	s24 =	sadd.s32 $0x48, s23  }
0x267: {  	[tilespmem:s29], [sflag:$0x5] =	stream.indirect.gather [hbm4b:s3+s13], $0x500, s24, s13, $0xb8;
	[tilespmem:$0x1E320] =	vst v63  }
0x268: {  	s22 =	sadd.s32 $0x1, s22;
	s23 =	sadd.s32 $0x13D0, s23  }
0x269: {  	[tilespmem:s31], [sflag:$0xA] =	stream.indirect.gather [hbm4b:s4+s13], $0x500, s23, s13, $0xb8;
	[tilespmem:$0x1E320] =	vst v63  }
.LBB2_17:
0x26a: {  	_ =	sfence.sel $0x180000  }
0x26b: {  	[bflag:$0x0] =	sbarrier.arrive $0xFFFF  }
0x26c: {  	_ =	strace $0x90000047  }
0x26d: {  	s0 =	stileid.u32;
	[bflag:$0x2] =	sbarrier.arrive $0xFFFF  }
0x26e: {  	p0 =	sne.s32 s0, $0x0;
	s0 =	rddreg [dreg:$0x2]  }
0x26f: {  	s0 =	sadd.s32 @!p0 $0x100000, s0  }
0x270: {  	[sflag:s0] =	ssyncadd.tile.s32 @!p0 $0x1;
	_ =	shalt  }
.Lfunc_end2:
_tile_overlayer_lowered:
.L_overlay_start_2:
0x271: {  	(tag) =	ssettag $0x2  }
0x272: {  	s0 =	rddreg [dreg:$0x0];
	s2 =	stileid.u32  }
0x273: {  	s1 =	rddreg [dreg:$0x1];
	p0 =	sne.s32 s2, $0x0  }
0x274: {  	s3 =	rddreg [dreg:$0x2];
	[bflag:$0x3] =	sbarrier.arrive $0xFFFF;
	s2 =	simm.s32 @!p0 $0x1C0B  }
0x275: {  	[timem:s3], [sflag:s2] =	dma.local @!p0 [hbm:s0], s1  }
0x276: {  	s0 =	simm.s32 @!p0 $0xB  }
0x277: {  	_ =	swait.ge @!p0 [sflag:s0], s1  }
0x278: {  	s1 =	ssub.s32 @!p0 $0x0, s1;
	[sflag:s0] =	ssyncset.done @!p0 $0x0  }
0x279: {  	[sflag:s0] =	ssyncadd.s32 @!p0 s1  }
0x27a: {  	[bflag:$0x3] =	sbarrier.arrive $0xFFFF  }
0x27b: {  	_ =	shalt  }

</sc_bundles>
